<compile_context>
chip_gen: v7x
topology: tpu7x:2x2x1
jax: 0.10.2.dev20260603
libtpu: 0.0.44.dev20260713+nightly
codegen_flags: <defaults>
</compile_context>

<pallas_src>
import math

import jax
import jax.numpy as jnp
from jax import lax
from jax.experimental import pallas as pl
from jax.experimental.pallas import tpu as pltpu
from jax.experimental.pallas import tpu_sc as plsc

VOCAB_ = 100000
EMB_ = 128
BATCH = 4096
SEQ = 50
NW = 32
BPW = BATCH // NW
CHUNK = 64
NSTEPS = SEQ * BPW // CHUNK
NBUF = 10
NGRP = NSTEPS // NBUF
REFILL_D = 2
SCALE = math.sqrt(EMB_)


def _body(tokens_hbm, table_hbm, out_hbm, idx_v, bufs, gsems, osems):
    nc = 2
    wid = lax.axis_index("s") * nc + lax.axis_index("c")
    bbase = wid * BPW

    pltpu.sync_copy(tokens_hbm.at[:, pl.ds(bbase, BPW)], idx_v)

    def gather(step, b):
        s = lax.div(step, 2)
        h = lax.rem(step, 2)
        return pltpu.make_async_copy(
            table_hbm.at[idx_v.at[s, pl.ds(h * CHUNK, CHUNK)]],
            bufs[b], gsems[b])

    def writeback(step, b):
        s = lax.div(step, 2)
        h = lax.rem(step, 2)
        return pltpu.make_async_copy(
            bufs[b], out_hbm.at[s, pl.ds(bbase + h * CHUNK, CHUNK)], osems[b])

    for b in range(NBUF):
        gather(b, b).start()

    def scale_rows(r, buf):
        for rr in range(2):
            for j in range(EMB_ // 16):
                sl = pl.ds(j * 16, 16)
                buf[2 * r + rr, sl] = buf[2 * r + rr, sl] * SCALE
        return r

    def grp_body(grp, carry):
        for b in range(NBUF):
            step = grp * NBUF + b
            rb = (b - REFILL_D) % NBUF
            rstep = step - REFILL_D

            @pl.when((rstep >= 0) & (rstep + NBUF < NSTEPS))
            def _():
                writeback(rstep, rb).wait()
                gather(rstep + NBUF, rb).start()

            gather(step, b).wait()
            lax.fori_loop(0, CHUNK // 2, lambda r, _: scale_rows(r, bufs[b]), 0)
            writeback(step, b).start()
        return carry

    lax.fori_loop(0, NGRP, grp_body, 0)

    for b in range(NBUF):
        writeback((NGRP - 1) * NBUF + b, b).wait()


def kernel(tokens, table):
    toks_t = tokens.T.astype(jnp.int32)
    mesh = plsc.VectorSubcoreMesh(core_axis_name="c", subcore_axis_name="s")
    out = pl.kernel(
        _body,
        out_type=jax.ShapeDtypeStruct((SEQ, BATCH, EMB_), jnp.float32),
        mesh=mesh,
        scratch_types=[
            pltpu.VMEM((SEQ, BPW), jnp.int32),
            [pltpu.VMEM((CHUNK, EMB_), jnp.float32) for _ in range(NBUF)],
            [pltpu.SemaphoreType.DMA for _ in range(NBUF)],
            [pltpu.SemaphoreType.DMA for _ in range(NBUF)],
        ],
    )(toks_t, table)
    return out.transpose(1, 0, 2)

# --- scband reference (transcript-rebuilt; emitter-appended) ---
"""Pipeline reference for scband-token-embedding-90958817395258 (READ-ONLY COPY).

The authoritative reference and input builder live on the scoring server;
editing this copy changes nothing except your own understanding.
"""

import jax, jax.numpy as jnp
import numpy as np
import math

VOCAB = 100000
EMB = 128
B = 4096
L = 50

def setup_inputs(seed: int = 0) -> dict:
    key = jax.random.key(seed)
    k_tok, k_tab = jax.random.split(key)
    tokens = jax.random.randint(k_tok, (B, L), 0, VOCAB)
    # nn.Embedding default init: N(0, 1)
    table = jax.random.normal(k_tab, (VOCAB, EMB), dtype=jnp.float32)
    return {"tokens": tokens, "table": table}

def reference(tokens, table):
    # TokenEmbedding.forward: embedding(tokens.long()) * sqrt(emb_size)
    emb = jnp.take(table, tokens, axis=0)
    return emb * math.sqrt(EMB)

if __name__ == "__main__":
    import jax
    _d = setup_inputs()
    print(jax.jit(kernel)(*tuple(_d.values())))

</pallas_src>

<mosaic_0001>
#map = affine_map<(d0, d1) -> (0, 0)>
#map1 = affine_map<(d0, d1) -> (0, 0, 0)>
module attributes {stable_mosaic.version = 14 : i64} {
  func.func @_body(%arg0: i32, %arg1: i32, %arg2: memref<50x4096xi32, #tpu.memory_space<hbm>>, %arg3: memref<100000x128xf32, #tpu.memory_space<hbm>>, %arg4: memref<50x4096x128xf32, #tpu.memory_space<hbm>>, %arg5: memref<50x128xi32, #tpu.memory_space<vmem>>, %arg6: memref<64x128xf32, #tpu.memory_space<vmem>>, %arg7: memref<64x128xf32, #tpu.memory_space<vmem>>, %arg8: memref<64x128xf32, #tpu.memory_space<vmem>>, %arg9: memref<64x128xf32, #tpu.memory_space<vmem>>, %arg10: memref<64x128xf32, #tpu.memory_space<vmem>>, %arg11: memref<64x128xf32, #tpu.memory_space<vmem>>, %arg12: memref<64x128xf32, #tpu.memory_space<vmem>>, %arg13: memref<64x128xf32, #tpu.memory_space<vmem>>, %arg14: memref<64x128xf32, #tpu.memory_space<vmem>>, %arg15: memref<64x128xf32, #tpu.memory_space<vmem>>, %arg16: memref<!tpu.dma_semaphore, #tpu.memory_space<semaphore_mem>>, %arg17: memref<!tpu.dma_semaphore, #tpu.memory_space<semaphore_mem>>, %arg18: memref<!tpu.dma_semaphore, #tpu.memory_space<semaphore_mem>>, %arg19: memref<!tpu.dma_semaphore, #tpu.memory_space<semaphore_mem>>, %arg20: memref<!tpu.dma_semaphore, #tpu.memory_space<semaphore_mem>>, %arg21: memref<!tpu.dma_semaphore, #tpu.memory_space<semaphore_mem>>, %arg22: memref<!tpu.dma_semaphore, #tpu.memory_space<semaphore_mem>>, %arg23: memref<!tpu.dma_semaphore, #tpu.memory_space<semaphore_mem>>, %arg24: memref<!tpu.dma_semaphore, #tpu.memory_space<semaphore_mem>>, %arg25: memref<!tpu.dma_semaphore, #tpu.memory_space<semaphore_mem>>, %arg26: memref<!tpu.dma_semaphore, #tpu.memory_space<semaphore_mem>>, %arg27: memref<!tpu.dma_semaphore, #tpu.memory_space<semaphore_mem>>, %arg28: memref<!tpu.dma_semaphore, #tpu.memory_space<semaphore_mem>>, %arg29: memref<!tpu.dma_semaphore, #tpu.memory_space<semaphore_mem>>, %arg30: memref<!tpu.dma_semaphore, #tpu.memory_space<semaphore_mem>>, %arg31: memref<!tpu.dma_semaphore, #tpu.memory_space<semaphore_mem>>, %arg32: memref<!tpu.dma_semaphore, #tpu.memory_space<semaphore_mem>>, %arg33: memref<!tpu.dma_semaphore, #tpu.memory_space<semaphore_mem>>, %arg34: memref<!tpu.dma_semaphore, #tpu.memory_space<semaphore_mem>>, %arg35: memref<!tpu.dma_semaphore, #tpu.memory_space<semaphore_mem>>) attributes {dimension_semantics = [#tpu.dimension_semantics<core_parallel>, #tpu.dimension_semantics<subcore_parallel>], iteration_bounds = array<i64: 2, 16>, scalar_prefetch = 0 : i64, scratch_operands = 31 : i64, tpu.core_type = #tpu.core_type<sc_vector_subcore>, window_params = [{transform_indices = #map}, {transform_indices = #map}, {transform_indices = #map1}]} {
    %mul3A = arith.constant 2 : i32
    %mul3A_0 = arith.muli %arg1, %mul3A : i32
    %add3A = arith.addi %mul3A_0, %arg0 : i32
    %mul3A_1 = arith.constant 128 : i32
    %mul3A_2 = arith.muli %add3A, %mul3A_1 : i32
    "tpu.region"() ({
      %run_scoped3A = tpu.sem_alloc : memref<!tpu.dma_semaphore, #tpu.memory_space<semaphore_mem>>
      %dma_start3A_284 = arith.constant 0 : i32
      %dma_start3A_285 = tpu.memref_slice %arg2[%dma_start3A_284, %mul3A_2] : memref<50x4096xi32, #tpu.memory_space<hbm>> -> memref<50x128xi32, #tpu.memory_space<hbm>>
      %dma_start3A_286 = arith.constant 0 : i32
      %dma_start3A_287 = tpu.memref_slice %arg2[%dma_start3A_286, %mul3A_2] : memref<50x4096xi32, #tpu.memory_space<hbm>> -> memref<50x128xi32, #tpu.memory_space<hbm>>
      tpu.enqueue_dma source(%dma_start3A_287 : memref<50x128xi32, #tpu.memory_space<hbm>>) target(%arg5 : memref<50x128xi32, #tpu.memory_space<vmem>>) target_semaphore(%run_scoped3A : memref<!tpu.dma_semaphore, #tpu.memory_space<semaphore_mem>>)
      %dma_wait3A_288 = arith.constant 0 : i32
      %dma_wait3A_289 = tpu.memref_slice %arg2[%dma_wait3A_288, %mul3A_2] : memref<50x4096xi32, #tpu.memory_space<hbm>> -> memref<50x128xi32, #tpu.memory_space<hbm>>
      %dma_wait3A_290 = arith.constant 0 : i32
      %dma_wait3A_291 = tpu.memref_slice %arg2[%dma_wait3A_290, %mul3A_2] : memref<50x4096xi32, #tpu.memory_space<hbm>> -> memref<50x128xi32, #tpu.memory_space<hbm>>
      tpu.wait_dma2 semaphore(%run_scoped3A : memref<!tpu.dma_semaphore, #tpu.memory_space<semaphore_mem>>) src(%dma_wait3A_291 : memref<50x128xi32, #tpu.memory_space<hbm>>) dst(%arg5 : memref<50x128xi32, #tpu.memory_space<vmem>>)
      tpu.yield
    }) : () -> ()
    %div3A = arith.constant 0 : i32
    %div3A_3 = arith.constant 2 : i32
    %div3A_4 = arith.divsi %div3A, %div3A_3 : i32
    %rem3A = arith.constant 0 : i32
    %rem3A_5 = arith.constant 2 : i32
    %rem3A_6 = arith.remsi %rem3A, %rem3A_5 : i32
    %mul3A_7 = arith.constant 64 : i32
    %mul3A_8 = arith.muli %rem3A_6, %mul3A_7 : i32
    %dma_start3A = tpu.memref_slice %arg5[%div3A_4, %mul3A_8] : memref<50x128xi32, #tpu.memory_space<vmem>> -> memref<1x64xi32, #tpu.memory_space<vmem>>
    %dma_start3A_9 = tpu.memref_squeeze %dma_start3A : memref<1x64xi32, #tpu.memory_space<vmem>> -> memref<64xi32, #tpu.memory_space<vmem>>
    %dma_start3A_10 = arith.constant 0 : i32
    %dma_start3A_11 = arith.constant 0 : i32
    %dma_start3A_12 = tpu.memref_slice %arg3[%dma_start3A_10, %dma_start3A_11] : memref<100000x128xf32, #tpu.memory_space<hbm>> -> memref<100000x128xf32, #tpu.memory_space<hbm>>
    tpu.enqueue_indirect_dma source(%dma_start3A_12 : memref<100000x128xf32, #tpu.memory_space<hbm>>) target(%arg6 : memref<64x128xf32, #tpu.memory_space<vmem>>) offsets(%dma_start3A_9 : memref<64xi32, #tpu.memory_space<vmem>>) semaphore(%arg16 : memref<!tpu.dma_semaphore, #tpu.memory_space<semaphore_mem>>)
    %div3A_13 = arith.constant 1 : i32
    %div3A_14 = arith.constant 2 : i32
    %div3A_15 = arith.divsi %div3A_13, %div3A_14 : i32
    %rem3A_16 = arith.constant 1 : i32
    %rem3A_17 = arith.constant 2 : i32
    %rem3A_18 = arith.remsi %rem3A_16, %rem3A_17 : i32
    %mul3A_19 = arith.constant 64 : i32
    %mul3A_20 = arith.muli %rem3A_18, %mul3A_19 : i32
    %dma_start3A_21 = tpu.memref_slice %arg5[%div3A_15, %mul3A_20] : memref<50x128xi32, #tpu.memory_space<vmem>> -> memref<1x64xi32, #tpu.memory_space<vmem>>
    %dma_start3A_22 = tpu.memref_squeeze %dma_start3A_21 : memref<1x64xi32, #tpu.memory_space<vmem>> -> memref<64xi32, #tpu.memory_space<vmem>>
    %dma_start3A_23 = arith.constant 0 : i32
    %dma_start3A_24 = arith.constant 0 : i32
    %dma_start3A_25 = tpu.memref_slice %arg3[%dma_start3A_23, %dma_start3A_24] : memref<100000x128xf32, #tpu.memory_space<hbm>> -> memref<100000x128xf32, #tpu.memory_space<hbm>>
    tpu.enqueue_indirect_dma source(%dma_start3A_25 : memref<100000x128xf32, #tpu.memory_space<hbm>>) target(%arg7 : memref<64x128xf32, #tpu.memory_space<vmem>>) offsets(%dma_start3A_22 : memref<64xi32, #tpu.memory_space<vmem>>) semaphore(%arg17 : memref<!tpu.dma_semaphore, #tpu.memory_space<semaphore_mem>>)
    %div3A_26 = arith.constant 2 : i32
    %div3A_27 = arith.constant 2 : i32
    %div3A_28 = arith.divsi %div3A_26, %div3A_27 : i32
    %rem3A_29 = arith.constant 2 : i32
    %rem3A_30 = arith.constant 2 : i32
    %rem3A_31 = arith.remsi %rem3A_29, %rem3A_30 : i32
    %mul3A_32 = arith.constant 64 : i32
    %mul3A_33 = arith.muli %rem3A_31, %mul3A_32 : i32
    %dma_start3A_34 = tpu.memref_slice %arg5[%div3A_28, %mul3A_33] : memref<50x128xi32, #tpu.memory_space<vmem>> -> memref<1x64xi32, #tpu.memory_space<vmem>>
    %dma_start3A_35 = tpu.memref_squeeze %dma_start3A_34 : memref<1x64xi32, #tpu.memory_space<vmem>> -> memref<64xi32, #tpu.memory_space<vmem>>
    %dma_start3A_36 = arith.constant 0 : i32
    %dma_start3A_37 = arith.constant 0 : i32
    %dma_start3A_38 = tpu.memref_slice %arg3[%dma_start3A_36, %dma_start3A_37] : memref<100000x128xf32, #tpu.memory_space<hbm>> -> memref<100000x128xf32, #tpu.memory_space<hbm>>
    tpu.enqueue_indirect_dma source(%dma_start3A_38 : memref<100000x128xf32, #tpu.memory_space<hbm>>) target(%arg8 : memref<64x128xf32, #tpu.memory_space<vmem>>) offsets(%dma_start3A_35 : memref<64xi32, #tpu.memory_space<vmem>>) semaphore(%arg18 : memref<!tpu.dma_semaphore, #tpu.memory_space<semaphore_mem>>)
    %div3A_39 = arith.constant 3 : i32
    %div3A_40 = arith.constant 2 : i32
    %div3A_41 = arith.divsi %div3A_39, %div3A_40 : i32
    %rem3A_42 = arith.constant 3 : i32
    %rem3A_43 = arith.constant 2 : i32
    %rem3A_44 = arith.remsi %rem3A_42, %rem3A_43 : i32
    %mul3A_45 = arith.constant 64 : i32
    %mul3A_46 = arith.muli %rem3A_44, %mul3A_45 : i32
    %dma_start3A_47 = tpu.memref_slice %arg5[%div3A_41, %mul3A_46] : memref<50x128xi32, #tpu.memory_space<vmem>> -> memref<1x64xi32, #tpu.memory_space<vmem>>
    %dma_start3A_48 = tpu.memref_squeeze %dma_start3A_47 : memref<1x64xi32, #tpu.memory_space<vmem>> -> memref<64xi32, #tpu.memory_space<vmem>>
    %dma_start3A_49 = arith.constant 0 : i32
    %dma_start3A_50 = arith.constant 0 : i32
    %dma_start3A_51 = tpu.memref_slice %arg3[%dma_start3A_49, %dma_start3A_50] : memref<100000x128xf32, #tpu.memory_space<hbm>> -> memref<100000x128xf32, #tpu.memory_space<hbm>>
    tpu.enqueue_indirect_dma source(%dma_start3A_51 : memref<100000x128xf32, #tpu.memory_space<hbm>>) target(%arg9 : memref<64x128xf32, #tpu.memory_space<vmem>>) offsets(%dma_start3A_48 : memref<64xi32, #tpu.memory_space<vmem>>) semaphore(%arg19 : memref<!tpu.dma_semaphore, #tpu.memory_space<semaphore_mem>>)
    %div3A_52 = arith.constant 4 : i32
    %div3A_53 = arith.constant 2 : i32
    %div3A_54 = arith.divsi %div3A_52, %div3A_53 : i32
    %rem3A_55 = arith.constant 4 : i32
    %rem3A_56 = arith.constant 2 : i32
    %rem3A_57 = arith.remsi %rem3A_55, %rem3A_56 : i32
    %mul3A_58 = arith.constant 64 : i32
    %mul3A_59 = arith.muli %rem3A_57, %mul3A_58 : i32
    %dma_start3A_60 = tpu.memref_slice %arg5[%div3A_54, %mul3A_59] : memref<50x128xi32, #tpu.memory_space<vmem>> -> memref<1x64xi32, #tpu.memory_space<vmem>>
    %dma_start3A_61 = tpu.memref_squeeze %dma_start3A_60 : memref<1x64xi32, #tpu.memory_space<vmem>> -> memref<64xi32, #tpu.memory_space<vmem>>
    %dma_start3A_62 = arith.constant 0 : i32
    %dma_start3A_63 = arith.constant 0 : i32
    %dma_start3A_64 = tpu.memref_slice %arg3[%dma_start3A_62, %dma_start3A_63] : memref<100000x128xf32, #tpu.memory_space<hbm>> -> memref<100000x128xf32, #tpu.memory_space<hbm>>
    tpu.enqueue_indirect_dma source(%dma_start3A_64 : memref<100000x128xf32, #tpu.memory_space<hbm>>) target(%arg10 : memref<64x128xf32, #tpu.memory_space<vmem>>) offsets(%dma_start3A_61 : memref<64xi32, #tpu.memory_space<vmem>>) semaphore(%arg20 : memref<!tpu.dma_semaphore, #tpu.memory_space<semaphore_mem>>)
    %div3A_65 = arith.constant 5 : i32
    %div3A_66 = arith.constant 2 : i32
    %div3A_67 = arith.divsi %div3A_65, %div3A_66 : i32
    %rem3A_68 = arith.constant 5 : i32
    %rem3A_69 = arith.constant 2 : i32
    %rem3A_70 = arith.remsi %rem3A_68, %rem3A_69 : i32
    %mul3A_71 = arith.constant 64 : i32
    %mul3A_72 = arith.muli %rem3A_70, %mul3A_71 : i32
    %dma_start3A_73 = tpu.memref_slice %arg5[%div3A_67, %mul3A_72] : memref<50x128xi32, #tpu.memory_space<vmem>> -> memref<1x64xi32, #tpu.memory_space<vmem>>
    %dma_start3A_74 = tpu.memref_squeeze %dma_start3A_73 : memref<1x64xi32, #tpu.memory_space<vmem>> -> memref<64xi32, #tpu.memory_space<vmem>>
    %dma_start3A_75 = arith.constant 0 : i32
    %dma_start3A_76 = arith.constant 0 : i32
    %dma_start3A_77 = tpu.memref_slice %arg3[%dma_start3A_75, %dma_start3A_76] : memref<100000x128xf32, #tpu.memory_space<hbm>> -> memref<100000x128xf32, #tpu.memory_space<hbm>>
    tpu.enqueue_indirect_dma source(%dma_start3A_77 : memref<100000x128xf32, #tpu.memory_space<hbm>>) target(%arg11 : memref<64x128xf32, #tpu.memory_space<vmem>>) offsets(%dma_start3A_74 : memref<64xi32, #tpu.memory_space<vmem>>) semaphore(%arg21 : memref<!tpu.dma_semaphore, #tpu.memory_space<semaphore_mem>>)
    %div3A_78 = arith.constant 6 : i32
    %div3A_79 = arith.constant 2 : i32
    %div3A_80 = arith.divsi %div3A_78, %div3A_79 : i32
    %rem3A_81 = arith.constant 6 : i32
    %rem3A_82 = arith.constant 2 : i32
    %rem3A_83 = arith.remsi %rem3A_81, %rem3A_82 : i32
    %mul3A_84 = arith.constant 64 : i32
    %mul3A_85 = arith.muli %rem3A_83, %mul3A_84 : i32
    %dma_start3A_86 = tpu.memref_slice %arg5[%div3A_80, %mul3A_85] : memref<50x128xi32, #tpu.memory_space<vmem>> -> memref<1x64xi32, #tpu.memory_space<vmem>>
    %dma_start3A_87 = tpu.memref_squeeze %dma_start3A_86 : memref<1x64xi32, #tpu.memory_space<vmem>> -> memref<64xi32, #tpu.memory_space<vmem>>
    %dma_start3A_88 = arith.constant 0 : i32
    %dma_start3A_89 = arith.constant 0 : i32
    %dma_start3A_90 = tpu.memref_slice %arg3[%dma_start3A_88, %dma_start3A_89] : memref<100000x128xf32, #tpu.memory_space<hbm>> -> memref<100000x128xf32, #tpu.memory_space<hbm>>
    tpu.enqueue_indirect_dma source(%dma_start3A_90 : memref<100000x128xf32, #tpu.memory_space<hbm>>) target(%arg12 : memref<64x128xf32, #tpu.memory_space<vmem>>) offsets(%dma_start3A_87 : memref<64xi32, #tpu.memory_space<vmem>>) semaphore(%arg22 : memref<!tpu.dma_semaphore, #tpu.memory_space<semaphore_mem>>)
    %div3A_91 = arith.constant 7 : i32
    %div3A_92 = arith.constant 2 : i32
    %div3A_93 = arith.divsi %div3A_91, %div3A_92 : i32
    %rem3A_94 = arith.constant 7 : i32
    %rem3A_95 = arith.constant 2 : i32
    %rem3A_96 = arith.remsi %rem3A_94, %rem3A_95 : i32
    %mul3A_97 = arith.constant 64 : i32
    %mul3A_98 = arith.muli %rem3A_96, %mul3A_97 : i32
    %dma_start3A_99 = tpu.memref_slice %arg5[%div3A_93, %mul3A_98] : memref<50x128xi32, #tpu.memory_space<vmem>> -> memref<1x64xi32, #tpu.memory_space<vmem>>
    %dma_start3A_100 = tpu.memref_squeeze %dma_start3A_99 : memref<1x64xi32, #tpu.memory_space<vmem>> -> memref<64xi32, #tpu.memory_space<vmem>>
    %dma_start3A_101 = arith.constant 0 : i32
    %dma_start3A_102 = arith.constant 0 : i32
    %dma_start3A_103 = tpu.memref_slice %arg3[%dma_start3A_101, %dma_start3A_102] : memref<100000x128xf32, #tpu.memory_space<hbm>> -> memref<100000x128xf32, #tpu.memory_space<hbm>>
    tpu.enqueue_indirect_dma source(%dma_start3A_103 : memref<100000x128xf32, #tpu.memory_space<hbm>>) target(%arg13 : memref<64x128xf32, #tpu.memory_space<vmem>>) offsets(%dma_start3A_100 : memref<64xi32, #tpu.memory_space<vmem>>) semaphore(%arg23 : memref<!tpu.dma_semaphore, #tpu.memory_space<semaphore_mem>>)
    %div3A_104 = arith.constant 8 : i32
    %div3A_105 = arith.constant 2 : i32
    %div3A_106 = arith.divsi %div3A_104, %div3A_105 : i32
    %rem3A_107 = arith.constant 8 : i32
    %rem3A_108 = arith.constant 2 : i32
    %rem3A_109 = arith.remsi %rem3A_107, %rem3A_108 : i32
    %mul3A_110 = arith.constant 64 : i32
    %mul3A_111 = arith.muli %rem3A_109, %mul3A_110 : i32
    %dma_start3A_112 = tpu.memref_slice %arg5[%div3A_106, %mul3A_111] : memref<50x128xi32, #tpu.memory_space<vmem>> -> memref<1x64xi32, #tpu.memory_space<vmem>>
    %dma_start3A_113 = tpu.memref_squeeze %dma_start3A_112 : memref<1x64xi32, #tpu.memory_space<vmem>> -> memref<64xi32, #tpu.memory_space<vmem>>
    %dma_start3A_114 = arith.constant 0 : i32
    %dma_start3A_115 = arith.constant 0 : i32
    %dma_start3A_116 = tpu.memref_slice %arg3[%dma_start3A_114, %dma_start3A_115] : memref<100000x128xf32, #tpu.memory_space<hbm>> -> memref<100000x128xf32, #tpu.memory_space<hbm>>
    tpu.enqueue_indirect_dma source(%dma_start3A_116 : memref<100000x128xf32, #tpu.memory_space<hbm>>) target(%arg14 : memref<64x128xf32, #tpu.memory_space<vmem>>) offsets(%dma_start3A_113 : memref<64xi32, #tpu.memory_space<vmem>>) semaphore(%arg24 : memref<!tpu.dma_semaphore, #tpu.memory_space<semaphore_mem>>)
    %div3A_117 = arith.constant 9 : i32
    %div3A_118 = arith.constant 2 : i32
    %div3A_119 = arith.divsi %div3A_117, %div3A_118 : i32
    %rem3A_120 = arith.constant 9 : i32
    %rem3A_121 = arith.constant 2 : i32
    %rem3A_122 = arith.remsi %rem3A_120, %rem3A_121 : i32
    %mul3A_123 = arith.constant 64 : i32
    %mul3A_124 = arith.muli %rem3A_122, %mul3A_123 : i32
    %dma_start3A_125 = tpu.memref_slice %arg5[%div3A_119, %mul3A_124] : memref<50x128xi32, #tpu.memory_space<vmem>> -> memref<1x64xi32, #tpu.memory_space<vmem>>
    %dma_start3A_126 = tpu.memref_squeeze %dma_start3A_125 : memref<1x64xi32, #tpu.memory_space<vmem>> -> memref<64xi32, #tpu.memory_space<vmem>>
    %dma_start3A_127 = arith.constant 0 : i32
    %dma_start3A_128 = arith.constant 0 : i32
    %dma_start3A_129 = tpu.memref_slice %arg3[%dma_start3A_127, %dma_start3A_128] : memref<100000x128xf32, #tpu.memory_space<hbm>> -> memref<100000x128xf32, #tpu.memory_space<hbm>>
    tpu.enqueue_indirect_dma source(%dma_start3A_129 : memref<100000x128xf32, #tpu.memory_space<hbm>>) target(%arg15 : memref<64x128xf32, #tpu.memory_space<vmem>>) offsets(%dma_start3A_126 : memref<64xi32, #tpu.memory_space<vmem>>) semaphore(%arg25 : memref<!tpu.dma_semaphore, #tpu.memory_space<semaphore_mem>>)
    %scan3A = arith.constant 0 : i32
    %scan3A_130 = arith.constant 0 : i32
    %scan3A_131 = arith.constant 10 : i32
    %scan3A_132 = arith.addi %scan3A_130, %scan3A_131 : i32
    %scan3A_133 = arith.constant 1 : i32
    scf.for %scan3A_284 = %scan3A_130 to %scan3A_132 step %scan3A_133  : i32 {
      %mul3A_285 = arith.constant 10 : i32
      %mul3A_286 = arith.muli %scan3A_284, %mul3A_285 : i32
      %add3A_287 = arith.constant 0 : i32
      %add3A_288 = arith.addi %mul3A_286, %add3A_287 : i32
      %sub3A = arith.constant 2 : i32
      %sub3A_289 = arith.subi %add3A_288, %sub3A : i32
      %ge3A = arith.constant 0 : i32
      %ge3A_290 = arith.cmpi sge, %sub3A_289, %ge3A : i32
      %add3A_291 = arith.constant 10 : i32
      %add3A_292 = arith.addi %sub3A_289, %add3A_291 : i32
      %lt3A = arith.constant 100 : i32
      %lt3A_293 = arith.cmpi slt, %add3A_292, %lt3A : i32
      %and3A = arith.andi %ge3A_290, %lt3A_293 : i1
      %convert_element_type3A = arith.extui %and3A : i1 to i32
      %cond3A = arith.constant 0 : i32
      %cond3A_294 = arith.cmpi ne, %convert_element_type3A, %cond3A : i32
      scf.if %cond3A_294 {
        %div3A_749 = arith.constant 2 : i32
        %div3A_750 = arith.divsi %sub3A_289, %div3A_749 : i32
        %rem3A_751 = arith.constant 2 : i32
        %rem3A_752 = arith.remsi %sub3A_289, %rem3A_751 : i32
        %mul3A_753 = arith.constant 64 : i32
        %mul3A_754 = arith.muli %rem3A_752, %mul3A_753 : i32
        %add3A_755 = arith.addi %mul3A_2, %mul3A_754 : i32
        %dma_wait3A_756 = arith.constant 0 : i32
        %dma_wait3A_757 = tpu.memref_slice %arg4[%div3A_750, %add3A_755, %dma_wait3A_756] : memref<50x4096x128xf32, #tpu.memory_space<hbm>> -> memref<1x64x128xf32, #tpu.memory_space<hbm>>
        %dma_wait3A_758 = tpu.memref_squeeze %dma_wait3A_757 : memref<1x64x128xf32, #tpu.memory_space<hbm>> -> memref<64x128xf32, #tpu.memory_space<hbm>>
        %dma_wait3A_759 = arith.constant 0 : i32
        %dma_wait3A_760 = tpu.memref_slice %arg4[%div3A_750, %add3A_755, %dma_wait3A_759] : memref<50x4096x128xf32, #tpu.memory_space<hbm>> -> memref<1x64x128xf32, #tpu.memory_space<hbm>>
        %dma_wait3A_761 = tpu.memref_squeeze %dma_wait3A_760 : memref<1x64x128xf32, #tpu.memory_space<hbm>> -> memref<64x128xf32, #tpu.memory_space<hbm>>
        tpu.wait_dma2 semaphore(%arg34 : memref<!tpu.dma_semaphore, #tpu.memory_space<semaphore_mem>>) src(%arg14 : memref<64x128xf32, #tpu.memory_space<vmem>>) dst(%dma_wait3A_761 : memref<64x128xf32, #tpu.memory_space<hbm>>)
        %add3A_762 = arith.constant 10 : i32
        %add3A_763 = arith.addi %sub3A_289, %add3A_762 : i32
        %div3A_764 = arith.constant 2 : i32
        %div3A_765 = arith.divsi %add3A_763, %div3A_764 : i32
        %rem3A_766 = arith.constant 2 : i32
        %rem3A_767 = arith.remsi %add3A_763, %rem3A_766 : i32
        %mul3A_768 = arith.constant 64 : i32
        %mul3A_769 = arith.muli %rem3A_767, %mul3A_768 : i32
        %dma_start3A_770 = tpu.memref_slice %arg5[%div3A_765, %mul3A_769] : memref<50x128xi32, #tpu.memory_space<vmem>> -> memref<1x64xi32, #tpu.memory_space<vmem>>
        %dma_start3A_771 = tpu.memref_squeeze %dma_start3A_770 : memref<1x64xi32, #tpu.memory_space<vmem>> -> memref<64xi32, #tpu.memory_space<vmem>>
        %dma_start3A_772 = arith.constant 0 : i32
        %dma_start3A_773 = arith.constant 0 : i32
        %dma_start3A_774 = tpu.memref_slice %arg3[%dma_start3A_772, %dma_start3A_773] : memref<100000x128xf32, #tpu.memory_space<hbm>> -> memref<100000x128xf32, #tpu.memory_space<hbm>>
        tpu.enqueue_indirect_dma source(%dma_start3A_774 : memref<100000x128xf32, #tpu.memory_space<hbm>>) target(%arg14 : memref<64x128xf32, #tpu.memory_space<vmem>>) offsets(%dma_start3A_771 : memref<64xi32, #tpu.memory_space<vmem>>) semaphore(%arg24 : memref<!tpu.dma_semaphore, #tpu.memory_space<semaphore_mem>>)
      } else {
      }
      %div3A_295 = arith.constant 2 : i32
      %div3A_296 = arith.divsi %add3A_288, %div3A_295 : i32
      %rem3A_297 = arith.constant 2 : i32
      %rem3A_298 = arith.remsi %add3A_288, %rem3A_297 : i32
      %mul3A_299 = arith.constant 64 : i32
      %mul3A_300 = arith.muli %rem3A_298, %mul3A_299 : i32
      %dma_wait3A_301 = tpu.memref_slice %arg5[%div3A_296, %mul3A_300] : memref<50x128xi32, #tpu.memory_space<vmem>> -> memref<1x64xi32, #tpu.memory_space<vmem>>
      %dma_wait3A_302 = tpu.memref_squeeze %dma_wait3A_301 : memref<1x64xi32, #tpu.memory_space<vmem>> -> memref<64xi32, #tpu.memory_space<vmem>>
      %dma_wait3A_303 = arith.constant 0 : i32
      %dma_wait3A_304 = arith.constant 0 : i32
      %dma_wait3A_305 = tpu.memref_slice %arg3[%dma_wait3A_303, %dma_wait3A_304] : memref<100000x128xf32, #tpu.memory_space<hbm>> -> memref<100000x128xf32, #tpu.memory_space<hbm>>
      tpu.wait_indirect_dma semaphore(%arg16 : memref<!tpu.dma_semaphore, #tpu.memory_space<semaphore_mem>>) src(%dma_wait3A_305 : memref<100000x128xf32, #tpu.memory_space<hbm>>) dst(%arg6 : memref<64x128xf32, #tpu.memory_space<vmem>>)
      %scan3A_306 = arith.constant 0 : i32
      %scan3A_307 = arith.constant 0 : i32
      %scan3A_308 = arith.constant 32 : i32
      %scan3A_309 = arith.addi %scan3A_307, %scan3A_308 : i32
      %scan3A_310 = arith.constant 1 : i32
      %scan3A_311 = scf.for %scan3A_749 = %scan3A_307 to %scan3A_309 step %scan3A_310 iter_args(%scan3A_750 = %scan3A_306) -> (i32)  : i32 {
        %mul3A_751 = arith.constant 2 : i32
        %mul3A_752 = arith.muli %mul3A_751, %scan3A_749 : i32
        %add3A_753 = arith.constant 0 : i32
        %add3A_754 = arith.addi %mul3A_752, %add3A_753 : i32
        %get3A = arith.index_cast %add3A_754 : i32 to index
        %get3A_755 = arith.constant 0 : index
        %get3A_756 = tpu.vector_load %arg6[%get3A, %get3A_755] {strides = array<i32>} : memref<64x128xf32, #tpu.memory_space<vmem>>, vector<1x16xf32>,
        %get3A_757 = vector.shape_cast %get3A_756 : vector<1x16xf32> to vector<16xf32>
        %mul3A_758 = arith.constant 11.3137083 : f32
        %mul3A_759 = vector.broadcast %mul3A_758 : f32 to vector<16xf32>
        %mul3A_760 = arith.mulf %get3A_757, %mul3A_759 : vector<16xf32>
        %mul3A_761 = arith.constant 2 : i32
        %mul3A_762 = arith.muli %mul3A_761, %scan3A_749 : i32
        %add3A_763 = arith.constant 0 : i32
        %add3A_764 = arith.addi %mul3A_762, %add3A_763 : i32
        %swap3A = arith.index_cast %add3A_764 : i32 to index
        %swap3A_765 = arith.constant 0 : index
        %swap3A_766 = tpu.vector_load %arg6[%swap3A, %swap3A_765] {strides = array<i32>} : memref<64x128xf32, #tpu.memory_space<vmem>>, vector<1x16xf32>,
        %swap3A_767 = vector.shape_cast %swap3A_766 : vector<1x16xf32> to vector<16xf32>
        %swap3A_768 = vector.shape_cast %mul3A_760 : vector<16xf32> to vector<1x16xf32>
        tpu.vector_store %arg6[%swap3A, %swap3A_765], %swap3A_768 {strides = array<i32>} : memref<64x128xf32, #tpu.memory_space<vmem>>, vector<1x16xf32>,
        %mul3A_769 = arith.constant 2 : i32
        %mul3A_770 = arith.muli %mul3A_769, %scan3A_749 : i32
        %add3A_771 = arith.constant 0 : i32
        %add3A_772 = arith.addi %mul3A_770, %add3A_771 : i32
        %get3A_773 = arith.index_cast %add3A_772 : i32 to index
        %get3A_774 = arith.constant 16 : index
        %get3A_775 = tpu.vector_load %arg6[%get3A_773, %get3A_774] {strides = array<i32>} : memref<64x128xf32, #tpu.memory_space<vmem>>, vector<1x16xf32>,
        %get3A_776 = vector.shape_cast %get3A_775 : vector<1x16xf32> to vector<16xf32>
        %mul3A_777 = arith.constant 11.3137083 : f32
        %mul3A_778 = vector.broadcast %mul3A_777 : f32 to vector<16xf32>
        %mul3A_779 = arith.mulf %get3A_776, %mul3A_778 : vector<16xf32>
        %mul3A_780 = arith.constant 2 : i32
        %mul3A_781 = arith.muli %mul3A_780, %scan3A_749 : i32
        %add3A_782 = arith.constant 0 : i32
        %add3A_783 = arith.addi %mul3A_781, %add3A_782 : i32
        %swap3A_784 = arith.index_cast %add3A_783 : i32 to index
        %swap3A_785 = arith.constant 16 : index
        %swap3A_786 = tpu.vector_load %arg6[%swap3A_784, %swap3A_785] {strides = array<i32>} : memref<64x128xf32, #tpu.memory_space<vmem>>, vector<1x16xf32>,
        %swap3A_787 = vector.shape_cast %swap3A_786 : vector<1x16xf32> to vector<16xf32>
        %swap3A_788 = vector.shape_cast %mul3A_779 : vector<16xf32> to vector<1x16xf32>
        tpu.vector_store %arg6[%swap3A_784, %swap3A_785], %swap3A_788 {strides = array<i32>} : memref<64x128xf32, #tpu.memory_space<vmem>>, vector<1x16xf32>,
        %mul3A_789 = arith.constant 2 : i32
        %mul3A_790 = arith.muli %mul3A_789, %scan3A_749 : i32
        %add3A_791 = arith.constant 0 : i32
        %add3A_792 = arith.addi %mul3A_790, %add3A_791 : i32
        %get3A_793 = arith.index_cast %add3A_792 : i32 to index
        %get3A_794 = arith.constant 32 : index
        %get3A_795 = tpu.vector_load %arg6[%get3A_793, %get3A_794] {strides = array<i32>} : memref<64x128xf32, #tpu.memory_space<vmem>>, vector<1x16xf32>,
        %get3A_796 = vector.shape_cast %get3A_795 : vector<1x16xf32> to vector<16xf32>
        %mul3A_797 = arith.constant 11.3137083 : f32
        %mul3A_798 = vector.broadcast %mul3A_797 : f32 to vector<16xf32>
        %mul3A_799 = arith.mulf %get3A_796, %mul3A_798 : vector<16xf32>
        %mul3A_800 = arith.constant 2 : i32
        %mul3A_801 = arith.muli %mul3A_800, %scan3A_749 : i32
        %add3A_802 = arith.constant 0 : i32
        %add3A_803 = arith.addi %mul3A_801, %add3A_802 : i32
        %swap3A_804 = arith.index_cast %add3A_803 : i32 to index
        %swap3A_805 = arith.constant 32 : index
        %swap3A_806 = tpu.vector_load %arg6[%swap3A_804, %swap3A_805] {strides = array<i32>} : memref<64x128xf32, #tpu.memory_space<vmem>>, vector<1x16xf32>,
        %swap3A_807 = vector.shape_cast %swap3A_806 : vector<1x16xf32> to vector<16xf32>
        %swap3A_808 = vector.shape_cast %mul3A_799 : vector<16xf32> to vector<1x16xf32>
        tpu.vector_store %arg6[%swap3A_804, %swap3A_805], %swap3A_808 {strides = array<i32>} : memref<64x128xf32, #tpu.memory_space<vmem>>, vector<1x16xf32>,
        %mul3A_809 = arith.constant 2 : i32
        %mul3A_810 = arith.muli %mul3A_809, %scan3A_749 : i32
        %add3A_811 = arith.constant 0 : i32
        %add3A_812 = arith.addi %mul3A_810, %add3A_811 : i32
        %get3A_813 = arith.index_cast %add3A_812 : i32 to index
        %get3A_814 = arith.constant 48 : index
        %get3A_815 = tpu.vector_load %arg6[%get3A_813, %get3A_814] {strides = array<i32>} : memref<64x128xf32, #tpu.memory_space<vmem>>, vector<1x16xf32>,
        %get3A_816 = vector.shape_cast %get3A_815 : vector<1x16xf32> to vector<16xf32>
        %mul3A_817 = arith.constant 11.3137083 : f32
        %mul3A_818 = vector.broadcast %mul3A_817 : f32 to vector<16xf32>
        %mul3A_819 = arith.mulf %get3A_816, %mul3A_818 : vector<16xf32>
        %mul3A_820 = arith.constant 2 : i32
        %mul3A_821 = arith.muli %mul3A_820, %scan3A_749 : i32
        %add3A_822 = arith.constant 0 : i32
        %add3A_823 = arith.addi %mul3A_821, %add3A_822 : i32
        %swap3A_824 = arith.index_cast %add3A_823 : i32 to index
        %swap3A_825 = arith.constant 48 : index
        %swap3A_826 = tpu.vector_load %arg6[%swap3A_824, %swap3A_825] {strides = array<i32>} : memref<64x128xf32, #tpu.memory_space<vmem>>, vector<1x16xf32>,
        %swap3A_827 = vector.shape_cast %swap3A_826 : vector<1x16xf32> to vector<16xf32>
        %swap3A_828 = vector.shape_cast %mul3A_819 : vector<16xf32> to vector<1x16xf32>
        tpu.vector_store %arg6[%swap3A_824, %swap3A_825], %swap3A_828 {strides = array<i32>} : memref<64x128xf32, #tpu.memory_space<vmem>>, vector<1x16xf32>,
        %mul3A_829 = arith.constant 2 : i32
        %mul3A_830 = arith.muli %mul3A_829, %scan3A_749 : i32
        %add3A_831 = arith.constant 0 : i32
        %add3A_832 = arith.addi %mul3A_830, %add3A_831 : i32
        %get3A_833 = arith.index_cast %add3A_832 : i32 to index
        %get3A_834 = arith.constant 64 : index
        %get3A_835 = tpu.vector_load %arg6[%get3A_833, %get3A_834] {strides = array<i32>} : memref<64x128xf32, #tpu.memory_space<vmem>>, vector<1x16xf32>,
        %get3A_836 = vector.shape_cast %get3A_835 : vector<1x16xf32> to vector<16xf32>
        %mul3A_837 = arith.constant 11.3137083 : f32
        %mul3A_838 = vector.broadcast %mul3A_837 : f32 to vector<16xf32>
        %mul3A_839 = arith.mulf %get3A_836, %mul3A_838 : vector<16xf32>
        %mul3A_840 = arith.constant 2 : i32
        %mul3A_841 = arith.muli %mul3A_840, %scan3A_749 : i32
        %add3A_842 = arith.constant 0 : i32
        %add3A_843 = arith.addi %mul3A_841, %add3A_842 : i32
        %swap3A_844 = arith.index_cast %add3A_843 : i32 to index
        %swap3A_845 = arith.constant 64 : index
        %swap3A_846 = tpu.vector_load %arg6[%swap3A_844, %swap3A_845] {strides = array<i32>} : memref<64x128xf32, #tpu.memory_space<vmem>>, vector<1x16xf32>,
        %swap3A_847 = vector.shape_cast %swap3A_846 : vector<1x16xf32> to vector<16xf32>
        %swap3A_848 = vector.shape_cast %mul3A_839 : vector<16xf32> to vector<1x16xf32>
        tpu.vector_store %arg6[%swap3A_844, %swap3A_845], %swap3A_848 {strides = array<i32>} : memref<64x128xf32, #tpu.memory_space<vmem>>, vector<1x16xf32>,
        %mul3A_849 = arith.constant 2 : i32
        %mul3A_850 = arith.muli %mul3A_849, %scan3A_749 : i32
        %add3A_851 = arith.constant 0 : i32
        %add3A_852 = arith.addi %mul3A_850, %add3A_851 : i32
        %get3A_853 = arith.index_cast %add3A_852 : i32 to index
        %get3A_854 = arith.constant 80 : index
        %get3A_855 = tpu.vector_load %arg6[%get3A_853, %get3A_854] {strides = array<i32>} : memref<64x128xf32, #tpu.memory_space<vmem>>, vector<1x16xf32>,
        %get3A_856 = vector.shape_cast %get3A_855 : vector<1x16xf32> to vector<16xf32>
        %mul3A_857 = arith.constant 11.3137083 : f32
        %mul3A_858 = vector.broadcast %mul3A_857 : f32 to vector<16xf32>
        %mul3A_859 = arith.mulf %get3A_856, %mul3A_858 : vector<16xf32>
        %mul3A_860 = arith.constant 2 : i32
        %mul3A_861 = arith.muli %mul3A_860, %scan3A_749 : i32
        %add3A_862 = arith.constant 0 : i32
        %add3A_863 = arith.addi %mul3A_861, %add3A_862 : i32
        %swap3A_864 = arith.index_cast %add3A_863 : i32 to index
        %swap3A_865 = arith.constant 80 : index
        %swap3A_866 = tpu.vector_load %arg6[%swap3A_864, %swap3A_865] {strides = array<i32>} : memref<64x128xf32, #tpu.memory_space<vmem>>, vector<1x16xf32>,
        %swap3A_867 = vector.shape_cast %swap3A_866 : vector<1x16xf32> to vector<16xf32>
        %swap3A_868 = vector.shape_cast %mul3A_859 : vector<16xf32> to vector<1x16xf32>
        tpu.vector_store %arg6[%swap3A_864, %swap3A_865], %swap3A_868 {strides = array<i32>} : memref<64x128xf32, #tpu.memory_space<vmem>>, vector<1x16xf32>,
        %mul3A_869 = arith.constant 2 : i32
        %mul3A_870 = arith.muli %mul3A_869, %scan3A_749 : i32
        %add3A_871 = arith.constant 0 : i32
        %add3A_872 = arith.addi %mul3A_870, %add3A_871 : i32
        %get3A_873 = arith.index_cast %add3A_872 : i32 to index
        %get3A_874 = arith.constant 96 : index
        %get3A_875 = tpu.vector_load %arg6[%get3A_873, %get3A_874] {strides = array<i32>} : memref<64x128xf32, #tpu.memory_space<vmem>>, vector<1x16xf32>,
        %get3A_876 = vector.shape_cast %get3A_875 : vector<1x16xf32> to vector<16xf32>
        %mul3A_877 = arith.constant 11.3137083 : f32
        %mul3A_878 = vector.broadcast %mul3A_877 : f32 to vector<16xf32>
        %mul3A_879 = arith.mulf %get3A_876, %mul3A_878 : vector<16xf32>
        %mul3A_880 = arith.constant 2 : i32
        %mul3A_881 = arith.muli %mul3A_880, %scan3A_749 : i32
        %add3A_882 = arith.constant 0 : i32
        %add3A_883 = arith.addi %mul3A_881, %add3A_882 : i32
        %swap3A_884 = arith.index_cast %add3A_883 : i32 to index
        %swap3A_885 = arith.constant 96 : index
        %swap3A_886 = tpu.vector_load %arg6[%swap3A_884, %swap3A_885] {strides = array<i32>} : memref<64x128xf32, #tpu.memory_space<vmem>>, vector<1x16xf32>,
        %swap3A_887 = vector.shape_cast %swap3A_886 : vector<1x16xf32> to vector<16xf32>
        %swap3A_888 = vector.shape_cast %mul3A_879 : vector<16xf32> to vector<1x16xf32>
        tpu.vector_store %arg6[%swap3A_884, %swap3A_885], %swap3A_888 {strides = array<i32>} : memref<64x128xf32, #tpu.memory_space<vmem>>, vector<1x16xf32>,
        %mul3A_889 = arith.constant 2 : i32
        %mul3A_890 = arith.muli %mul3A_889, %scan3A_749 : i32
        %add3A_891 = arith.constant 0 : i32
        %add3A_892 = arith.addi %mul3A_890, %add3A_891 : i32
        %get3A_893 = arith.index_cast %add3A_892 : i32 to index
        %get3A_894 = arith.constant 112 : index
        %get3A_895 = tpu.vector_load %arg6[%get3A_893, %get3A_894] {strides = array<i32>} : memref<64x128xf32, #tpu.memory_space<vmem>>, vector<1x16xf32>,
        %get3A_896 = vector.shape_cast %get3A_895 : vector<1x16xf32> to vector<16xf32>
        %mul3A_897 = arith.constant 11.3137083 : f32
        %mul3A_898 = vector.broadcast %mul3A_897 : f32 to vector<16xf32>
        %mul3A_899 = arith.mulf %get3A_896, %mul3A_898 : vector<16xf32>
        %mul3A_900 = arith.constant 2 : i32
        %mul3A_901 = arith.muli %mul3A_900, %scan3A_749 : i32
        %add3A_902 = arith.constant 0 : i32
        %add3A_903 = arith.addi %mul3A_901, %add3A_902 : i32
        %swap3A_904 = arith.index_cast %add3A_903 : i32 to index
        %swap3A_905 = arith.constant 112 : index
        %swap3A_906 = tpu.vector_load %arg6[%swap3A_904, %swap3A_905] {strides = array<i32>} : memref<64x128xf32, #tpu.memory_space<vmem>>, vector<1x16xf32>,
        %swap3A_907 = vector.shape_cast %swap3A_906 : vector<1x16xf32> to vector<16xf32>
        %swap3A_908 = vector.shape_cast %mul3A_899 : vector<16xf32> to vector<1x16xf32>
        tpu.vector_store %arg6[%swap3A_904, %swap3A_905], %swap3A_908 {strides = array<i32>} : memref<64x128xf32, #tpu.memory_space<vmem>>, vector<1x16xf32>,
        %mul3A_909 = arith.constant 2 : i32
        %mul3A_910 = arith.muli %mul3A_909, %scan3A_749 : i32
        %add3A_911 = arith.constant 1 : i32
        %add3A_912 = arith.addi %mul3A_910, %add3A_911 : i32
        %get3A_913 = arith.index_cast %add3A_912 : i32 to index
        %get3A_914 = arith.constant 0 : index
        %get3A_915 = tpu.vector_load %arg6[%get3A_913, %get3A_914] {strides = array<i32>} : memref<64x128xf32, #tpu.memory_space<vmem>>, vector<1x16xf32>,
        %get3A_916 = vector.shape_cast %get3A_915 : vector<1x16xf32> to vector<16xf32>
        %mul3A_917 = arith.constant 11.3137083 : f32
        %mul3A_918 = vector.broadcast %mul3A_917 : f32 to vector<16xf32>
        %mul3A_919 = arith.mulf %get3A_916, %mul3A_918 : vector<16xf32>
        %mul3A_920 = arith.constant 2 : i32
        %mul3A_921 = arith.muli %mul3A_920, %scan3A_749 : i32
        %add3A_922 = arith.constant 1 : i32
        %add3A_923 = arith.addi %mul3A_921, %add3A_922 : i32
        %swap3A_924 = arith.index_cast %add3A_923 : i32 to index
        %swap3A_925 = arith.constant 0 : index
        %swap3A_926 = tpu.vector_load %arg6[%swap3A_924, %swap3A_925] {strides = array<i32>} : memref<64x128xf32, #tpu.memory_space<vmem>>, vector<1x16xf32>,
        %swap3A_927 = vector.shape_cast %swap3A_926 : vector<1x16xf32> to vector<16xf32>
        %swap3A_928 = vector.shape_cast %mul3A_919 : vector<16xf32> to vector<1x16xf32>
        tpu.vector_store %arg6[%swap3A_924, %swap3A_925], %swap3A_928 {strides = array<i32>} : memref<64x128xf32, #tpu.memory_space<vmem>>, vector<1x16xf32>,
        %mul3A_929 = arith.constant 2 : i32
        %mul3A_930 = arith.muli %mul3A_929, %scan3A_749 : i32
        %add3A_931 = arith.constant 1 : i32
        %add3A_932 = arith.addi %mul3A_930, %add3A_931 : i32
        %get3A_933 = arith.index_cast %add3A_932 : i32 to index
        %get3A_934 = arith.constant 16 : index
        %get3A_935 = tpu.vector_load %arg6[%get3A_933, %get3A_934] {strides = array<i32>} : memref<64x128xf32, #tpu.memory_space<vmem>>, vector<1x16xf32>,
        %get3A_936 = vector.shape_cast %get3A_935 : vector<1x16xf32> to vector<16xf32>
        %mul3A_937 = arith.constant 11.3137083 : f32
        %mul3A_938 = vector.broadcast %mul3A_937 : f32 to vector<16xf32>
        %mul3A_939 = arith.mulf %get3A_936, %mul3A_938 : vector<16xf32>
        %mul3A_940 = arith.constant 2 : i32
        %mul3A_941 = arith.muli %mul3A_940, %scan3A_749 : i32
        %add3A_942 = arith.constant 1 : i32
        %add3A_943 = arith.addi %mul3A_941, %add3A_942 : i32
        %swap3A_944 = arith.index_cast %add3A_943 : i32 to index
        %swap3A_945 = arith.constant 16 : index
        %swap3A_946 = tpu.vector_load %arg6[%swap3A_944, %swap3A_945] {strides = array<i32>} : memref<64x128xf32, #tpu.memory_space<vmem>>, vector<1x16xf32>,
        %swap3A_947 = vector.shape_cast %swap3A_946 : vector<1x16xf32> to vector<16xf32>
        %swap3A_948 = vector.shape_cast %mul3A_939 : vector<16xf32> to vector<1x16xf32>
        tpu.vector_store %arg6[%swap3A_944, %swap3A_945], %swap3A_948 {strides = array<i32>} : memref<64x128xf32, #tpu.memory_space<vmem>>, vector<1x16xf32>,
        %mul3A_949 = arith.constant 2 : i32
        %mul3A_950 = arith.muli %mul3A_949, %scan3A_749 : i32
        %add3A_951 = arith.constant 1 : i32
        %add3A_952 = arith.addi %mul3A_950, %add3A_951 : i32
        %get3A_953 = arith.index_cast %add3A_952 : i32 to index
        %get3A_954 = arith.constant 32 : index
        %get3A_955 = tpu.vector_load %arg6[%get3A_953, %get3A_954] {strides = array<i32>} : memref<64x128xf32, #tpu.memory_space<vmem>>, vector<1x16xf32>,
        %get3A_956 = vector.shape_cast %get3A_955 : vector<1x16xf32> to vector<16xf32>
        %mul3A_957 = arith.constant 11.3137083 : f32
        %mul3A_958 = vector.broadcast %mul3A_957 : f32 to vector<16xf32>
        %mul3A_959 = arith.mulf %get3A_956, %mul3A_958 : vector<16xf32>
        %mul3A_960 = arith.constant 2 : i32
        %mul3A_961 = arith.muli %mul3A_960, %scan3A_749 : i32
        %add3A_962 = arith.constant 1 : i32
        %add3A_963 = arith.addi %mul3A_961, %add3A_962 : i32
        %swap3A_964 = arith.index_cast %add3A_963 : i32 to index
        %swap3A_965 = arith.constant 32 : index
        %swap3A_966 = tpu.vector_load %arg6[%swap3A_964, %swap3A_965] {strides = array<i32>} : memref<64x128xf32, #tpu.memory_space<vmem>>, vector<1x16xf32>,
        %swap3A_967 = vector.shape_cast %swap3A_966 : vector<1x16xf32> to vector<16xf32>
        %swap3A_968 = vector.shape_cast %mul3A_959 : vector<16xf32> to vector<1x16xf32>
        tpu.vector_store %arg6[%swap3A_964, %swap3A_965], %swap3A_968 {strides = array<i32>} : memref<64x128xf32, #tpu.memory_space<vmem>>, vector<1x16xf32>,
        %mul3A_969 = arith.constant 2 : i32
        %mul3A_970 = arith.muli %mul3A_969, %scan3A_749 : i32
        %add3A_971 = arith.constant 1 : i32
        %add3A_972 = arith.addi %mul3A_970, %add3A_971 : i32
        %get3A_973 = arith.index_cast %add3A_972 : i32 to index
        %get3A_974 = arith.constant 48 : index
        %get3A_975 = tpu.vector_load %arg6[%get3A_973, %get3A_974] {strides = array<i32>} : memref<64x128xf32, #tpu.memory_space<vmem>>, vector<1x16xf32>,
        %get3A_976 = vector.shape_cast %get3A_975 : vector<1x16xf32> to vector<16xf32>
        %mul3A_977 = arith.constant 11.3137083 : f32
        %mul3A_978 = vector.broadcast %mul3A_977 : f32 to vector<16xf32>
        %mul3A_979 = arith.mulf %get3A_976, %mul3A_978 : vector<16xf32>
        %mul3A_980 = arith.constant 2 : i32
        %mul3A_981 = arith.muli %mul3A_980, %scan3A_749 : i32
        %add3A_982 = arith.constant 1 : i32
        %add3A_983 = arith.addi %mul3A_981, %add3A_982 : i32
        %swap3A_984 = arith.index_cast %add3A_983 : i32 to index
        %swap3A_985 = arith.constant 48 : index
        %swap3A_986 = tpu.vector_load %arg6[%swap3A_984, %swap3A_985] {strides = array<i32>} : memref<64x128xf32, #tpu.memory_space<vmem>>, vector<1x16xf32>,
        %swap3A_987 = vector.shape_cast %swap3A_986 : vector<1x16xf32> to vector<16xf32>
        %swap3A_988 = vector.shape_cast %mul3A_979 : vector<16xf32> to vector<1x16xf32>
        tpu.vector_store %arg6[%swap3A_984, %swap3A_985], %swap3A_988 {strides = array<i32>} : memref<64x128xf32, #tpu.memory_space<vmem>>, vector<1x16xf32>,
        %mul3A_989 = arith.constant 2 : i32
        %mul3A_990 = arith.muli %mul3A_989, %scan3A_749 : i32
        %add3A_991 = arith.constant 1 : i32
        %add3A_992 = arith.addi %mul3A_990, %add3A_991 : i32
        %get3A_993 = arith.index_cast %add3A_992 : i32 to index
        %get3A_994 = arith.constant 64 : index
        %get3A_995 = tpu.vector_load %arg6[%get3A_993, %get3A_994] {strides = array<i32>} : memref<64x128xf32, #tpu.memory_space<vmem>>, vector<1x16xf32>,
        %get3A_996 = vector.shape_cast %get3A_995 : vector<1x16xf32> to vector<16xf32>
        %mul3A_997 = arith.constant 11.3137083 : f32
        %mul3A_998 = vector.broadcast %mul3A_997 : f32 to vector<16xf32>
        %mul3A_999 = arith.mulf %get3A_996, %mul3A_998 : vector<16xf32>
        %mul3A_1000 = arith.constant 2 : i32
        %mul3A_1001 = arith.muli %mul3A_1000, %scan3A_749 : i32
        %add3A_1002 = arith.constant 1 : i32
        %add3A_1003 = arith.addi %mul3A_1001, %add3A_1002 : i32
        %swap3A_1004 = arith.index_cast %add3A_1003 : i32 to index
        %swap3A_1005 = arith.constant 64 : index
        %swap3A_1006 = tpu.vector_load %arg6[%swap3A_1004, %swap3A_1005] {strides = array<i32>} : memref<64x128xf32, #tpu.memory_space<vmem>>, vector<1x16xf32>,
        %swap3A_1007 = vector.shape_cast %swap3A_1006 : vector<1x16xf32> to vector<16xf32>
        %swap3A_1008 = vector.shape_cast %mul3A_999 : vector<16xf32> to vector<1x16xf32>
        tpu.vector_store %arg6[%swap3A_1004, %swap3A_1005], %swap3A_1008 {strides = array<i32>} : memref<64x128xf32, #tpu.memory_space<vmem>>, vector<1x16xf32>,
        %mul3A_1009 = arith.constant 2 : i32
        %mul3A_1010 = arith.muli %mul3A_1009, %scan3A_749 : i32
        %add3A_1011 = arith.constant 1 : i32
        %add3A_1012 = arith.addi %mul3A_1010, %add3A_1011 : i32
        %get3A_1013 = arith.index_cast %add3A_1012 : i32 to index
        %get3A_1014 = arith.constant 80 : index
        %get3A_1015 = tpu.vector_load %arg6[%get3A_1013, %get3A_1014] {strides = array<i32>} : memref<64x128xf32, #tpu.memory_space<vmem>>, vector<1x16xf32>,
        %get3A_1016 = vector.shape_cast %get3A_1015 : vector<1x16xf32> to vector<16xf32>
        %mul3A_1017 = arith.constant 11.3137083 : f32
        %mul3A_1018 = vector.broadcast %mul3A_1017 : f32 to vector<16xf32>
        %mul3A_1019 = arith.mulf %get3A_1016, %mul3A_1018 : vector<16xf32>
        %mul3A_1020 = arith.constant 2 : i32
        %mul3A_1021 = arith.muli %mul3A_1020, %scan3A_749 : i32
        %add3A_1022 = arith.constant 1 : i32
        %add3A_1023 = arith.addi %mul3A_1021, %add3A_1022 : i32
        %swap3A_1024 = arith.index_cast %add3A_1023 : i32 to index
        %swap3A_1025 = arith.constant 80 : index
        %swap3A_1026 = tpu.vector_load %arg6[%swap3A_1024, %swap3A_1025] {strides = array<i32>} : memref<64x128xf32, #tpu.memory_space<vmem>>, vector<1x16xf32>,
        %swap3A_1027 = vector.shape_cast %swap3A_1026 : vector<1x16xf32> to vector<16xf32>
        %swap3A_1028 = vector.shape_cast %mul3A_1019 : vector<16xf32> to vector<1x16xf32>
        tpu.vector_store %arg6[%swap3A_1024, %swap3A_1025], %swap3A_1028 {strides = array<i32>} : memref<64x128xf32, #tpu.memory_space<vmem>>, vector<1x16xf32>,
        %mul3A_1029 = arith.constant 2 : i32
        %mul3A_1030 = arith.muli %mul3A_1029, %scan3A_749 : i32
        %add3A_1031 = arith.constant 1 : i32
        %add3A_1032 = arith.addi %mul3A_1030, %add3A_1031 : i32
        %get3A_1033 = arith.index_cast %add3A_1032 : i32 to index
        %get3A_1034 = arith.constant 96 : index
        %get3A_1035 = tpu.vector_load %arg6[%get3A_1033, %get3A_1034] {strides = array<i32>} : memref<64x128xf32, #tpu.memory_space<vmem>>, vector<1x16xf32>,
        %get3A_1036 = vector.shape_cast %get3A_1035 : vector<1x16xf32> to vector<16xf32>
        %mul3A_1037 = arith.constant 11.3137083 : f32
        %mul3A_1038 = vector.broadcast %mul3A_1037 : f32 to vector<16xf32>
        %mul3A_1039 = arith.mulf %get3A_1036, %mul3A_1038 : vector<16xf32>
        %mul3A_1040 = arith.constant 2 : i32
        %mul3A_1041 = arith.muli %mul3A_1040, %scan3A_749 : i32
        %add3A_1042 = arith.constant 1 : i32
        %add3A_1043 = arith.addi %mul3A_1041, %add3A_1042 : i32
        %swap3A_1044 = arith.index_cast %add3A_1043 : i32 to index
        %swap3A_1045 = arith.constant 96 : index
        %swap3A_1046 = tpu.vector_load %arg6[%swap3A_1044, %swap3A_1045] {strides = array<i32>} : memref<64x128xf32, #tpu.memory_space<vmem>>, vector<1x16xf32>,
        %swap3A_1047 = vector.shape_cast %swap3A_1046 : vector<1x16xf32> to vector<16xf32>
        %swap3A_1048 = vector.shape_cast %mul3A_1039 : vector<16xf32> to vector<1x16xf32>
        tpu.vector_store %arg6[%swap3A_1044, %swap3A_1045], %swap3A_1048 {strides = array<i32>} : memref<64x128xf32, #tpu.memory_space<vmem>>, vector<1x16xf32>,
        %mul3A_1049 = arith.constant 2 : i32
        %mul3A_1050 = arith.muli %mul3A_1049, %scan3A_749 : i32
        %add3A_1051 = arith.constant 1 : i32
        %add3A_1052 = arith.addi %mul3A_1050, %add3A_1051 : i32
        %get3A_1053 = arith.index_cast %add3A_1052 : i32 to index
        %get3A_1054 = arith.constant 112 : index
        %get3A_1055 = tpu.vector_load %arg6[%get3A_1053, %get3A_1054] {strides = array<i32>} : memref<64x128xf32, #tpu.memory_space<vmem>>, vector<1x16xf32>,
        %get3A_1056 = vector.shape_cast %get3A_1055 : vector<1x16xf32> to vector<16xf32>
        %mul3A_1057 = arith.constant 11.3137083 : f32
        %mul3A_1058 = vector.broadcast %mul3A_1057 : f32 to vector<16xf32>
        %mul3A_1059 = arith.mulf %get3A_1056, %mul3A_1058 : vector<16xf32>
        %mul3A_1060 = arith.constant 2 : i32
        %mul3A_1061 = arith.muli %mul3A_1060, %scan3A_749 : i32
        %add3A_1062 = arith.constant 1 : i32
        %add3A_1063 = arith.addi %mul3A_1061, %add3A_1062 : i32
        %swap3A_1064 = arith.index_cast %add3A_1063 : i32 to index
        %swap3A_1065 = arith.constant 112 : index
        %swap3A_1066 = tpu.vector_load %arg6[%swap3A_1064, %swap3A_1065] {strides = array<i32>} : memref<64x128xf32, #tpu.memory_space<vmem>>, vector<1x16xf32>,
        %swap3A_1067 = vector.shape_cast %swap3A_1066 : vector<1x16xf32> to vector<16xf32>
        %swap3A_1068 = vector.shape_cast %mul3A_1059 : vector<16xf32> to vector<1x16xf32>
        tpu.vector_store %arg6[%swap3A_1064, %swap3A_1065], %swap3A_1068 {strides = array<i32>} : memref<64x128xf32, #tpu.memory_space<vmem>>, vector<1x16xf32>,
        scf.yield %scan3A_749 : i32
      }
      %scan3A_312 = arith.constant 32 : i32
      %div3A_313 = arith.constant 2 : i32
      %div3A_314 = arith.divsi %add3A_288, %div3A_313 : i32
      %rem3A_315 = arith.constant 2 : i32
      %rem3A_316 = arith.remsi %add3A_288, %rem3A_315 : i32
      %mul3A_317 = arith.constant 64 : i32
      %mul3A_318 = arith.muli %rem3A_316, %mul3A_317 : i32
      %add3A_319 = arith.addi %mul3A_2, %mul3A_318 : i32
      %dma_start3A_320 = arith.constant 0 : i32
      %dma_start3A_321 = tpu.memref_slice %arg4[%div3A_314, %add3A_319, %dma_start3A_320] : memref<50x4096x128xf32, #tpu.memory_space<hbm>> -> memref<1x64x128xf32, #tpu.memory_space<hbm>>
      %dma_start3A_322 = tpu.memref_squeeze %dma_start3A_321 : memref<1x64x128xf32, #tpu.memory_space<hbm>> -> memref<64x128xf32, #tpu.memory_space<hbm>>
      %dma_start3A_323 = arith.constant 0 : i32
      %dma_start3A_324 = tpu.memref_slice %arg4[%div3A_314, %add3A_319, %dma_start3A_323] : memref<50x4096x128xf32, #tpu.memory_space<hbm>> -> memref<1x64x128xf32, #tpu.memory_space<hbm>>
      %dma_start3A_325 = tpu.memref_squeeze %dma_start3A_324 : memref<1x64x128xf32, #tpu.memory_space<hbm>> -> memref<64x128xf32, #tpu.memory_space<hbm>>
      tpu.enqueue_dma source(%arg6 : memref<64x128xf32, #tpu.memory_space<vmem>>) target(%dma_start3A_325 : memref<64x128xf32, #tpu.memory_space<hbm>>) target_semaphore(%arg26 : memref<!tpu.dma_semaphore, #tpu.memory_space<semaphore_mem>>)
      %mul3A_326 = arith.constant 10 : i32
      %mul3A_327 = arith.muli %scan3A_284, %mul3A_326 : i32
      %add3A_328 = arith.constant 1 : i32
      %add3A_329 = arith.addi %mul3A_327, %add3A_328 : i32
      %sub3A_330 = arith.constant 2 : i32
      %sub3A_331 = arith.subi %add3A_329, %sub3A_330 : i32
      %ge3A_332 = arith.constant 0 : i32
      %ge3A_333 = arith.cmpi sge, %sub3A_331, %ge3A_332 : i32
      %add3A_334 = arith.constant 10 : i32
      %add3A_335 = arith.addi %sub3A_331, %add3A_334 : i32
      %lt3A_336 = arith.constant 100 : i32
      %lt3A_337 = arith.cmpi slt, %add3A_335, %lt3A_336 : i32
      %and3A_338 = arith.andi %ge3A_333, %lt3A_337 : i1
      %convert_element_type3A_339 = arith.extui %and3A_338 : i1 to i32
      %cond3A_340 = arith.constant 0 : i32
      %cond3A_341 = arith.cmpi ne, %convert_element_type3A_339, %cond3A_340 : i32
      scf.if %cond3A_341 {
        %div3A_749 = arith.constant 2 : i32
        %div3A_750 = arith.divsi %sub3A_331, %div3A_749 : i32
        %rem3A_751 = arith.constant 2 : i32
        %rem3A_752 = arith.remsi %sub3A_331, %rem3A_751 : i32
        %mul3A_753 = arith.constant 64 : i32
        %mul3A_754 = arith.muli %rem3A_752, %mul3A_753 : i32
        %add3A_755 = arith.addi %mul3A_2, %mul3A_754 : i32
        %dma_wait3A_756 = arith.constant 0 : i32
        %dma_wait3A_757 = tpu.memref_slice %arg4[%div3A_750, %add3A_755, %dma_wait3A_756] : memref<50x4096x128xf32, #tpu.memory_space<hbm>> -> memref<1x64x128xf32, #tpu.memory_space<hbm>>
        %dma_wait3A_758 = tpu.memref_squeeze %dma_wait3A_757 : memref<1x64x128xf32, #tpu.memory_space<hbm>> -> memref<64x128xf32, #tpu.memory_space<hbm>>
        %dma_wait3A_759 = arith.constant 0 : i32
        %dma_wait3A_760 = tpu.memref_slice %arg4[%div3A_750, %add3A_755, %dma_wait3A_759] : memref<50x4096x128xf32, #tpu.memory_space<hbm>> -> memref<1x64x128xf32, #tpu.memory_space<hbm>>
        %dma_wait3A_761 = tpu.memref_squeeze %dma_wait3A_760 : memref<1x64x128xf32, #tpu.memory_space<hbm>> -> memref<64x128xf32, #tpu.memory_space<hbm>>
        tpu.wait_dma2 semaphore(%arg35 : memref<!tpu.dma_semaphore, #tpu.memory_space<semaphore_mem>>) src(%arg15 : memref<64x128xf32, #tpu.memory_space<vmem>>) dst(%dma_wait3A_761 : memref<64x128xf32, #tpu.memory_space<hbm>>)
        %add3A_762 = arith.constant 10 : i32
        %add3A_763 = arith.addi %sub3A_331, %add3A_762 : i32
        %div3A_764 = arith.constant 2 : i32
        %div3A_765 = arith.divsi %add3A_763, %div3A_764 : i32
        %rem3A_766 = arith.constant 2 : i32
        %rem3A_767 = arith.remsi %add3A_763, %rem3A_766 : i32
        %mul3A_768 = arith.constant 64 : i32
        %mul3A_769 = arith.muli %rem3A_767, %mul3A_768 : i32
        %dma_start3A_770 = tpu.memref_slice %arg5[%div3A_765, %mul3A_769] : memref<50x128xi32, #tpu.memory_space<vmem>> -> memref<1x64xi32, #tpu.memory_space<vmem>>
        %dma_start3A_771 = tpu.memref_squeeze %dma_start3A_770 : memref<1x64xi32, #tpu.memory_space<vmem>> -> memref<64xi32, #tpu.memory_space<vmem>>
        %dma_start3A_772 = arith.constant 0 : i32
        %dma_start3A_773 = arith.constant 0 : i32
        %dma_start3A_774 = tpu.memref_slice %arg3[%dma_start3A_772, %dma_start3A_773] : memref<100000x128xf32, #tpu.memory_space<hbm>> -> memref<100000x128xf32, #tpu.memory_space<hbm>>
        tpu.enqueue_indirect_dma source(%dma_start3A_774 : memref<100000x128xf32, #tpu.memory_space<hbm>>) target(%arg15 : memref<64x128xf32, #tpu.memory_space<vmem>>) offsets(%dma_start3A_771 : memref<64xi32, #tpu.memory_space<vmem>>) semaphore(%arg25 : memref<!tpu.dma_semaphore, #tpu.memory_space<semaphore_mem>>)
      } else {
      }
      %div3A_342 = arith.constant 2 : i32
      %div3A_343 = arith.divsi %add3A_329, %div3A_342 : i32
      %rem3A_344 = arith.constant 2 : i32
      %rem3A_345 = arith.remsi %add3A_329, %rem3A_344 : i32
      %mul3A_346 = arith.constant 64 : i32
      %mul3A_347 = arith.muli %rem3A_345, %mul3A_346 : i32
      %dma_wait3A_348 = tpu.memref_slice %arg5[%div3A_343, %mul3A_347] : memref<50x128xi32, #tpu.memory_space<vmem>> -> memref<1x64xi32, #tpu.memory_space<vmem>>
      %dma_wait3A_349 = tpu.memref_squeeze %dma_wait3A_348 : memref<1x64xi32, #tpu.memory_space<vmem>> -> memref<64xi32, #tpu.memory_space<vmem>>
      %dma_wait3A_350 = arith.constant 0 : i32
      %dma_wait3A_351 = arith.constant 0 : i32
      %dma_wait3A_352 = tpu.memref_slice %arg3[%dma_wait3A_350, %dma_wait3A_351] : memref<100000x128xf32, #tpu.memory_space<hbm>> -> memref<100000x128xf32, #tpu.memory_space<hbm>>
      tpu.wait_indirect_dma semaphore(%arg17 : memref<!tpu.dma_semaphore, #tpu.memory_space<semaphore_mem>>) src(%dma_wait3A_352 : memref<100000x128xf32, #tpu.memory_space<hbm>>) dst(%arg7 : memref<64x128xf32, #tpu.memory_space<vmem>>)
      %scan3A_353 = arith.constant 0 : i32
      %scan3A_354 = arith.constant 0 : i32
      %scan3A_355 = arith.constant 32 : i32
      %scan3A_356 = arith.addi %scan3A_354, %scan3A_355 : i32
      %scan3A_357 = arith.constant 1 : i32
      %scan3A_358 = scf.for %scan3A_749 = %scan3A_354 to %scan3A_356 step %scan3A_357 iter_args(%scan3A_750 = %scan3A_353) -> (i32)  : i32 {
        %mul3A_751 = arith.constant 2 : i32
        %mul3A_752 = arith.muli %mul3A_751, %scan3A_749 : i32
        %add3A_753 = arith.constant 0 : i32
        %add3A_754 = arith.addi %mul3A_752, %add3A_753 : i32
        %get3A = arith.index_cast %add3A_754 : i32 to index
        %get3A_755 = arith.constant 0 : index
        %get3A_756 = tpu.vector_load %arg7[%get3A, %get3A_755] {strides = array<i32>} : memref<64x128xf32, #tpu.memory_space<vmem>>, vector<1x16xf32>,
        %get3A_757 = vector.shape_cast %get3A_756 : vector<1x16xf32> to vector<16xf32>
        %mul3A_758 = arith.constant 11.3137083 : f32
        %mul3A_759 = vector.broadcast %mul3A_758 : f32 to vector<16xf32>
        %mul3A_760 = arith.mulf %get3A_757, %mul3A_759 : vector<16xf32>
        %mul3A_761 = arith.constant 2 : i32
        %mul3A_762 = arith.muli %mul3A_761, %scan3A_749 : i32
        %add3A_763 = arith.constant 0 : i32
        %add3A_764 = arith.addi %mul3A_762, %add3A_763 : i32
        %swap3A = arith.index_cast %add3A_764 : i32 to index
        %swap3A_765 = arith.constant 0 : index
        %swap3A_766 = tpu.vector_load %arg7[%swap3A, %swap3A_765] {strides = array<i32>} : memref<64x128xf32, #tpu.memory_space<vmem>>, vector<1x16xf32>,
        %swap3A_767 = vector.shape_cast %swap3A_766 : vector<1x16xf32> to vector<16xf32>
        %swap3A_768 = vector.shape_cast %mul3A_760 : vector<16xf32> to vector<1x16xf32>
        tpu.vector_store %arg7[%swap3A, %swap3A_765], %swap3A_768 {strides = array<i32>} : memref<64x128xf32, #tpu.memory_space<vmem>>, vector<1x16xf32>,
        %mul3A_769 = arith.constant 2 : i32
        %mul3A_770 = arith.muli %mul3A_769, %scan3A_749 : i32
        %add3A_771 = arith.constant 0 : i32
        %add3A_772 = arith.addi %mul3A_770, %add3A_771 : i32
        %get3A_773 = arith.index_cast %add3A_772 : i32 to index
        %get3A_774 = arith.constant 16 : index
        %get3A_775 = tpu.vector_load %arg7[%get3A_773, %get3A_774] {strides = array<i32>} : memref<64x128xf32, #tpu.memory_space<vmem>>, vector<1x16xf32>,
        %get3A_776 = vector.shape_cast %get3A_775 : vector<1x16xf32> to vector<16xf32>
        %mul3A_777 = arith.constant 11.3137083 : f32
        %mul3A_778 = vector.broadcast %mul3A_777 : f32 to vector<16xf32>
        %mul3A_779 = arith.mulf %get3A_776, %mul3A_778 : vector<16xf32>
        %mul3A_780 = arith.constant 2 : i32
        %mul3A_781 = arith.muli %mul3A_780, %scan3A_749 : i32
        %add3A_782 = arith.constant 0 : i32
        %add3A_783 = arith.addi %mul3A_781, %add3A_782 : i32
        %swap3A_784 = arith.index_cast %add3A_783 : i32 to index
        %swap3A_785 = arith.constant 16 : index
        %swap3A_786 = tpu.vector_load %arg7[%swap3A_784, %swap3A_785] {strides = array<i32>} : memref<64x128xf32, #tpu.memory_space<vmem>>, vector<1x16xf32>,
        %swap3A_787 = vector.shape_cast %swap3A_786 : vector<1x16xf32> to vector<16xf32>
        %swap3A_788 = vector.shape_cast %mul3A_779 : vector<16xf32> to vector<1x16xf32>
        tpu.vector_store %arg7[%swap3A_784, %swap3A_785], %swap3A_788 {strides = array<i32>} : memref<64x128xf32, #tpu.memory_space<vmem>>, vector<1x16xf32>,
        %mul3A_789 = arith.constant 2 : i32
        %mul3A_790 = arith.muli %mul3A_789, %scan3A_749 : i32
        %add3A_791 = arith.constant 0 : i32
        %add3A_792 = arith.addi %mul3A_790, %add3A_791 : i32
        %get3A_793 = arith.index_cast %add3A_792 : i32 to index
        %get3A_794 = arith.constant 32 : index
        %get3A_795 = tpu.vector_load %arg7[%get3A_793, %get3A_794] {strides = array<i32>} : memref<64x128xf32, #tpu.memory_space<vmem>>, vector<1x16xf32>,
        %get3A_796 = vector.shape_cast %get3A_795 : vector<1x16xf32> to vector<16xf32>
        %mul3A_797 = arith.constant 11.3137083 : f32
        %mul3A_798 = vector.broadcast %mul3A_797 : f32 to vector<16xf32>
        %mul3A_799 = arith.mulf %get3A_796, %mul3A_798 : vector<16xf32>
        %mul3A_800 = arith.constant 2 : i32
        %mul3A_801 = arith.muli %mul3A_800, %scan3A_749 : i32
        %add3A_802 = arith.constant 0 : i32
        %add3A_803 = arith.addi %mul3A_801, %add3A_802 : i32
        %swap3A_804 = arith.index_cast %add3A_803 : i32 to index
        %swap3A_805 = arith.constant 32 : index
        %swap3A_806 = tpu.vector_load %arg7[%swap3A_804, %swap3A_805] {strides = array<i32>} : memref<64x128xf32, #tpu.memory_space<vmem>>, vector<1x16xf32>,
        %swap3A_807 = vector.shape_cast %swap3A_806 : vector<1x16xf32> to vector<16xf32>
        %swap3A_808 = vector.shape_cast %mul3A_799 : vector<16xf32> to vector<1x16xf32>
        tpu.vector_store %arg7[%swap3A_804, %swap3A_805], %swap3A_808 {strides = array<i32>} : memref<64x128xf32, #tpu.memory_space<vmem>>, vector<1x16xf32>,
        %mul3A_809 = arith.constant 2 : i32
        %mul3A_810 = arith.muli %mul3A_809, %scan3A_749 : i32
        %add3A_811 = arith.constant 0 : i32
        %add3A_812 = arith.addi %mul3A_810, %add3A_811 : i32
        %get3A_813 = arith.index_cast %add3A_812 : i32 to index
        %get3A_814 = arith.constant 48 : index
        %get3A_815 = tpu.vector_load %arg7[%get3A_813, %get3A_814] {strides = array<i32>} : memref<64x128xf32, #tpu.memory_space<vmem>>, vector<1x16xf32>,
        %get3A_816 = vector.shape_cast %get3A_815 : vector<1x16xf32> to vector<16xf32>
        %mul3A_817 = arith.constant 11.3137083 : f32
        %mul3A_818 = vector.broadcast %mul3A_817 : f32 to vector<16xf32>
        %mul3A_819 = arith.mulf %get3A_816, %mul3A_818 : vector<16xf32>
        %mul3A_820 = arith.constant 2 : i32
        %mul3A_821 = arith.muli %mul3A_820, %scan3A_749 : i32
        %add3A_822 = arith.constant 0 : i32
        %add3A_823 = arith.addi %mul3A_821, %add3A_822 : i32
        %swap3A_824 = arith.index_cast %add3A_823 : i32 to index
        %swap3A_825 = arith.constant 48 : index
        %swap3A_826 = tpu.vector_load %arg7[%swap3A_824, %swap3A_825] {strides = array<i32>} : memref<64x128xf32, #tpu.memory_space<vmem>>, vector<1x16xf32>,
        %swap3A_827 = vector.shape_cast %swap3A_826 : vector<1x16xf32> to vector<16xf32>
        %swap3A_828 = vector.shape_cast %mul3A_819 : vector<16xf32> to vector<1x16xf32>
        tpu.vector_store %arg7[%swap3A_824, %swap3A_825], %swap3A_828 {strides = array<i32>} : memref<64x128xf32, #tpu.memory_space<vmem>>, vector<1x16xf32>,
        %mul3A_829 = arith.constant 2 : i32
        %mul3A_830 = arith.muli %mul3A_829, %scan3A_749 : i32
        %add3A_831 = arith.constant 0 : i32
        %add3A_832 = arith.addi %mul3A_830, %add3A_831 : i32
        %get3A_833 = arith.index_cast %add3A_832 : i32 to index
        %get3A_834 = arith.constant 64 : index
        %get3A_835 = tpu.vector_load %arg7[%get3A_833, %get3A_834] {strides = array<i32>} : memref<64x128xf32, #tpu.memory_space<vmem>>, vector<1x16xf32>,
        %get3A_836 = vector.shape_cast %get3A_835 : vector<1x16xf32> to vector<16xf32>
        %mul3A_837 = arith.constant 11.3137083 : f32
        %mul3A_838 = vector.broadcast %mul3A_837 : f32 to vector<16xf32>
        %mul3A_839 = arith.mulf %get3A_836, %mul3A_838 : vector<16xf32>
        %mul3A_840 = arith.constant 2 : i32
        %mul3A_841 = arith.muli %mul3A_840, %scan3A_749 : i32
        %add3A_842 = arith.constant 0 : i32
        %add3A_843 = arith.addi %mul3A_841, %add3A_842 : i32
        %swap3A_844 = arith.index_cast %add3A_843 : i32 to index
        %swap3A_845 = arith.constant 64 : index
        %swap3A_846 = tpu.vector_load %arg7[%swap3A_844, %swap3A_845] {strides = array<i32>} : memref<64x128xf32, #tpu.memory_space<vmem>>, vector<1x16xf32>,
        %swap3A_847 = vector.shape_cast %swap3A_846 : vector<1x16xf32> to vector<16xf32>
        %swap3A_848 = vector.shape_cast %mul3A_839 : vector<16xf32> to vector<1x16xf32>
        tpu.vector_store %arg7[%swap3A_844, %swap3A_845], %swap3A_848 {strides = array<i32>} : memref<64x128xf32, #tpu.memory_space<vmem>>, vector<1x16xf32>,
        %mul3A_849 = arith.constant 2 : i32
        %mul3A_850 = arith.muli %mul3A_849, %scan3A_749 : i32
        %add3A_851 = arith.constant 0 : i32
        %add3A_852 = arith.addi %mul3A_850, %add3A_851 : i32
        %get3A_853 = arith.index_cast %add3A_852 : i32 to index
        %get3A_854 = arith.constant 80 : index
        %get3A_855 = tpu.vector_load %arg7[%get3A_853, %get3A_854] {strides = array<i32>} : memref<64x128xf32, #tpu.memory_space<vmem>>, vector<1x16xf32>,
        %get3A_856 = vector.shape_cast %get3A_855 : vector<1x16xf32> to vector<16xf32>
        %mul3A_857 = arith.constant 11.3137083 : f32
        %mul3A_858 = vector.broadcast %mul3A_857 : f32 to vector<16xf32>
        %mul3A_859 = arith.mulf %get3A_856, %mul3A_858 : vector<16xf32>
        %mul3A_860 = arith.constant 2 : i32
        %mul3A_861 = arith.muli %mul3A_860, %scan3A_749 : i32
        %add3A_862 = arith.constant 0 : i32
        %add3A_863 = arith.addi %mul3A_861, %add3A_862 : i32
        %swap3A_864 = arith.index_cast %add3A_863 : i32 to index
        %swap3A_865 = arith.constant 80 : index
        %swap3A_866 = tpu.vector_load %arg7[%swap3A_864, %swap3A_865] {strides = array<i32>} : memref<64x128xf32, #tpu.memory_space<vmem>>, vector<1x16xf32>,
        %swap3A_867 = vector.shape_cast %swap3A_866 : vector<1x16xf32> to vector<16xf32>
        %swap3A_868 = vector.shape_cast %mul3A_859 : vector<16xf32> to vector<1x16xf32>
        tpu.vector_store %arg7[%swap3A_864, %swap3A_865], %swap3A_868 {strides = array<i32>} : memref<64x128xf32, #tpu.memory_space<vmem>>, vector<1x16xf32>,
        %mul3A_869 = arith.constant 2 : i32
        %mul3A_870 = arith.muli %mul3A_869, %scan3A_749 : i32
        %add3A_871 = arith.constant 0 : i32
        %add3A_872 = arith.addi %mul3A_870, %add3A_871 : i32
        %get3A_873 = arith.index_cast %add3A_872 : i32 to index
        %get3A_874 = arith.constant 96 : index
        %get3A_875 = tpu.vector_load %arg7[%get3A_873, %get3A_874] {strides = array<i32>} : memref<64x128xf32, #tpu.memory_space<vmem>>, vector<1x16xf32>,
        %get3A_876 = vector.shape_cast %get3A_875 : vector<1x16xf32> to vector<16xf32>
        %mul3A_877 = arith.constant 11.3137083 : f32
        %mul3A_878 = vector.broadcast %mul3A_877 : f32 to vector<16xf32>
        %mul3A_879 = arith.mulf %get3A_876, %mul3A_878 : vector<16xf32>
        %mul3A_880 = arith.constant 2 : i32
        %mul3A_881 = arith.muli %mul3A_880, %scan3A_749 : i32
        %add3A_882 = arith.constant 0 : i32
        %add3A_883 = arith.addi %mul3A_881, %add3A_882 : i32
        %swap3A_884 = arith.index_cast %add3A_883 : i32 to index
        %swap3A_885 = arith.constant 96 : index
        %swap3A_886 = tpu.vector_load %arg7[%swap3A_884, %swap3A_885] {strides = array<i32>} : memref<64x128xf32, #tpu.memory_space<vmem>>, vector<1x16xf32>,
        %swap3A_887 = vector.shape_cast %swap3A_886 : vector<1x16xf32> to vector<16xf32>
        %swap3A_888 = vector.shape_cast %mul3A_879 : vector<16xf32> to vector<1x16xf32>
        tpu.vector_store %arg7[%swap3A_884, %swap3A_885], %swap3A_888 {strides = array<i32>} : memref<64x128xf32, #tpu.memory_space<vmem>>, vector<1x16xf32>,
        %mul3A_889 = arith.constant 2 : i32
        %mul3A_890 = arith.muli %mul3A_889, %scan3A_749 : i32
        %add3A_891 = arith.constant 0 : i32
        %add3A_892 = arith.addi %mul3A_890, %add3A_891 : i32
        %get3A_893 = arith.index_cast %add3A_892 : i32 to index
        %get3A_894 = arith.constant 112 : index
        %get3A_895 = tpu.vector_load %arg7[%get3A_893, %get3A_894] {strides = array<i32>} : memref<64x128xf32, #tpu.memory_space<vmem>>, vector<1x16xf32>,
        %get3A_896 = vector.shape_cast %get3A_895 : vector<1x16xf32> to vector<16xf32>
        %mul3A_897 = arith.constant 11.3137083 : f32
        %mul3A_898 = vector.broadcast %mul3A_897 : f32 to vector<16xf32>
        %mul3A_899 = arith.mulf %get3A_896, %mul3A_898 : vector<16xf32>
        %mul3A_900 = arith.constant 2 : i32
        %mul3A_901 = arith.muli %mul3A_900, %scan3A_749 : i32
        %add3A_902 = arith.constant 0 : i32
        %add3A_903 = arith.addi %mul3A_901, %add3A_902 : i32
        %swap3A_904 = arith.index_cast %add3A_903 : i32 to index
        %swap3A_905 = arith.constant 112 : index
        %swap3A_906 = tpu.vector_load %arg7[%swap3A_904, %swap3A_905] {strides = array<i32>} : memref<64x128xf32, #tpu.memory_space<vmem>>, vector<1x16xf32>,
        %swap3A_907 = vector.shape_cast %swap3A_906 : vector<1x16xf32> to vector<16xf32>
        %swap3A_908 = vector.shape_cast %mul3A_899 : vector<16xf32> to vector<1x16xf32>
        tpu.vector_store %arg7[%swap3A_904, %swap3A_905], %swap3A_908 {strides = array<i32>} : memref<64x128xf32, #tpu.memory_space<vmem>>, vector<1x16xf32>,
        %mul3A_909 = arith.constant 2 : i32
        %mul3A_910 = arith.muli %mul3A_909, %scan3A_749 : i32
        %add3A_911 = arith.constant 1 : i32
        %add3A_912 = arith.addi %mul3A_910, %add3A_911 : i32
        %get3A_913 = arith.index_cast %add3A_912 : i32 to index
        %get3A_914 = arith.constant 0 : index
        %get3A_915 = tpu.vector_load %arg7[%get3A_913, %get3A_914] {strides = array<i32>} : memref<64x128xf32, #tpu.memory_space<vmem>>, vector<1x16xf32>,
        %get3A_916 = vector.shape_cast %get3A_915 : vector<1x16xf32> to vector<16xf32>
        %mul3A_917 = arith.constant 11.3137083 : f32
        %mul3A_918 = vector.broadcast %mul3A_917 : f32 to vector<16xf32>
        %mul3A_919 = arith.mulf %get3A_916, %mul3A_918 : vector<16xf32>
        %mul3A_920 = arith.constant 2 : i32
        %mul3A_921 = arith.muli %mul3A_920, %scan3A_749 : i32
        %add3A_922 = arith.constant 1 : i32
        %add3A_923 = arith.addi %mul3A_921, %add3A_922 : i32
        %swap3A_924 = arith.index_cast %add3A_923 : i32 to index
        %swap3A_925 = arith.constant 0 : index
        %swap3A_926 = tpu.vector_load %arg7[%swap3A_924, %swap3A_925] {strides = array<i32>} : memref<64x128xf32, #tpu.memory_space<vmem>>, vector<1x16xf32>,
        %swap3A_927 = vector.shape_cast %swap3A_926 : vector<1x16xf32> to vector<16xf32>
        %swap3A_928 = vector.shape_cast %mul3A_919 : vector<16xf32> to vector<1x16xf32>
        tpu.vector_store %arg7[%swap3A_924, %swap3A_925], %swap3A_928 {strides = array<i32>} : memref<64x128xf32, #tpu.memory_space<vmem>>, vector<1x16xf32>,
        %mul3A_929 = arith.constant 2 : i32
        %mul3A_930 = arith.muli %mul3A_929, %scan3A_749 : i32
        %add3A_931 = arith.constant 1 : i32
        %add3A_932 = arith.addi %mul3A_930, %add3A_931 : i32
        %get3A_933 = arith.index_cast %add3A_932 : i32 to index
        %get3A_934 = arith.constant 16 : index
        %get3A_935 = tpu.vector_load %arg7[%get3A_933, %get3A_934] {strides = array<i32>} : memref<64x128xf32, #tpu.memory_space<vmem>>, vector<1x16xf32>,
        %get3A_936 = vector.shape_cast %get3A_935 : vector<1x16xf32> to vector<16xf32>
        %mul3A_937 = arith.constant 11.3137083 : f32
        %mul3A_938 = vector.broadcast %mul3A_937 : f32 to vector<16xf32>
        %mul3A_939 = arith.mulf %get3A_936, %mul3A_938 : vector<16xf32>
        %mul3A_940 = arith.constant 2 : i32
        %mul3A_941 = arith.muli %mul3A_940, %scan3A_749 : i32
        %add3A_942 = arith.constant 1 : i32
        %add3A_943 = arith.addi %mul3A_941, %add3A_942 : i32
        %swap3A_944 = arith.index_cast %add3A_943 : i32 to index
        %swap3A_945 = arith.constant 16 : index
        %swap3A_946 = tpu.vector_load %arg7[%swap3A_944, %swap3A_945] {strides = array<i32>} : memref<64x128xf32, #tpu.memory_space<vmem>>, vector<1x16xf32>,
        %swap3A_947 = vector.shape_cast %swap3A_946 : vector<1x16xf32> to vector<16xf32>
        %swap3A_948 = vector.shape_cast %mul3A_939 : vector<16xf32> to vector<1x16xf32>
        tpu.vector_store %arg7[%swap3A_944, %swap3A_945], %swap3A_948 {strides = array<i32>} : memref<64x128xf32, #tpu.memory_space<vmem>>, vector<1x16xf32>,
        %mul3A_949 = arith.constant 2 : i32
        %mul3A_950 = arith.muli %mul3A_949, %scan3A_749 : i32
        %add3A_951 = arith.constant 1 : i32
        %add3A_952 = arith.addi %mul3A_950, %add3A_951 : i32
        %get3A_953 = arith.index_cast %add3A_952 : i32 to index
        %get3A_954 = arith.constant 32 : index
        %get3A_955 = tpu.vector_load %arg7[%get3A_953, %get3A_954] {strides = array<i32>} : memref<64x128xf32, #tpu.memory_space<vmem>>, vector<1x16xf32>,
        %get3A_956 = vector.shape_cast %get3A_955 : vector<1x16xf32> to vector<16xf32>
        %mul3A_957 = arith.constant 11.3137083 : f32
        %mul3A_958 = vector.broadcast %mul3A_957 : f32 to vector<16xf32>
        %mul3A_959 = arith.mulf %get3A_956, %mul3A_958 : vector<16xf32>
        %mul3A_960 = arith.constant 2 : i32
        %mul3A_961 = arith.muli %mul3A_960, %scan3A_749 : i32
        %add3A_962 = arith.constant 1 : i32
        %add3A_963 = arith.addi %mul3A_961, %add3A_962 : i32
        %swap3A_964 = arith.index_cast %add3A_963 : i32 to index
        %swap3A_965 = arith.constant 32 : index
        %swap3A_966 = tpu.vector_load %arg7[%swap3A_964, %swap3A_965] {strides = array<i32>} : memref<64x128xf32, #tpu.memory_space<vmem>>, vector<1x16xf32>,
        %swap3A_967 = vector.shape_cast %swap3A_966 : vector<1x16xf32> to vector<16xf32>
        %swap3A_968 = vector.shape_cast %mul3A_959 : vector<16xf32> to vector<1x16xf32>
        tpu.vector_store %arg7[%swap3A_964, %swap3A_965], %swap3A_968 {strides = array<i32>} : memref<64x128xf32, #tpu.memory_space<vmem>>, vector<1x16xf32>,
        %mul3A_969 = arith.constant 2 : i32
        %mul3A_970 = arith.muli %mul3A_969, %scan3A_749 : i32
        %add3A_971 = arith.constant 1 : i32
        %add3A_972 = arith.addi %mul3A_970, %add3A_971 : i32
        %get3A_973 = arith.index_cast %add3A_972 : i32 to index
        %get3A_974 = arith.constant 48 : index
        %get3A_975 = tpu.vector_load %arg7[%get3A_973, %get3A_974] {strides = array<i32>} : memref<64x128xf32, #tpu.memory_space<vmem>>, vector<1x16xf32>,
        %get3A_976 = vector.shape_cast %get3A_975 : vector<1x16xf32> to vector<16xf32>
        %mul3A_977 = arith.constant 11.3137083 : f32
        %mul3A_978 = vector.broadcast %mul3A_977 : f32 to vector<16xf32>
        %mul3A_979 = arith.mulf %get3A_976, %mul3A_978 : vector<16xf32>
        %mul3A_980 = arith.constant 2 : i32
        %mul3A_981 = arith.muli %mul3A_980, %scan3A_749 : i32
        %add3A_982 = arith.constant 1 : i32
        %add3A_983 = arith.addi %mul3A_981, %add3A_982 : i32
        %swap3A_984 = arith.index_cast %add3A_983 : i32 to index
        %swap3A_985 = arith.constant 48 : index
        %swap3A_986 = tpu.vector_load %arg7[%swap3A_984, %swap3A_985] {strides = array<i32>} : memref<64x128xf32, #tpu.memory_space<vmem>>, vector<1x16xf32>,
        %swap3A_987 = vector.shape_cast %swap3A_986 : vector<1x16xf32> to vector<16xf32>
        %swap3A_988 = vector.shape_cast %mul3A_979 : vector<16xf32> to vector<1x16xf32>
        tpu.vector_store %arg7[%swap3A_984, %swap3A_985], %swap3A_988 {strides = array<i32>} : memref<64x128xf32, #tpu.memory_space<vmem>>, vector<1x16xf32>,
        %mul3A_989 = arith.constant 2 : i32
        %mul3A_990 = arith.muli %mul3A_989, %scan3A_749 : i32
        %add3A_991 = arith.constant 1 : i32
        %add3A_992 = arith.addi %mul3A_990, %add3A_991 : i32
        %get3A_993 = arith.index_cast %add3A_992 : i32 to index
        %get3A_994 = arith.constant 64 : index
        %get3A_995 = tpu.vector_load %arg7[%get3A_993, %get3A_994] {strides = array<i32>} : memref<64x128xf32, #tpu.memory_space<vmem>>, vector<1x16xf32>,
        %get3A_996 = vector.shape_cast %get3A_995 : vector<1x16xf32> to vector<16xf32>
        %mul3A_997 = arith.constant 11.3137083 : f32
        %mul3A_998 = vector.broadcast %mul3A_997 : f32 to vector<16xf32>
        %mul3A_999 = arith.mulf %get3A_996, %mul3A_998 : vector<16xf32>
        %mul3A_1000 = arith.constant 2 : i32
        %mul3A_1001 = arith.muli %mul3A_1000, %scan3A_749 : i32
        %add3A_1002 = arith.constant 1 : i32
        %add3A_1003 = arith.addi %mul3A_1001, %add3A_1002 : i32
        %swap3A_1004 = arith.index_cast %add3A_1003 : i32 to index
        %swap3A_1005 = arith.constant 64 : index
        %swap3A_1006 = tpu.vector_load %arg7[%swap3A_1004, %swap3A_1005] {strides = array<i32>} : memref<64x128xf32, #tpu.memory_space<vmem>>, vector<1x16xf32>,
        %swap3A_1007 = vector.shape_cast %swap3A_1006 : vector<1x16xf32> to vector<16xf32>
        %swap3A_1008 = vector.shape_cast %mul3A_999 : vector<16xf32> to vector<1x16xf32>
        tpu.vector_store %arg7[%swap3A_1004, %swap3A_1005], %swap3A_1008 {strides = array<i32>} : memref<64x128xf32, #tpu.memory_space<vmem>>, vector<1x16xf32>,
        %mul3A_1009 = arith.constant 2 : i32
        %mul3A_1010 = arith.muli %mul3A_1009, %scan3A_749 : i32
        %add3A_1011 = arith.constant 1 : i32
        %add3A_1012 = arith.addi %mul3A_1010, %add3A_1011 : i32
        %get3A_1013 = arith.index_cast %add3A_1012 : i32 to index
        %get3A_1014 = arith.constant 80 : index
        %get3A_1015 = tpu.vector_load %arg7[%get3A_1013, %get3A_1014] {strides = array<i32>} : memref<64x128xf32, #tpu.memory_space<vmem>>, vector<1x16xf32>,
        %get3A_1016 = vector.shape_cast %get3A_1015 : vector<1x16xf32> to vector<16xf32>
        %mul3A_1017 = arith.constant 11.3137083 : f32
        %mul3A_1018 = vector.broadcast %mul3A_1017 : f32 to vector<16xf32>
        %mul3A_1019 = arith.mulf %get3A_1016, %mul3A_1018 : vector<16xf32>
        %mul3A_1020 = arith.constant 2 : i32
        %mul3A_1021 = arith.muli %mul3A_1020, %scan3A_749 : i32
        %add3A_1022 = arith.constant 1 : i32
        %add3A_1023 = arith.addi %mul3A_1021, %add3A_1022 : i32
        %swap3A_1024 = arith.index_cast %add3A_1023 : i32 to index
        %swap3A_1025 = arith.constant 80 : index
        %swap3A_1026 = tpu.vector_load %arg7[%swap3A_1024, %swap3A_1025] {strides = array<i32>} : memref<64x128xf32, #tpu.memory_space<vmem>>, vector<1x16xf32>,
        %swap3A_1027 = vector.shape_cast %swap3A_1026 : vector<1x16xf32> to vector<16xf32>
        %swap3A_1028 = vector.shape_cast %mul3A_1019 : vector<16xf32> to vector<1x16xf32>
        tpu.vector_store %arg7[%swap3A_1024, %swap3A_1025], %swap3A_1028 {strides = array<i32>} : memref<64x128xf32, #tpu.memory_space<vmem>>, vector<1x16xf32>,
        %mul3A_1029 = arith.constant 2 : i32
        %mul3A_1030 = arith.muli %mul3A_1029, %scan3A_749 : i32
        %add3A_1031 = arith.constant 1 : i32
        %add3A_1032 = arith.addi %mul3A_1030, %add3A_1031 : i32
        %get3A_1033 = arith.index_cast %add3A_1032 : i32 to index
        %get3A_1034 = arith.constant 96 : index
        %get3A_1035 = tpu.vector_load %arg7[%get3A_1033, %get3A_1034] {strides = array<i32>} : memref<64x128xf32, #tpu.memory_space<vmem>>, vector<1x16xf32>,
        %get3A_1036 = vector.shape_cast %get3A_1035 : vector<1x16xf32> to vector<16xf32>
        %mul3A_1037 = arith.constant 11.3137083 : f32
        %mul3A_1038 = vector.broadcast %mul3A_1037 : f32 to vector<16xf32>
        %mul3A_1039 = arith.mulf %get3A_1036, %mul3A_1038 : vector<16xf32>
        %mul3A_1040 = arith.constant 2 : i32
        %mul3A_1041 = arith.muli %mul3A_1040, %scan3A_749 : i32
        %add3A_1042 = arith.constant 1 : i32
        %add3A_1043 = arith.addi %mul3A_1041, %add3A_1042 : i32
        %swap3A_1044 = arith.index_cast %add3A_1043 : i32 to index
        %swap3A_1045 = arith.constant 96 : index
        %swap3A_1046 = tpu.vector_load %arg7[%swap3A_1044, %swap3A_1045] {strides = array<i32>} : memref<64x128xf32, #tpu.memory_space<vmem>>, vector<1x16xf32>,
        %swap3A_1047 = vector.shape_cast %swap3A_1046 : vector<1x16xf32> to vector<16xf32>
        %swap3A_1048 = vector.shape_cast %mul3A_1039 : vector<16xf32> to vector<1x16xf32>
        tpu.vector_store %arg7[%swap3A_1044, %swap3A_1045], %swap3A_1048 {strides = array<i32>} : memref<64x128xf32, #tpu.memory_space<vmem>>, vector<1x16xf32>,
        %mul3A_1049 = arith.constant 2 : i32
        %mul3A_1050 = arith.muli %mul3A_1049, %scan3A_749 : i32
        %add3A_1051 = arith.constant 1 : i32
        %add3A_1052 = arith.addi %mul3A_1050, %add3A_1051 : i32
        %get3A_1053 = arith.index_cast %add3A_1052 : i32 to index
        %get3A_1054 = arith.constant 112 : index
        %get3A_1055 = tpu.vector_load %arg7[%get3A_1053, %get3A_1054] {strides = array<i32>} : memref<64x128xf32, #tpu.memory_space<vmem>>, vector<1x16xf32>,
        %get3A_1056 = vector.shape_cast %get3A_1055 : vector<1x16xf32> to vector<16xf32>
        %mul3A_1057 = arith.constant 11.3137083 : f32
        %mul3A_1058 = vector.broadcast %mul3A_1057 : f32 to vector<16xf32>
        %mul3A_1059 = arith.mulf %get3A_1056, %mul3A_1058 : vector<16xf32>
        %mul3A_1060 = arith.constant 2 : i32
        %mul3A_1061 = arith.muli %mul3A_1060, %scan3A_749 : i32
        %add3A_1062 = arith.constant 1 : i32
        %add3A_1063 = arith.addi %mul3A_1061, %add3A_1062 : i32
        %swap3A_1064 = arith.index_cast %add3A_1063 : i32 to index
        %swap3A_1065 = arith.constant 112 : index
        %swap3A_1066 = tpu.vector_load %arg7[%swap3A_1064, %swap3A_1065] {strides = array<i32>} : memref<64x128xf32, #tpu.memory_space<vmem>>, vector<1x16xf32>,
        %swap3A_1067 = vector.shape_cast %swap3A_1066 : vector<1x16xf32> to vector<16xf32>
        %swap3A_1068 = vector.shape_cast %mul3A_1059 : vector<16xf32> to vector<1x16xf32>
        tpu.vector_store %arg7[%swap3A_1064, %swap3A_1065], %swap3A_1068 {strides = array<i32>} : memref<64x128xf32, #tpu.memory_space<vmem>>, vector<1x16xf32>,
        scf.yield %scan3A_749 : i32
      }
      %scan3A_359 = arith.constant 32 : i32
      %div3A_360 = arith.constant 2 : i32
      %div3A_361 = arith.divsi %add3A_329, %div3A_360 : i32
      %rem3A_362 = arith.constant 2 : i32
      %rem3A_363 = arith.remsi %add3A_329, %rem3A_362 : i32
      %mul3A_364 = arith.constant 64 : i32
      %mul3A_365 = arith.muli %rem3A_363, %mul3A_364 : i32
      %add3A_366 = arith.addi %mul3A_2, %mul3A_365 : i32
      %dma_start3A_367 = arith.constant 0 : i32
      %dma_start3A_368 = tpu.memref_slice %arg4[%div3A_361, %add3A_366, %dma_start3A_367] : memref<50x4096x128xf32, #tpu.memory_space<hbm>> -> memref<1x64x128xf32, #tpu.memory_space<hbm>>
      %dma_start3A_369 = tpu.memref_squeeze %dma_start3A_368 : memref<1x64x128xf32, #tpu.memory_space<hbm>> -> memref<64x128xf32, #tpu.memory_space<hbm>>
      %dma_start3A_370 = arith.constant 0 : i32
      %dma_start3A_371 = tpu.memref_slice %arg4[%div3A_361, %add3A_366, %dma_start3A_370] : memref<50x4096x128xf32, #tpu.memory_space<hbm>> -> memref<1x64x128xf32, #tpu.memory_space<hbm>>
      %dma_start3A_372 = tpu.memref_squeeze %dma_start3A_371 : memref<1x64x128xf32, #tpu.memory_space<hbm>> -> memref<64x128xf32, #tpu.memory_space<hbm>>
      tpu.enqueue_dma source(%arg7 : memref<64x128xf32, #tpu.memory_space<vmem>>) target(%dma_start3A_372 : memref<64x128xf32, #tpu.memory_space<hbm>>) target_semaphore(%arg27 : memref<!tpu.dma_semaphore, #tpu.memory_space<semaphore_mem>>)
      %mul3A_373 = arith.constant 10 : i32
      %mul3A_374 = arith.muli %scan3A_284, %mul3A_373 : i32
      %add3A_375 = arith.constant 2 : i32
      %add3A_376 = arith.addi %mul3A_374, %add3A_375 : i32
      %sub3A_377 = arith.constant 2 : i32
      %sub3A_378 = arith.subi %add3A_376, %sub3A_377 : i32
      %ge3A_379 = arith.constant 0 : i32
      %ge3A_380 = arith.cmpi sge, %sub3A_378, %ge3A_379 : i32
      %add3A_381 = arith.constant 10 : i32
      %add3A_382 = arith.addi %sub3A_378, %add3A_381 : i32
      %lt3A_383 = arith.constant 100 : i32
      %lt3A_384 = arith.cmpi slt, %add3A_382, %lt3A_383 : i32
      %and3A_385 = arith.andi %ge3A_380, %lt3A_384 : i1
      %convert_element_type3A_386 = arith.extui %and3A_385 : i1 to i32
      %cond3A_387 = arith.constant 0 : i32
      %cond3A_388 = arith.cmpi ne, %convert_element_type3A_386, %cond3A_387 : i32
      scf.if %cond3A_388 {
        %div3A_749 = arith.constant 2 : i32
        %div3A_750 = arith.divsi %sub3A_378, %div3A_749 : i32
        %rem3A_751 = arith.constant 2 : i32
        %rem3A_752 = arith.remsi %sub3A_378, %rem3A_751 : i32
        %mul3A_753 = arith.constant 64 : i32
        %mul3A_754 = arith.muli %rem3A_752, %mul3A_753 : i32
        %add3A_755 = arith.addi %mul3A_2, %mul3A_754 : i32
        %dma_wait3A_756 = arith.constant 0 : i32
        %dma_wait3A_757 = tpu.memref_slice %arg4[%div3A_750, %add3A_755, %dma_wait3A_756] : memref<50x4096x128xf32, #tpu.memory_space<hbm>> -> memref<1x64x128xf32, #tpu.memory_space<hbm>>
        %dma_wait3A_758 = tpu.memref_squeeze %dma_wait3A_757 : memref<1x64x128xf32, #tpu.memory_space<hbm>> -> memref<64x128xf32, #tpu.memory_space<hbm>>
        %dma_wait3A_759 = arith.constant 0 : i32
        %dma_wait3A_760 = tpu.memref_slice %arg4[%div3A_750, %add3A_755, %dma_wait3A_759] : memref<50x4096x128xf32, #tpu.memory_space<hbm>> -> memref<1x64x128xf32, #tpu.memory_space<hbm>>
        %dma_wait3A_761 = tpu.memref_squeeze %dma_wait3A_760 : memref<1x64x128xf32, #tpu.memory_space<hbm>> -> memref<64x128xf32, #tpu.memory_space<hbm>>
        tpu.wait_dma2 semaphore(%arg26 : memref<!tpu.dma_semaphore, #tpu.memory_space<semaphore_mem>>) src(%arg6 : memref<64x128xf32, #tpu.memory_space<vmem>>) dst(%dma_wait3A_761 : memref<64x128xf32, #tpu.memory_space<hbm>>)
        %add3A_762 = arith.constant 10 : i32
        %add3A_763 = arith.addi %sub3A_378, %add3A_762 : i32
        %div3A_764 = arith.constant 2 : i32
        %div3A_765 = arith.divsi %add3A_763, %div3A_764 : i32
        %rem3A_766 = arith.constant 2 : i32
        %rem3A_767 = arith.remsi %add3A_763, %rem3A_766 : i32
        %mul3A_768 = arith.constant 64 : i32
        %mul3A_769 = arith.muli %rem3A_767, %mul3A_768 : i32
        %dma_start3A_770 = tpu.memref_slice %arg5[%div3A_765, %mul3A_769] : memref<50x128xi32, #tpu.memory_space<vmem>> -> memref<1x64xi32, #tpu.memory_space<vmem>>
        %dma_start3A_771 = tpu.memref_squeeze %dma_start3A_770 : memref<1x64xi32, #tpu.memory_space<vmem>> -> memref<64xi32, #tpu.memory_space<vmem>>
        %dma_start3A_772 = arith.constant 0 : i32
        %dma_start3A_773 = arith.constant 0 : i32
        %dma_start3A_774 = tpu.memref_slice %arg3[%dma_start3A_772, %dma_start3A_773] : memref<100000x128xf32, #tpu.memory_space<hbm>> -> memref<100000x128xf32, #tpu.memory_space<hbm>>
        tpu.enqueue_indirect_dma source(%dma_start3A_774 : memref<100000x128xf32, #tpu.memory_space<hbm>>) target(%arg6 : memref<64x128xf32, #tpu.memory_space<vmem>>) offsets(%dma_start3A_771 : memref<64xi32, #tpu.memory_space<vmem>>) semaphore(%arg16 : memref<!tpu.dma_semaphore, #tpu.memory_space<semaphore_mem>>)
      } else {
      }
      %div3A_389 = arith.constant 2 : i32
      %div3A_390 = arith.divsi %add3A_376, %div3A_389 : i32
      %rem3A_391 = arith.constant 2 : i32
      %rem3A_392 = arith.remsi %add3A_376, %rem3A_391 : i32
      %mul3A_393 = arith.constant 64 : i32
      %mul3A_394 = arith.muli %rem3A_392, %mul3A_393 : i32
      %dma_wait3A_395 = tpu.memref_slice %arg5[%div3A_390, %mul3A_394] : memref<50x128xi32, #tpu.memory_space<vmem>> -> memref<1x64xi32, #tpu.memory_space<vmem>>
      %dma_wait3A_396 = tpu.memref_squeeze %dma_wait3A_395 : memref<1x64xi32, #tpu.memory_space<vmem>> -> memref<64xi32, #tpu.memory_space<vmem>>
      %dma_wait3A_397 = arith.constant 0 : i32
      %dma_wait3A_398 = arith.constant 0 : i32
      %dma_wait3A_399 = tpu.memref_slice %arg3[%dma_wait3A_397, %dma_wait3A_398] : memref<100000x128xf32, #tpu.memory_space<hbm>> -> memref<100000x128xf32, #tpu.memory_space<hbm>>
      tpu.wait_indirect_dma semaphore(%arg18 : memref<!tpu.dma_semaphore, #tpu.memory_space<semaphore_mem>>) src(%dma_wait3A_399 : memref<100000x128xf32, #tpu.memory_space<hbm>>) dst(%arg8 : memref<64x128xf32, #tpu.memory_space<vmem>>)
      %scan3A_400 = arith.constant 0 : i32
      %scan3A_401 = arith.constant 0 : i32
      %scan3A_402 = arith.constant 32 : i32
      %scan3A_403 = arith.addi %scan3A_401, %scan3A_402 : i32
      %scan3A_404 = arith.constant 1 : i32
      %scan3A_405 = scf.for %scan3A_749 = %scan3A_401 to %scan3A_403 step %scan3A_404 iter_args(%scan3A_750 = %scan3A_400) -> (i32)  : i32 {
        %mul3A_751 = arith.constant 2 : i32
        %mul3A_752 = arith.muli %mul3A_751, %scan3A_749 : i32
        %add3A_753 = arith.constant 0 : i32
        %add3A_754 = arith.addi %mul3A_752, %add3A_753 : i32
        %get3A = arith.index_cast %add3A_754 : i32 to index
        %get3A_755 = arith.constant 0 : index
        %get3A_756 = tpu.vector_load %arg8[%get3A, %get3A_755] {strides = array<i32>} : memref<64x128xf32, #tpu.memory_space<vmem>>, vector<1x16xf32>,
        %get3A_757 = vector.shape_cast %get3A_756 : vector<1x16xf32> to vector<16xf32>
        %mul3A_758 = arith.constant 11.3137083 : f32
        %mul3A_759 = vector.broadcast %mul3A_758 : f32 to vector<16xf32>
        %mul3A_760 = arith.mulf %get3A_757, %mul3A_759 : vector<16xf32>
        %mul3A_761 = arith.constant 2 : i32
        %mul3A_762 = arith.muli %mul3A_761, %scan3A_749 : i32
        %add3A_763 = arith.constant 0 : i32
        %add3A_764 = arith.addi %mul3A_762, %add3A_763 : i32
        %swap3A = arith.index_cast %add3A_764 : i32 to index
        %swap3A_765 = arith.constant 0 : index
        %swap3A_766 = tpu.vector_load %arg8[%swap3A, %swap3A_765] {strides = array<i32>} : memref<64x128xf32, #tpu.memory_space<vmem>>, vector<1x16xf32>,
        %swap3A_767 = vector.shape_cast %swap3A_766 : vector<1x16xf32> to vector<16xf32>
        %swap3A_768 = vector.shape_cast %mul3A_760 : vector<16xf32> to vector<1x16xf32>
        tpu.vector_store %arg8[%swap3A, %swap3A_765], %swap3A_768 {strides = array<i32>} : memref<64x128xf32, #tpu.memory_space<vmem>>, vector<1x16xf32>,
        %mul3A_769 = arith.constant 2 : i32
        %mul3A_770 = arith.muli %mul3A_769, %scan3A_749 : i32
        %add3A_771 = arith.constant 0 : i32
        %add3A_772 = arith.addi %mul3A_770, %add3A_771 : i32
        %get3A_773 = arith.index_cast %add3A_772 : i32 to index
        %get3A_774 = arith.constant 16 : index
        %get3A_775 = tpu.vector_load %arg8[%get3A_773, %get3A_774] {strides = array<i32>} : memref<64x128xf32, #tpu.memory_space<vmem>>, vector<1x16xf32>,
        %get3A_776 = vector.shape_cast %get3A_775 : vector<1x16xf32> to vector<16xf32>
        %mul3A_777 = arith.constant 11.3137083 : f32
        %mul3A_778 = vector.broadcast %mul3A_777 : f32 to vector<16xf32>
        %mul3A_779 = arith.mulf %get3A_776, %mul3A_778 : vector<16xf32>
        %mul3A_780 = arith.constant 2 : i32
        %mul3A_781 = arith.muli %mul3A_780, %scan3A_749 : i32
        %add3A_782 = arith.constant 0 : i32
        %add3A_783 = arith.addi %mul3A_781, %add3A_782 : i32
        %swap3A_784 = arith.index_cast %add3A_783 : i32 to index
        %swap3A_785 = arith.constant 16 : index
        %swap3A_786 = tpu.vector_load %arg8[%swap3A_784, %swap3A_785] {strides = array<i32>} : memref<64x128xf32, #tpu.memory_space<vmem>>, vector<1x16xf32>,
        %swap3A_787 = vector.shape_cast %swap3A_786 : vector<1x16xf32> to vector<16xf32>
        %swap3A_788 = vector.shape_cast %mul3A_779 : vector<16xf32> to vector<1x16xf32>
        tpu.vector_store %arg8[%swap3A_784, %swap3A_785], %swap3A_788 {strides = array<i32>} : memref<64x128xf32, #tpu.memory_space<vmem>>, vector<1x16xf32>,
        %mul3A_789 = arith.constant 2 : i32
        %mul3A_790 = arith.muli %mul3A_789, %scan3A_749 : i32
        %add3A_791 = arith.constant 0 : i32
        %add3A_792 = arith.addi %mul3A_790, %add3A_791 : i32
        %get3A_793 = arith.index_cast %add3A_792 : i32 to index
        %get3A_794 = arith.constant 32 : index
        %get3A_795 = tpu.vector_load %arg8[%get3A_793, %get3A_794] {strides = array<i32>} : memref<64x128xf32, #tpu.memory_space<vmem>>, vector<1x16xf32>,
        %get3A_796 = vector.shape_cast %get3A_795 : vector<1x16xf32> to vector<16xf32>
        %mul3A_797 = arith.constant 11.3137083 : f32
        %mul3A_798 = vector.broadcast %mul3A_797 : f32 to vector<16xf32>
        %mul3A_799 = arith.mulf %get3A_796, %mul3A_798 : vector<16xf32>
        %mul3A_800 = arith.constant 2 : i32
        %mul3A_801 = arith.muli %mul3A_800, %scan3A_749 : i32
        %add3A_802 = arith.constant 0 : i32
        %add3A_803 = arith.addi %mul3A_801, %add3A_802 : i32
        %swap3A_804 = arith.index_cast %add3A_803 : i32 to index
        %swap3A_805 = arith.constant 32 : index
        %swap3A_806 = tpu.vector_load %arg8[%swap3A_804, %swap3A_805] {strides = array<i32>} : memref<64x128xf32, #tpu.memory_space<vmem>>, vector<1x16xf32>,
        %swap3A_807 = vector.shape_cast %swap3A_806 : vector<1x16xf32> to vector<16xf32>
        %swap3A_808 = vector.shape_cast %mul3A_799 : vector<16xf32> to vector<1x16xf32>
        tpu.vector_store %arg8[%swap3A_804, %swap3A_805], %swap3A_808 {strides = array<i32>} : memref<64x128xf32, #tpu.memory_space<vmem>>, vector<1x16xf32>,
        %mul3A_809 = arith.constant 2 : i32
        %mul3A_810 = arith.muli %mul3A_809, %scan3A_749 : i32
        %add3A_811 = arith.constant 0 : i32
        %add3A_812 = arith.addi %mul3A_810, %add3A_811 : i32
        %get3A_813 = arith.index_cast %add3A_812 : i32 to index
        %get3A_814 = arith.constant 48 : index
        %get3A_815 = tpu.vector_load %arg8[%get3A_813, %get3A_814] {strides = array<i32>} : memref<64x128xf32, #tpu.memory_space<vmem>>, vector<1x16xf32>,
        %get3A_816 = vector.shape_cast %get3A_815 : vector<1x16xf32> to vector<16xf32>
        %mul3A_817 = arith.constant 11.3137083 : f32
        %mul3A_818 = vector.broadcast %mul3A_817 : f32 to vector<16xf32>
        %mul3A_819 = arith.mulf %get3A_816, %mul3A_818 : vector<16xf32>
        %mul3A_820 = arith.constant 2 : i32
        %mul3A_821 = arith.muli %mul3A_820, %scan3A_749 : i32
        %add3A_822 = arith.constant 0 : i32
        %add3A_823 = arith.addi %mul3A_821, %add3A_822 : i32
        %swap3A_824 = arith.index_cast %add3A_823 : i32 to index
        %swap3A_825 = arith.constant 48 : index
        %swap3A_826 = tpu.vector_load %arg8[%swap3A_824, %swap3A_825] {strides = array<i32>} : memref<64x128xf32, #tpu.memory_space<vmem>>, vector<1x16xf32>,
        %swap3A_827 = vector.shape_cast %swap3A_826 : vector<1x16xf32> to vector<16xf32>
        %swap3A_828 = vector.shape_cast %mul3A_819 : vector<16xf32> to vector<1x16xf32>
        tpu.vector_store %arg8[%swap3A_824, %swap3A_825], %swap3A_828 {strides = array<i32>} : memref<64x128xf32, #tpu.memory_space<vmem>>, vector<1x16xf32>,
        %mul3A_829 = arith.constant 2 : i32
        %mul3A_830 = arith.muli %mul3A_829, %scan3A_749 : i32
        %add3A_831 = arith.constant 0 : i32
        %add3A_832 = arith.addi %mul3A_830, %add3A_831 : i32
        %get3A_833 = arith.index_cast %add3A_832 : i32 to index
        %get3A_834 = arith.constant 64 : index
        %get3A_835 = tpu.vector_load %arg8[%get3A_833, %get3A_834] {strides = array<i32>} : memref<64x128xf32, #tpu.memory_space<vmem>>, vector<1x16xf32>,
        %get3A_836 = vector.shape_cast %get3A_835 : vector<1x16xf32> to vector<16xf32>
        %mul3A_837 = arith.constant 11.3137083 : f32
        %mul3A_838 = vector.broadcast %mul3A_837 : f32 to vector<16xf32>
        %mul3A_839 = arith.mulf %get3A_836, %mul3A_838 : vector<16xf32>
        %mul3A_840 = arith.constant 2 : i32
        %mul3A_841 = arith.muli %mul3A_840, %scan3A_749 : i32
        %add3A_842 = arith.constant 0 : i32
        %add3A_843 = arith.addi %mul3A_841, %add3A_842 : i32
        %swap3A_844 = arith.index_cast %add3A_843 : i32 to index
        %swap3A_845 = arith.constant 64 : index
        %swap3A_846 = tpu.vector_load %arg8[%swap3A_844, %swap3A_845] {strides = array<i32>} : memref<64x128xf32, #tpu.memory_space<vmem>>, vector<1x16xf32>,
        %swap3A_847 = vector.shape_cast %swap3A_846 : vector<1x16xf32> to vector<16xf32>
        %swap3A_848 = vector.shape_cast %mul3A_839 : vector<16xf32> to vector<1x16xf32>
        tpu.vector_store %arg8[%swap3A_844, %swap3A_845], %swap3A_848 {strides = array<i32>} : memref<64x128xf32, #tpu.memory_space<vmem>>, vector<1x16xf32>,
        %mul3A_849 = arith.constant 2 : i32
        %mul3A_850 = arith.muli %mul3A_849, %scan3A_749 : i32
        %add3A_851 = arith.constant 0 : i32
        %add3A_852 = arith.addi %mul3A_850, %add3A_851 : i32
        %get3A_853 = arith.index_cast %add3A_852 : i32 to index
        %get3A_854 = arith.constant 80 : index
        %get3A_855 = tpu.vector_load %arg8[%get3A_853, %get3A_854] {strides = array<i32>} : memref<64x128xf32, #tpu.memory_space<vmem>>, vector<1x16xf32>,
        %get3A_856 = vector.shape_cast %get3A_855 : vector<1x16xf32> to vector<16xf32>
        %mul3A_857 = arith.constant 11.3137083 : f32
        %mul3A_858 = vector.broadcast %mul3A_857 : f32 to vector<16xf32>
        %mul3A_859 = arith.mulf %get3A_856, %mul3A_858 : vector<16xf32>
        %mul3A_860 = arith.constant 2 : i32
        %mul3A_861 = arith.muli %mul3A_860, %scan3A_749 : i32
        %add3A_862 = arith.constant 0 : i32
        %add3A_863 = arith.addi %mul3A_861, %add3A_862 : i32
        %swap3A_864 = arith.index_cast %add3A_863 : i32 to index
        %swap3A_865 = arith.constant 80 : index
        %swap3A_866 = tpu.vector_load %arg8[%swap3A_864, %swap3A_865] {strides = array<i32>} : memref<64x128xf32, #tpu.memory_space<vmem>>, vector<1x16xf32>,
        %swap3A_867 = vector.shape_cast %swap3A_866 : vector<1x16xf32> to vector<16xf32>
        %swap3A_868 = vector.shape_cast %mul3A_859 : vector<16xf32> to vector<1x16xf32>
        tpu.vector_store %arg8[%swap3A_864, %swap3A_865], %swap3A_868 {strides = array<i32>} : memref<64x128xf32, #tpu.memory_space<vmem>>, vector<1x16xf32>,
        %mul3A_869 = arith.constant 2 : i32
        %mul3A_870 = arith.muli %mul3A_869, %scan3A_749 : i32
        %add3A_871 = arith.constant 0 : i32
        %add3A_872 = arith.addi %mul3A_870, %add3A_871 : i32
        %get3A_873 = arith.index_cast %add3A_872 : i32 to index
        %get3A_874 = arith.constant 96 : index
        %get3A_875 = tpu.vector_load %arg8[%get3A_873, %get3A_874] {strides = array<i32>} : memref<64x128xf32, #tpu.memory_space<vmem>>, vector<1x16xf32>,
        %get3A_876 = vector.shape_cast %get3A_875 : vector<1x16xf32> to vector<16xf32>
        %mul3A_877 = arith.constant 11.3137083 : f32
        %mul3A_878 = vector.broadcast %mul3A_877 : f32 to vector<16xf32>
        %mul3A_879 = arith.mulf %get3A_876, %mul3A_878 : vector<16xf32>
        %mul3A_880 = arith.constant 2 : i32
        %mul3A_881 = arith.muli %mul3A_880, %scan3A_749 : i32
        %add3A_882 = arith.constant 0 : i32
        %add3A_883 = arith.addi %mul3A_881, %add3A_882 : i32
        %swap3A_884 = arith.index_cast %add3A_883 : i32 to index
        %swap3A_885 = arith.constant 96 : index
        %swap3A_886 = tpu.vector_load %arg8[%swap3A_884, %swap3A_885] {strides = array<i32>} : memref<64x128xf32, #tpu.memory_space<vmem>>, vector<1x16xf32>,
        %swap3A_887 = vector.shape_cast %swap3A_886 : vector<1x16xf32> to vector<16xf32>
        %swap3A_888 = vector.shape_cast %mul3A_879 : vector<16xf32> to vector<1x16xf32>
        tpu.vector_store %arg8[%swap3A_884, %swap3A_885], %swap3A_888 {strides = array<i32>} : memref<64x128xf32, #tpu.memory_space<vmem>>, vector<1x16xf32>,
        %mul3A_889 = arith.constant 2 : i32
        %mul3A_890 = arith.muli %mul3A_889, %scan3A_749 : i32
        %add3A_891 = arith.constant 0 : i32
        %add3A_892 = arith.addi %mul3A_890, %add3A_891 : i32
        %get3A_893 = arith.index_cast %add3A_892 : i32 to index
        %get3A_894 = arith.constant 112 : index
        %get3A_895 = tpu.vector_load %arg8[%get3A_893, %get3A_894] {strides = array<i32>} : memref<64x128xf32, #tpu.memory_space<vmem>>, vector<1x16xf32>,
        %get3A_896 = vector.shape_cast %get3A_895 : vector<1x16xf32> to vector<16xf32>
        %mul3A_897 = arith.constant 11.3137083 : f32
        %mul3A_898 = vector.broadcast %mul3A_897 : f32 to vector<16xf32>
        %mul3A_899 = arith.mulf %get3A_896, %mul3A_898 : vector<16xf32>
        %mul3A_900 = arith.constant 2 : i32
        %mul3A_901 = arith.muli %mul3A_900, %scan3A_749 : i32
        %add3A_902 = arith.constant 0 : i32
        %add3A_903 = arith.addi %mul3A_901, %add3A_902 : i32
        %swap3A_904 = arith.index_cast %add3A_903 : i32 to index
        %swap3A_905 = arith.constant 112 : index
        %swap3A_906 = tpu.vector_load %arg8[%swap3A_904, %swap3A_905] {strides = array<i32>} : memref<64x128xf32, #tpu.memory_space<vmem>>, vector<1x16xf32>,
        %swap3A_907 = vector.shape_cast %swap3A_906 : vector<1x16xf32> to vector<16xf32>
        %swap3A_908 = vector.shape_cast %mul3A_899 : vector<16xf32> to vector<1x16xf32>
        tpu.vector_store %arg8[%swap3A_904, %swap3A_905], %swap3A_908 {strides = array<i32>} : memref<64x128xf32, #tpu.memory_space<vmem>>, vector<1x16xf32>,
        %mul3A_909 = arith.constant 2 : i32
        %mul3A_910 = arith.muli %mul3A_909, %scan3A_749 : i32
        %add3A_911 = arith.constant 1 : i32
        %add3A_912 = arith.addi %mul3A_910, %add3A_911 : i32
        %get3A_913 = arith.index_cast %add3A_912 : i32 to index
        %get3A_914 = arith.constant 0 : index
        %get3A_915 = tpu.vector_load %arg8[%get3A_913, %get3A_914] {strides = array<i32>} : memref<64x128xf32, #tpu.memory_space<vmem>>, vector<1x16xf32>,
        %get3A_916 = vector.shape_cast %get3A_915 : vector<1x16xf32> to vector<16xf32>
        %mul3A_917 = arith.constant 11.3137083 : f32
        %mul3A_918 = vector.broadcast %mul3A_917 : f32 to vector<16xf32>
        %mul3A_919 = arith.mulf %get3A_916, %mul3A_918 : vector<16xf32>
        %mul3A_920 = arith.constant 2 : i32
        %mul3A_921 = arith.muli %mul3A_920, %scan3A_749 : i32
        %add3A_922 = arith.constant 1 : i32
        %add3A_923 = arith.addi %mul3A_921, %add3A_922 : i32
        %swap3A_924 = arith.index_cast %add3A_923 : i32 to index
        %swap3A_925 = arith.constant 0 : index
        %swap3A_926 = tpu.vector_load %arg8[%swap3A_924, %swap3A_925] {strides = array<i32>} : memref<64x128xf32, #tpu.memory_space<vmem>>, vector<1x16xf32>,
        %swap3A_927 = vector.shape_cast %swap3A_926 : vector<1x16xf32> to vector<16xf32>
        %swap3A_928 = vector.shape_cast %mul3A_919 : vector<16xf32> to vector<1x16xf32>
        tpu.vector_store %arg8[%swap3A_924, %swap3A_925], %swap3A_928 {strides = array<i32>} : memref<64x128xf32, #tpu.memory_space<vmem>>, vector<1x16xf32>,
        %mul3A_929 = arith.constant 2 : i32
        %mul3A_930 = arith.muli %mul3A_929, %scan3A_749 : i32
        %add3A_931 = arith.constant 1 : i32
        %add3A_932 = arith.addi %mul3A_930, %add3A_931 : i32
        %get3A_933 = arith.index_cast %add3A_932 : i32 to index
        %get3A_934 = arith.constant 16 : index
        %get3A_935 = tpu.vector_load %arg8[%get3A_933, %get3A_934] {strides = array<i32>} : memref<64x128xf32, #tpu.memory_space<vmem>>, vector<1x16xf32>,
        %get3A_936 = vector.shape_cast %get3A_935 : vector<1x16xf32> to vector<16xf32>
        %mul3A_937 = arith.constant 11.3137083 : f32
        %mul3A_938 = vector.broadcast %mul3A_937 : f32 to vector<16xf32>
        %mul3A_939 = arith.mulf %get3A_936, %mul3A_938 : vector<16xf32>
        %mul3A_940 = arith.constant 2 : i32
        %mul3A_941 = arith.muli %mul3A_940, %scan3A_749 : i32
        %add3A_942 = arith.constant 1 : i32
        %add3A_943 = arith.addi %mul3A_941, %add3A_942 : i32
        %swap3A_944 = arith.index_cast %add3A_943 : i32 to index
        %swap3A_945 = arith.constant 16 : index
        %swap3A_946 = tpu.vector_load %arg8[%swap3A_944, %swap3A_945] {strides = array<i32>} : memref<64x128xf32, #tpu.memory_space<vmem>>, vector<1x16xf32>,
        %swap3A_947 = vector.shape_cast %swap3A_946 : vector<1x16xf32> to vector<16xf32>
        %swap3A_948 = vector.shape_cast %mul3A_939 : vector<16xf32> to vector<1x16xf32>
        tpu.vector_store %arg8[%swap3A_944, %swap3A_945], %swap3A_948 {strides = array<i32>} : memref<64x128xf32, #tpu.memory_space<vmem>>, vector<1x16xf32>,
        %mul3A_949 = arith.constant 2 : i32
        %mul3A_950 = arith.muli %mul3A_949, %scan3A_749 : i32
        %add3A_951 = arith.constant 1 : i32
        %add3A_952 = arith.addi %mul3A_950, %add3A_951 : i32
        %get3A_953 = arith.index_cast %add3A_952 : i32 to index
        %get3A_954 = arith.constant 32 : index
        %get3A_955 = tpu.vector_load %arg8[%get3A_953, %get3A_954] {strides = array<i32>} : memref<64x128xf32, #tpu.memory_space<vmem>>, vector<1x16xf32>,
        %get3A_956 = vector.shape_cast %get3A_955 : vector<1x16xf32> to vector<16xf32>
        %mul3A_957 = arith.constant 11.3137083 : f32
        %mul3A_958 = vector.broadcast %mul3A_957 : f32 to vector<16xf32>
        %mul3A_959 = arith.mulf %get3A_956, %mul3A_958 : vector<16xf32>
        %mul3A_960 = arith.constant 2 : i32
        %mul3A_961 = arith.muli %mul3A_960, %scan3A_749 : i32
        %add3A_962 = arith.constant 1 : i32
        %add3A_963 = arith.addi %mul3A_961, %add3A_962 : i32
        %swap3A_964 = arith.index_cast %add3A_963 : i32 to index
        %swap3A_965 = arith.constant 32 : index
        %swap3A_966 = tpu.vector_load %arg8[%swap3A_964, %swap3A_965] {strides = array<i32>} : memref<64x128xf32, #tpu.memory_space<vmem>>, vector<1x16xf32>,
        %swap3A_967 = vector.shape_cast %swap3A_966 : vector<1x16xf32> to vector<16xf32>
        %swap3A_968 = vector.shape_cast %mul3A_959 : vector<16xf32> to vector<1x16xf32>
        tpu.vector_store %arg8[%swap3A_964, %swap3A_965], %swap3A_968 {strides = array<i32>} : memref<64x128xf32, #tpu.memory_space<vmem>>, vector<1x16xf32>,
        %mul3A_969 = arith.constant 2 : i32
        %mul3A_970 = arith.muli %mul3A_969, %scan3A_749 : i32
        %add3A_971 = arith.constant 1 : i32
        %add3A_972 = arith.addi %mul3A_970, %add3A_971 : i32
        %get3A_973 = arith.index_cast %add3A_972 : i32 to index
        %get3A_974 = arith.constant 48 : index
        %get3A_975 = tpu.vector_load %arg8[%get3A_973, %get3A_974] {strides = array<i32>} : memref<64x128xf32, #tpu.memory_space<vmem>>, vector<1x16xf32>,
        %get3A_976 = vector.shape_cast %get3A_975 : vector<1x16xf32> to vector<16xf32>
        %mul3A_977 = arith.constant 11.3137083 : f32
        %mul3A_978 = vector.broadcast %mul3A_977 : f32 to vector<16xf32>
        %mul3A_979 = arith.mulf %get3A_976, %mul3A_978 : vector<16xf32>
        %mul3A_980 = arith.constant 2 : i32
        %mul3A_981 = arith.muli %mul3A_980, %scan3A_749 : i32
        %add3A_982 = arith.constant 1 : i32
        %add3A_983 = arith.addi %mul3A_981, %add3A_982 : i32
        %swap3A_984 = arith.index_cast %add3A_983 : i32 to index
        %swap3A_985 = arith.constant 48 : index
        %swap3A_986 = tpu.vector_load %arg8[%swap3A_984, %swap3A_985] {strides = array<i32>} : memref<64x128xf32, #tpu.memory_space<vmem>>, vector<1x16xf32>,
        %swap3A_987 = vector.shape_cast %swap3A_986 : vector<1x16xf32> to vector<16xf32>
        %swap3A_988 = vector.shape_cast %mul3A_979 : vector<16xf32> to vector<1x16xf32>
        tpu.vector_store %arg8[%swap3A_984, %swap3A_985], %swap3A_988 {strides = array<i32>} : memref<64x128xf32, #tpu.memory_space<vmem>>, vector<1x16xf32>,
        %mul3A_989 = arith.constant 2 : i32
        %mul3A_990 = arith.muli %mul3A_989, %scan3A_749 : i32
        %add3A_991 = arith.constant 1 : i32
        %add3A_992 = arith.addi %mul3A_990, %add3A_991 : i32
        %get3A_993 = arith.index_cast %add3A_992 : i32 to index
        %get3A_994 = arith.constant 64 : index
        %get3A_995 = tpu.vector_load %arg8[%get3A_993, %get3A_994] {strides = array<i32>} : memref<64x128xf32, #tpu.memory_space<vmem>>, vector<1x16xf32>,
        %get3A_996 = vector.shape_cast %get3A_995 : vector<1x16xf32> to vector<16xf32>
        %mul3A_997 = arith.constant 11.3137083 : f32
        %mul3A_998 = vector.broadcast %mul3A_997 : f32 to vector<16xf32>
        %mul3A_999 = arith.mulf %get3A_996, %mul3A_998 : vector<16xf32>
        %mul3A_1000 = arith.constant 2 : i32
        %mul3A_1001 = arith.muli %mul3A_1000, %scan3A_749 : i32
        %add3A_1002 = arith.constant 1 : i32
        %add3A_1003 = arith.addi %mul3A_1001, %add3A_1002 : i32
        %swap3A_1004 = arith.index_cast %add3A_1003 : i32 to index
        %swap3A_1005 = arith.constant 64 : index
        %swap3A_1006 = tpu.vector_load %arg8[%swap3A_1004, %swap3A_1005] {strides = array<i32>} : memref<64x128xf32, #tpu.memory_space<vmem>>, vector<1x16xf32>,
        %swap3A_1007 = vector.shape_cast %swap3A_1006 : vector<1x16xf32> to vector<16xf32>
        %swap3A_1008 = vector.shape_cast %mul3A_999 : vector<16xf32> to vector<1x16xf32>
        tpu.vector_store %arg8[%swap3A_1004, %swap3A_1005], %swap3A_1008 {strides = array<i32>} : memref<64x128xf32, #tpu.memory_space<vmem>>, vector<1x16xf32>,
        %mul3A_1009 = arith.constant 2 : i32
        %mul3A_1010 = arith.muli %mul3A_1009, %scan3A_749 : i32
        %add3A_1011 = arith.constant 1 : i32
        %add3A_1012 = arith.addi %mul3A_1010, %add3A_1011 : i32
        %get3A_1013 = arith.index_cast %add3A_1012 : i32 to index
        %get3A_1014 = arith.constant 80 : index
        %get3A_1015 = tpu.vector_load %arg8[%get3A_1013, %get3A_1014] {strides = array<i32>} : memref<64x128xf32, #tpu.memory_space<vmem>>, vector<1x16xf32>,
        %get3A_1016 = vector.shape_cast %get3A_1015 : vector<1x16xf32> to vector<16xf32>
        %mul3A_1017 = arith.constant 11.3137083 : f32
        %mul3A_1018 = vector.broadcast %mul3A_1017 : f32 to vector<16xf32>
        %mul3A_1019 = arith.mulf %get3A_1016, %mul3A_1018 : vector<16xf32>
        %mul3A_1020 = arith.constant 2 : i32
        %mul3A_1021 = arith.muli %mul3A_1020, %scan3A_749 : i32
        %add3A_1022 = arith.constant 1 : i32
        %add3A_1023 = arith.addi %mul3A_1021, %add3A_1022 : i32
        %swap3A_1024 = arith.index_cast %add3A_1023 : i32 to index
        %swap3A_1025 = arith.constant 80 : index
        %swap3A_1026 = tpu.vector_load %arg8[%swap3A_1024, %swap3A_1025] {strides = array<i32>} : memref<64x128xf32, #tpu.memory_space<vmem>>, vector<1x16xf32>,
        %swap3A_1027 = vector.shape_cast %swap3A_1026 : vector<1x16xf32> to vector<16xf32>
        %swap3A_1028 = vector.shape_cast %mul3A_1019 : vector<16xf32> to vector<1x16xf32>
        tpu.vector_store %arg8[%swap3A_1024, %swap3A_1025], %swap3A_1028 {strides = array<i32>} : memref<64x128xf32, #tpu.memory_space<vmem>>, vector<1x16xf32>,
        %mul3A_1029 = arith.constant 2 : i32
        %mul3A_1030 = arith.muli %mul3A_1029, %scan3A_749 : i32
        %add3A_1031 = arith.constant 1 : i32
        %add3A_1032 = arith.addi %mul3A_1030, %add3A_1031 : i32
        %get3A_1033 = arith.index_cast %add3A_1032 : i32 to index
        %get3A_1034 = arith.constant 96 : index
        %get3A_1035 = tpu.vector_load %arg8[%get3A_1033, %get3A_1034] {strides = array<i32>} : memref<64x128xf32, #tpu.memory_space<vmem>>, vector<1x16xf32>,
        %get3A_1036 = vector.shape_cast %get3A_1035 : vector<1x16xf32> to vector<16xf32>
        %mul3A_1037 = arith.constant 11.3137083 : f32
        %mul3A_1038 = vector.broadcast %mul3A_1037 : f32 to vector<16xf32>
        %mul3A_1039 = arith.mulf %get3A_1036, %mul3A_1038 : vector<16xf32>
        %mul3A_1040 = arith.constant 2 : i32
        %mul3A_1041 = arith.muli %mul3A_1040, %scan3A_749 : i32
        %add3A_1042 = arith.constant 1 : i32
        %add3A_1043 = arith.addi %mul3A_1041, %add3A_1042 : i32
        %swap3A_1044 = arith.index_cast %add3A_1043 : i32 to index
        %swap3A_1045 = arith.constant 96 : index
        %swap3A_1046 = tpu.vector_load %arg8[%swap3A_1044, %swap3A_1045] {strides = array<i32>} : memref<64x128xf32, #tpu.memory_space<vmem>>, vector<1x16xf32>,
        %swap3A_1047 = vector.shape_cast %swap3A_1046 : vector<1x16xf32> to vector<16xf32>
        %swap3A_1048 = vector.shape_cast %mul3A_1039 : vector<16xf32> to vector<1x16xf32>
        tpu.vector_store %arg8[%swap3A_1044, %swap3A_1045], %swap3A_1048 {strides = array<i32>} : memref<64x128xf32, #tpu.memory_space<vmem>>, vector<1x16xf32>,
        %mul3A_1049 = arith.constant 2 : i32
        %mul3A_1050 = arith.muli %mul3A_1049, %scan3A_749 : i32
        %add3A_1051 = arith.constant 1 : i32
        %add3A_1052 = arith.addi %mul3A_1050, %add3A_1051 : i32
        %get3A_1053 = arith.index_cast %add3A_1052 : i32 to index
        %get3A_1054 = arith.constant 112 : index
        %get3A_1055 = tpu.vector_load %arg8[%get3A_1053, %get3A_1054] {strides = array<i32>} : memref<64x128xf32, #tpu.memory_space<vmem>>, vector<1x16xf32>,
        %get3A_1056 = vector.shape_cast %get3A_1055 : vector<1x16xf32> to vector<16xf32>
        %mul3A_1057 = arith.constant 11.3137083 : f32
        %mul3A_1058 = vector.broadcast %mul3A_1057 : f32 to vector<16xf32>
        %mul3A_1059 = arith.mulf %get3A_1056, %mul3A_1058 : vector<16xf32>
        %mul3A_1060 = arith.constant 2 : i32
        %mul3A_1061 = arith.muli %mul3A_1060, %scan3A_749 : i32
        %add3A_1062 = arith.constant 1 : i32
        %add3A_1063 = arith.addi %mul3A_1061, %add3A_1062 : i32
        %swap3A_1064 = arith.index_cast %add3A_1063 : i32 to index
        %swap3A_1065 = arith.constant 112 : index
        %swap3A_1066 = tpu.vector_load %arg8[%swap3A_1064, %swap3A_1065] {strides = array<i32>} : memref<64x128xf32, #tpu.memory_space<vmem>>, vector<1x16xf32>,
        %swap3A_1067 = vector.shape_cast %swap3A_1066 : vector<1x16xf32> to vector<16xf32>
        %swap3A_1068 = vector.shape_cast %mul3A_1059 : vector<16xf32> to vector<1x16xf32>
        tpu.vector_store %arg8[%swap3A_1064, %swap3A_1065], %swap3A_1068 {strides = array<i32>} : memref<64x128xf32, #tpu.memory_space<vmem>>, vector<1x16xf32>,
        scf.yield %scan3A_749 : i32
      }
      %scan3A_406 = arith.constant 32 : i32
      %div3A_407 = arith.constant 2 : i32
      %div3A_408 = arith.divsi %add3A_376, %div3A_407 : i32
      %rem3A_409 = arith.constant 2 : i32
      %rem3A_410 = arith.remsi %add3A_376, %rem3A_409 : i32
      %mul3A_411 = arith.constant 64 : i32
      %mul3A_412 = arith.muli %rem3A_410, %mul3A_411 : i32
      %add3A_413 = arith.addi %mul3A_2, %mul3A_412 : i32
      %dma_start3A_414 = arith.constant 0 : i32
      %dma_start3A_415 = tpu.memref_slice %arg4[%div3A_408, %add3A_413, %dma_start3A_414] : memref<50x4096x128xf32, #tpu.memory_space<hbm>> -> memref<1x64x128xf32, #tpu.memory_space<hbm>>
      %dma_start3A_416 = tpu.memref_squeeze %dma_start3A_415 : memref<1x64x128xf32, #tpu.memory_space<hbm>> -> memref<64x128xf32, #tpu.memory_space<hbm>>
      %dma_start3A_417 = arith.constant 0 : i32
      %dma_start3A_418 = tpu.memref_slice %arg4[%div3A_408, %add3A_413, %dma_start3A_417] : memref<50x4096x128xf32, #tpu.memory_space<hbm>> -> memref<1x64x128xf32, #tpu.memory_space<hbm>>
      %dma_start3A_419 = tpu.memref_squeeze %dma_start3A_418 : memref<1x64x128xf32, #tpu.memory_space<hbm>> -> memref<64x128xf32, #tpu.memory_space<hbm>>
      tpu.enqueue_dma source(%arg8 : memref<64x128xf32, #tpu.memory_space<vmem>>) target(%dma_start3A_419 : memref<64x128xf32, #tpu.memory_space<hbm>>) target_semaphore(%arg28 : memref<!tpu.dma_semaphore, #tpu.memory_space<semaphore_mem>>)
      %mul3A_420 = arith.constant 10 : i32
      %mul3A_421 = arith.muli %scan3A_284, %mul3A_420 : i32
      %add3A_422 = arith.constant 3 : i32
      %add3A_423 = arith.addi %mul3A_421, %add3A_422 : i32
      %sub3A_424 = arith.constant 2 : i32
      %sub3A_425 = arith.subi %add3A_423, %sub3A_424 : i32
      %ge3A_426 = arith.constant 0 : i32
      %ge3A_427 = arith.cmpi sge, %sub3A_425, %ge3A_426 : i32
      %add3A_428 = arith.constant 10 : i32
      %add3A_429 = arith.addi %sub3A_425, %add3A_428 : i32
      %lt3A_430 = arith.constant 100 : i32
      %lt3A_431 = arith.cmpi slt, %add3A_429, %lt3A_430 : i32
      %and3A_432 = arith.andi %ge3A_427, %lt3A_431 : i1
      %convert_element_type3A_433 = arith.extui %and3A_432 : i1 to i32
      %cond3A_434 = arith.constant 0 : i32
      %cond3A_435 = arith.cmpi ne, %convert_element_type3A_433, %cond3A_434 : i32
      scf.if %cond3A_435 {
        %div3A_749 = arith.constant 2 : i32
        %div3A_750 = arith.divsi %sub3A_425, %div3A_749 : i32
        %rem3A_751 = arith.constant 2 : i32
        %rem3A_752 = arith.remsi %sub3A_425, %rem3A_751 : i32
        %mul3A_753 = arith.constant 64 : i32
        %mul3A_754 = arith.muli %rem3A_752, %mul3A_753 : i32
        %add3A_755 = arith.addi %mul3A_2, %mul3A_754 : i32
        %dma_wait3A_756 = arith.constant 0 : i32
        %dma_wait3A_757 = tpu.memref_slice %arg4[%div3A_750, %add3A_755, %dma_wait3A_756] : memref<50x4096x128xf32, #tpu.memory_space<hbm>> -> memref<1x64x128xf32, #tpu.memory_space<hbm>>
        %dma_wait3A_758 = tpu.memref_squeeze %dma_wait3A_757 : memref<1x64x128xf32, #tpu.memory_space<hbm>> -> memref<64x128xf32, #tpu.memory_space<hbm>>
        %dma_wait3A_759 = arith.constant 0 : i32
        %dma_wait3A_760 = tpu.memref_slice %arg4[%div3A_750, %add3A_755, %dma_wait3A_759] : memref<50x4096x128xf32, #tpu.memory_space<hbm>> -> memref<1x64x128xf32, #tpu.memory_space<hbm>>
        %dma_wait3A_761 = tpu.memref_squeeze %dma_wait3A_760 : memref<1x64x128xf32, #tpu.memory_space<hbm>> -> memref<64x128xf32, #tpu.memory_space<hbm>>
        tpu.wait_dma2 semaphore(%arg27 : memref<!tpu.dma_semaphore, #tpu.memory_space<semaphore_mem>>) src(%arg7 : memref<64x128xf32, #tpu.memory_space<vmem>>) dst(%dma_wait3A_761 : memref<64x128xf32, #tpu.memory_space<hbm>>)
        %add3A_762 = arith.constant 10 : i32
        %add3A_763 = arith.addi %sub3A_425, %add3A_762 : i32
        %div3A_764 = arith.constant 2 : i32
        %div3A_765 = arith.divsi %add3A_763, %div3A_764 : i32
        %rem3A_766 = arith.constant 2 : i32
        %rem3A_767 = arith.remsi %add3A_763, %rem3A_766 : i32
        %mul3A_768 = arith.constant 64 : i32
        %mul3A_769 = arith.muli %rem3A_767, %mul3A_768 : i32
        %dma_start3A_770 = tpu.memref_slice %arg5[%div3A_765, %mul3A_769] : memref<50x128xi32, #tpu.memory_space<vmem>> -> memref<1x64xi32, #tpu.memory_space<vmem>>
        %dma_start3A_771 = tpu.memref_squeeze %dma_start3A_770 : memref<1x64xi32, #tpu.memory_space<vmem>> -> memref<64xi32, #tpu.memory_space<vmem>>
        %dma_start3A_772 = arith.constant 0 : i32
        %dma_start3A_773 = arith.constant 0 : i32
        %dma_start3A_774 = tpu.memref_slice %arg3[%dma_start3A_772, %dma_start3A_773] : memref<100000x128xf32, #tpu.memory_space<hbm>> -> memref<100000x128xf32, #tpu.memory_space<hbm>>
        tpu.enqueue_indirect_dma source(%dma_start3A_774 : memref<100000x128xf32, #tpu.memory_space<hbm>>) target(%arg7 : memref<64x128xf32, #tpu.memory_space<vmem>>) offsets(%dma_start3A_771 : memref<64xi32, #tpu.memory_space<vmem>>) semaphore(%arg17 : memref<!tpu.dma_semaphore, #tpu.memory_space<semaphore_mem>>)
      } else {
      }
      %div3A_436 = arith.constant 2 : i32
      %div3A_437 = arith.divsi %add3A_423, %div3A_436 : i32
      %rem3A_438 = arith.constant 2 : i32
      %rem3A_439 = arith.remsi %add3A_423, %rem3A_438 : i32
      %mul3A_440 = arith.constant 64 : i32
      %mul3A_441 = arith.muli %rem3A_439, %mul3A_440 : i32
      %dma_wait3A_442 = tpu.memref_slice %arg5[%div3A_437, %mul3A_441] : memref<50x128xi32, #tpu.memory_space<vmem>> -> memref<1x64xi32, #tpu.memory_space<vmem>>
      %dma_wait3A_443 = tpu.memref_squeeze %dma_wait3A_442 : memref<1x64xi32, #tpu.memory_space<vmem>> -> memref<64xi32, #tpu.memory_space<vmem>>
      %dma_wait3A_444 = arith.constant 0 : i32
      %dma_wait3A_445 = arith.constant 0 : i32
      %dma_wait3A_446 = tpu.memref_slice %arg3[%dma_wait3A_444, %dma_wait3A_445] : memref<100000x128xf32, #tpu.memory_space<hbm>> -> memref<100000x128xf32, #tpu.memory_space<hbm>>
      tpu.wait_indirect_dma semaphore(%arg19 : memref<!tpu.dma_semaphore, #tpu.memory_space<semaphore_mem>>) src(%dma_wait3A_446 : memref<100000x128xf32, #tpu.memory_space<hbm>>) dst(%arg9 : memref<64x128xf32, #tpu.memory_space<vmem>>)
      %scan3A_447 = arith.constant 0 : i32
      %scan3A_448 = arith.constant 0 : i32
      %scan3A_449 = arith.constant 32 : i32
      %scan3A_450 = arith.addi %scan3A_448, %scan3A_449 : i32
      %scan3A_451 = arith.constant 1 : i32
      %scan3A_452 = scf.for %scan3A_749 = %scan3A_448 to %scan3A_450 step %scan3A_451 iter_args(%scan3A_750 = %scan3A_447) -> (i32)  : i32 {
        %mul3A_751 = arith.constant 2 : i32
        %mul3A_752 = arith.muli %mul3A_751, %scan3A_749 : i32
        %add3A_753 = arith.constant 0 : i32
        %add3A_754 = arith.addi %mul3A_752, %add3A_753 : i32
        %get3A = arith.index_cast %add3A_754 : i32 to index
        %get3A_755 = arith.constant 0 : index
        %get3A_756 = tpu.vector_load %arg9[%get3A, %get3A_755] {strides = array<i32>} : memref<64x128xf32, #tpu.memory_space<vmem>>, vector<1x16xf32>,
        %get3A_757 = vector.shape_cast %get3A_756 : vector<1x16xf32> to vector<16xf32>
        %mul3A_758 = arith.constant 11.3137083 : f32
        %mul3A_759 = vector.broadcast %mul3A_758 : f32 to vector<16xf32>
        %mul3A_760 = arith.mulf %get3A_757, %mul3A_759 : vector<16xf32>
        %mul3A_761 = arith.constant 2 : i32
        %mul3A_762 = arith.muli %mul3A_761, %scan3A_749 : i32
        %add3A_763 = arith.constant 0 : i32
        %add3A_764 = arith.addi %mul3A_762, %add3A_763 : i32
        %swap3A = arith.index_cast %add3A_764 : i32 to index
        %swap3A_765 = arith.constant 0 : index
        %swap3A_766 = tpu.vector_load %arg9[%swap3A, %swap3A_765] {strides = array<i32>} : memref<64x128xf32, #tpu.memory_space<vmem>>, vector<1x16xf32>,
        %swap3A_767 = vector.shape_cast %swap3A_766 : vector<1x16xf32> to vector<16xf32>
        %swap3A_768 = vector.shape_cast %mul3A_760 : vector<16xf32> to vector<1x16xf32>
        tpu.vector_store %arg9[%swap3A, %swap3A_765], %swap3A_768 {strides = array<i32>} : memref<64x128xf32, #tpu.memory_space<vmem>>, vector<1x16xf32>,
        %mul3A_769 = arith.constant 2 : i32
        %mul3A_770 = arith.muli %mul3A_769, %scan3A_749 : i32
        %add3A_771 = arith.constant 0 : i32
        %add3A_772 = arith.addi %mul3A_770, %add3A_771 : i32
        %get3A_773 = arith.index_cast %add3A_772 : i32 to index
        %get3A_774 = arith.constant 16 : index
        %get3A_775 = tpu.vector_load %arg9[%get3A_773, %get3A_774] {strides = array<i32>} : memref<64x128xf32, #tpu.memory_space<vmem>>, vector<1x16xf32>,
        %get3A_776 = vector.shape_cast %get3A_775 : vector<1x16xf32> to vector<16xf32>
        %mul3A_777 = arith.constant 11.3137083 : f32
        %mul3A_778 = vector.broadcast %mul3A_777 : f32 to vector<16xf32>
        %mul3A_779 = arith.mulf %get3A_776, %mul3A_778 : vector<16xf32>
        %mul3A_780 = arith.constant 2 : i32
        %mul3A_781 = arith.muli %mul3A_780, %scan3A_749 : i32
        %add3A_782 = arith.constant 0 : i32
        %add3A_783 = arith.addi %mul3A_781, %add3A_782 : i32
        %swap3A_784 = arith.index_cast %add3A_783 : i32 to index
        %swap3A_785 = arith.constant 16 : index
        %swap3A_786 = tpu.vector_load %arg9[%swap3A_784, %swap3A_785] {strides = array<i32>} : memref<64x128xf32, #tpu.memory_space<vmem>>, vector<1x16xf32>,
        %swap3A_787 = vector.shape_cast %swap3A_786 : vector<1x16xf32> to vector<16xf32>
        %swap3A_788 = vector.shape_cast %mul3A_779 : vector<16xf32> to vector<1x16xf32>
        tpu.vector_store %arg9[%swap3A_784, %swap3A_785], %swap3A_788 {strides = array<i32>} : memref<64x128xf32, #tpu.memory_space<vmem>>, vector<1x16xf32>,
        %mul3A_789 = arith.constant 2 : i32
        %mul3A_790 = arith.muli %mul3A_789, %scan3A_749 : i32
        %add3A_791 = arith.constant 0 : i32
        %add3A_792 = arith.addi %mul3A_790, %add3A_791 : i32
        %get3A_793 = arith.index_cast %add3A_792 : i32 to index
        %get3A_794 = arith.constant 32 : index
        %get3A_795 = tpu.vector_load %arg9[%get3A_793, %get3A_794] {strides = array<i32>} : memref<64x128xf32, #tpu.memory_space<vmem>>, vector<1x16xf32>,
        %get3A_796 = vector.shape_cast %get3A_795 : vector<1x16xf32> to vector<16xf32>
        %mul3A_797 = arith.constant 11.3137083 : f32
        %mul3A_798 = vector.broadcast %mul3A_797 : f32 to vector<16xf32>
        %mul3A_799 = arith.mulf %get3A_796, %mul3A_798 : vector<16xf32>
        %mul3A_800 = arith.constant 2 : i32
        %mul3A_801 = arith.muli %mul3A_800, %scan3A_749 : i32
        %add3A_802 = arith.constant 0 : i32
        %add3A_803 = arith.addi %mul3A_801, %add3A_802 : i32
        %swap3A_804 = arith.index_cast %add3A_803 : i32 to index
        %swap3A_805 = arith.constant 32 : index
        %swap3A_806 = tpu.vector_load %arg9[%swap3A_804, %swap3A_805] {strides = array<i32>} : memref<64x128xf32, #tpu.memory_space<vmem>>, vector<1x16xf32>,
        %swap3A_807 = vector.shape_cast %swap3A_806 : vector<1x16xf32> to vector<16xf32>
        %swap3A_808 = vector.shape_cast %mul3A_799 : vector<16xf32> to vector<1x16xf32>
        tpu.vector_store %arg9[%swap3A_804, %swap3A_805], %swap3A_808 {strides = array<i32>} : memref<64x128xf32, #tpu.memory_space<vmem>>, vector<1x16xf32>,
        %mul3A_809 = arith.constant 2 : i32
        %mul3A_810 = arith.muli %mul3A_809, %scan3A_749 : i32
        %add3A_811 = arith.constant 0 : i32
        %add3A_812 = arith.addi %mul3A_810, %add3A_811 : i32
        %get3A_813 = arith.index_cast %add3A_812 : i32 to index
        %get3A_814 = arith.constant 48 : index
        %get3A_815 = tpu.vector_load %arg9[%get3A_813, %get3A_814] {strides = array<i32>} : memref<64x128xf32, #tpu.memory_space<vmem>>, vector<1x16xf32>,
        %get3A_816 = vector.shape_cast %get3A_815 : vector<1x16xf32> to vector<16xf32>
        %mul3A_817 = arith.constant 11.3137083 : f32
        %mul3A_818 = vector.broadcast %mul3A_817 : f32 to vector<16xf32>
        %mul3A_819 = arith.mulf %get3A_816, %mul3A_818 : vector<16xf32>
        %mul3A_820 = arith.constant 2 : i32
        %mul3A_821 = arith.muli %mul3A_820, %scan3A_749 : i32
        %add3A_822 = arith.constant 0 : i32
        %add3A_823 = arith.addi %mul3A_821, %add3A_822 : i32
        %swap3A_824 = arith.index_cast %add3A_823 : i32 to index
        %swap3A_825 = arith.constant 48 : index
        %swap3A_826 = tpu.vector_load %arg9[%swap3A_824, %swap3A_825] {strides = array<i32>} : memref<64x128xf32, #tpu.memory_space<vmem>>, vector<1x16xf32>,
        %swap3A_827 = vector.shape_cast %swap3A_826 : vector<1x16xf32> to vector<16xf32>
        %swap3A_828 = vector.shape_cast %mul3A_819 : vector<16xf32> to vector<1x16xf32>
        tpu.vector_store %arg9[%swap3A_824, %swap3A_825], %swap3A_828 {strides = array<i32>} : memref<64x128xf32, #tpu.memory_space<vmem>>, vector<1x16xf32>,
        %mul3A_829 = arith.constant 2 : i32
        %mul3A_830 = arith.muli %mul3A_829, %scan3A_749 : i32
        %add3A_831 = arith.constant 0 : i32
        %add3A_832 = arith.addi %mul3A_830, %add3A_831 : i32
        %get3A_833 = arith.index_cast %add3A_832 : i32 to index
        %get3A_834 = arith.constant 64 : index
        %get3A_835 = tpu.vector_load %arg9[%get3A_833, %get3A_834] {strides = array<i32>} : memref<64x128xf32, #tpu.memory_space<vmem>>, vector<1x16xf32>,
        %get3A_836 = vector.shape_cast %get3A_835 : vector<1x16xf32> to vector<16xf32>
        %mul3A_837 = arith.constant 11.3137083 : f32
        %mul3A_838 = vector.broadcast %mul3A_837 : f32 to vector<16xf32>
        %mul3A_839 = arith.mulf %get3A_836, %mul3A_838 : vector<16xf32>
        %mul3A_840 = arith.constant 2 : i32
        %mul3A_841 = arith.muli %mul3A_840, %scan3A_749 : i32
        %add3A_842 = arith.constant 0 : i32
        %add3A_843 = arith.addi %mul3A_841, %add3A_842 : i32
        %swap3A_844 = arith.index_cast %add3A_843 : i32 to index
        %swap3A_845 = arith.constant 64 : index
        %swap3A_846 = tpu.vector_load %arg9[%swap3A_844, %swap3A_845] {strides = array<i32>} : memref<64x128xf32, #tpu.memory_space<vmem>>, vector<1x16xf32>,
        %swap3A_847 = vector.shape_cast %swap3A_846 : vector<1x16xf32> to vector<16xf32>
        %swap3A_848 = vector.shape_cast %mul3A_839 : vector<16xf32> to vector<1x16xf32>
        tpu.vector_store %arg9[%swap3A_844, %swap3A_845], %swap3A_848 {strides = array<i32>} : memref<64x128xf32, #tpu.memory_space<vmem>>, vector<1x16xf32>,
        %mul3A_849 = arith.constant 2 : i32
        %mul3A_850 = arith.muli %mul3A_849, %scan3A_749 : i32
        %add3A_851 = arith.constant 0 : i32
        %add3A_852 = arith.addi %mul3A_850, %add3A_851 : i32
        %get3A_853 = arith.index_cast %add3A_852 : i32 to index
        %get3A_854 = arith.constant 80 : index
        %get3A_855 = tpu.vector_load %arg9[%get3A_853, %get3A_854] {strides = array<i32>} : memref<64x128xf32, #tpu.memory_space<vmem>>, vector<1x16xf32>,
        %get3A_856 = vector.shape_cast %get3A_855 : vector<1x16xf32> to vector<16xf32>
        %mul3A_857 = arith.constant 11.3137083 : f32
        %mul3A_858 = vector.broadcast %mul3A_857 : f32 to vector<16xf32>
        %mul3A_859 = arith.mulf %get3A_856, %mul3A_858 : vector<16xf32>
        %mul3A_860 = arith.constant 2 : i32
        %mul3A_861 = arith.muli %mul3A_860, %scan3A_749 : i32
        %add3A_862 = arith.constant 0 : i32
        %add3A_863 = arith.addi %mul3A_861, %add3A_862 : i32
        %swap3A_864 = arith.index_cast %add3A_863 : i32 to index
        %swap3A_865 = arith.constant 80 : index
        %swap3A_866 = tpu.vector_load %arg9[%swap3A_864, %swap3A_865] {strides = array<i32>} : memref<64x128xf32, #tpu.memory_space<vmem>>, vector<1x16xf32>,
        %swap3A_867 = vector.shape_cast %swap3A_866 : vector<1x16xf32> to vector<16xf32>
        %swap3A_868 = vector.shape_cast %mul3A_859 : vector<16xf32> to vector<1x16xf32>
        tpu.vector_store %arg9[%swap3A_864, %swap3A_865], %swap3A_868 {strides = array<i32>} : memref<64x128xf32, #tpu.memory_space<vmem>>, vector<1x16xf32>,
        %mul3A_869 = arith.constant 2 : i32
        %mul3A_870 = arith.muli %mul3A_869, %scan3A_749 : i32
        %add3A_871 = arith.constant 0 : i32
        %add3A_872 = arith.addi %mul3A_870, %add3A_871 : i32
        %get3A_873 = arith.index_cast %add3A_872 : i32 to index
        %get3A_874 = arith.constant 96 : index
        %get3A_875 = tpu.vector_load %arg9[%get3A_873, %get3A_874] {strides = array<i32>} : memref<64x128xf32, #tpu.memory_space<vmem>>, vector<1x16xf32>,
        %get3A_876 = vector.shape_cast %get3A_875 : vector<1x16xf32> to vector<16xf32>
        %mul3A_877 = arith.constant 11.3137083 : f32
        %mul3A_878 = vector.broadcast %mul3A_877 : f32 to vector<16xf32>
        %mul3A_879 = arith.mulf %get3A_876, %mul3A_878 : vector<16xf32>
        %mul3A_880 = arith.constant 2 : i32
        %mul3A_881 = arith.muli %mul3A_880, %scan3A_749 : i32
        %add3A_882 = arith.constant 0 : i32
        %add3A_883 = arith.addi %mul3A_881, %add3A_882 : i32
        %swap3A_884 = arith.index_cast %add3A_883 : i32 to index
        %swap3A_885 = arith.constant 96 : index
        %swap3A_886 = tpu.vector_load %arg9[%swap3A_884, %swap3A_885] {strides = array<i32>} : memref<64x128xf32, #tpu.memory_space<vmem>>, vector<1x16xf32>,
        %swap3A_887 = vector.shape_cast %swap3A_886 : vector<1x16xf32> to vector<16xf32>
        %swap3A_888 = vector.shape_cast %mul3A_879 : vector<16xf32> to vector<1x16xf32>
        tpu.vector_store %arg9[%swap3A_884, %swap3A_885], %swap3A_888 {strides = array<i32>} : memref<64x128xf32, #tpu.memory_space<vmem>>, vector<1x16xf32>,
        %mul3A_889 = arith.constant 2 : i32
        %mul3A_890 = arith.muli %mul3A_889, %scan3A_749 : i32
        %add3A_891 = arith.constant 0 : i32
        %add3A_892 = arith.addi %mul3A_890, %add3A_891 : i32
        %get3A_893 = arith.index_cast %add3A_892 : i32 to index
        %get3A_894 = arith.constant 112 : index
        %get3A_895 = tpu.vector_load %arg9[%get3A_893, %get3A_894] {strides = array<i32>} : memref<64x128xf32, #tpu.memory_space<vmem>>, vector<1x16xf32>,
        %get3A_896 = vector.shape_cast %get3A_895 : vector<1x16xf32> to vector<16xf32>
        %mul3A_897 = arith.constant 11.3137083 : f32
        %mul3A_898 = vector.broadcast %mul3A_897 : f32 to vector<16xf32>
        %mul3A_899 = arith.mulf %get3A_896, %mul3A_898 : vector<16xf32>
        %mul3A_900 = arith.constant 2 : i32
        %mul3A_901 = arith.muli %mul3A_900, %scan3A_749 : i32
        %add3A_902 = arith.constant 0 : i32
        %add3A_903 = arith.addi %mul3A_901, %add3A_902 : i32
        %swap3A_904 = arith.index_cast %add3A_903 : i32 to index
        %swap3A_905 = arith.constant 112 : index
        %swap3A_906 = tpu.vector_load %arg9[%swap3A_904, %swap3A_905] {strides = array<i32>} : memref<64x128xf32, #tpu.memory_space<vmem>>, vector<1x16xf32>,
        %swap3A_907 = vector.shape_cast %swap3A_906 : vector<1x16xf32> to vector<16xf32>
        %swap3A_908 = vector.shape_cast %mul3A_899 : vector<16xf32> to vector<1x16xf32>
        tpu.vector_store %arg9[%swap3A_904, %swap3A_905], %swap3A_908 {strides = array<i32>} : memref<64x128xf32, #tpu.memory_space<vmem>>, vector<1x16xf32>,
        %mul3A_909 = arith.constant 2 : i32
        %mul3A_910 = arith.muli %mul3A_909, %scan3A_749 : i32
        %add3A_911 = arith.constant 1 : i32
        %add3A_912 = arith.addi %mul3A_910, %add3A_911 : i32
        %get3A_913 = arith.index_cast %add3A_912 : i32 to index
        %get3A_914 = arith.constant 0 : index
        %get3A_915 = tpu.vector_load %arg9[%get3A_913, %get3A_914] {strides = array<i32>} : memref<64x128xf32, #tpu.memory_space<vmem>>, vector<1x16xf32>,
        %get3A_916 = vector.shape_cast %get3A_915 : vector<1x16xf32> to vector<16xf32>
        %mul3A_917 = arith.constant 11.3137083 : f32
        %mul3A_918 = vector.broadcast %mul3A_917 : f32 to vector<16xf32>
        %mul3A_919 = arith.mulf %get3A_916, %mul3A_918 : vector<16xf32>
        %mul3A_920 = arith.constant 2 : i32
        %mul3A_921 = arith.muli %mul3A_920, %scan3A_749 : i32
        %add3A_922 = arith.constant 1 : i32
        %add3A_923 = arith.addi %mul3A_921, %add3A_922 : i32
        %swap3A_924 = arith.index_cast %add3A_923 : i32 to index
        %swap3A_925 = arith.constant 0 : index
        %swap3A_926 = tpu.vector_load %arg9[%swap3A_924, %swap3A_925] {strides = array<i32>} : memref<64x128xf32, #tpu.memory_space<vmem>>, vector<1x16xf32>,
        %swap3A_927 = vector.shape_cast %swap3A_926 : vector<1x16xf32> to vector<16xf32>
        %swap3A_928 = vector.shape_cast %mul3A_919 : vector<16xf32> to vector<1x16xf32>
        tpu.vector_store %arg9[%swap3A_924, %swap3A_925], %swap3A_928 {strides = array<i32>} : memref<64x128xf32, #tpu.memory_space<vmem>>, vector<1x16xf32>,
        %mul3A_929 = arith.constant 2 : i32
        %mul3A_930 = arith.muli %mul3A_929, %scan3A_749 : i32
        %add3A_931 = arith.constant 1 : i32
        %add3A_932 = arith.addi %mul3A_930, %add3A_931 : i32
        %get3A_933 = arith.index_cast %add3A_932 : i32 to index
        %get3A_934 = arith.constant 16 : index
        %get3A_935 = tpu.vector_load %arg9[%get3A_933, %get3A_934] {strides = array<i32>} : memref<64x128xf32, #tpu.memory_space<vmem>>, vector<1x16xf32>,
        %get3A_936 = vector.shape_cast %get3A_935 : vector<1x16xf32> to vector<16xf32>
        %mul3A_937 = arith.constant 11.3137083 : f32
        %mul3A_938 = vector.broadcast %mul3A_937 : f32 to vector<16xf32>
        %mul3A_939 = arith.mulf %get3A_936, %mul3A_938 : vector<16xf32>
        %mul3A_940 = arith.constant 2 : i32
        %mul3A_941 = arith.muli %mul3A_940, %scan3A_749 : i32
        %add3A_942 = arith.constant 1 : i32
        %add3A_943 = arith.addi %mul3A_941, %add3A_942 : i32
        %swap3A_944 = arith.index_cast %add3A_943 : i32 to index
        %swap3A_945 = arith.constant 16 : index
        %swap3A_946 = tpu.vector_load %arg9[%swap3A_944, %swap3A_945] {strides = array<i32>} : memref<64x128xf32, #tpu.memory_space<vmem>>, vector<1x16xf32>,
        %swap3A_947 = vector.shape_cast %swap3A_946 : vector<1x16xf32> to vector<16xf32>
        %swap3A_948 = vector.shape_cast %mul3A_939 : vector<16xf32> to vector<1x16xf32>
        tpu.vector_store %arg9[%swap3A_944, %swap3A_945], %swap3A_948 {strides = array<i32>} : memref<64x128xf32, #tpu.memory_space<vmem>>, vector<1x16xf32>,
        %mul3A_949 = arith.constant 2 : i32
        %mul3A_950 = arith.muli %mul3A_949, %scan3A_749 : i32
        %add3A_951 = arith.constant 1 : i32
        %add3A_952 = arith.addi %mul3A_950, %add3A_951 : i32
        %get3A_953 = arith.index_cast %add3A_952 : i32 to index
        %get3A_954 = arith.constant 32 : index
        %get3A_955 = tpu.vector_load %arg9[%get3A_953, %get3A_954] {strides = array<i32>} : memref<64x128xf32, #tpu.memory_space<vmem>>, vector<1x16xf32>,
        %get3A_956 = vector.shape_cast %get3A_955 : vector<1x16xf32> to vector<16xf32>
        %mul3A_957 = arith.constant 11.3137083 : f32
        %mul3A_958 = vector.broadcast %mul3A_957 : f32 to vector<16xf32>
        %mul3A_959 = arith.mulf %get3A_956, %mul3A_958 : vector<16xf32>
        %mul3A_960 = arith.constant 2 : i32
        %mul3A_961 = arith.muli %mul3A_960, %scan3A_749 : i32
        %add3A_962 = arith.constant 1 : i32
        %add3A_963 = arith.addi %mul3A_961, %add3A_962 : i32
        %swap3A_964 = arith.index_cast %add3A_963 : i32 to index
        %swap3A_965 = arith.constant 32 : index
        %swap3A_966 = tpu.vector_load %arg9[%swap3A_964, %swap3A_965] {strides = array<i32>} : memref<64x128xf32, #tpu.memory_space<vmem>>, vector<1x16xf32>,
        %swap3A_967 = vector.shape_cast %swap3A_966 : vector<1x16xf32> to vector<16xf32>
        %swap3A_968 = vector.shape_cast %mul3A_959 : vector<16xf32> to vector<1x16xf32>
        tpu.vector_store %arg9[%swap3A_964, %swap3A_965], %swap3A_968 {strides = array<i32>} : memref<64x128xf32, #tpu.memory_space<vmem>>, vector<1x16xf32>,
        %mul3A_969 = arith.constant 2 : i32
        %mul3A_970 = arith.muli %mul3A_969, %scan3A_749 : i32
        %add3A_971 = arith.constant 1 : i32
        %add3A_972 = arith.addi %mul3A_970, %add3A_971 : i32
        %get3A_973 = arith.index_cast %add3A_972 : i32 to index
        %get3A_974 = arith.constant 48 : index
        %get3A_975 = tpu.vector_load %arg9[%get3A_973, %get3A_974] {strides = array<i32>} : memref<64x128xf32, #tpu.memory_space<vmem>>, vector<1x16xf32>,
        %get3A_976 = vector.shape_cast %get3A_975 : vector<1x16xf32> to vector<16xf32>
        %mul3A_977 = arith.constant 11.3137083 : f32
        %mul3A_978 = vector.broadcast %mul3A_977 : f32 to vector<16xf32>
        %mul3A_979 = arith.mulf %get3A_976, %mul3A_978 : vector<16xf32>
        %mul3A_980 = arith.constant 2 : i32
        %mul3A_981 = arith.muli %mul3A_980, %scan3A_749 : i32
        %add3A_982 = arith.constant 1 : i32
        %add3A_983 = arith.addi %mul3A_981, %add3A_982 : i32
        %swap3A_984 = arith.index_cast %add3A_983 : i32 to index
        %swap3A_985 = arith.constant 48 : index
        %swap3A_986 = tpu.vector_load %arg9[%swap3A_984, %swap3A_985] {strides = array<i32>} : memref<64x128xf32, #tpu.memory_space<vmem>>, vector<1x16xf32>,
        %swap3A_987 = vector.shape_cast %swap3A_986 : vector<1x16xf32> to vector<16xf32>
        %swap3A_988 = vector.shape_cast %mul3A_979 : vector<16xf32> to vector<1x16xf32>
        tpu.vector_store %arg9[%swap3A_984, %swap3A_985], %swap3A_988 {strides = array<i32>} : memref<64x128xf32, #tpu.memory_space<vmem>>, vector<1x16xf32>,
        %mul3A_989 = arith.constant 2 : i32
        %mul3A_990 = arith.muli %mul3A_989, %scan3A_749 : i32
        %add3A_991 = arith.constant 1 : i32
        %add3A_992 = arith.addi %mul3A_990, %add3A_991 : i32
        %get3A_993 = arith.index_cast %add3A_992 : i32 to index
        %get3A_994 = arith.constant 64 : index
        %get3A_995 = tpu.vector_load %arg9[%get3A_993, %get3A_994] {strides = array<i32>} : memref<64x128xf32, #tpu.memory_space<vmem>>, vector<1x16xf32>,
        %get3A_996 = vector.shape_cast %get3A_995 : vector<1x16xf32> to vector<16xf32>
        %mul3A_997 = arith.constant 11.3137083 : f32
        %mul3A_998 = vector.broadcast %mul3A_997 : f32 to vector<16xf32>
        %mul3A_999 = arith.mulf %get3A_996, %mul3A_998 : vector<16xf32>
        %mul3A_1000 = arith.constant 2 : i32
        %mul3A_1001 = arith.muli %mul3A_1000, %scan3A_749 : i32
        %add3A_1002 = arith.constant 1 : i32
        %add3A_1003 = arith.addi %mul3A_1001, %add3A_1002 : i32
        %swap3A_1004 = arith.index_cast %add3A_1003 : i32 to index
        %swap3A_1005 = arith.constant 64 : index
        %swap3A_1006 = tpu.vector_load %arg9[%swap3A_1004, %swap3A_1005] {strides = array<i32>} : memref<64x128xf32, #tpu.memory_space<vmem>>, vector<1x16xf32>,
        %swap3A_1007 = vector.shape_cast %swap3A_1006 : vector<1x16xf32> to vector<16xf32>
        %swap3A_1008 = vector.shape_cast %mul3A_999 : vector<16xf32> to vector<1x16xf32>
        tpu.vector_store %arg9[%swap3A_1004, %swap3A_1005], %swap3A_1008 {strides = array<i32>} : memref<64x128xf32, #tpu.memory_space<vmem>>, vector<1x16xf32>,
        %mul3A_1009 = arith.constant 2 : i32
        %mul3A_1010 = arith.muli %mul3A_1009, %scan3A_749 : i32
        %add3A_1011 = arith.constant 1 : i32
        %add3A_1012 = arith.addi %mul3A_1010, %add3A_1011 : i32
        %get3A_1013 = arith.index_cast %add3A_1012 : i32 to index
        %get3A_1014 = arith.constant 80 : index
        %get3A_1015 = tpu.vector_load %arg9[%get3A_1013, %get3A_1014] {strides = array<i32>} : memref<64x128xf32, #tpu.memory_space<vmem>>, vector<1x16xf32>,
        %get3A_1016 = vector.shape_cast %get3A_1015 : vector<1x16xf32> to vector<16xf32>
        %mul3A_1017 = arith.constant 11.3137083 : f32
        %mul3A_1018 = vector.broadcast %mul3A_1017 : f32 to vector<16xf32>
        %mul3A_1019 = arith.mulf %get3A_1016, %mul3A_1018 : vector<16xf32>
        %mul3A_1020 = arith.constant 2 : i32
        %mul3A_1021 = arith.muli %mul3A_1020, %scan3A_749 : i32
        %add3A_1022 = arith.constant 1 : i32
        %add3A_1023 = arith.addi %mul3A_1021, %add3A_1022 : i32
        %swap3A_1024 = arith.index_cast %add3A_1023 : i32 to index
        %swap3A_1025 = arith.constant 80 : index
        %swap3A_1026 = tpu.vector_load %arg9[%swap3A_1024, %swap3A_1025] {strides = array<i32>} : memref<64x128xf32, #tpu.memory_space<vmem>>, vector<1x16xf32>,
        %swap3A_1027 = vector.shape_cast %swap3A_1026 : vector<1x16xf32> to vector<16xf32>
        %swap3A_1028 = vector.shape_cast %mul3A_1019 : vector<16xf32> to vector<1x16xf32>
        tpu.vector_store %arg9[%swap3A_1024, %swap3A_1025], %swap3A_1028 {strides = array<i32>} : memref<64x128xf32, #tpu.memory_space<vmem>>, vector<1x16xf32>,
        %mul3A_1029 = arith.constant 2 : i32
        %mul3A_1030 = arith.muli %mul3A_1029, %scan3A_749 : i32
        %add3A_1031 = arith.constant 1 : i32
        %add3A_1032 = arith.addi %mul3A_1030, %add3A_1031 : i32
        %get3A_1033 = arith.index_cast %add3A_1032 : i32 to index
        %get3A_1034 = arith.constant 96 : index
        %get3A_1035 = tpu.vector_load %arg9[%get3A_1033, %get3A_1034] {strides = array<i32>} : memref<64x128xf32, #tpu.memory_space<vmem>>, vector<1x16xf32>,
        %get3A_1036 = vector.shape_cast %get3A_1035 : vector<1x16xf32> to vector<16xf32>
        %mul3A_1037 = arith.constant 11.3137083 : f32
        %mul3A_1038 = vector.broadcast %mul3A_1037 : f32 to vector<16xf32>
        %mul3A_1039 = arith.mulf %get3A_1036, %mul3A_1038 : vector<16xf32>
        %mul3A_1040 = arith.constant 2 : i32
        %mul3A_1041 = arith.muli %mul3A_1040, %scan3A_749 : i32
        %add3A_1042 = arith.constant 1 : i32
        %add3A_1043 = arith.addi %mul3A_1041, %add3A_1042 : i32
        %swap3A_1044 = arith.index_cast %add3A_1043 : i32 to index
        %swap3A_1045 = arith.constant 96 : index
        %swap3A_1046 = tpu.vector_load %arg9[%swap3A_1044, %swap3A_1045] {strides = array<i32>} : memref<64x128xf32, #tpu.memory_space<vmem>>, vector<1x16xf32>,
        %swap3A_1047 = vector.shape_cast %swap3A_1046 : vector<1x16xf32> to vector<16xf32>
        %swap3A_1048 = vector.shape_cast %mul3A_1039 : vector<16xf32> to vector<1x16xf32>
        tpu.vector_store %arg9[%swap3A_1044, %swap3A_1045], %swap3A_1048 {strides = array<i32>} : memref<64x128xf32, #tpu.memory_space<vmem>>, vector<1x16xf32>,
        %mul3A_1049 = arith.constant 2 : i32
        %mul3A_1050 = arith.muli %mul3A_1049, %scan3A_749 : i32
        %add3A_1051 = arith.constant 1 : i32
        %add3A_1052 = arith.addi %mul3A_1050, %add3A_1051 : i32
        %get3A_1053 = arith.index_cast %add3A_1052 : i32 to index
        %get3A_1054 = arith.constant 112 : index
        %get3A_1055 = tpu.vector_load %arg9[%get3A_1053, %get3A_1054] {strides = array<i32>} : memref<64x128xf32, #tpu.memory_space<vmem>>, vector<1x16xf32>,
        %get3A_1056 = vector.shape_cast %get3A_1055 : vector<1x16xf32> to vector<16xf32>
        %mul3A_1057 = arith.constant 11.3137083 : f32
        %mul3A_1058 = vector.broadcast %mul3A_1057 : f32 to vector<16xf32>
        %mul3A_1059 = arith.mulf %get3A_1056, %mul3A_1058 : vector<16xf32>
        %mul3A_1060 = arith.constant 2 : i32
        %mul3A_1061 = arith.muli %mul3A_1060, %scan3A_749 : i32
        %add3A_1062 = arith.constant 1 : i32
        %add3A_1063 = arith.addi %mul3A_1061, %add3A_1062 : i32
        %swap3A_1064 = arith.index_cast %add3A_1063 : i32 to index
        %swap3A_1065 = arith.constant 112 : index
        %swap3A_1066 = tpu.vector_load %arg9[%swap3A_1064, %swap3A_1065] {strides = array<i32>} : memref<64x128xf32, #tpu.memory_space<vmem>>, vector<1x16xf32>,
        %swap3A_1067 = vector.shape_cast %swap3A_1066 : vector<1x16xf32> to vector<16xf32>
        %swap3A_1068 = vector.shape_cast %mul3A_1059 : vector<16xf32> to vector<1x16xf32>
        tpu.vector_store %arg9[%swap3A_1064, %swap3A_1065], %swap3A_1068 {strides = array<i32>} : memref<64x128xf32, #tpu.memory_space<vmem>>, vector<1x16xf32>,
        scf.yield %scan3A_749 : i32
      }
      %scan3A_453 = arith.constant 32 : i32
      %div3A_454 = arith.constant 2 : i32
      %div3A_455 = arith.divsi %add3A_423, %div3A_454 : i32
      %rem3A_456 = arith.constant 2 : i32
      %rem3A_457 = arith.remsi %add3A_423, %rem3A_456 : i32
      %mul3A_458 = arith.constant 64 : i32
      %mul3A_459 = arith.muli %rem3A_457, %mul3A_458 : i32
      %add3A_460 = arith.addi %mul3A_2, %mul3A_459 : i32
      %dma_start3A_461 = arith.constant 0 : i32
      %dma_start3A_462 = tpu.memref_slice %arg4[%div3A_455, %add3A_460, %dma_start3A_461] : memref<50x4096x128xf32, #tpu.memory_space<hbm>> -> memref<1x64x128xf32, #tpu.memory_space<hbm>>
      %dma_start3A_463 = tpu.memref_squeeze %dma_start3A_462 : memref<1x64x128xf32, #tpu.memory_space<hbm>> -> memref<64x128xf32, #tpu.memory_space<hbm>>
      %dma_start3A_464 = arith.constant 0 : i32
      %dma_start3A_465 = tpu.memref_slice %arg4[%div3A_455, %add3A_460, %dma_start3A_464] : memref<50x4096x128xf32, #tpu.memory_space<hbm>> -> memref<1x64x128xf32, #tpu.memory_space<hbm>>
      %dma_start3A_466 = tpu.memref_squeeze %dma_start3A_465 : memref<1x64x128xf32, #tpu.memory_space<hbm>> -> memref<64x128xf32, #tpu.memory_space<hbm>>
      tpu.enqueue_dma source(%arg9 : memref<64x128xf32, #tpu.memory_space<vmem>>) target(%dma_start3A_466 : memref<64x128xf32, #tpu.memory_space<hbm>>) target_semaphore(%arg29 : memref<!tpu.dma_semaphore, #tpu.memory_space<semaphore_mem>>)
      %mul3A_467 = arith.constant 10 : i32
      %mul3A_468 = arith.muli %scan3A_284, %mul3A_467 : i32
      %add3A_469 = arith.constant 4 : i32
      %add3A_470 = arith.addi %mul3A_468, %add3A_469 : i32
      %sub3A_471 = arith.constant 2 : i32
      %sub3A_472 = arith.subi %add3A_470, %sub3A_471 : i32
      %ge3A_473 = arith.constant 0 : i32
      %ge3A_474 = arith.cmpi sge, %sub3A_472, %ge3A_473 : i32
      %add3A_475 = arith.constant 10 : i32
      %add3A_476 = arith.addi %sub3A_472, %add3A_475 : i32
      %lt3A_477 = arith.constant 100 : i32
      %lt3A_478 = arith.cmpi slt, %add3A_476, %lt3A_477 : i32
      %and3A_479 = arith.andi %ge3A_474, %lt3A_478 : i1
      %convert_element_type3A_480 = arith.extui %and3A_479 : i1 to i32
      %cond3A_481 = arith.constant 0 : i32
      %cond3A_482 = arith.cmpi ne, %convert_element_type3A_480, %cond3A_481 : i32
      scf.if %cond3A_482 {
        %div3A_749 = arith.constant 2 : i32
        %div3A_750 = arith.divsi %sub3A_472, %div3A_749 : i32
        %rem3A_751 = arith.constant 2 : i32
        %rem3A_752 = arith.remsi %sub3A_472, %rem3A_751 : i32
        %mul3A_753 = arith.constant 64 : i32
        %mul3A_754 = arith.muli %rem3A_752, %mul3A_753 : i32
        %add3A_755 = arith.addi %mul3A_2, %mul3A_754 : i32
        %dma_wait3A_756 = arith.constant 0 : i32
        %dma_wait3A_757 = tpu.memref_slice %arg4[%div3A_750, %add3A_755, %dma_wait3A_756] : memref<50x4096x128xf32, #tpu.memory_space<hbm>> -> memref<1x64x128xf32, #tpu.memory_space<hbm>>
        %dma_wait3A_758 = tpu.memref_squeeze %dma_wait3A_757 : memref<1x64x128xf32, #tpu.memory_space<hbm>> -> memref<64x128xf32, #tpu.memory_space<hbm>>
        %dma_wait3A_759 = arith.constant 0 : i32
        %dma_wait3A_760 = tpu.memref_slice %arg4[%div3A_750, %add3A_755, %dma_wait3A_759] : memref<50x4096x128xf32, #tpu.memory_space<hbm>> -> memref<1x64x128xf32, #tpu.memory_space<hbm>>
        %dma_wait3A_761 = tpu.memref_squeeze %dma_wait3A_760 : memref<1x64x128xf32, #tpu.memory_space<hbm>> -> memref<64x128xf32, #tpu.memory_space<hbm>>
        tpu.wait_dma2 semaphore(%arg28 : memref<!tpu.dma_semaphore, #tpu.memory_space<semaphore_mem>>) src(%arg8 : memref<64x128xf32, #tpu.memory_space<vmem>>) dst(%dma_wait3A_761 : memref<64x128xf32, #tpu.memory_space<hbm>>)
        %add3A_762 = arith.constant 10 : i32
        %add3A_763 = arith.addi %sub3A_472, %add3A_762 : i32
        %div3A_764 = arith.constant 2 : i32
        %div3A_765 = arith.divsi %add3A_763, %div3A_764 : i32
        %rem3A_766 = arith.constant 2 : i32
        %rem3A_767 = arith.remsi %add3A_763, %rem3A_766 : i32
        %mul3A_768 = arith.constant 64 : i32
        %mul3A_769 = arith.muli %rem3A_767, %mul3A_768 : i32
        %dma_start3A_770 = tpu.memref_slice %arg5[%div3A_765, %mul3A_769] : memref<50x128xi32, #tpu.memory_space<vmem>> -> memref<1x64xi32, #tpu.memory_space<vmem>>
        %dma_start3A_771 = tpu.memref_squeeze %dma_start3A_770 : memref<1x64xi32, #tpu.memory_space<vmem>> -> memref<64xi32, #tpu.memory_space<vmem>>
        %dma_start3A_772 = arith.constant 0 : i32
        %dma_start3A_773 = arith.constant 0 : i32
        %dma_start3A_774 = tpu.memref_slice %arg3[%dma_start3A_772, %dma_start3A_773] : memref<100000x128xf32, #tpu.memory_space<hbm>> -> memref<100000x128xf32, #tpu.memory_space<hbm>>
        tpu.enqueue_indirect_dma source(%dma_start3A_774 : memref<100000x128xf32, #tpu.memory_space<hbm>>) target(%arg8 : memref<64x128xf32, #tpu.memory_space<vmem>>) offsets(%dma_start3A_771 : memref<64xi32, #tpu.memory_space<vmem>>) semaphore(%arg18 : memref<!tpu.dma_semaphore, #tpu.memory_space<semaphore_mem>>)
      } else {
      }
      %div3A_483 = arith.constant 2 : i32
      %div3A_484 = arith.divsi %add3A_470, %div3A_483 : i32
      %rem3A_485 = arith.constant 2 : i32
      %rem3A_486 = arith.remsi %add3A_470, %rem3A_485 : i32
      %mul3A_487 = arith.constant 64 : i32
      %mul3A_488 = arith.muli %rem3A_486, %mul3A_487 : i32
      %dma_wait3A_489 = tpu.memref_slice %arg5[%div3A_484, %mul3A_488] : memref<50x128xi32, #tpu.memory_space<vmem>> -> memref<1x64xi32, #tpu.memory_space<vmem>>
      %dma_wait3A_490 = tpu.memref_squeeze %dma_wait3A_489 : memref<1x64xi32, #tpu.memory_space<vmem>> -> memref<64xi32, #tpu.memory_space<vmem>>
      %dma_wait3A_491 = arith.constant 0 : i32
      %dma_wait3A_492 = arith.constant 0 : i32
      %dma_wait3A_493 = tpu.memref_slice %arg3[%dma_wait3A_491, %dma_wait3A_492] : memref<100000x128xf32, #tpu.memory_space<hbm>> -> memref<100000x128xf32, #tpu.memory_space<hbm>>
      tpu.wait_indirect_dma semaphore(%arg20 : memref<!tpu.dma_semaphore, #tpu.memory_space<semaphore_mem>>) src(%dma_wait3A_493 : memref<100000x128xf32, #tpu.memory_space<hbm>>) dst(%arg10 : memref<64x128xf32, #tpu.memory_space<vmem>>)
      %scan3A_494 = arith.constant 0 : i32
      %scan3A_495 = arith.constant 0 : i32
      %scan3A_496 = arith.constant 32 : i32
      %scan3A_497 = arith.addi %scan3A_495, %scan3A_496 : i32
      %scan3A_498 = arith.constant 1 : i32
      %scan3A_499 = scf.for %scan3A_749 = %scan3A_495 to %scan3A_497 step %scan3A_498 iter_args(%scan3A_750 = %scan3A_494) -> (i32)  : i32 {
        %mul3A_751 = arith.constant 2 : i32
        %mul3A_752 = arith.muli %mul3A_751, %scan3A_749 : i32
        %add3A_753 = arith.constant 0 : i32
        %add3A_754 = arith.addi %mul3A_752, %add3A_753 : i32
        %get3A = arith.index_cast %add3A_754 : i32 to index
        %get3A_755 = arith.constant 0 : index
        %get3A_756 = tpu.vector_load %arg10[%get3A, %get3A_755] {strides = array<i32>} : memref<64x128xf32, #tpu.memory_space<vmem>>, vector<1x16xf32>,
        %get3A_757 = vector.shape_cast %get3A_756 : vector<1x16xf32> to vector<16xf32>
        %mul3A_758 = arith.constant 11.3137083 : f32
        %mul3A_759 = vector.broadcast %mul3A_758 : f32 to vector<16xf32>
        %mul3A_760 = arith.mulf %get3A_757, %mul3A_759 : vector<16xf32>
        %mul3A_761 = arith.constant 2 : i32
        %mul3A_762 = arith.muli %mul3A_761, %scan3A_749 : i32
        %add3A_763 = arith.constant 0 : i32
        %add3A_764 = arith.addi %mul3A_762, %add3A_763 : i32
        %swap3A = arith.index_cast %add3A_764 : i32 to index
        %swap3A_765 = arith.constant 0 : index
        %swap3A_766 = tpu.vector_load %arg10[%swap3A, %swap3A_765] {strides = array<i32>} : memref<64x128xf32, #tpu.memory_space<vmem>>, vector<1x16xf32>,
        %swap3A_767 = vector.shape_cast %swap3A_766 : vector<1x16xf32> to vector<16xf32>
        %swap3A_768 = vector.shape_cast %mul3A_760 : vector<16xf32> to vector<1x16xf32>
        tpu.vector_store %arg10[%swap3A, %swap3A_765], %swap3A_768 {strides = array<i32>} : memref<64x128xf32, #tpu.memory_space<vmem>>, vector<1x16xf32>,
        %mul3A_769 = arith.constant 2 : i32
        %mul3A_770 = arith.muli %mul3A_769, %scan3A_749 : i32
        %add3A_771 = arith.constant 0 : i32
        %add3A_772 = arith.addi %mul3A_770, %add3A_771 : i32
        %get3A_773 = arith.index_cast %add3A_772 : i32 to index
        %get3A_774 = arith.constant 16 : index
        %get3A_775 = tpu.vector_load %arg10[%get3A_773, %get3A_774] {strides = array<i32>} : memref<64x128xf32, #tpu.memory_space<vmem>>, vector<1x16xf32>,
        %get3A_776 = vector.shape_cast %get3A_775 : vector<1x16xf32> to vector<16xf32>
        %mul3A_777 = arith.constant 11.3137083 : f32
        %mul3A_778 = vector.broadcast %mul3A_777 : f32 to vector<16xf32>
        %mul3A_779 = arith.mulf %get3A_776, %mul3A_778 : vector<16xf32>
        %mul3A_780 = arith.constant 2 : i32
        %mul3A_781 = arith.muli %mul3A_780, %scan3A_749 : i32
        %add3A_782 = arith.constant 0 : i32
        %add3A_783 = arith.addi %mul3A_781, %add3A_782 : i32
        %swap3A_784 = arith.index_cast %add3A_783 : i32 to index
        %swap3A_785 = arith.constant 16 : index
        %swap3A_786 = tpu.vector_load %arg10[%swap3A_784, %swap3A_785] {strides = array<i32>} : memref<64x128xf32, #tpu.memory_space<vmem>>, vector<1x16xf32>,
        %swap3A_787 = vector.shape_cast %swap3A_786 : vector<1x16xf32> to vector<16xf32>
        %swap3A_788 = vector.shape_cast %mul3A_779 : vector<16xf32> to vector<1x16xf32>
        tpu.vector_store %arg10[%swap3A_784, %swap3A_785], %swap3A_788 {strides = array<i32>} : memref<64x128xf32, #tpu.memory_space<vmem>>, vector<1x16xf32>,
        %mul3A_789 = arith.constant 2 : i32
        %mul3A_790 = arith.muli %mul3A_789, %scan3A_749 : i32
        %add3A_791 = arith.constant 0 : i32
        %add3A_792 = arith.addi %mul3A_790, %add3A_791 : i32
        %get3A_793 = arith.index_cast %add3A_792 : i32 to index
        %get3A_794 = arith.constant 32 : index
        %get3A_795 = tpu.vector_load %arg10[%get3A_793, %get3A_794] {strides = array<i32>} : memref<64x128xf32, #tpu.memory_space<vmem>>, vector<1x16xf32>,
        %get3A_796 = vector.shape_cast %get3A_795 : vector<1x16xf32> to vector<16xf32>
        %mul3A_797 = arith.constant 11.3137083 : f32
        %mul3A_798 = vector.broadcast %mul3A_797 : f32 to vector<16xf32>
        %mul3A_799 = arith.mulf %get3A_796, %mul3A_798 : vector<16xf32>
        %mul3A_800 = arith.constant 2 : i32
        %mul3A_801 = arith.muli %mul3A_800, %scan3A_749 : i32
        %add3A_802 = arith.constant 0 : i32
        %add3A_803 = arith.addi %mul3A_801, %add3A_802 : i32
        %swap3A_804 = arith.index_cast %add3A_803 : i32 to index
        %swap3A_805 = arith.constant 32 : index
        %swap3A_806 = tpu.vector_load %arg10[%swap3A_804, %swap3A_805] {strides = array<i32>} : memref<64x128xf32, #tpu.memory_space<vmem>>, vector<1x16xf32>,
        %swap3A_807 = vector.shape_cast %swap3A_806 : vector<1x16xf32> to vector<16xf32>
        %swap3A_808 = vector.shape_cast %mul3A_799 : vector<16xf32> to vector<1x16xf32>
        tpu.vector_store %arg10[%swap3A_804, %swap3A_805], %swap3A_808 {strides = array<i32>} : memref<64x128xf32, #tpu.memory_space<vmem>>, vector<1x16xf32>,
        %mul3A_809 = arith.constant 2 : i32
        %mul3A_810 = arith.muli %mul3A_809, %scan3A_749 : i32
        %add3A_811 = arith.constant 0 : i32
        %add3A_812 = arith.addi %mul3A_810, %add3A_811 : i32
        %get3A_813 = arith.index_cast %add3A_812 : i32 to index
        %get3A_814 = arith.constant 48 : index
        %get3A_815 = tpu.vector_load %arg10[%get3A_813, %get3A_814] {strides = array<i32>} : memref<64x128xf32, #tpu.memory_space<vmem>>, vector<1x16xf32>,
        %get3A_816 = vector.shape_cast %get3A_815 : vector<1x16xf32> to vector<16xf32>
        %mul3A_817 = arith.constant 11.3137083 : f32
        %mul3A_818 = vector.broadcast %mul3A_817 : f32 to vector<16xf32>
        %mul3A_819 = arith.mulf %get3A_816, %mul3A_818 : vector<16xf32>
        %mul3A_820 = arith.constant 2 : i32
        %mul3A_821 = arith.muli %mul3A_820, %scan3A_749 : i32
        %add3A_822 = arith.constant 0 : i32
        %add3A_823 = arith.addi %mul3A_821, %add3A_822 : i32
        %swap3A_824 = arith.index_cast %add3A_823 : i32 to index
        %swap3A_825 = arith.constant 48 : index
        %swap3A_826 = tpu.vector_load %arg10[%swap3A_824, %swap3A_825] {strides = array<i32>} : memref<64x128xf32, #tpu.memory_space<vmem>>, vector<1x16xf32>,
        %swap3A_827 = vector.shape_cast %swap3A_826 : vector<1x16xf32> to vector<16xf32>
        %swap3A_828 = vector.shape_cast %mul3A_819 : vector<16xf32> to vector<1x16xf32>
        tpu.vector_store %arg10[%swap3A_824, %swap3A_825], %swap3A_828 {strides = array<i32>} : memref<64x128xf32, #tpu.memory_space<vmem>>, vector<1x16xf32>,
        %mul3A_829 = arith.constant 2 : i32
        %mul3A_830 = arith.muli %mul3A_829, %scan3A_749 : i32
        %add3A_831 = arith.constant 0 : i32
        %add3A_832 = arith.addi %mul3A_830, %add3A_831 : i32
        %get3A_833 = arith.index_cast %add3A_832 : i32 to index
        %get3A_834 = arith.constant 64 : index
        %get3A_835 = tpu.vector_load %arg10[%get3A_833, %get3A_834] {strides = array<i32>} : memref<64x128xf32, #tpu.memory_space<vmem>>, vector<1x16xf32>,
        %get3A_836 = vector.shape_cast %get3A_835 : vector<1x16xf32> to vector<16xf32>
        %mul3A_837 = arith.constant 11.3137083 : f32
        %mul3A_838 = vector.broadcast %mul3A_837 : f32 to vector<16xf32>
        %mul3A_839 = arith.mulf %get3A_836, %mul3A_838 : vector<16xf32>
        %mul3A_840 = arith.constant 2 : i32
        %mul3A_841 = arith.muli %mul3A_840, %scan3A_749 : i32
        %add3A_842 = arith.constant 0 : i32
        %add3A_843 = arith.addi %mul3A_841, %add3A_842 : i32
        %swap3A_844 = arith.index_cast %add3A_843 : i32 to index
        %swap3A_845 = arith.constant 64 : index
        %swap3A_846 = tpu.vector_load %arg10[%swap3A_844, %swap3A_845] {strides = array<i32>} : memref<64x128xf32, #tpu.memory_space<vmem>>, vector<1x16xf32>,
        %swap3A_847 = vector.shape_cast %swap3A_846 : vector<1x16xf32> to vector<16xf32>
        %swap3A_848 = vector.shape_cast %mul3A_839 : vector<16xf32> to vector<1x16xf32>
        tpu.vector_store %arg10[%swap3A_844, %swap3A_845], %swap3A_848 {strides = array<i32>} : memref<64x128xf32, #tpu.memory_space<vmem>>, vector<1x16xf32>,
        %mul3A_849 = arith.constant 2 : i32
        %mul3A_850 = arith.muli %mul3A_849, %scan3A_749 : i32
        %add3A_851 = arith.constant 0 : i32
        %add3A_852 = arith.addi %mul3A_850, %add3A_851 : i32
        %get3A_853 = arith.index_cast %add3A_852 : i32 to index
        %get3A_854 = arith.constant 80 : index
        %get3A_855 = tpu.vector_load %arg10[%get3A_853, %get3A_854] {strides = array<i32>} : memref<64x128xf32, #tpu.memory_space<vmem>>, vector<1x16xf32>,
        %get3A_856 = vector.shape_cast %get3A_855 : vector<1x16xf32> to vector<16xf32>
        %mul3A_857 = arith.constant 11.3137083 : f32
        %mul3A_858 = vector.broadcast %mul3A_857 : f32 to vector<16xf32>
        %mul3A_859 = arith.mulf %get3A_856, %mul3A_858 : vector<16xf32>
        %mul3A_860 = arith.constant 2 : i32
        %mul3A_861 = arith.muli %mul3A_860, %scan3A_749 : i32
        %add3A_862 = arith.constant 0 : i32
        %add3A_863 = arith.addi %mul3A_861, %add3A_862 : i32
        %swap3A_864 = arith.index_cast %add3A_863 : i32 to index
        %swap3A_865 = arith.constant 80 : index
        %swap3A_866 = tpu.vector_load %arg10[%swap3A_864, %swap3A_865] {strides = array<i32>} : memref<64x128xf32, #tpu.memory_space<vmem>>, vector<1x16xf32>,
        %swap3A_867 = vector.shape_cast %swap3A_866 : vector<1x16xf32> to vector<16xf32>
        %swap3A_868 = vector.shape_cast %mul3A_859 : vector<16xf32> to vector<1x16xf32>
        tpu.vector_store %arg10[%swap3A_864, %swap3A_865], %swap3A_868 {strides = array<i32>} : memref<64x128xf32, #tpu.memory_space<vmem>>, vector<1x16xf32>,
        %mul3A_869 = arith.constant 2 : i32
        %mul3A_870 = arith.muli %mul3A_869, %scan3A_749 : i32
        %add3A_871 = arith.constant 0 : i32
        %add3A_872 = arith.addi %mul3A_870, %add3A_871 : i32
        %get3A_873 = arith.index_cast %add3A_872 : i32 to index
        %get3A_874 = arith.constant 96 : index
        %get3A_875 = tpu.vector_load %arg10[%get3A_873, %get3A_874] {strides = array<i32>} : memref<64x128xf32, #tpu.memory_space<vmem>>, vector<1x16xf32>,
        %get3A_876 = vector.shape_cast %get3A_875 : vector<1x16xf32> to vector<16xf32>
        %mul3A_877 = arith.constant 11.3137083 : f32
        %mul3A_878 = vector.broadcast %mul3A_877 : f32 to vector<16xf32>
        %mul3A_879 = arith.mulf %get3A_876, %mul3A_878 : vector<16xf32>
        %mul3A_880 = arith.constant 2 : i32
        %mul3A_881 = arith.muli %mul3A_880, %scan3A_749 : i32
        %add3A_882 = arith.constant 0 : i32
        %add3A_883 = arith.addi %mul3A_881, %add3A_882 : i32
        %swap3A_884 = arith.index_cast %add3A_883 : i32 to index
        %swap3A_885 = arith.constant 96 : index
        %swap3A_886 = tpu.vector_load %arg10[%swap3A_884, %swap3A_885] {strides = array<i32>} : memref<64x128xf32, #tpu.memory_space<vmem>>, vector<1x16xf32>,
        %swap3A_887 = vector.shape_cast %swap3A_886 : vector<1x16xf32> to vector<16xf32>
        %swap3A_888 = vector.shape_cast %mul3A_879 : vector<16xf32> to vector<1x16xf32>
        tpu.vector_store %arg10[%swap3A_884, %swap3A_885], %swap3A_888 {strides = array<i32>} : memref<64x128xf32, #tpu.memory_space<vmem>>, vector<1x16xf32>,
        %mul3A_889 = arith.constant 2 : i32
        %mul3A_890 = arith.muli %mul3A_889, %scan3A_749 : i32
        %add3A_891 = arith.constant 0 : i32
        %add3A_892 = arith.addi %mul3A_890, %add3A_891 : i32
        %get3A_893 = arith.index_cast %add3A_892 : i32 to index
        %get3A_894 = arith.constant 112 : index
        %get3A_895 = tpu.vector_load %arg10[%get3A_893, %get3A_894] {strides = array<i32>} : memref<64x128xf32, #tpu.memory_space<vmem>>, vector<1x16xf32>,
        %get3A_896 = vector.shape_cast %get3A_895 : vector<1x16xf32> to vector<16xf32>
        %mul3A_897 = arith.constant 11.3137083 : f32
        %mul3A_898 = vector.broadcast %mul3A_897 : f32 to vector<16xf32>
        %mul3A_899 = arith.mulf %get3A_896, %mul3A_898 : vector<16xf32>
        %mul3A_900 = arith.constant 2 : i32
        %mul3A_901 = arith.muli %mul3A_900, %scan3A_749 : i32
        %add3A_902 = arith.constant 0 : i32
        %add3A_903 = arith.addi %mul3A_901, %add3A_902 : i32
        %swap3A_904 = arith.index_cast %add3A_903 : i32 to index
        %swap3A_905 = arith.constant 112 : index
        %swap3A_906 = tpu.vector_load %arg10[%swap3A_904, %swap3A_905] {strides = array<i32>} : memref<64x128xf32, #tpu.memory_space<vmem>>, vector<1x16xf32>,
        %swap3A_907 = vector.shape_cast %swap3A_906 : vector<1x16xf32> to vector<16xf32>
        %swap3A_908 = vector.shape_cast %mul3A_899 : vector<16xf32> to vector<1x16xf32>
        tpu.vector_store %arg10[%swap3A_904, %swap3A_905], %swap3A_908 {strides = array<i32>} : memref<64x128xf32, #tpu.memory_space<vmem>>, vector<1x16xf32>,
        %mul3A_909 = arith.constant 2 : i32
        %mul3A_910 = arith.muli %mul3A_909, %scan3A_749 : i32
        %add3A_911 = arith.constant 1 : i32
        %add3A_912 = arith.addi %mul3A_910, %add3A_911 : i32
        %get3A_913 = arith.index_cast %add3A_912 : i32 to index
        %get3A_914 = arith.constant 0 : index
        %get3A_915 = tpu.vector_load %arg10[%get3A_913, %get3A_914] {strides = array<i32>} : memref<64x128xf32, #tpu.memory_space<vmem>>, vector<1x16xf32>,
        %get3A_916 = vector.shape_cast %get3A_915 : vector<1x16xf32> to vector<16xf32>
        %mul3A_917 = arith.constant 11.3137083 : f32
        %mul3A_918 = vector.broadcast %mul3A_917 : f32 to vector<16xf32>
        %mul3A_919 = arith.mulf %get3A_916, %mul3A_918 : vector<16xf32>
        %mul3A_920 = arith.constant 2 : i32
        %mul3A_921 = arith.muli %mul3A_920, %scan3A_749 : i32
        %add3A_922 = arith.constant 1 : i32
        %add3A_923 = arith.addi %mul3A_921, %add3A_922 : i32
        %swap3A_924 = arith.index_cast %add3A_923 : i32 to index
        %swap3A_925 = arith.constant 0 : index
        %swap3A_926 = tpu.vector_load %arg10[%swap3A_924, %swap3A_925] {strides = array<i32>} : memref<64x128xf32, #tpu.memory_space<vmem>>, vector<1x16xf32>,
        %swap3A_927 = vector.shape_cast %swap3A_926 : vector<1x16xf32> to vector<16xf32>
        %swap3A_928 = vector.shape_cast %mul3A_919 : vector<16xf32> to vector<1x16xf32>
        tpu.vector_store %arg10[%swap3A_924, %swap3A_925], %swap3A_928 {strides = array<i32>} : memref<64x128xf32, #tpu.memory_space<vmem>>, vector<1x16xf32>,
        %mul3A_929 = arith.constant 2 : i32
        %mul3A_930 = arith.muli %mul3A_929, %scan3A_749 : i32
        %add3A_931 = arith.constant 1 : i32
        %add3A_932 = arith.addi %mul3A_930, %add3A_931 : i32
        %get3A_933 = arith.index_cast %add3A_932 : i32 to index
        %get3A_934 = arith.constant 16 : index
        %get3A_935 = tpu.vector_load %arg10[%get3A_933, %get3A_934] {strides = array<i32>} : memref<64x128xf32, #tpu.memory_space<vmem>>, vector<1x16xf32>,
        %get3A_936 = vector.shape_cast %get3A_935 : vector<1x16xf32> to vector<16xf32>
        %mul3A_937 = arith.constant 11.3137083 : f32
        %mul3A_938 = vector.broadcast %mul3A_937 : f32 to vector<16xf32>
        %mul3A_939 = arith.mulf %get3A_936, %mul3A_938 : vector<16xf32>
        %mul3A_940 = arith.constant 2 : i32
        %mul3A_941 = arith.muli %mul3A_940, %scan3A_749 : i32
        %add3A_942 = arith.constant 1 : i32
        %add3A_943 = arith.addi %mul3A_941, %add3A_942 : i32
        %swap3A_944 = arith.index_cast %add3A_943 : i32 to index
        %swap3A_945 = arith.constant 16 : index
        %swap3A_946 = tpu.vector_load %arg10[%swap3A_944, %swap3A_945] {strides = array<i32>} : memref<64x128xf32, #tpu.memory_space<vmem>>, vector<1x16xf32>,
        %swap3A_947 = vector.shape_cast %swap3A_946 : vector<1x16xf32> to vector<16xf32>
        %swap3A_948 = vector.shape_cast %mul3A_939 : vector<16xf32> to vector<1x16xf32>
        tpu.vector_store %arg10[%swap3A_944, %swap3A_945], %swap3A_948 {strides = array<i32>} : memref<64x128xf32, #tpu.memory_space<vmem>>, vector<1x16xf32>,
        %mul3A_949 = arith.constant 2 : i32
        %mul3A_950 = arith.muli %mul3A_949, %scan3A_749 : i32
        %add3A_951 = arith.constant 1 : i32
        %add3A_952 = arith.addi %mul3A_950, %add3A_951 : i32
        %get3A_953 = arith.index_cast %add3A_952 : i32 to index
        %get3A_954 = arith.constant 32 : index
        %get3A_955 = tpu.vector_load %arg10[%get3A_953, %get3A_954] {strides = array<i32>} : memref<64x128xf32, #tpu.memory_space<vmem>>, vector<1x16xf32>,
        %get3A_956 = vector.shape_cast %get3A_955 : vector<1x16xf32> to vector<16xf32>
        %mul3A_957 = arith.constant 11.3137083 : f32
        %mul3A_958 = vector.broadcast %mul3A_957 : f32 to vector<16xf32>
        %mul3A_959 = arith.mulf %get3A_956, %mul3A_958 : vector<16xf32>
        %mul3A_960 = arith.constant 2 : i32
        %mul3A_961 = arith.muli %mul3A_960, %scan3A_749 : i32
        %add3A_962 = arith.constant 1 : i32
        %add3A_963 = arith.addi %mul3A_961, %add3A_962 : i32
        %swap3A_964 = arith.index_cast %add3A_963 : i32 to index
        %swap3A_965 = arith.constant 32 : index
        %swap3A_966 = tpu.vector_load %arg10[%swap3A_964, %swap3A_965] {strides = array<i32>} : memref<64x128xf32, #tpu.memory_space<vmem>>, vector<1x16xf32>,
        %swap3A_967 = vector.shape_cast %swap3A_966 : vector<1x16xf32> to vector<16xf32>
        %swap3A_968 = vector.shape_cast %mul3A_959 : vector<16xf32> to vector<1x16xf32>
        tpu.vector_store %arg10[%swap3A_964, %swap3A_965], %swap3A_968 {strides = array<i32>} : memref<64x128xf32, #tpu.memory_space<vmem>>, vector<1x16xf32>,
        %mul3A_969 = arith.constant 2 : i32
        %mul3A_970 = arith.muli %mul3A_969, %scan3A_749 : i32
        %add3A_971 = arith.constant 1 : i32
        %add3A_972 = arith.addi %mul3A_970, %add3A_971 : i32
        %get3A_973 = arith.index_cast %add3A_972 : i32 to index
        %get3A_974 = arith.constant 48 : index
        %get3A_975 = tpu.vector_load %arg10[%get3A_973, %get3A_974] {strides = array<i32>} : memref<64x128xf32, #tpu.memory_space<vmem>>, vector<1x16xf32>,
        %get3A_976 = vector.shape_cast %get3A_975 : vector<1x16xf32> to vector<16xf32>
        %mul3A_977 = arith.constant 11.3137083 : f32
        %mul3A_978 = vector.broadcast %mul3A_977 : f32 to vector<16xf32>
        %mul3A_979 = arith.mulf %get3A_976, %mul3A_978 : vector<16xf32>
        %mul3A_980 = arith.constant 2 : i32
        %mul3A_981 = arith.muli %mul3A_980, %scan3A_749 : i32
        %add3A_982 = arith.constant 1 : i32
        %add3A_983 = arith.addi %mul3A_981, %add3A_982 : i32
        %swap3A_984 = arith.index_cast %add3A_983 : i32 to index
        %swap3A_985 = arith.constant 48 : index
        %swap3A_986 = tpu.vector_load %arg10[%swap3A_984, %swap3A_985] {strides = array<i32>} : memref<64x128xf32, #tpu.memory_space<vmem>>, vector<1x16xf32>,
        %swap3A_987 = vector.shape_cast %swap3A_986 : vector<1x16xf32> to vector<16xf32>
        %swap3A_988 = vector.shape_cast %mul3A_979 : vector<16xf32> to vector<1x16xf32>
        tpu.vector_store %arg10[%swap3A_984, %swap3A_985], %swap3A_988 {strides = array<i32>} : memref<64x128xf32, #tpu.memory_space<vmem>>, vector<1x16xf32>,
        %mul3A_989 = arith.constant 2 : i32
        %mul3A_990 = arith.muli %mul3A_989, %scan3A_749 : i32
        %add3A_991 = arith.constant 1 : i32
        %add3A_992 = arith.addi %mul3A_990, %add3A_991 : i32
        %get3A_993 = arith.index_cast %add3A_992 : i32 to index
        %get3A_994 = arith.constant 64 : index
        %get3A_995 = tpu.vector_load %arg10[%get3A_993, %get3A_994] {strides = array<i32>} : memref<64x128xf32, #tpu.memory_space<vmem>>, vector<1x16xf32>,
        %get3A_996 = vector.shape_cast %get3A_995 : vector<1x16xf32> to vector<16xf32>
        %mul3A_997 = arith.constant 11.3137083 : f32
        %mul3A_998 = vector.broadcast %mul3A_997 : f32 to vector<16xf32>
        %mul3A_999 = arith.mulf %get3A_996, %mul3A_998 : vector<16xf32>
        %mul3A_1000 = arith.constant 2 : i32
        %mul3A_1001 = arith.muli %mul3A_1000, %scan3A_749 : i32
        %add3A_1002 = arith.constant 1 : i32
        %add3A_1003 = arith.addi %mul3A_1001, %add3A_1002 : i32
        %swap3A_1004 = arith.index_cast %add3A_1003 : i32 to index
        %swap3A_1005 = arith.constant 64 : index
        %swap3A_1006 = tpu.vector_load %arg10[%swap3A_1004, %swap3A_1005] {strides = array<i32>} : memref<64x128xf32, #tpu.memory_space<vmem>>, vector<1x16xf32>,
        %swap3A_1007 = vector.shape_cast %swap3A_1006 : vector<1x16xf32> to vector<16xf32>
        %swap3A_1008 = vector.shape_cast %mul3A_999 : vector<16xf32> to vector<1x16xf32>
        tpu.vector_store %arg10[%swap3A_1004, %swap3A_1005], %swap3A_1008 {strides = array<i32>} : memref<64x128xf32, #tpu.memory_space<vmem>>, vector<1x16xf32>,
        %mul3A_1009 = arith.constant 2 : i32
        %mul3A_1010 = arith.muli %mul3A_1009, %scan3A_749 : i32
        %add3A_1011 = arith.constant 1 : i32
        %add3A_1012 = arith.addi %mul3A_1010, %add3A_1011 : i32
        %get3A_1013 = arith.index_cast %add3A_1012 : i32 to index
        %get3A_1014 = arith.constant 80 : index
        %get3A_1015 = tpu.vector_load %arg10[%get3A_1013, %get3A_1014] {strides = array<i32>} : memref<64x128xf32, #tpu.memory_space<vmem>>, vector<1x16xf32>,
        %get3A_1016 = vector.shape_cast %get3A_1015 : vector<1x16xf32> to vector<16xf32>
        %mul3A_1017 = arith.constant 11.3137083 : f32
        %mul3A_1018 = vector.broadcast %mul3A_1017 : f32 to vector<16xf32>
        %mul3A_1019 = arith.mulf %get3A_1016, %mul3A_1018 : vector<16xf32>
        %mul3A_1020 = arith.constant 2 : i32
        %mul3A_1021 = arith.muli %mul3A_1020, %scan3A_749 : i32
        %add3A_1022 = arith.constant 1 : i32
        %add3A_1023 = arith.addi %mul3A_1021, %add3A_1022 : i32
        %swap3A_1024 = arith.index_cast %add3A_1023 : i32 to index
        %swap3A_1025 = arith.constant 80 : index
        %swap3A_1026 = tpu.vector_load %arg10[%swap3A_1024, %swap3A_1025] {strides = array<i32>} : memref<64x128xf32, #tpu.memory_space<vmem>>, vector<1x16xf32>,
        %swap3A_1027 = vector.shape_cast %swap3A_1026 : vector<1x16xf32> to vector<16xf32>
        %swap3A_1028 = vector.shape_cast %mul3A_1019 : vector<16xf32> to vector<1x16xf32>
        tpu.vector_store %arg10[%swap3A_1024, %swap3A_1025], %swap3A_1028 {strides = array<i32>} : memref<64x128xf32, #tpu.memory_space<vmem>>, vector<1x16xf32>,
        %mul3A_1029 = arith.constant 2 : i32
        %mul3A_1030 = arith.muli %mul3A_1029, %scan3A_749 : i32
        %add3A_1031 = arith.constant 1 : i32
        %add3A_1032 = arith.addi %mul3A_1030, %add3A_1031 : i32
        %get3A_1033 = arith.index_cast %add3A_1032 : i32 to index
        %get3A_1034 = arith.constant 96 : index
        %get3A_1035 = tpu.vector_load %arg10[%get3A_1033, %get3A_1034] {strides = array<i32>} : memref<64x128xf32, #tpu.memory_space<vmem>>, vector<1x16xf32>,
        %get3A_1036 = vector.shape_cast %get3A_1035 : vector<1x16xf32> to vector<16xf32>
        %mul3A_1037 = arith.constant 11.3137083 : f32
        %mul3A_1038 = vector.broadcast %mul3A_1037 : f32 to vector<16xf32>
        %mul3A_1039 = arith.mulf %get3A_1036, %mul3A_1038 : vector<16xf32>
        %mul3A_1040 = arith.constant 2 : i32
        %mul3A_1041 = arith.muli %mul3A_1040, %scan3A_749 : i32
        %add3A_1042 = arith.constant 1 : i32
        %add3A_1043 = arith.addi %mul3A_1041, %add3A_1042 : i32
        %swap3A_1044 = arith.index_cast %add3A_1043 : i32 to index
        %swap3A_1045 = arith.constant 96 : index
        %swap3A_1046 = tpu.vector_load %arg10[%swap3A_1044, %swap3A_1045] {strides = array<i32>} : memref<64x128xf32, #tpu.memory_space<vmem>>, vector<1x16xf32>,
        %swap3A_1047 = vector.shape_cast %swap3A_1046 : vector<1x16xf32> to vector<16xf32>
        %swap3A_1048 = vector.shape_cast %mul3A_1039 : vector<16xf32> to vector<1x16xf32>
        tpu.vector_store %arg10[%swap3A_1044, %swap3A_1045], %swap3A_1048 {strides = array<i32>} : memref<64x128xf32, #tpu.memory_space<vmem>>, vector<1x16xf32>,
        %mul3A_1049 = arith.constant 2 : i32
        %mul3A_1050 = arith.muli %mul3A_1049, %scan3A_749 : i32
        %add3A_1051 = arith.constant 1 : i32
        %add3A_1052 = arith.addi %mul3A_1050, %add3A_1051 : i32
        %get3A_1053 = arith.index_cast %add3A_1052 : i32 to index
        %get3A_1054 = arith.constant 112 : index
        %get3A_1055 = tpu.vector_load %arg10[%get3A_1053, %get3A_1054] {strides = array<i32>} : memref<64x128xf32, #tpu.memory_space<vmem>>, vector<1x16xf32>,
        %get3A_1056 = vector.shape_cast %get3A_1055 : vector<1x16xf32> to vector<16xf32>
        %mul3A_1057 = arith.constant 11.3137083 : f32
        %mul3A_1058 = vector.broadcast %mul3A_1057 : f32 to vector<16xf32>
        %mul3A_1059 = arith.mulf %get3A_1056, %mul3A_1058 : vector<16xf32>
        %mul3A_1060 = arith.constant 2 : i32
        %mul3A_1061 = arith.muli %mul3A_1060, %scan3A_749 : i32
        %add3A_1062 = arith.constant 1 : i32
        %add3A_1063 = arith.addi %mul3A_1061, %add3A_1062 : i32
        %swap3A_1064 = arith.index_cast %add3A_1063 : i32 to index
        %swap3A_1065 = arith.constant 112 : index
        %swap3A_1066 = tpu.vector_load %arg10[%swap3A_1064, %swap3A_1065] {strides = array<i32>} : memref<64x128xf32, #tpu.memory_space<vmem>>, vector<1x16xf32>,
        %swap3A_1067 = vector.shape_cast %swap3A_1066 : vector<1x16xf32> to vector<16xf32>
        %swap3A_1068 = vector.shape_cast %mul3A_1059 : vector<16xf32> to vector<1x16xf32>
        tpu.vector_store %arg10[%swap3A_1064, %swap3A_1065], %swap3A_1068 {strides = array<i32>} : memref<64x128xf32, #tpu.memory_space<vmem>>, vector<1x16xf32>,
        scf.yield %scan3A_749 : i32
      }
      %scan3A_500 = arith.constant 32 : i32
      %div3A_501 = arith.constant 2 : i32
      %div3A_502 = arith.divsi %add3A_470, %div3A_501 : i32
      %rem3A_503 = arith.constant 2 : i32
      %rem3A_504 = arith.remsi %add3A_470, %rem3A_503 : i32
      %mul3A_505 = arith.constant 64 : i32
      %mul3A_506 = arith.muli %rem3A_504, %mul3A_505 : i32
      %add3A_507 = arith.addi %mul3A_2, %mul3A_506 : i32
      %dma_start3A_508 = arith.constant 0 : i32
      %dma_start3A_509 = tpu.memref_slice %arg4[%div3A_502, %add3A_507, %dma_start3A_508] : memref<50x4096x128xf32, #tpu.memory_space<hbm>> -> memref<1x64x128xf32, #tpu.memory_space<hbm>>
      %dma_start3A_510 = tpu.memref_squeeze %dma_start3A_509 : memref<1x64x128xf32, #tpu.memory_space<hbm>> -> memref<64x128xf32, #tpu.memory_space<hbm>>
      %dma_start3A_511 = arith.constant 0 : i32
      %dma_start3A_512 = tpu.memref_slice %arg4[%div3A_502, %add3A_507, %dma_start3A_511] : memref<50x4096x128xf32, #tpu.memory_space<hbm>> -> memref<1x64x128xf32, #tpu.memory_space<hbm>>
      %dma_start3A_513 = tpu.memref_squeeze %dma_start3A_512 : memref<1x64x128xf32, #tpu.memory_space<hbm>> -> memref<64x128xf32, #tpu.memory_space<hbm>>
      tpu.enqueue_dma source(%arg10 : memref<64x128xf32, #tpu.memory_space<vmem>>) target(%dma_start3A_513 : memref<64x128xf32, #tpu.memory_space<hbm>>) target_semaphore(%arg30 : memref<!tpu.dma_semaphore, #tpu.memory_space<semaphore_mem>>)
      %mul3A_514 = arith.constant 10 : i32
      %mul3A_515 = arith.muli %scan3A_284, %mul3A_514 : i32
      %add3A_516 = arith.constant 5 : i32
      %add3A_517 = arith.addi %mul3A_515, %add3A_516 : i32
      %sub3A_518 = arith.constant 2 : i32
      %sub3A_519 = arith.subi %add3A_517, %sub3A_518 : i32
      %ge3A_520 = arith.constant 0 : i32
      %ge3A_521 = arith.cmpi sge, %sub3A_519, %ge3A_520 : i32
      %add3A_522 = arith.constant 10 : i32
      %add3A_523 = arith.addi %sub3A_519, %add3A_522 : i32
      %lt3A_524 = arith.constant 100 : i32
      %lt3A_525 = arith.cmpi slt, %add3A_523, %lt3A_524 : i32
      %and3A_526 = arith.andi %ge3A_521, %lt3A_525 : i1
      %convert_element_type3A_527 = arith.extui %and3A_526 : i1 to i32
      %cond3A_528 = arith.constant 0 : i32
      %cond3A_529 = arith.cmpi ne, %convert_element_type3A_527, %cond3A_528 : i32
      scf.if %cond3A_529 {
        %div3A_749 = arith.constant 2 : i32
        %div3A_750 = arith.divsi %sub3A_519, %div3A_749 : i32
        %rem3A_751 = arith.constant 2 : i32
        %rem3A_752 = arith.remsi %sub3A_519, %rem3A_751 : i32
        %mul3A_753 = arith.constant 64 : i32
        %mul3A_754 = arith.muli %rem3A_752, %mul3A_753 : i32
        %add3A_755 = arith.addi %mul3A_2, %mul3A_754 : i32
        %dma_wait3A_756 = arith.constant 0 : i32
        %dma_wait3A_757 = tpu.memref_slice %arg4[%div3A_750, %add3A_755, %dma_wait3A_756] : memref<50x4096x128xf32, #tpu.memory_space<hbm>> -> memref<1x64x128xf32, #tpu.memory_space<hbm>>
        %dma_wait3A_758 = tpu.memref_squeeze %dma_wait3A_757 : memref<1x64x128xf32, #tpu.memory_space<hbm>> -> memref<64x128xf32, #tpu.memory_space<hbm>>
        %dma_wait3A_759 = arith.constant 0 : i32
        %dma_wait3A_760 = tpu.memref_slice %arg4[%div3A_750, %add3A_755, %dma_wait3A_759] : memref<50x4096x128xf32, #tpu.memory_space<hbm>> -> memref<1x64x128xf32, #tpu.memory_space<hbm>>
        %dma_wait3A_761 = tpu.memref_squeeze %dma_wait3A_760 : memref<1x64x128xf32, #tpu.memory_space<hbm>> -> memref<64x128xf32, #tpu.memory_space<hbm>>
        tpu.wait_dma2 semaphore(%arg29 : memref<!tpu.dma_semaphore, #tpu.memory_space<semaphore_mem>>) src(%arg9 : memref<64x128xf32, #tpu.memory_space<vmem>>) dst(%dma_wait3A_761 : memref<64x128xf32, #tpu.memory_space<hbm>>)
        %add3A_762 = arith.constant 10 : i32
        %add3A_763 = arith.addi %sub3A_519, %add3A_762 : i32
        %div3A_764 = arith.constant 2 : i32
        %div3A_765 = arith.divsi %add3A_763, %div3A_764 : i32
        %rem3A_766 = arith.constant 2 : i32
        %rem3A_767 = arith.remsi %add3A_763, %rem3A_766 : i32
        %mul3A_768 = arith.constant 64 : i32
        %mul3A_769 = arith.muli %rem3A_767, %mul3A_768 : i32
        %dma_start3A_770 = tpu.memref_slice %arg5[%div3A_765, %mul3A_769] : memref<50x128xi32, #tpu.memory_space<vmem>> -> memref<1x64xi32, #tpu.memory_space<vmem>>
        %dma_start3A_771 = tpu.memref_squeeze %dma_start3A_770 : memref<1x64xi32, #tpu.memory_space<vmem>> -> memref<64xi32, #tpu.memory_space<vmem>>
        %dma_start3A_772 = arith.constant 0 : i32
        %dma_start3A_773 = arith.constant 0 : i32
        %dma_start3A_774 = tpu.memref_slice %arg3[%dma_start3A_772, %dma_start3A_773] : memref<100000x128xf32, #tpu.memory_space<hbm>> -> memref<100000x128xf32, #tpu.memory_space<hbm>>
        tpu.enqueue_indirect_dma source(%dma_start3A_774 : memref<100000x128xf32, #tpu.memory_space<hbm>>) target(%arg9 : memref<64x128xf32, #tpu.memory_space<vmem>>) offsets(%dma_start3A_771 : memref<64xi32, #tpu.memory_space<vmem>>) semaphore(%arg19 : memref<!tpu.dma_semaphore, #tpu.memory_space<semaphore_mem>>)
      } else {
      }
      %div3A_530 = arith.constant 2 : i32
      %div3A_531 = arith.divsi %add3A_517, %div3A_530 : i32
      %rem3A_532 = arith.constant 2 : i32
      %rem3A_533 = arith.remsi %add3A_517, %rem3A_532 : i32
      %mul3A_534 = arith.constant 64 : i32
      %mul3A_535 = arith.muli %rem3A_533, %mul3A_534 : i32
      %dma_wait3A_536 = tpu.memref_slice %arg5[%div3A_531, %mul3A_535] : memref<50x128xi32, #tpu.memory_space<vmem>> -> memref<1x64xi32, #tpu.memory_space<vmem>>
      %dma_wait3A_537 = tpu.memref_squeeze %dma_wait3A_536 : memref<1x64xi32, #tpu.memory_space<vmem>> -> memref<64xi32, #tpu.memory_space<vmem>>
      %dma_wait3A_538 = arith.constant 0 : i32
      %dma_wait3A_539 = arith.constant 0 : i32
      %dma_wait3A_540 = tpu.memref_slice %arg3[%dma_wait3A_538, %dma_wait3A_539] : memref<100000x128xf32, #tpu.memory_space<hbm>> -> memref<100000x128xf32, #tpu.memory_space<hbm>>
      tpu.wait_indirect_dma semaphore(%arg21 : memref<!tpu.dma_semaphore, #tpu.memory_space<semaphore_mem>>) src(%dma_wait3A_540 : memref<100000x128xf32, #tpu.memory_space<hbm>>) dst(%arg11 : memref<64x128xf32, #tpu.memory_space<vmem>>)
      %scan3A_541 = arith.constant 0 : i32
      %scan3A_542 = arith.constant 0 : i32
      %scan3A_543 = arith.constant 32 : i32
      %scan3A_544 = arith.addi %scan3A_542, %scan3A_543 : i32
      %scan3A_545 = arith.constant 1 : i32
      %scan3A_546 = scf.for %scan3A_749 = %scan3A_542 to %scan3A_544 step %scan3A_545 iter_args(%scan3A_750 = %scan3A_541) -> (i32)  : i32 {
        %mul3A_751 = arith.constant 2 : i32
        %mul3A_752 = arith.muli %mul3A_751, %scan3A_749 : i32
        %add3A_753 = arith.constant 0 : i32
        %add3A_754 = arith.addi %mul3A_752, %add3A_753 : i32
        %get3A = arith.index_cast %add3A_754 : i32 to index
        %get3A_755 = arith.constant 0 : index
        %get3A_756 = tpu.vector_load %arg11[%get3A, %get3A_755] {strides = array<i32>} : memref<64x128xf32, #tpu.memory_space<vmem>>, vector<1x16xf32>,
        %get3A_757 = vector.shape_cast %get3A_756 : vector<1x16xf32> to vector<16xf32>
        %mul3A_758 = arith.constant 11.3137083 : f32
        %mul3A_759 = vector.broadcast %mul3A_758 : f32 to vector<16xf32>
        %mul3A_760 = arith.mulf %get3A_757, %mul3A_759 : vector<16xf32>
        %mul3A_761 = arith.constant 2 : i32
        %mul3A_762 = arith.muli %mul3A_761, %scan3A_749 : i32
        %add3A_763 = arith.constant 0 : i32
        %add3A_764 = arith.addi %mul3A_762, %add3A_763 : i32
        %swap3A = arith.index_cast %add3A_764 : i32 to index
        %swap3A_765 = arith.constant 0 : index
        %swap3A_766 = tpu.vector_load %arg11[%swap3A, %swap3A_765] {strides = array<i32>} : memref<64x128xf32, #tpu.memory_space<vmem>>, vector<1x16xf32>,
        %swap3A_767 = vector.shape_cast %swap3A_766 : vector<1x16xf32> to vector<16xf32>
        %swap3A_768 = vector.shape_cast %mul3A_760 : vector<16xf32> to vector<1x16xf32>
        tpu.vector_store %arg11[%swap3A, %swap3A_765], %swap3A_768 {strides = array<i32>} : memref<64x128xf32, #tpu.memory_space<vmem>>, vector<1x16xf32>,
        %mul3A_769 = arith.constant 2 : i32
        %mul3A_770 = arith.muli %mul3A_769, %scan3A_749 : i32
        %add3A_771 = arith.constant 0 : i32
        %add3A_772 = arith.addi %mul3A_770, %add3A_771 : i32
        %get3A_773 = arith.index_cast %add3A_772 : i32 to index
        %get3A_774 = arith.constant 16 : index
        %get3A_775 = tpu.vector_load %arg11[%get3A_773, %get3A_774] {strides = array<i32>} : memref<64x128xf32, #tpu.memory_space<vmem>>, vector<1x16xf32>,
        %get3A_776 = vector.shape_cast %get3A_775 : vector<1x16xf32> to vector<16xf32>
        %mul3A_777 = arith.constant 11.3137083 : f32
        %mul3A_778 = vector.broadcast %mul3A_777 : f32 to vector<16xf32>
        %mul3A_779 = arith.mulf %get3A_776, %mul3A_778 : vector<16xf32>
        %mul3A_780 = arith.constant 2 : i32
        %mul3A_781 = arith.muli %mul3A_780, %scan3A_749 : i32
        %add3A_782 = arith.constant 0 : i32
        %add3A_783 = arith.addi %mul3A_781, %add3A_782 : i32
        %swap3A_784 = arith.index_cast %add3A_783 : i32 to index
        %swap3A_785 = arith.constant 16 : index
        %swap3A_786 = tpu.vector_load %arg11[%swap3A_784, %swap3A_785] {strides = array<i32>} : memref<64x128xf32, #tpu.memory_space<vmem>>, vector<1x16xf32>,
        %swap3A_787 = vector.shape_cast %swap3A_786 : vector<1x16xf32> to vector<16xf32>
        %swap3A_788 = vector.shape_cast %mul3A_779 : vector<16xf32> to vector<1x16xf32>
        tpu.vector_store %arg11[%swap3A_784, %swap3A_785], %swap3A_788 {strides = array<i32>} : memref<64x128xf32, #tpu.memory_space<vmem>>, vector<1x16xf32>,
        %mul3A_789 = arith.constant 2 : i32
        %mul3A_790 = arith.muli %mul3A_789, %scan3A_749 : i32
        %add3A_791 = arith.constant 0 : i32
        %add3A_792 = arith.addi %mul3A_790, %add3A_791 : i32
        %get3A_793 = arith.index_cast %add3A_792 : i32 to index
        %get3A_794 = arith.constant 32 : index
        %get3A_795 = tpu.vector_load %arg11[%get3A_793, %get3A_794] {strides = array<i32>} : memref<64x128xf32, #tpu.memory_space<vmem>>, vector<1x16xf32>,
        %get3A_796 = vector.shape_cast %get3A_795 : vector<1x16xf32> to vector<16xf32>
        %mul3A_797 = arith.constant 11.3137083 : f32
        %mul3A_798 = vector.broadcast %mul3A_797 : f32 to vector<16xf32>
        %mul3A_799 = arith.mulf %get3A_796, %mul3A_798 : vector<16xf32>
        %mul3A_800 = arith.constant 2 : i32
        %mul3A_801 = arith.muli %mul3A_800, %scan3A_749 : i32
        %add3A_802 = arith.constant 0 : i32
        %add3A_803 = arith.addi %mul3A_801, %add3A_802 : i32
        %swap3A_804 = arith.index_cast %add3A_803 : i32 to index
        %swap3A_805 = arith.constant 32 : index
        %swap3A_806 = tpu.vector_load %arg11[%swap3A_804, %swap3A_805] {strides = array<i32>} : memref<64x128xf32, #tpu.memory_space<vmem>>, vector<1x16xf32>,
        %swap3A_807 = vector.shape_cast %swap3A_806 : vector<1x16xf32> to vector<16xf32>
        %swap3A_808 = vector.shape_cast %mul3A_799 : vector<16xf32> to vector<1x16xf32>
        tpu.vector_store %arg11[%swap3A_804, %swap3A_805], %swap3A_808 {strides = array<i32>} : memref<64x128xf32, #tpu.memory_space<vmem>>, vector<1x16xf32>,
        %mul3A_809 = arith.constant 2 : i32
        %mul3A_810 = arith.muli %mul3A_809, %scan3A_749 : i32
        %add3A_811 = arith.constant 0 : i32
        %add3A_812 = arith.addi %mul3A_810, %add3A_811 : i32
        %get3A_813 = arith.index_cast %add3A_812 : i32 to index
        %get3A_814 = arith.constant 48 : index
        %get3A_815 = tpu.vector_load %arg11[%get3A_813, %get3A_814] {strides = array<i32>} : memref<64x128xf32, #tpu.memory_space<vmem>>, vector<1x16xf32>,
        %get3A_816 = vector.shape_cast %get3A_815 : vector<1x16xf32> to vector<16xf32>
        %mul3A_817 = arith.constant 11.3137083 : f32
        %mul3A_818 = vector.broadcast %mul3A_817 : f32 to vector<16xf32>
        %mul3A_819 = arith.mulf %get3A_816, %mul3A_818 : vector<16xf32>
        %mul3A_820 = arith.constant 2 : i32
        %mul3A_821 = arith.muli %mul3A_820, %scan3A_749 : i32
        %add3A_822 = arith.constant 0 : i32
        %add3A_823 = arith.addi %mul3A_821, %add3A_822 : i32
        %swap3A_824 = arith.index_cast %add3A_823 : i32 to index
        %swap3A_825 = arith.constant 48 : index
        %swap3A_826 = tpu.vector_load %arg11[%swap3A_824, %swap3A_825] {strides = array<i32>} : memref<64x128xf32, #tpu.memory_space<vmem>>, vector<1x16xf32>,
        %swap3A_827 = vector.shape_cast %swap3A_826 : vector<1x16xf32> to vector<16xf32>
        %swap3A_828 = vector.shape_cast %mul3A_819 : vector<16xf32> to vector<1x16xf32>
        tpu.vector_store %arg11[%swap3A_824, %swap3A_825], %swap3A_828 {strides = array<i32>} : memref<64x128xf32, #tpu.memory_space<vmem>>, vector<1x16xf32>,
        %mul3A_829 = arith.constant 2 : i32
        %mul3A_830 = arith.muli %mul3A_829, %scan3A_749 : i32
        %add3A_831 = arith.constant 0 : i32
        %add3A_832 = arith.addi %mul3A_830, %add3A_831 : i32
        %get3A_833 = arith.index_cast %add3A_832 : i32 to index
        %get3A_834 = arith.constant 64 : index
        %get3A_835 = tpu.vector_load %arg11[%get3A_833, %get3A_834] {strides = array<i32>} : memref<64x128xf32, #tpu.memory_space<vmem>>, vector<1x16xf32>,
        %get3A_836 = vector.shape_cast %get3A_835 : vector<1x16xf32> to vector<16xf32>
        %mul3A_837 = arith.constant 11.3137083 : f32
        %mul3A_838 = vector.broadcast %mul3A_837 : f32 to vector<16xf32>
        %mul3A_839 = arith.mulf %get3A_836, %mul3A_838 : vector<16xf32>
        %mul3A_840 = arith.constant 2 : i32
        %mul3A_841 = arith.muli %mul3A_840, %scan3A_749 : i32
        %add3A_842 = arith.constant 0 : i32
        %add3A_843 = arith.addi %mul3A_841, %add3A_842 : i32
        %swap3A_844 = arith.index_cast %add3A_843 : i32 to index
        %swap3A_845 = arith.constant 64 : index
        %swap3A_846 = tpu.vector_load %arg11[%swap3A_844, %swap3A_845] {strides = array<i32>} : memref<64x128xf32, #tpu.memory_space<vmem>>, vector<1x16xf32>,
        %swap3A_847 = vector.shape_cast %swap3A_846 : vector<1x16xf32> to vector<16xf32>
        %swap3A_848 = vector.shape_cast %mul3A_839 : vector<16xf32> to vector<1x16xf32>
        tpu.vector_store %arg11[%swap3A_844, %swap3A_845], %swap3A_848 {strides = array<i32>} : memref<64x128xf32, #tpu.memory_space<vmem>>, vector<1x16xf32>,
        %mul3A_849 = arith.constant 2 : i32
        %mul3A_850 = arith.muli %mul3A_849, %scan3A_749 : i32
        %add3A_851 = arith.constant 0 : i32
        %add3A_852 = arith.addi %mul3A_850, %add3A_851 : i32
        %get3A_853 = arith.index_cast %add3A_852 : i32 to index
        %get3A_854 = arith.constant 80 : index
        %get3A_855 = tpu.vector_load %arg11[%get3A_853, %get3A_854] {strides = array<i32>} : memref<64x128xf32, #tpu.memory_space<vmem>>, vector<1x16xf32>,
        %get3A_856 = vector.shape_cast %get3A_855 : vector<1x16xf32> to vector<16xf32>
        %mul3A_857 = arith.constant 11.3137083 : f32
        %mul3A_858 = vector.broadcast %mul3A_857 : f32 to vector<16xf32>
        %mul3A_859 = arith.mulf %get3A_856, %mul3A_858 : vector<16xf32>
        %mul3A_860 = arith.constant 2 : i32
        %mul3A_861 = arith.muli %mul3A_860, %scan3A_749 : i32
        %add3A_862 = arith.constant 0 : i32
        %add3A_863 = arith.addi %mul3A_861, %add3A_862 : i32
        %swap3A_864 = arith.index_cast %add3A_863 : i32 to index
        %swap3A_865 = arith.constant 80 : index
        %swap3A_866 = tpu.vector_load %arg11[%swap3A_864, %swap3A_865] {strides = array<i32>} : memref<64x128xf32, #tpu.memory_space<vmem>>, vector<1x16xf32>,
        %swap3A_867 = vector.shape_cast %swap3A_866 : vector<1x16xf32> to vector<16xf32>
        %swap3A_868 = vector.shape_cast %mul3A_859 : vector<16xf32> to vector<1x16xf32>
        tpu.vector_store %arg11[%swap3A_864, %swap3A_865], %swap3A_868 {strides = array<i32>} : memref<64x128xf32, #tpu.memory_space<vmem>>, vector<1x16xf32>,
        %mul3A_869 = arith.constant 2 : i32
        %mul3A_870 = arith.muli %mul3A_869, %scan3A_749 : i32
        %add3A_871 = arith.constant 0 : i32
        %add3A_872 = arith.addi %mul3A_870, %add3A_871 : i32
        %get3A_873 = arith.index_cast %add3A_872 : i32 to index
        %get3A_874 = arith.constant 96 : index
        %get3A_875 = tpu.vector_load %arg11[%get3A_873, %get3A_874] {strides = array<i32>} : memref<64x128xf32, #tpu.memory_space<vmem>>, vector<1x16xf32>,
        %get3A_876 = vector.shape_cast %get3A_875 : vector<1x16xf32> to vector<16xf32>
        %mul3A_877 = arith.constant 11.3137083 : f32
        %mul3A_878 = vector.broadcast %mul3A_877 : f32 to vector<16xf32>
        %mul3A_879 = arith.mulf %get3A_876, %mul3A_878 : vector<16xf32>
        %mul3A_880 = arith.constant 2 : i32
        %mul3A_881 = arith.muli %mul3A_880, %scan3A_749 : i32
        %add3A_882 = arith.constant 0 : i32
        %add3A_883 = arith.addi %mul3A_881, %add3A_882 : i32
        %swap3A_884 = arith.index_cast %add3A_883 : i32 to index
        %swap3A_885 = arith.constant 96 : index
        %swap3A_886 = tpu.vector_load %arg11[%swap3A_884, %swap3A_885] {strides = array<i32>} : memref<64x128xf32, #tpu.memory_space<vmem>>, vector<1x16xf32>,
        %swap3A_887 = vector.shape_cast %swap3A_886 : vector<1x16xf32> to vector<16xf32>
        %swap3A_888 = vector.shape_cast %mul3A_879 : vector<16xf32> to vector<1x16xf32>
        tpu.vector_store %arg11[%swap3A_884, %swap3A_885], %swap3A_888 {strides = array<i32>} : memref<64x128xf32, #tpu.memory_space<vmem>>, vector<1x16xf32>,
        %mul3A_889 = arith.constant 2 : i32
        %mul3A_890 = arith.muli %mul3A_889, %scan3A_749 : i32
        %add3A_891 = arith.constant 0 : i32
        %add3A_892 = arith.addi %mul3A_890, %add3A_891 : i32
        %get3A_893 = arith.index_cast %add3A_892 : i32 to index
        %get3A_894 = arith.constant 112 : index
        %get3A_895 = tpu.vector_load %arg11[%get3A_893, %get3A_894] {strides = array<i32>} : memref<64x128xf32, #tpu.memory_space<vmem>>, vector<1x16xf32>,
        %get3A_896 = vector.shape_cast %get3A_895 : vector<1x16xf32> to vector<16xf32>
        %mul3A_897 = arith.constant 11.3137083 : f32
        %mul3A_898 = vector.broadcast %mul3A_897 : f32 to vector<16xf32>
        %mul3A_899 = arith.mulf %get3A_896, %mul3A_898 : vector<16xf32>
        %mul3A_900 = arith.constant 2 : i32
        %mul3A_901 = arith.muli %mul3A_900, %scan3A_749 : i32
        %add3A_902 = arith.constant 0 : i32
        %add3A_903 = arith.addi %mul3A_901, %add3A_902 : i32
        %swap3A_904 = arith.index_cast %add3A_903 : i32 to index
        %swap3A_905 = arith.constant 112 : index
        %swap3A_906 = tpu.vector_load %arg11[%swap3A_904, %swap3A_905] {strides = array<i32>} : memref<64x128xf32, #tpu.memory_space<vmem>>, vector<1x16xf32>,
        %swap3A_907 = vector.shape_cast %swap3A_906 : vector<1x16xf32> to vector<16xf32>
        %swap3A_908 = vector.shape_cast %mul3A_899 : vector<16xf32> to vector<1x16xf32>
        tpu.vector_store %arg11[%swap3A_904, %swap3A_905], %swap3A_908 {strides = array<i32>} : memref<64x128xf32, #tpu.memory_space<vmem>>, vector<1x16xf32>,
        %mul3A_909 = arith.constant 2 : i32
        %mul3A_910 = arith.muli %mul3A_909, %scan3A_749 : i32
        %add3A_911 = arith.constant 1 : i32
        %add3A_912 = arith.addi %mul3A_910, %add3A_911 : i32
        %get3A_913 = arith.index_cast %add3A_912 : i32 to index
        %get3A_914 = arith.constant 0 : index
        %get3A_915 = tpu.vector_load %arg11[%get3A_913, %get3A_914] {strides = array<i32>} : memref<64x128xf32, #tpu.memory_space<vmem>>, vector<1x16xf32>,
        %get3A_916 = vector.shape_cast %get3A_915 : vector<1x16xf32> to vector<16xf32>
        %mul3A_917 = arith.constant 11.3137083 : f32
        %mul3A_918 = vector.broadcast %mul3A_917 : f32 to vector<16xf32>
        %mul3A_919 = arith.mulf %get3A_916, %mul3A_918 : vector<16xf32>
        %mul3A_920 = arith.constant 2 : i32
        %mul3A_921 = arith.muli %mul3A_920, %scan3A_749 : i32
        %add3A_922 = arith.constant 1 : i32
        %add3A_923 = arith.addi %mul3A_921, %add3A_922 : i32
        %swap3A_924 = arith.index_cast %add3A_923 : i32 to index
        %swap3A_925 = arith.constant 0 : index
        %swap3A_926 = tpu.vector_load %arg11[%swap3A_924, %swap3A_925] {strides = array<i32>} : memref<64x128xf32, #tpu.memory_space<vmem>>, vector<1x16xf32>,
        %swap3A_927 = vector.shape_cast %swap3A_926 : vector<1x16xf32> to vector<16xf32>
        %swap3A_928 = vector.shape_cast %mul3A_919 : vector<16xf32> to vector<1x16xf32>
        tpu.vector_store %arg11[%swap3A_924, %swap3A_925], %swap3A_928 {strides = array<i32>} : memref<64x128xf32, #tpu.memory_space<vmem>>, vector<1x16xf32>,
        %mul3A_929 = arith.constant 2 : i32
        %mul3A_930 = arith.muli %mul3A_929, %scan3A_749 : i32
        %add3A_931 = arith.constant 1 : i32
        %add3A_932 = arith.addi %mul3A_930, %add3A_931 : i32
        %get3A_933 = arith.index_cast %add3A_932 : i32 to index
        %get3A_934 = arith.constant 16 : index
        %get3A_935 = tpu.vector_load %arg11[%get3A_933, %get3A_934] {strides = array<i32>} : memref<64x128xf32, #tpu.memory_space<vmem>>, vector<1x16xf32>,
        %get3A_936 = vector.shape_cast %get3A_935 : vector<1x16xf32> to vector<16xf32>
        %mul3A_937 = arith.constant 11.3137083 : f32
        %mul3A_938 = vector.broadcast %mul3A_937 : f32 to vector<16xf32>
        %mul3A_939 = arith.mulf %get3A_936, %mul3A_938 : vector<16xf32>
        %mul3A_940 = arith.constant 2 : i32
        %mul3A_941 = arith.muli %mul3A_940, %scan3A_749 : i32
        %add3A_942 = arith.constant 1 : i32
        %add3A_943 = arith.addi %mul3A_941, %add3A_942 : i32
        %swap3A_944 = arith.index_cast %add3A_943 : i32 to index
        %swap3A_945 = arith.constant 16 : index
        %swap3A_946 = tpu.vector_load %arg11[%swap3A_944, %swap3A_945] {strides = array<i32>} : memref<64x128xf32, #tpu.memory_space<vmem>>, vector<1x16xf32>,
        %swap3A_947 = vector.shape_cast %swap3A_946 : vector<1x16xf32> to vector<16xf32>
        %swap3A_948 = vector.shape_cast %mul3A_939 : vector<16xf32> to vector<1x16xf32>
        tpu.vector_store %arg11[%swap3A_944, %swap3A_945], %swap3A_948 {strides = array<i32>} : memref<64x128xf32, #tpu.memory_space<vmem>>, vector<1x16xf32>,
        %mul3A_949 = arith.constant 2 : i32
        %mul3A_950 = arith.muli %mul3A_949, %scan3A_749 : i32
        %add3A_951 = arith.constant 1 : i32
        %add3A_952 = arith.addi %mul3A_950, %add3A_951 : i32
        %get3A_953 = arith.index_cast %add3A_952 : i32 to index
        %get3A_954 = arith.constant 32 : index
        %get3A_955 = tpu.vector_load %arg11[%get3A_953, %get3A_954] {strides = array<i32>} : memref<64x128xf32, #tpu.memory_space<vmem>>, vector<1x16xf32>,
        %get3A_956 = vector.shape_cast %get3A_955 : vector<1x16xf32> to vector<16xf32>
        %mul3A_957 = arith.constant 11.3137083 : f32
        %mul3A_958 = vector.broadcast %mul3A_957 : f32 to vector<16xf32>
        %mul3A_959 = arith.mulf %get3A_956, %mul3A_958 : vector<16xf32>
        %mul3A_960 = arith.constant 2 : i32
        %mul3A_961 = arith.muli %mul3A_960, %scan3A_749 : i32
        %add3A_962 = arith.constant 1 : i32
        %add3A_963 = arith.addi %mul3A_961, %add3A_962 : i32
        %swap3A_964 = arith.index_cast %add3A_963 : i32 to index
        %swap3A_965 = arith.constant 32 : index
        %swap3A_966 = tpu.vector_load %arg11[%swap3A_964, %swap3A_965] {strides = array<i32>} : memref<64x128xf32, #tpu.memory_space<vmem>>, vector<1x16xf32>,
        %swap3A_967 = vector.shape_cast %swap3A_966 : vector<1x16xf32> to vector<16xf32>
        %swap3A_968 = vector.shape_cast %mul3A_959 : vector<16xf32> to vector<1x16xf32>
        tpu.vector_store %arg11[%swap3A_964, %swap3A_965], %swap3A_968 {strides = array<i32>} : memref<64x128xf32, #tpu.memory_space<vmem>>, vector<1x16xf32>,
        %mul3A_969 = arith.constant 2 : i32
        %mul3A_970 = arith.muli %mul3A_969, %scan3A_749 : i32
        %add3A_971 = arith.constant 1 : i32
        %add3A_972 = arith.addi %mul3A_970, %add3A_971 : i32
        %get3A_973 = arith.index_cast %add3A_972 : i32 to index
        %get3A_974 = arith.constant 48 : index
        %get3A_975 = tpu.vector_load %arg11[%get3A_973, %get3A_974] {strides = array<i32>} : memref<64x128xf32, #tpu.memory_space<vmem>>, vector<1x16xf32>,
        %get3A_976 = vector.shape_cast %get3A_975 : vector<1x16xf32> to vector<16xf32>
        %mul3A_977 = arith.constant 11.3137083 : f32
        %mul3A_978 = vector.broadcast %mul3A_977 : f32 to vector<16xf32>
        %mul3A_979 = arith.mulf %get3A_976, %mul3A_978 : vector<16xf32>
        %mul3A_980 = arith.constant 2 : i32
        %mul3A_981 = arith.muli %mul3A_980, %scan3A_749 : i32
        %add3A_982 = arith.constant 1 : i32
        %add3A_983 = arith.addi %mul3A_981, %add3A_982 : i32
        %swap3A_984 = arith.index_cast %add3A_983 : i32 to index
        %swap3A_985 = arith.constant 48 : index
        %swap3A_986 = tpu.vector_load %arg11[%swap3A_984, %swap3A_985] {strides = array<i32>} : memref<64x128xf32, #tpu.memory_space<vmem>>, vector<1x16xf32>,
        %swap3A_987 = vector.shape_cast %swap3A_986 : vector<1x16xf32> to vector<16xf32>
        %swap3A_988 = vector.shape_cast %mul3A_979 : vector<16xf32> to vector<1x16xf32>
        tpu.vector_store %arg11[%swap3A_984, %swap3A_985], %swap3A_988 {strides = array<i32>} : memref<64x128xf32, #tpu.memory_space<vmem>>, vector<1x16xf32>,
        %mul3A_989 = arith.constant 2 : i32
        %mul3A_990 = arith.muli %mul3A_989, %scan3A_749 : i32
        %add3A_991 = arith.constant 1 : i32
        %add3A_992 = arith.addi %mul3A_990, %add3A_991 : i32
        %get3A_993 = arith.index_cast %add3A_992 : i32 to index
        %get3A_994 = arith.constant 64 : index
        %get3A_995 = tpu.vector_load %arg11[%get3A_993, %get3A_994] {strides = array<i32>} : memref<64x128xf32, #tpu.memory_space<vmem>>, vector<1x16xf32>,
        %get3A_996 = vector.shape_cast %get3A_995 : vector<1x16xf32> to vector<16xf32>
        %mul3A_997 = arith.constant 11.3137083 : f32
        %mul3A_998 = vector.broadcast %mul3A_997 : f32 to vector<16xf32>
        %mul3A_999 = arith.mulf %get3A_996, %mul3A_998 : vector<16xf32>
        %mul3A_1000 = arith.constant 2 : i32
        %mul3A_1001 = arith.muli %mul3A_1000, %scan3A_749 : i32
        %add3A_1002 = arith.constant 1 : i32
        %add3A_1003 = arith.addi %mul3A_1001, %add3A_1002 : i32
        %swap3A_1004 = arith.index_cast %add3A_1003 : i32 to index
        %swap3A_1005 = arith.constant 64 : index
        %swap3A_1006 = tpu.vector_load %arg11[%swap3A_1004, %swap3A_1005] {strides = array<i32>} : memref<64x128xf32, #tpu.memory_space<vmem>>, vector<1x16xf32>,
        %swap3A_1007 = vector.shape_cast %swap3A_1006 : vector<1x16xf32> to vector<16xf32>
        %swap3A_1008 = vector.shape_cast %mul3A_999 : vector<16xf32> to vector<1x16xf32>
        tpu.vector_store %arg11[%swap3A_1004, %swap3A_1005], %swap3A_1008 {strides = array<i32>} : memref<64x128xf32, #tpu.memory_space<vmem>>, vector<1x16xf32>,
        %mul3A_1009 = arith.constant 2 : i32
        %mul3A_1010 = arith.muli %mul3A_1009, %scan3A_749 : i32
        %add3A_1011 = arith.constant 1 : i32
        %add3A_1012 = arith.addi %mul3A_1010, %add3A_1011 : i32
        %get3A_1013 = arith.index_cast %add3A_1012 : i32 to index
        %get3A_1014 = arith.constant 80 : index
        %get3A_1015 = tpu.vector_load %arg11[%get3A_1013, %get3A_1014] {strides = array<i32>} : memref<64x128xf32, #tpu.memory_space<vmem>>, vector<1x16xf32>,
        %get3A_1016 = vector.shape_cast %get3A_1015 : vector<1x16xf32> to vector<16xf32>
        %mul3A_1017 = arith.constant 11.3137083 : f32
        %mul3A_1018 = vector.broadcast %mul3A_1017 : f32 to vector<16xf32>
        %mul3A_1019 = arith.mulf %get3A_1016, %mul3A_1018 : vector<16xf32>
        %mul3A_1020 = arith.constant 2 : i32
        %mul3A_1021 = arith.muli %mul3A_1020, %scan3A_749 : i32
        %add3A_1022 = arith.constant 1 : i32
        %add3A_1023 = arith.addi %mul3A_1021, %add3A_1022 : i32
        %swap3A_1024 = arith.index_cast %add3A_1023 : i32 to index
        %swap3A_1025 = arith.constant 80 : index
        %swap3A_1026 = tpu.vector_load %arg11[%swap3A_1024, %swap3A_1025] {strides = array<i32>} : memref<64x128xf32, #tpu.memory_space<vmem>>, vector<1x16xf32>,
        %swap3A_1027 = vector.shape_cast %swap3A_1026 : vector<1x16xf32> to vector<16xf32>
        %swap3A_1028 = vector.shape_cast %mul3A_1019 : vector<16xf32> to vector<1x16xf32>
        tpu.vector_store %arg11[%swap3A_1024, %swap3A_1025], %swap3A_1028 {strides = array<i32>} : memref<64x128xf32, #tpu.memory_space<vmem>>, vector<1x16xf32>,
        %mul3A_1029 = arith.constant 2 : i32
        %mul3A_1030 = arith.muli %mul3A_1029, %scan3A_749 : i32
        %add3A_1031 = arith.constant 1 : i32
        %add3A_1032 = arith.addi %mul3A_1030, %add3A_1031 : i32
        %get3A_1033 = arith.index_cast %add3A_1032 : i32 to index
        %get3A_1034 = arith.constant 96 : index
        %get3A_1035 = tpu.vector_load %arg11[%get3A_1033, %get3A_1034] {strides = array<i32>} : memref<64x128xf32, #tpu.memory_space<vmem>>, vector<1x16xf32>,
        %get3A_1036 = vector.shape_cast %get3A_1035 : vector<1x16xf32> to vector<16xf32>
        %mul3A_1037 = arith.constant 11.3137083 : f32
        %mul3A_1038 = vector.broadcast %mul3A_1037 : f32 to vector<16xf32>
        %mul3A_1039 = arith.mulf %get3A_1036, %mul3A_1038 : vector<16xf32>
        %mul3A_1040 = arith.constant 2 : i32
        %mul3A_1041 = arith.muli %mul3A_1040, %scan3A_749 : i32
        %add3A_1042 = arith.constant 1 : i32
        %add3A_1043 = arith.addi %mul3A_1041, %add3A_1042 : i32
        %swap3A_1044 = arith.index_cast %add3A_1043 : i32 to index
        %swap3A_1045 = arith.constant 96 : index
        %swap3A_1046 = tpu.vector_load %arg11[%swap3A_1044, %swap3A_1045] {strides = array<i32>} : memref<64x128xf32, #tpu.memory_space<vmem>>, vector<1x16xf32>,
        %swap3A_1047 = vector.shape_cast %swap3A_1046 : vector<1x16xf32> to vector<16xf32>
        %swap3A_1048 = vector.shape_cast %mul3A_1039 : vector<16xf32> to vector<1x16xf32>
        tpu.vector_store %arg11[%swap3A_1044, %swap3A_1045], %swap3A_1048 {strides = array<i32>} : memref<64x128xf32, #tpu.memory_space<vmem>>, vector<1x16xf32>,
        %mul3A_1049 = arith.constant 2 : i32
        %mul3A_1050 = arith.muli %mul3A_1049, %scan3A_749 : i32
        %add3A_1051 = arith.constant 1 : i32
        %add3A_1052 = arith.addi %mul3A_1050, %add3A_1051 : i32
        %get3A_1053 = arith.index_cast %add3A_1052 : i32 to index
        %get3A_1054 = arith.constant 112 : index
        %get3A_1055 = tpu.vector_load %arg11[%get3A_1053, %get3A_1054] {strides = array<i32>} : memref<64x128xf32, #tpu.memory_space<vmem>>, vector<1x16xf32>,
        %get3A_1056 = vector.shape_cast %get3A_1055 : vector<1x16xf32> to vector<16xf32>
        %mul3A_1057 = arith.constant 11.3137083 : f32
        %mul3A_1058 = vector.broadcast %mul3A_1057 : f32 to vector<16xf32>
        %mul3A_1059 = arith.mulf %get3A_1056, %mul3A_1058 : vector<16xf32>
        %mul3A_1060 = arith.constant 2 : i32
        %mul3A_1061 = arith.muli %mul3A_1060, %scan3A_749 : i32
        %add3A_1062 = arith.constant 1 : i32
        %add3A_1063 = arith.addi %mul3A_1061, %add3A_1062 : i32
        %swap3A_1064 = arith.index_cast %add3A_1063 : i32 to index
        %swap3A_1065 = arith.constant 112 : index
        %swap3A_1066 = tpu.vector_load %arg11[%swap3A_1064, %swap3A_1065] {strides = array<i32>} : memref<64x128xf32, #tpu.memory_space<vmem>>, vector<1x16xf32>,
        %swap3A_1067 = vector.shape_cast %swap3A_1066 : vector<1x16xf32> to vector<16xf32>
        %swap3A_1068 = vector.shape_cast %mul3A_1059 : vector<16xf32> to vector<1x16xf32>
        tpu.vector_store %arg11[%swap3A_1064, %swap3A_1065], %swap3A_1068 {strides = array<i32>} : memref<64x128xf32, #tpu.memory_space<vmem>>, vector<1x16xf32>,
        scf.yield %scan3A_749 : i32
      }
      %scan3A_547 = arith.constant 32 : i32
      %div3A_548 = arith.constant 2 : i32
      %div3A_549 = arith.divsi %add3A_517, %div3A_548 : i32
      %rem3A_550 = arith.constant 2 : i32
      %rem3A_551 = arith.remsi %add3A_517, %rem3A_550 : i32
      %mul3A_552 = arith.constant 64 : i32
      %mul3A_553 = arith.muli %rem3A_551, %mul3A_552 : i32
      %add3A_554 = arith.addi %mul3A_2, %mul3A_553 : i32
      %dma_start3A_555 = arith.constant 0 : i32
      %dma_start3A_556 = tpu.memref_slice %arg4[%div3A_549, %add3A_554, %dma_start3A_555] : memref<50x4096x128xf32, #tpu.memory_space<hbm>> -> memref<1x64x128xf32, #tpu.memory_space<hbm>>
      %dma_start3A_557 = tpu.memref_squeeze %dma_start3A_556 : memref<1x64x128xf32, #tpu.memory_space<hbm>> -> memref<64x128xf32, #tpu.memory_space<hbm>>
      %dma_start3A_558 = arith.constant 0 : i32
      %dma_start3A_559 = tpu.memref_slice %arg4[%div3A_549, %add3A_554, %dma_start3A_558] : memref<50x4096x128xf32, #tpu.memory_space<hbm>> -> memref<1x64x128xf32, #tpu.memory_space<hbm>>
      %dma_start3A_560 = tpu.memref_squeeze %dma_start3A_559 : memref<1x64x128xf32, #tpu.memory_space<hbm>> -> memref<64x128xf32, #tpu.memory_space<hbm>>
      tpu.enqueue_dma source(%arg11 : memref<64x128xf32, #tpu.memory_space<vmem>>) target(%dma_start3A_560 : memref<64x128xf32, #tpu.memory_space<hbm>>) target_semaphore(%arg31 : memref<!tpu.dma_semaphore, #tpu.memory_space<semaphore_mem>>)
      %mul3A_561 = arith.constant 10 : i32
      %mul3A_562 = arith.muli %scan3A_284, %mul3A_561 : i32
      %add3A_563 = arith.constant 6 : i32
      %add3A_564 = arith.addi %mul3A_562, %add3A_563 : i32
      %sub3A_565 = arith.constant 2 : i32
      %sub3A_566 = arith.subi %add3A_564, %sub3A_565 : i32
      %ge3A_567 = arith.constant 0 : i32
      %ge3A_568 = arith.cmpi sge, %sub3A_566, %ge3A_567 : i32
      %add3A_569 = arith.constant 10 : i32
      %add3A_570 = arith.addi %sub3A_566, %add3A_569 : i32
      %lt3A_571 = arith.constant 100 : i32
      %lt3A_572 = arith.cmpi slt, %add3A_570, %lt3A_571 : i32
      %and3A_573 = arith.andi %ge3A_568, %lt3A_572 : i1
      %convert_element_type3A_574 = arith.extui %and3A_573 : i1 to i32
      %cond3A_575 = arith.constant 0 : i32
      %cond3A_576 = arith.cmpi ne, %convert_element_type3A_574, %cond3A_575 : i32
      scf.if %cond3A_576 {
        %div3A_749 = arith.constant 2 : i32
        %div3A_750 = arith.divsi %sub3A_566, %div3A_749 : i32
        %rem3A_751 = arith.constant 2 : i32
        %rem3A_752 = arith.remsi %sub3A_566, %rem3A_751 : i32
        %mul3A_753 = arith.constant 64 : i32
        %mul3A_754 = arith.muli %rem3A_752, %mul3A_753 : i32
        %add3A_755 = arith.addi %mul3A_2, %mul3A_754 : i32
        %dma_wait3A_756 = arith.constant 0 : i32
        %dma_wait3A_757 = tpu.memref_slice %arg4[%div3A_750, %add3A_755, %dma_wait3A_756] : memref<50x4096x128xf32, #tpu.memory_space<hbm>> -> memref<1x64x128xf32, #tpu.memory_space<hbm>>
        %dma_wait3A_758 = tpu.memref_squeeze %dma_wait3A_757 : memref<1x64x128xf32, #tpu.memory_space<hbm>> -> memref<64x128xf32, #tpu.memory_space<hbm>>
        %dma_wait3A_759 = arith.constant 0 : i32
        %dma_wait3A_760 = tpu.memref_slice %arg4[%div3A_750, %add3A_755, %dma_wait3A_759] : memref<50x4096x128xf32, #tpu.memory_space<hbm>> -> memref<1x64x128xf32, #tpu.memory_space<hbm>>
        %dma_wait3A_761 = tpu.memref_squeeze %dma_wait3A_760 : memref<1x64x128xf32, #tpu.memory_space<hbm>> -> memref<64x128xf32, #tpu.memory_space<hbm>>
        tpu.wait_dma2 semaphore(%arg30 : memref<!tpu.dma_semaphore, #tpu.memory_space<semaphore_mem>>) src(%arg10 : memref<64x128xf32, #tpu.memory_space<vmem>>) dst(%dma_wait3A_761 : memref<64x128xf32, #tpu.memory_space<hbm>>)
        %add3A_762 = arith.constant 10 : i32
        %add3A_763 = arith.addi %sub3A_566, %add3A_762 : i32
        %div3A_764 = arith.constant 2 : i32
        %div3A_765 = arith.divsi %add3A_763, %div3A_764 : i32
        %rem3A_766 = arith.constant 2 : i32
        %rem3A_767 = arith.remsi %add3A_763, %rem3A_766 : i32
        %mul3A_768 = arith.constant 64 : i32
        %mul3A_769 = arith.muli %rem3A_767, %mul3A_768 : i32
        %dma_start3A_770 = tpu.memref_slice %arg5[%div3A_765, %mul3A_769] : memref<50x128xi32, #tpu.memory_space<vmem>> -> memref<1x64xi32, #tpu.memory_space<vmem>>
        %dma_start3A_771 = tpu.memref_squeeze %dma_start3A_770 : memref<1x64xi32, #tpu.memory_space<vmem>> -> memref<64xi32, #tpu.memory_space<vmem>>
        %dma_start3A_772 = arith.constant 0 : i32
        %dma_start3A_773 = arith.constant 0 : i32
        %dma_start3A_774 = tpu.memref_slice %arg3[%dma_start3A_772, %dma_start3A_773] : memref<100000x128xf32, #tpu.memory_space<hbm>> -> memref<100000x128xf32, #tpu.memory_space<hbm>>
        tpu.enqueue_indirect_dma source(%dma_start3A_774 : memref<100000x128xf32, #tpu.memory_space<hbm>>) target(%arg10 : memref<64x128xf32, #tpu.memory_space<vmem>>) offsets(%dma_start3A_771 : memref<64xi32, #tpu.memory_space<vmem>>) semaphore(%arg20 : memref<!tpu.dma_semaphore, #tpu.memory_space<semaphore_mem>>)
      } else {
      }
      %div3A_577 = arith.constant 2 : i32
      %div3A_578 = arith.divsi %add3A_564, %div3A_577 : i32
      %rem3A_579 = arith.constant 2 : i32
      %rem3A_580 = arith.remsi %add3A_564, %rem3A_579 : i32
      %mul3A_581 = arith.constant 64 : i32
      %mul3A_582 = arith.muli %rem3A_580, %mul3A_581 : i32
      %dma_wait3A_583 = tpu.memref_slice %arg5[%div3A_578, %mul3A_582] : memref<50x128xi32, #tpu.memory_space<vmem>> -> memref<1x64xi32, #tpu.memory_space<vmem>>
      %dma_wait3A_584 = tpu.memref_squeeze %dma_wait3A_583 : memref<1x64xi32, #tpu.memory_space<vmem>> -> memref<64xi32, #tpu.memory_space<vmem>>
      %dma_wait3A_585 = arith.constant 0 : i32
      %dma_wait3A_586 = arith.constant 0 : i32
      %dma_wait3A_587 = tpu.memref_slice %arg3[%dma_wait3A_585, %dma_wait3A_586] : memref<100000x128xf32, #tpu.memory_space<hbm>> -> memref<100000x128xf32, #tpu.memory_space<hbm>>
      tpu.wait_indirect_dma semaphore(%arg22 : memref<!tpu.dma_semaphore, #tpu.memory_space<semaphore_mem>>) src(%dma_wait3A_587 : memref<100000x128xf32, #tpu.memory_space<hbm>>) dst(%arg12 : memref<64x128xf32, #tpu.memory_space<vmem>>)
      %scan3A_588 = arith.constant 0 : i32
      %scan3A_589 = arith.constant 0 : i32
      %scan3A_590 = arith.constant 32 : i32
      %scan3A_591 = arith.addi %scan3A_589, %scan3A_590 : i32
      %scan3A_592 = arith.constant 1 : i32
      %scan3A_593 = scf.for %scan3A_749 = %scan3A_589 to %scan3A_591 step %scan3A_592 iter_args(%scan3A_750 = %scan3A_588) -> (i32)  : i32 {
        %mul3A_751 = arith.constant 2 : i32
        %mul3A_752 = arith.muli %mul3A_751, %scan3A_749 : i32
        %add3A_753 = arith.constant 0 : i32
        %add3A_754 = arith.addi %mul3A_752, %add3A_753 : i32
        %get3A = arith.index_cast %add3A_754 : i32 to index
        %get3A_755 = arith.constant 0 : index
        %get3A_756 = tpu.vector_load %arg12[%get3A, %get3A_755] {strides = array<i32>} : memref<64x128xf32, #tpu.memory_space<vmem>>, vector<1x16xf32>,
        %get3A_757 = vector.shape_cast %get3A_756 : vector<1x16xf32> to vector<16xf32>
        %mul3A_758 = arith.constant 11.3137083 : f32
        %mul3A_759 = vector.broadcast %mul3A_758 : f32 to vector<16xf32>
        %mul3A_760 = arith.mulf %get3A_757, %mul3A_759 : vector<16xf32>
        %mul3A_761 = arith.constant 2 : i32
        %mul3A_762 = arith.muli %mul3A_761, %scan3A_749 : i32
        %add3A_763 = arith.constant 0 : i32
        %add3A_764 = arith.addi %mul3A_762, %add3A_763 : i32
        %swap3A = arith.index_cast %add3A_764 : i32 to index
        %swap3A_765 = arith.constant 0 : index
        %swap3A_766 = tpu.vector_load %arg12[%swap3A, %swap3A_765] {strides = array<i32>} : memref<64x128xf32, #tpu.memory_space<vmem>>, vector<1x16xf32>,
        %swap3A_767 = vector.shape_cast %swap3A_766 : vector<1x16xf32> to vector<16xf32>
        %swap3A_768 = vector.shape_cast %mul3A_760 : vector<16xf32> to vector<1x16xf32>
        tpu.vector_store %arg12[%swap3A, %swap3A_765], %swap3A_768 {strides = array<i32>} : memref<64x128xf32, #tpu.memory_space<vmem>>, vector<1x16xf32>,
        %mul3A_769 = arith.constant 2 : i32
        %mul3A_770 = arith.muli %mul3A_769, %scan3A_749 : i32
        %add3A_771 = arith.constant 0 : i32
        %add3A_772 = arith.addi %mul3A_770, %add3A_771 : i32
        %get3A_773 = arith.index_cast %add3A_772 : i32 to index
        %get3A_774 = arith.constant 16 : index
        %get3A_775 = tpu.vector_load %arg12[%get3A_773, %get3A_774] {strides = array<i32>} : memref<64x128xf32, #tpu.memory_space<vmem>>, vector<1x16xf32>,
        %get3A_776 = vector.shape_cast %get3A_775 : vector<1x16xf32> to vector<16xf32>
        %mul3A_777 = arith.constant 11.3137083 : f32
        %mul3A_778 = vector.broadcast %mul3A_777 : f32 to vector<16xf32>
        %mul3A_779 = arith.mulf %get3A_776, %mul3A_778 : vector<16xf32>
        %mul3A_780 = arith.constant 2 : i32
        %mul3A_781 = arith.muli %mul3A_780, %scan3A_749 : i32
        %add3A_782 = arith.constant 0 : i32
        %add3A_783 = arith.addi %mul3A_781, %add3A_782 : i32
        %swap3A_784 = arith.index_cast %add3A_783 : i32 to index
        %swap3A_785 = arith.constant 16 : index
        %swap3A_786 = tpu.vector_load %arg12[%swap3A_784, %swap3A_785] {strides = array<i32>} : memref<64x128xf32, #tpu.memory_space<vmem>>, vector<1x16xf32>,
        %swap3A_787 = vector.shape_cast %swap3A_786 : vector<1x16xf32> to vector<16xf32>
        %swap3A_788 = vector.shape_cast %mul3A_779 : vector<16xf32> to vector<1x16xf32>
        tpu.vector_store %arg12[%swap3A_784, %swap3A_785], %swap3A_788 {strides = array<i32>} : memref<64x128xf32, #tpu.memory_space<vmem>>, vector<1x16xf32>,
        %mul3A_789 = arith.constant 2 : i32
        %mul3A_790 = arith.muli %mul3A_789, %scan3A_749 : i32
        %add3A_791 = arith.constant 0 : i32
        %add3A_792 = arith.addi %mul3A_790, %add3A_791 : i32
        %get3A_793 = arith.index_cast %add3A_792 : i32 to index
        %get3A_794 = arith.constant 32 : index
        %get3A_795 = tpu.vector_load %arg12[%get3A_793, %get3A_794] {strides = array<i32>} : memref<64x128xf32, #tpu.memory_space<vmem>>, vector<1x16xf32>,
        %get3A_796 = vector.shape_cast %get3A_795 : vector<1x16xf32> to vector<16xf32>
        %mul3A_797 = arith.constant 11.3137083 : f32
        %mul3A_798 = vector.broadcast %mul3A_797 : f32 to vector<16xf32>
        %mul3A_799 = arith.mulf %get3A_796, %mul3A_798 : vector<16xf32>
        %mul3A_800 = arith.constant 2 : i32
        %mul3A_801 = arith.muli %mul3A_800, %scan3A_749 : i32
        %add3A_802 = arith.constant 0 : i32
        %add3A_803 = arith.addi %mul3A_801, %add3A_802 : i32
        %swap3A_804 = arith.index_cast %add3A_803 : i32 to index
        %swap3A_805 = arith.constant 32 : index
        %swap3A_806 = tpu.vector_load %arg12[%swap3A_804, %swap3A_805] {strides = array<i32>} : memref<64x128xf32, #tpu.memory_space<vmem>>, vector<1x16xf32>,
        %swap3A_807 = vector.shape_cast %swap3A_806 : vector<1x16xf32> to vector<16xf32>
        %swap3A_808 = vector.shape_cast %mul3A_799 : vector<16xf32> to vector<1x16xf32>
        tpu.vector_store %arg12[%swap3A_804, %swap3A_805], %swap3A_808 {strides = array<i32>} : memref<64x128xf32, #tpu.memory_space<vmem>>, vector<1x16xf32>,
        %mul3A_809 = arith.constant 2 : i32
        %mul3A_810 = arith.muli %mul3A_809, %scan3A_749 : i32
        %add3A_811 = arith.constant 0 : i32
        %add3A_812 = arith.addi %mul3A_810, %add3A_811 : i32
        %get3A_813 = arith.index_cast %add3A_812 : i32 to index
        %get3A_814 = arith.constant 48 : index
        %get3A_815 = tpu.vector_load %arg12[%get3A_813, %get3A_814] {strides = array<i32>} : memref<64x128xf32, #tpu.memory_space<vmem>>, vector<1x16xf32>,
        %get3A_816 = vector.shape_cast %get3A_815 : vector<1x16xf32> to vector<16xf32>
        %mul3A_817 = arith.constant 11.3137083 : f32
        %mul3A_818 = vector.broadcast %mul3A_817 : f32 to vector<16xf32>
        %mul3A_819 = arith.mulf %get3A_816, %mul3A_818 : vector<16xf32>
        %mul3A_820 = arith.constant 2 : i32
        %mul3A_821 = arith.muli %mul3A_820, %scan3A_749 : i32
        %add3A_822 = arith.constant 0 : i32
        %add3A_823 = arith.addi %mul3A_821, %add3A_822 : i32
        %swap3A_824 = arith.index_cast %add3A_823 : i32 to index
        %swap3A_825 = arith.constant 48 : index
        %swap3A_826 = tpu.vector_load %arg12[%swap3A_824, %swap3A_825] {strides = array<i32>} : memref<64x128xf32, #tpu.memory_space<vmem>>, vector<1x16xf32>,
        %swap3A_827 = vector.shape_cast %swap3A_826 : vector<1x16xf32> to vector<16xf32>
        %swap3A_828 = vector.shape_cast %mul3A_819 : vector<16xf32> to vector<1x16xf32>
        tpu.vector_store %arg12[%swap3A_824, %swap3A_825], %swap3A_828 {strides = array<i32>} : memref<64x128xf32, #tpu.memory_space<vmem>>, vector<1x16xf32>,
        %mul3A_829 = arith.constant 2 : i32
        %mul3A_830 = arith.muli %mul3A_829, %scan3A_749 : i32
        %add3A_831 = arith.constant 0 : i32
        %add3A_832 = arith.addi %mul3A_830, %add3A_831 : i32
        %get3A_833 = arith.index_cast %add3A_832 : i32 to index
        %get3A_834 = arith.constant 64 : index
        %get3A_835 = tpu.vector_load %arg12[%get3A_833, %get3A_834] {strides = array<i32>} : memref<64x128xf32, #tpu.memory_space<vmem>>, vector<1x16xf32>,
        %get3A_836 = vector.shape_cast %get3A_835 : vector<1x16xf32> to vector<16xf32>
        %mul3A_837 = arith.constant 11.3137083 : f32
        %mul3A_838 = vector.broadcast %mul3A_837 : f32 to vector<16xf32>
        %mul3A_839 = arith.mulf %get3A_836, %mul3A_838 : vector<16xf32>
        %mul3A_840 = arith.constant 2 : i32
        %mul3A_841 = arith.muli %mul3A_840, %scan3A_749 : i32
        %add3A_842 = arith.constant 0 : i32
        %add3A_843 = arith.addi %mul3A_841, %add3A_842 : i32
        %swap3A_844 = arith.index_cast %add3A_843 : i32 to index
        %swap3A_845 = arith.constant 64 : index
        %swap3A_846 = tpu.vector_load %arg12[%swap3A_844, %swap3A_845] {strides = array<i32>} : memref<64x128xf32, #tpu.memory_space<vmem>>, vector<1x16xf32>,
        %swap3A_847 = vector.shape_cast %swap3A_846 : vector<1x16xf32> to vector<16xf32>
        %swap3A_848 = vector.shape_cast %mul3A_839 : vector<16xf32> to vector<1x16xf32>
        tpu.vector_store %arg12[%swap3A_844, %swap3A_845], %swap3A_848 {strides = array<i32>} : memref<64x128xf32, #tpu.memory_space<vmem>>, vector<1x16xf32>,
        %mul3A_849 = arith.constant 2 : i32
        %mul3A_850 = arith.muli %mul3A_849, %scan3A_749 : i32
        %add3A_851 = arith.constant 0 : i32
        %add3A_852 = arith.addi %mul3A_850, %add3A_851 : i32
        %get3A_853 = arith.index_cast %add3A_852 : i32 to index
        %get3A_854 = arith.constant 80 : index
        %get3A_855 = tpu.vector_load %arg12[%get3A_853, %get3A_854] {strides = array<i32>} : memref<64x128xf32, #tpu.memory_space<vmem>>, vector<1x16xf32>,
        %get3A_856 = vector.shape_cast %get3A_855 : vector<1x16xf32> to vector<16xf32>
        %mul3A_857 = arith.constant 11.3137083 : f32
        %mul3A_858 = vector.broadcast %mul3A_857 : f32 to vector<16xf32>
        %mul3A_859 = arith.mulf %get3A_856, %mul3A_858 : vector<16xf32>
        %mul3A_860 = arith.constant 2 : i32
        %mul3A_861 = arith.muli %mul3A_860, %scan3A_749 : i32
        %add3A_862 = arith.constant 0 : i32
        %add3A_863 = arith.addi %mul3A_861, %add3A_862 : i32
        %swap3A_864 = arith.index_cast %add3A_863 : i32 to index
        %swap3A_865 = arith.constant 80 : index
        %swap3A_866 = tpu.vector_load %arg12[%swap3A_864, %swap3A_865] {strides = array<i32>} : memref<64x128xf32, #tpu.memory_space<vmem>>, vector<1x16xf32>,
        %swap3A_867 = vector.shape_cast %swap3A_866 : vector<1x16xf32> to vector<16xf32>
        %swap3A_868 = vector.shape_cast %mul3A_859 : vector<16xf32> to vector<1x16xf32>
        tpu.vector_store %arg12[%swap3A_864, %swap3A_865], %swap3A_868 {strides = array<i32>} : memref<64x128xf32, #tpu.memory_space<vmem>>, vector<1x16xf32>,
        %mul3A_869 = arith.constant 2 : i32
        %mul3A_870 = arith.muli %mul3A_869, %scan3A_749 : i32
        %add3A_871 = arith.constant 0 : i32
        %add3A_872 = arith.addi %mul3A_870, %add3A_871 : i32
        %get3A_873 = arith.index_cast %add3A_872 : i32 to index
        %get3A_874 = arith.constant 96 : index
        %get3A_875 = tpu.vector_load %arg12[%get3A_873, %get3A_874] {strides = array<i32>} : memref<64x128xf32, #tpu.memory_space<vmem>>, vector<1x16xf32>,
        %get3A_876 = vector.shape_cast %get3A_875 : vector<1x16xf32> to vector<16xf32>
        %mul3A_877 = arith.constant 11.3137083 : f32
        %mul3A_878 = vector.broadcast %mul3A_877 : f32 to vector<16xf32>
        %mul3A_879 = arith.mulf %get3A_876, %mul3A_878 : vector<16xf32>
        %mul3A_880 = arith.constant 2 : i32
        %mul3A_881 = arith.muli %mul3A_880, %scan3A_749 : i32
        %add3A_882 = arith.constant 0 : i32
        %add3A_883 = arith.addi %mul3A_881, %add3A_882 : i32
        %swap3A_884 = arith.index_cast %add3A_883 : i32 to index
        %swap3A_885 = arith.constant 96 : index
        %swap3A_886 = tpu.vector_load %arg12[%swap3A_884, %swap3A_885] {strides = array<i32>} : memref<64x128xf32, #tpu.memory_space<vmem>>, vector<1x16xf32>,
        %swap3A_887 = vector.shape_cast %swap3A_886 : vector<1x16xf32> to vector<16xf32>
        %swap3A_888 = vector.shape_cast %mul3A_879 : vector<16xf32> to vector<1x16xf32>
        tpu.vector_store %arg12[%swap3A_884, %swap3A_885], %swap3A_888 {strides = array<i32>} : memref<64x128xf32, #tpu.memory_space<vmem>>, vector<1x16xf32>,
        %mul3A_889 = arith.constant 2 : i32
        %mul3A_890 = arith.muli %mul3A_889, %scan3A_749 : i32
        %add3A_891 = arith.constant 0 : i32
        %add3A_892 = arith.addi %mul3A_890, %add3A_891 : i32
        %get3A_893 = arith.index_cast %add3A_892 : i32 to index
        %get3A_894 = arith.constant 112 : index
        %get3A_895 = tpu.vector_load %arg12[%get3A_893, %get3A_894] {strides = array<i32>} : memref<64x128xf32, #tpu.memory_space<vmem>>, vector<1x16xf32>,
        %get3A_896 = vector.shape_cast %get3A_895 : vector<1x16xf32> to vector<16xf32>
        %mul3A_897 = arith.constant 11.3137083 : f32
        %mul3A_898 = vector.broadcast %mul3A_897 : f32 to vector<16xf32>
        %mul3A_899 = arith.mulf %get3A_896, %mul3A_898 : vector<16xf32>
        %mul3A_900 = arith.constant 2 : i32
        %mul3A_901 = arith.muli %mul3A_900, %scan3A_749 : i32
        %add3A_902 = arith.constant 0 : i32
        %add3A_903 = arith.addi %mul3A_901, %add3A_902 : i32
        %swap3A_904 = arith.index_cast %add3A_903 : i32 to index
        %swap3A_905 = arith.constant 112 : index
        %swap3A_906 = tpu.vector_load %arg12[%swap3A_904, %swap3A_905] {strides = array<i32>} : memref<64x128xf32, #tpu.memory_space<vmem>>, vector<1x16xf32>,
        %swap3A_907 = vector.shape_cast %swap3A_906 : vector<1x16xf32> to vector<16xf32>
        %swap3A_908 = vector.shape_cast %mul3A_899 : vector<16xf32> to vector<1x16xf32>
        tpu.vector_store %arg12[%swap3A_904, %swap3A_905], %swap3A_908 {strides = array<i32>} : memref<64x128xf32, #tpu.memory_space<vmem>>, vector<1x16xf32>,
        %mul3A_909 = arith.constant 2 : i32
        %mul3A_910 = arith.muli %mul3A_909, %scan3A_749 : i32
        %add3A_911 = arith.constant 1 : i32
        %add3A_912 = arith.addi %mul3A_910, %add3A_911 : i32
        %get3A_913 = arith.index_cast %add3A_912 : i32 to index
        %get3A_914 = arith.constant 0 : index
        %get3A_915 = tpu.vector_load %arg12[%get3A_913, %get3A_914] {strides = array<i32>} : memref<64x128xf32, #tpu.memory_space<vmem>>, vector<1x16xf32>,
        %get3A_916 = vector.shape_cast %get3A_915 : vector<1x16xf32> to vector<16xf32>
        %mul3A_917 = arith.constant 11.3137083 : f32
        %mul3A_918 = vector.broadcast %mul3A_917 : f32 to vector<16xf32>
        %mul3A_919 = arith.mulf %get3A_916, %mul3A_918 : vector<16xf32>
        %mul3A_920 = arith.constant 2 : i32
        %mul3A_921 = arith.muli %mul3A_920, %scan3A_749 : i32
        %add3A_922 = arith.constant 1 : i32
        %add3A_923 = arith.addi %mul3A_921, %add3A_922 : i32
        %swap3A_924 = arith.index_cast %add3A_923 : i32 to index
        %swap3A_925 = arith.constant 0 : index
        %swap3A_926 = tpu.vector_load %arg12[%swap3A_924, %swap3A_925] {strides = array<i32>} : memref<64x128xf32, #tpu.memory_space<vmem>>, vector<1x16xf32>,
        %swap3A_927 = vector.shape_cast %swap3A_926 : vector<1x16xf32> to vector<16xf32>
        %swap3A_928 = vector.shape_cast %mul3A_919 : vector<16xf32> to vector<1x16xf32>
        tpu.vector_store %arg12[%swap3A_924, %swap3A_925], %swap3A_928 {strides = array<i32>} : memref<64x128xf32, #tpu.memory_space<vmem>>, vector<1x16xf32>,
        %mul3A_929 = arith.constant 2 : i32
        %mul3A_930 = arith.muli %mul3A_929, %scan3A_749 : i32
        %add3A_931 = arith.constant 1 : i32
        %add3A_932 = arith.addi %mul3A_930, %add3A_931 : i32
        %get3A_933 = arith.index_cast %add3A_932 : i32 to index
        %get3A_934 = arith.constant 16 : index
        %get3A_935 = tpu.vector_load %arg12[%get3A_933, %get3A_934] {strides = array<i32>} : memref<64x128xf32, #tpu.memory_space<vmem>>, vector<1x16xf32>,
        %get3A_936 = vector.shape_cast %get3A_935 : vector<1x16xf32> to vector<16xf32>
        %mul3A_937 = arith.constant 11.3137083 : f32
        %mul3A_938 = vector.broadcast %mul3A_937 : f32 to vector<16xf32>
        %mul3A_939 = arith.mulf %get3A_936, %mul3A_938 : vector<16xf32>
        %mul3A_940 = arith.constant 2 : i32
        %mul3A_941 = arith.muli %mul3A_940, %scan3A_749 : i32
        %add3A_942 = arith.constant 1 : i32
        %add3A_943 = arith.addi %mul3A_941, %add3A_942 : i32
        %swap3A_944 = arith.index_cast %add3A_943 : i32 to index
        %swap3A_945 = arith.constant 16 : index
        %swap3A_946 = tpu.vector_load %arg12[%swap3A_944, %swap3A_945] {strides = array<i32>} : memref<64x128xf32, #tpu.memory_space<vmem>>, vector<1x16xf32>,
        %swap3A_947 = vector.shape_cast %swap3A_946 : vector<1x16xf32> to vector<16xf32>
        %swap3A_948 = vector.shape_cast %mul3A_939 : vector<16xf32> to vector<1x16xf32>
        tpu.vector_store %arg12[%swap3A_944, %swap3A_945], %swap3A_948 {strides = array<i32>} : memref<64x128xf32, #tpu.memory_space<vmem>>, vector<1x16xf32>,
        %mul3A_949 = arith.constant 2 : i32
        %mul3A_950 = arith.muli %mul3A_949, %scan3A_749 : i32
        %add3A_951 = arith.constant 1 : i32
        %add3A_952 = arith.addi %mul3A_950, %add3A_951 : i32
        %get3A_953 = arith.index_cast %add3A_952 : i32 to index
        %get3A_954 = arith.constant 32 : index
        %get3A_955 = tpu.vector_load %arg12[%get3A_953, %get3A_954] {strides = array<i32>} : memref<64x128xf32, #tpu.memory_space<vmem>>, vector<1x16xf32>,
        %get3A_956 = vector.shape_cast %get3A_955 : vector<1x16xf32> to vector<16xf32>
        %mul3A_957 = arith.constant 11.3137083 : f32
        %mul3A_958 = vector.broadcast %mul3A_957 : f32 to vector<16xf32>
        %mul3A_959 = arith.mulf %get3A_956, %mul3A_958 : vector<16xf32>
        %mul3A_960 = arith.constant 2 : i32
        %mul3A_961 = arith.muli %mul3A_960, %scan3A_749 : i32
        %add3A_962 = arith.constant 1 : i32
        %add3A_963 = arith.addi %mul3A_961, %add3A_962 : i32
        %swap3A_964 = arith.index_cast %add3A_963 : i32 to index
        %swap3A_965 = arith.constant 32 : index
        %swap3A_966 = tpu.vector_load %arg12[%swap3A_964, %swap3A_965] {strides = array<i32>} : memref<64x128xf32, #tpu.memory_space<vmem>>, vector<1x16xf32>,
        %swap3A_967 = vector.shape_cast %swap3A_966 : vector<1x16xf32> to vector<16xf32>
        %swap3A_968 = vector.shape_cast %mul3A_959 : vector<16xf32> to vector<1x16xf32>
        tpu.vector_store %arg12[%swap3A_964, %swap3A_965], %swap3A_968 {strides = array<i32>} : memref<64x128xf32, #tpu.memory_space<vmem>>, vector<1x16xf32>,
        %mul3A_969 = arith.constant 2 : i32
        %mul3A_970 = arith.muli %mul3A_969, %scan3A_749 : i32
        %add3A_971 = arith.constant 1 : i32
        %add3A_972 = arith.addi %mul3A_970, %add3A_971 : i32
        %get3A_973 = arith.index_cast %add3A_972 : i32 to index
        %get3A_974 = arith.constant 48 : index
        %get3A_975 = tpu.vector_load %arg12[%get3A_973, %get3A_974] {strides = array<i32>} : memref<64x128xf32, #tpu.memory_space<vmem>>, vector<1x16xf32>,
        %get3A_976 = vector.shape_cast %get3A_975 : vector<1x16xf32> to vector<16xf32>
        %mul3A_977 = arith.constant 11.3137083 : f32
        %mul3A_978 = vector.broadcast %mul3A_977 : f32 to vector<16xf32>
        %mul3A_979 = arith.mulf %get3A_976, %mul3A_978 : vector<16xf32>
        %mul3A_980 = arith.constant 2 : i32
        %mul3A_981 = arith.muli %mul3A_980, %scan3A_749 : i32
        %add3A_982 = arith.constant 1 : i32
        %add3A_983 = arith.addi %mul3A_981, %add3A_982 : i32
        %swap3A_984 = arith.index_cast %add3A_983 : i32 to index
        %swap3A_985 = arith.constant 48 : index
        %swap3A_986 = tpu.vector_load %arg12[%swap3A_984, %swap3A_985] {strides = array<i32>} : memref<64x128xf32, #tpu.memory_space<vmem>>, vector<1x16xf32>,
        %swap3A_987 = vector.shape_cast %swap3A_986 : vector<1x16xf32> to vector<16xf32>
        %swap3A_988 = vector.shape_cast %mul3A_979 : vector<16xf32> to vector<1x16xf32>
        tpu.vector_store %arg12[%swap3A_984, %swap3A_985], %swap3A_988 {strides = array<i32>} : memref<64x128xf32, #tpu.memory_space<vmem>>, vector<1x16xf32>,
        %mul3A_989 = arith.constant 2 : i32
        %mul3A_990 = arith.muli %mul3A_989, %scan3A_749 : i32
        %add3A_991 = arith.constant 1 : i32
        %add3A_992 = arith.addi %mul3A_990, %add3A_991 : i32
        %get3A_993 = arith.index_cast %add3A_992 : i32 to index
        %get3A_994 = arith.constant 64 : index
        %get3A_995 = tpu.vector_load %arg12[%get3A_993, %get3A_994] {strides = array<i32>} : memref<64x128xf32, #tpu.memory_space<vmem>>, vector<1x16xf32>,
        %get3A_996 = vector.shape_cast %get3A_995 : vector<1x16xf32> to vector<16xf32>
        %mul3A_997 = arith.constant 11.3137083 : f32
        %mul3A_998 = vector.broadcast %mul3A_997 : f32 to vector<16xf32>
        %mul3A_999 = arith.mulf %get3A_996, %mul3A_998 : vector<16xf32>
        %mul3A_1000 = arith.constant 2 : i32
        %mul3A_1001 = arith.muli %mul3A_1000, %scan3A_749 : i32
        %add3A_1002 = arith.constant 1 : i32
        %add3A_1003 = arith.addi %mul3A_1001, %add3A_1002 : i32
        %swap3A_1004 = arith.index_cast %add3A_1003 : i32 to index
        %swap3A_1005 = arith.constant 64 : index
        %swap3A_1006 = tpu.vector_load %arg12[%swap3A_1004, %swap3A_1005] {strides = array<i32>} : memref<64x128xf32, #tpu.memory_space<vmem>>, vector<1x16xf32>,
        %swap3A_1007 = vector.shape_cast %swap3A_1006 : vector<1x16xf32> to vector<16xf32>
        %swap3A_1008 = vector.shape_cast %mul3A_999 : vector<16xf32> to vector<1x16xf32>
        tpu.vector_store %arg12[%swap3A_1004, %swap3A_1005], %swap3A_1008 {strides = array<i32>} : memref<64x128xf32, #tpu.memory_space<vmem>>, vector<1x16xf32>,
        %mul3A_1009 = arith.constant 2 : i32
        %mul3A_1010 = arith.muli %mul3A_1009, %scan3A_749 : i32
        %add3A_1011 = arith.constant 1 : i32
        %add3A_1012 = arith.addi %mul3A_1010, %add3A_1011 : i32
        %get3A_1013 = arith.index_cast %add3A_1012 : i32 to index
        %get3A_1014 = arith.constant 80 : index
        %get3A_1015 = tpu.vector_load %arg12[%get3A_1013, %get3A_1014] {strides = array<i32>} : memref<64x128xf32, #tpu.memory_space<vmem>>, vector<1x16xf32>,
        %get3A_1016 = vector.shape_cast %get3A_1015 : vector<1x16xf32> to vector<16xf32>
        %mul3A_1017 = arith.constant 11.3137083 : f32
        %mul3A_1018 = vector.broadcast %mul3A_1017 : f32 to vector<16xf32>
        %mul3A_1019 = arith.mulf %get3A_1016, %mul3A_1018 : vector<16xf32>
        %mul3A_1020 = arith.constant 2 : i32
        %mul3A_1021 = arith.muli %mul3A_1020, %scan3A_749 : i32
        %add3A_1022 = arith.constant 1 : i32
        %add3A_1023 = arith.addi %mul3A_1021, %add3A_1022 : i32
        %swap3A_1024 = arith.index_cast %add3A_1023 : i32 to index
        %swap3A_1025 = arith.constant 80 : index
        %swap3A_1026 = tpu.vector_load %arg12[%swap3A_1024, %swap3A_1025] {strides = array<i32>} : memref<64x128xf32, #tpu.memory_space<vmem>>, vector<1x16xf32>,
        %swap3A_1027 = vector.shape_cast %swap3A_1026 : vector<1x16xf32> to vector<16xf32>
        %swap3A_1028 = vector.shape_cast %mul3A_1019 : vector<16xf32> to vector<1x16xf32>
        tpu.vector_store %arg12[%swap3A_1024, %swap3A_1025], %swap3A_1028 {strides = array<i32>} : memref<64x128xf32, #tpu.memory_space<vmem>>, vector<1x16xf32>,
        %mul3A_1029 = arith.constant 2 : i32
        %mul3A_1030 = arith.muli %mul3A_1029, %scan3A_749 : i32
        %add3A_1031 = arith.constant 1 : i32
        %add3A_1032 = arith.addi %mul3A_1030, %add3A_1031 : i32
        %get3A_1033 = arith.index_cast %add3A_1032 : i32 to index
        %get3A_1034 = arith.constant 96 : index
        %get3A_1035 = tpu.vector_load %arg12[%get3A_1033, %get3A_1034] {strides = array<i32>} : memref<64x128xf32, #tpu.memory_space<vmem>>, vector<1x16xf32>,
        %get3A_1036 = vector.shape_cast %get3A_1035 : vector<1x16xf32> to vector<16xf32>
        %mul3A_1037 = arith.constant 11.3137083 : f32
        %mul3A_1038 = vector.broadcast %mul3A_1037 : f32 to vector<16xf32>
        %mul3A_1039 = arith.mulf %get3A_1036, %mul3A_1038 : vector<16xf32>
        %mul3A_1040 = arith.constant 2 : i32
        %mul3A_1041 = arith.muli %mul3A_1040, %scan3A_749 : i32
        %add3A_1042 = arith.constant 1 : i32
        %add3A_1043 = arith.addi %mul3A_1041, %add3A_1042 : i32
        %swap3A_1044 = arith.index_cast %add3A_1043 : i32 to index
        %swap3A_1045 = arith.constant 96 : index
        %swap3A_1046 = tpu.vector_load %arg12[%swap3A_1044, %swap3A_1045] {strides = array<i32>} : memref<64x128xf32, #tpu.memory_space<vmem>>, vector<1x16xf32>,
        %swap3A_1047 = vector.shape_cast %swap3A_1046 : vector<1x16xf32> to vector<16xf32>
        %swap3A_1048 = vector.shape_cast %mul3A_1039 : vector<16xf32> to vector<1x16xf32>
        tpu.vector_store %arg12[%swap3A_1044, %swap3A_1045], %swap3A_1048 {strides = array<i32>} : memref<64x128xf32, #tpu.memory_space<vmem>>, vector<1x16xf32>,
        %mul3A_1049 = arith.constant 2 : i32
        %mul3A_1050 = arith.muli %mul3A_1049, %scan3A_749 : i32
        %add3A_1051 = arith.constant 1 : i32
        %add3A_1052 = arith.addi %mul3A_1050, %add3A_1051 : i32
        %get3A_1053 = arith.index_cast %add3A_1052 : i32 to index
        %get3A_1054 = arith.constant 112 : index
        %get3A_1055 = tpu.vector_load %arg12[%get3A_1053, %get3A_1054] {strides = array<i32>} : memref<64x128xf32, #tpu.memory_space<vmem>>, vector<1x16xf32>,
        %get3A_1056 = vector.shape_cast %get3A_1055 : vector<1x16xf32> to vector<16xf32>
        %mul3A_1057 = arith.constant 11.3137083 : f32
        %mul3A_1058 = vector.broadcast %mul3A_1057 : f32 to vector<16xf32>
        %mul3A_1059 = arith.mulf %get3A_1056, %mul3A_1058 : vector<16xf32>
        %mul3A_1060 = arith.constant 2 : i32
        %mul3A_1061 = arith.muli %mul3A_1060, %scan3A_749 : i32
        %add3A_1062 = arith.constant 1 : i32
        %add3A_1063 = arith.addi %mul3A_1061, %add3A_1062 : i32
        %swap3A_1064 = arith.index_cast %add3A_1063 : i32 to index
        %swap3A_1065 = arith.constant 112 : index
        %swap3A_1066 = tpu.vector_load %arg12[%swap3A_1064, %swap3A_1065] {strides = array<i32>} : memref<64x128xf32, #tpu.memory_space<vmem>>, vector<1x16xf32>,
        %swap3A_1067 = vector.shape_cast %swap3A_1066 : vector<1x16xf32> to vector<16xf32>
        %swap3A_1068 = vector.shape_cast %mul3A_1059 : vector<16xf32> to vector<1x16xf32>
        tpu.vector_store %arg12[%swap3A_1064, %swap3A_1065], %swap3A_1068 {strides = array<i32>} : memref<64x128xf32, #tpu.memory_space<vmem>>, vector<1x16xf32>,
        scf.yield %scan3A_749 : i32
      }
      %scan3A_594 = arith.constant 32 : i32
      %div3A_595 = arith.constant 2 : i32
      %div3A_596 = arith.divsi %add3A_564, %div3A_595 : i32
      %rem3A_597 = arith.constant 2 : i32
      %rem3A_598 = arith.remsi %add3A_564, %rem3A_597 : i32
      %mul3A_599 = arith.constant 64 : i32
      %mul3A_600 = arith.muli %rem3A_598, %mul3A_599 : i32
      %add3A_601 = arith.addi %mul3A_2, %mul3A_600 : i32
      %dma_start3A_602 = arith.constant 0 : i32
      %dma_start3A_603 = tpu.memref_slice %arg4[%div3A_596, %add3A_601, %dma_start3A_602] : memref<50x4096x128xf32, #tpu.memory_space<hbm>> -> memref<1x64x128xf32, #tpu.memory_space<hbm>>
      %dma_start3A_604 = tpu.memref_squeeze %dma_start3A_603 : memref<1x64x128xf32, #tpu.memory_space<hbm>> -> memref<64x128xf32, #tpu.memory_space<hbm>>
      %dma_start3A_605 = arith.constant 0 : i32
      %dma_start3A_606 = tpu.memref_slice %arg4[%div3A_596, %add3A_601, %dma_start3A_605] : memref<50x4096x128xf32, #tpu.memory_space<hbm>> -> memref<1x64x128xf32, #tpu.memory_space<hbm>>
      %dma_start3A_607 = tpu.memref_squeeze %dma_start3A_606 : memref<1x64x128xf32, #tpu.memory_space<hbm>> -> memref<64x128xf32, #tpu.memory_space<hbm>>
      tpu.enqueue_dma source(%arg12 : memref<64x128xf32, #tpu.memory_space<vmem>>) target(%dma_start3A_607 : memref<64x128xf32, #tpu.memory_space<hbm>>) target_semaphore(%arg32 : memref<!tpu.dma_semaphore, #tpu.memory_space<semaphore_mem>>)
      %mul3A_608 = arith.constant 10 : i32
      %mul3A_609 = arith.muli %scan3A_284, %mul3A_608 : i32
      %add3A_610 = arith.constant 7 : i32
      %add3A_611 = arith.addi %mul3A_609, %add3A_610 : i32
      %sub3A_612 = arith.constant 2 : i32
      %sub3A_613 = arith.subi %add3A_611, %sub3A_612 : i32
      %ge3A_614 = arith.constant 0 : i32
      %ge3A_615 = arith.cmpi sge, %sub3A_613, %ge3A_614 : i32
      %add3A_616 = arith.constant 10 : i32
      %add3A_617 = arith.addi %sub3A_613, %add3A_616 : i32
      %lt3A_618 = arith.constant 100 : i32
      %lt3A_619 = arith.cmpi slt, %add3A_617, %lt3A_618 : i32
      %and3A_620 = arith.andi %ge3A_615, %lt3A_619 : i1
      %convert_element_type3A_621 = arith.extui %and3A_620 : i1 to i32
      %cond3A_622 = arith.constant 0 : i32
      %cond3A_623 = arith.cmpi ne, %convert_element_type3A_621, %cond3A_622 : i32
      scf.if %cond3A_623 {
        %div3A_749 = arith.constant 2 : i32
        %div3A_750 = arith.divsi %sub3A_613, %div3A_749 : i32
        %rem3A_751 = arith.constant 2 : i32
        %rem3A_752 = arith.remsi %sub3A_613, %rem3A_751 : i32
        %mul3A_753 = arith.constant 64 : i32
        %mul3A_754 = arith.muli %rem3A_752, %mul3A_753 : i32
        %add3A_755 = arith.addi %mul3A_2, %mul3A_754 : i32
        %dma_wait3A_756 = arith.constant 0 : i32
        %dma_wait3A_757 = tpu.memref_slice %arg4[%div3A_750, %add3A_755, %dma_wait3A_756] : memref<50x4096x128xf32, #tpu.memory_space<hbm>> -> memref<1x64x128xf32, #tpu.memory_space<hbm>>
        %dma_wait3A_758 = tpu.memref_squeeze %dma_wait3A_757 : memref<1x64x128xf32, #tpu.memory_space<hbm>> -> memref<64x128xf32, #tpu.memory_space<hbm>>
        %dma_wait3A_759 = arith.constant 0 : i32
        %dma_wait3A_760 = tpu.memref_slice %arg4[%div3A_750, %add3A_755, %dma_wait3A_759] : memref<50x4096x128xf32, #tpu.memory_space<hbm>> -> memref<1x64x128xf32, #tpu.memory_space<hbm>>
        %dma_wait3A_761 = tpu.memref_squeeze %dma_wait3A_760 : memref<1x64x128xf32, #tpu.memory_space<hbm>> -> memref<64x128xf32, #tpu.memory_space<hbm>>
        tpu.wait_dma2 semaphore(%arg31 : memref<!tpu.dma_semaphore, #tpu.memory_space<semaphore_mem>>) src(%arg11 : memref<64x128xf32, #tpu.memory_space<vmem>>) dst(%dma_wait3A_761 : memref<64x128xf32, #tpu.memory_space<hbm>>)
        %add3A_762 = arith.constant 10 : i32
        %add3A_763 = arith.addi %sub3A_613, %add3A_762 : i32
        %div3A_764 = arith.constant 2 : i32
        %div3A_765 = arith.divsi %add3A_763, %div3A_764 : i32
        %rem3A_766 = arith.constant 2 : i32
        %rem3A_767 = arith.remsi %add3A_763, %rem3A_766 : i32
        %mul3A_768 = arith.constant 64 : i32
        %mul3A_769 = arith.muli %rem3A_767, %mul3A_768 : i32
        %dma_start3A_770 = tpu.memref_slice %arg5[%div3A_765, %mul3A_769] : memref<50x128xi32, #tpu.memory_space<vmem>> -> memref<1x64xi32, #tpu.memory_space<vmem>>
        %dma_start3A_771 = tpu.memref_squeeze %dma_start3A_770 : memref<1x64xi32, #tpu.memory_space<vmem>> -> memref<64xi32, #tpu.memory_space<vmem>>
        %dma_start3A_772 = arith.constant 0 : i32
        %dma_start3A_773 = arith.constant 0 : i32
        %dma_start3A_774 = tpu.memref_slice %arg3[%dma_start3A_772, %dma_start3A_773] : memref<100000x128xf32, #tpu.memory_space<hbm>> -> memref<100000x128xf32, #tpu.memory_space<hbm>>
        tpu.enqueue_indirect_dma source(%dma_start3A_774 : memref<100000x128xf32, #tpu.memory_space<hbm>>) target(%arg11 : memref<64x128xf32, #tpu.memory_space<vmem>>) offsets(%dma_start3A_771 : memref<64xi32, #tpu.memory_space<vmem>>) semaphore(%arg21 : memref<!tpu.dma_semaphore, #tpu.memory_space<semaphore_mem>>)
      } else {
      }
      %div3A_624 = arith.constant 2 : i32
      %div3A_625 = arith.divsi %add3A_611, %div3A_624 : i32
      %rem3A_626 = arith.constant 2 : i32
      %rem3A_627 = arith.remsi %add3A_611, %rem3A_626 : i32
      %mul3A_628 = arith.constant 64 : i32
      %mul3A_629 = arith.muli %rem3A_627, %mul3A_628 : i32
      %dma_wait3A_630 = tpu.memref_slice %arg5[%div3A_625, %mul3A_629] : memref<50x128xi32, #tpu.memory_space<vmem>> -> memref<1x64xi32, #tpu.memory_space<vmem>>
      %dma_wait3A_631 = tpu.memref_squeeze %dma_wait3A_630 : memref<1x64xi32, #tpu.memory_space<vmem>> -> memref<64xi32, #tpu.memory_space<vmem>>
      %dma_wait3A_632 = arith.constant 0 : i32
      %dma_wait3A_633 = arith.constant 0 : i32
      %dma_wait3A_634 = tpu.memref_slice %arg3[%dma_wait3A_632, %dma_wait3A_633] : memref<100000x128xf32, #tpu.memory_space<hbm>> -> memref<100000x128xf32, #tpu.memory_space<hbm>>
      tpu.wait_indirect_dma semaphore(%arg23 : memref<!tpu.dma_semaphore, #tpu.memory_space<semaphore_mem>>) src(%dma_wait3A_634 : memref<100000x128xf32, #tpu.memory_space<hbm>>) dst(%arg13 : memref<64x128xf32, #tpu.memory_space<vmem>>)
      %scan3A_635 = arith.constant 0 : i32
      %scan3A_636 = arith.constant 0 : i32
      %scan3A_637 = arith.constant 32 : i32
      %scan3A_638 = arith.addi %scan3A_636, %scan3A_637 : i32
      %scan3A_639 = arith.constant 1 : i32
      %scan3A_640 = scf.for %scan3A_749 = %scan3A_636 to %scan3A_638 step %scan3A_639 iter_args(%scan3A_750 = %scan3A_635) -> (i32)  : i32 {
        %mul3A_751 = arith.constant 2 : i32
        %mul3A_752 = arith.muli %mul3A_751, %scan3A_749 : i32
        %add3A_753 = arith.constant 0 : i32
        %add3A_754 = arith.addi %mul3A_752, %add3A_753 : i32
        %get3A = arith.index_cast %add3A_754 : i32 to index
        %get3A_755 = arith.constant 0 : index
        %get3A_756 = tpu.vector_load %arg13[%get3A, %get3A_755] {strides = array<i32>} : memref<64x128xf32, #tpu.memory_space<vmem>>, vector<1x16xf32>,
        %get3A_757 = vector.shape_cast %get3A_756 : vector<1x16xf32> to vector<16xf32>
        %mul3A_758 = arith.constant 11.3137083 : f32
        %mul3A_759 = vector.broadcast %mul3A_758 : f32 to vector<16xf32>
        %mul3A_760 = arith.mulf %get3A_757, %mul3A_759 : vector<16xf32>
        %mul3A_761 = arith.constant 2 : i32
        %mul3A_762 = arith.muli %mul3A_761, %scan3A_749 : i32
        %add3A_763 = arith.constant 0 : i32
        %add3A_764 = arith.addi %mul3A_762, %add3A_763 : i32
        %swap3A = arith.index_cast %add3A_764 : i32 to index
        %swap3A_765 = arith.constant 0 : index
        %swap3A_766 = tpu.vector_load %arg13[%swap3A, %swap3A_765] {strides = array<i32>} : memref<64x128xf32, #tpu.memory_space<vmem>>, vector<1x16xf32>,
        %swap3A_767 = vector.shape_cast %swap3A_766 : vector<1x16xf32> to vector<16xf32>
        %swap3A_768 = vector.shape_cast %mul3A_760 : vector<16xf32> to vector<1x16xf32>
        tpu.vector_store %arg13[%swap3A, %swap3A_765], %swap3A_768 {strides = array<i32>} : memref<64x128xf32, #tpu.memory_space<vmem>>, vector<1x16xf32>,
        %mul3A_769 = arith.constant 2 : i32
        %mul3A_770 = arith.muli %mul3A_769, %scan3A_749 : i32
        %add3A_771 = arith.constant 0 : i32
        %add3A_772 = arith.addi %mul3A_770, %add3A_771 : i32
        %get3A_773 = arith.index_cast %add3A_772 : i32 to index
        %get3A_774 = arith.constant 16 : index
        %get3A_775 = tpu.vector_load %arg13[%get3A_773, %get3A_774] {strides = array<i32>} : memref<64x128xf32, #tpu.memory_space<vmem>>, vector<1x16xf32>,
        %get3A_776 = vector.shape_cast %get3A_775 : vector<1x16xf32> to vector<16xf32>
        %mul3A_777 = arith.constant 11.3137083 : f32
        %mul3A_778 = vector.broadcast %mul3A_777 : f32 to vector<16xf32>
        %mul3A_779 = arith.mulf %get3A_776, %mul3A_778 : vector<16xf32>
        %mul3A_780 = arith.constant 2 : i32
        %mul3A_781 = arith.muli %mul3A_780, %scan3A_749 : i32
        %add3A_782 = arith.constant 0 : i32
        %add3A_783 = arith.addi %mul3A_781, %add3A_782 : i32
        %swap3A_784 = arith.index_cast %add3A_783 : i32 to index
        %swap3A_785 = arith.constant 16 : index
        %swap3A_786 = tpu.vector_load %arg13[%swap3A_784, %swap3A_785] {strides = array<i32>} : memref<64x128xf32, #tpu.memory_space<vmem>>, vector<1x16xf32>,
        %swap3A_787 = vector.shape_cast %swap3A_786 : vector<1x16xf32> to vector<16xf32>
        %swap3A_788 = vector.shape_cast %mul3A_779 : vector<16xf32> to vector<1x16xf32>
        tpu.vector_store %arg13[%swap3A_784, %swap3A_785], %swap3A_788 {strides = array<i32>} : memref<64x128xf32, #tpu.memory_space<vmem>>, vector<1x16xf32>,
        %mul3A_789 = arith.constant 2 : i32
        %mul3A_790 = arith.muli %mul3A_789, %scan3A_749 : i32
        %add3A_791 = arith.constant 0 : i32
        %add3A_792 = arith.addi %mul3A_790, %add3A_791 : i32
        %get3A_793 = arith.index_cast %add3A_792 : i32 to index
        %get3A_794 = arith.constant 32 : index
        %get3A_795 = tpu.vector_load %arg13[%get3A_793, %get3A_794] {strides = array<i32>} : memref<64x128xf32, #tpu.memory_space<vmem>>, vector<1x16xf32>,
        %get3A_796 = vector.shape_cast %get3A_795 : vector<1x16xf32> to vector<16xf32>
        %mul3A_797 = arith.constant 11.3137083 : f32
        %mul3A_798 = vector.broadcast %mul3A_797 : f32 to vector<16xf32>
        %mul3A_799 = arith.mulf %get3A_796, %mul3A_798 : vector<16xf32>
        %mul3A_800 = arith.constant 2 : i32
        %mul3A_801 = arith.muli %mul3A_800, %scan3A_749 : i32
        %add3A_802 = arith.constant 0 : i32
        %add3A_803 = arith.addi %mul3A_801, %add3A_802 : i32
        %swap3A_804 = arith.index_cast %add3A_803 : i32 to index
        %swap3A_805 = arith.constant 32 : index
        %swap3A_806 = tpu.vector_load %arg13[%swap3A_804, %swap3A_805] {strides = array<i32>} : memref<64x128xf32, #tpu.memory_space<vmem>>, vector<1x16xf32>,
        %swap3A_807 = vector.shape_cast %swap3A_806 : vector<1x16xf32> to vector<16xf32>
        %swap3A_808 = vector.shape_cast %mul3A_799 : vector<16xf32> to vector<1x16xf32>
        tpu.vector_store %arg13[%swap3A_804, %swap3A_805], %swap3A_808 {strides = array<i32>} : memref<64x128xf32, #tpu.memory_space<vmem>>, vector<1x16xf32>,
        %mul3A_809 = arith.constant 2 : i32
        %mul3A_810 = arith.muli %mul3A_809, %scan3A_749 : i32
        %add3A_811 = arith.constant 0 : i32
        %add3A_812 = arith.addi %mul3A_810, %add3A_811 : i32
        %get3A_813 = arith.index_cast %add3A_812 : i32 to index
        %get3A_814 = arith.constant 48 : index
        %get3A_815 = tpu.vector_load %arg13[%get3A_813, %get3A_814] {strides = array<i32>} : memref<64x128xf32, #tpu.memory_space<vmem>>, vector<1x16xf32>,
        %get3A_816 = vector.shape_cast %get3A_815 : vector<1x16xf32> to vector<16xf32>
        %mul3A_817 = arith.constant 11.3137083 : f32
        %mul3A_818 = vector.broadcast %mul3A_817 : f32 to vector<16xf32>
        %mul3A_819 = arith.mulf %get3A_816, %mul3A_818 : vector<16xf32>
        %mul3A_820 = arith.constant 2 : i32
        %mul3A_821 = arith.muli %mul3A_820, %scan3A_749 : i32
        %add3A_822 = arith.constant 0 : i32
        %add3A_823 = arith.addi %mul3A_821, %add3A_822 : i32
        %swap3A_824 = arith.index_cast %add3A_823 : i32 to index
        %swap3A_825 = arith.constant 48 : index
        %swap3A_826 = tpu.vector_load %arg13[%swap3A_824, %swap3A_825] {strides = array<i32>} : memref<64x128xf32, #tpu.memory_space<vmem>>, vector<1x16xf32>,
        %swap3A_827 = vector.shape_cast %swap3A_826 : vector<1x16xf32> to vector<16xf32>
        %swap3A_828 = vector.shape_cast %mul3A_819 : vector<16xf32> to vector<1x16xf32>
        tpu.vector_store %arg13[%swap3A_824, %swap3A_825], %swap3A_828 {strides = array<i32>} : memref<64x128xf32, #tpu.memory_space<vmem>>, vector<1x16xf32>,
        %mul3A_829 = arith.constant 2 : i32
        %mul3A_830 = arith.muli %mul3A_829, %scan3A_749 : i32
        %add3A_831 = arith.constant 0 : i32
        %add3A_832 = arith.addi %mul3A_830, %add3A_831 : i32
        %get3A_833 = arith.index_cast %add3A_832 : i32 to index
        %get3A_834 = arith.constant 64 : index
        %get3A_835 = tpu.vector_load %arg13[%get3A_833, %get3A_834] {strides = array<i32>} : memref<64x128xf32, #tpu.memory_space<vmem>>, vector<1x16xf32>,
        %get3A_836 = vector.shape_cast %get3A_835 : vector<1x16xf32> to vector<16xf32>
        %mul3A_837 = arith.constant 11.3137083 : f32
        %mul3A_838 = vector.broadcast %mul3A_837 : f32 to vector<16xf32>
        %mul3A_839 = arith.mulf %get3A_836, %mul3A_838 : vector<16xf32>
        %mul3A_840 = arith.constant 2 : i32
        %mul3A_841 = arith.muli %mul3A_840, %scan3A_749 : i32
        %add3A_842 = arith.constant 0 : i32
        %add3A_843 = arith.addi %mul3A_841, %add3A_842 : i32
        %swap3A_844 = arith.index_cast %add3A_843 : i32 to index
        %swap3A_845 = arith.constant 64 : index
        %swap3A_846 = tpu.vector_load %arg13[%swap3A_844, %swap3A_845] {strides = array<i32>} : memref<64x128xf32, #tpu.memory_space<vmem>>, vector<1x16xf32>,
        %swap3A_847 = vector.shape_cast %swap3A_846 : vector<1x16xf32> to vector<16xf32>
        %swap3A_848 = vector.shape_cast %mul3A_839 : vector<16xf32> to vector<1x16xf32>
        tpu.vector_store %arg13[%swap3A_844, %swap3A_845], %swap3A_848 {strides = array<i32>} : memref<64x128xf32, #tpu.memory_space<vmem>>, vector<1x16xf32>,
        %mul3A_849 = arith.constant 2 : i32
        %mul3A_850 = arith.muli %mul3A_849, %scan3A_749 : i32
        %add3A_851 = arith.constant 0 : i32
        %add3A_852 = arith.addi %mul3A_850, %add3A_851 : i32
        %get3A_853 = arith.index_cast %add3A_852 : i32 to index
        %get3A_854 = arith.constant 80 : index
        %get3A_855 = tpu.vector_load %arg13[%get3A_853, %get3A_854] {strides = array<i32>} : memref<64x128xf32, #tpu.memory_space<vmem>>, vector<1x16xf32>,
        %get3A_856 = vector.shape_cast %get3A_855 : vector<1x16xf32> to vector<16xf32>
        %mul3A_857 = arith.constant 11.3137083 : f32
        %mul3A_858 = vector.broadcast %mul3A_857 : f32 to vector<16xf32>
        %mul3A_859 = arith.mulf %get3A_856, %mul3A_858 : vector<16xf32>
        %mul3A_860 = arith.constant 2 : i32
        %mul3A_861 = arith.muli %mul3A_860, %scan3A_749 : i32
        %add3A_862 = arith.constant 0 : i32
        %add3A_863 = arith.addi %mul3A_861, %add3A_862 : i32
        %swap3A_864 = arith.index_cast %add3A_863 : i32 to index
        %swap3A_865 = arith.constant 80 : index
        %swap3A_866 = tpu.vector_load %arg13[%swap3A_864, %swap3A_865] {strides = array<i32>} : memref<64x128xf32, #tpu.memory_space<vmem>>, vector<1x16xf32>,
        %swap3A_867 = vector.shape_cast %swap3A_866 : vector<1x16xf32> to vector<16xf32>
        %swap3A_868 = vector.shape_cast %mul3A_859 : vector<16xf32> to vector<1x16xf32>
        tpu.vector_store %arg13[%swap3A_864, %swap3A_865], %swap3A_868 {strides = array<i32>} : memref<64x128xf32, #tpu.memory_space<vmem>>, vector<1x16xf32>,
        %mul3A_869 = arith.constant 2 : i32
        %mul3A_870 = arith.muli %mul3A_869, %scan3A_749 : i32
        %add3A_871 = arith.constant 0 : i32
        %add3A_872 = arith.addi %mul3A_870, %add3A_871 : i32
        %get3A_873 = arith.index_cast %add3A_872 : i32 to index
        %get3A_874 = arith.constant 96 : index
        %get3A_875 = tpu.vector_load %arg13[%get3A_873, %get3A_874] {strides = array<i32>} : memref<64x128xf32, #tpu.memory_space<vmem>>, vector<1x16xf32>,
        %get3A_876 = vector.shape_cast %get3A_875 : vector<1x16xf32> to vector<16xf32>
        %mul3A_877 = arith.constant 11.3137083 : f32
        %mul3A_878 = vector.broadcast %mul3A_877 : f32 to vector<16xf32>
        %mul3A_879 = arith.mulf %get3A_876, %mul3A_878 : vector<16xf32>
        %mul3A_880 = arith.constant 2 : i32
        %mul3A_881 = arith.muli %mul3A_880, %scan3A_749 : i32
        %add3A_882 = arith.constant 0 : i32
        %add3A_883 = arith.addi %mul3A_881, %add3A_882 : i32
        %swap3A_884 = arith.index_cast %add3A_883 : i32 to index
        %swap3A_885 = arith.constant 96 : index
        %swap3A_886 = tpu.vector_load %arg13[%swap3A_884, %swap3A_885] {strides = array<i32>} : memref<64x128xf32, #tpu.memory_space<vmem>>, vector<1x16xf32>,
        %swap3A_887 = vector.shape_cast %swap3A_886 : vector<1x16xf32> to vector<16xf32>
        %swap3A_888 = vector.shape_cast %mul3A_879 : vector<16xf32> to vector<1x16xf32>
        tpu.vector_store %arg13[%swap3A_884, %swap3A_885], %swap3A_888 {strides = array<i32>} : memref<64x128xf32, #tpu.memory_space<vmem>>, vector<1x16xf32>,
        %mul3A_889 = arith.constant 2 : i32
        %mul3A_890 = arith.muli %mul3A_889, %scan3A_749 : i32
        %add3A_891 = arith.constant 0 : i32
        %add3A_892 = arith.addi %mul3A_890, %add3A_891 : i32
        %get3A_893 = arith.index_cast %add3A_892 : i32 to index
        %get3A_894 = arith.constant 112 : index
        %get3A_895 = tpu.vector_load %arg13[%get3A_893, %get3A_894] {strides = array<i32>} : memref<64x128xf32, #tpu.memory_space<vmem>>, vector<1x16xf32>,
        %get3A_896 = vector.shape_cast %get3A_895 : vector<1x16xf32> to vector<16xf32>
        %mul3A_897 = arith.constant 11.3137083 : f32
        %mul3A_898 = vector.broadcast %mul3A_897 : f32 to vector<16xf32>
        %mul3A_899 = arith.mulf %get3A_896, %mul3A_898 : vector<16xf32>
        %mul3A_900 = arith.constant 2 : i32
        %mul3A_901 = arith.muli %mul3A_900, %scan3A_749 : i32
        %add3A_902 = arith.constant 0 : i32
        %add3A_903 = arith.addi %mul3A_901, %add3A_902 : i32
        %swap3A_904 = arith.index_cast %add3A_903 : i32 to index
        %swap3A_905 = arith.constant 112 : index
        %swap3A_906 = tpu.vector_load %arg13[%swap3A_904, %swap3A_905] {strides = array<i32>} : memref<64x128xf32, #tpu.memory_space<vmem>>, vector<1x16xf32>,
        %swap3A_907 = vector.shape_cast %swap3A_906 : vector<1x16xf32> to vector<16xf32>
        %swap3A_908 = vector.shape_cast %mul3A_899 : vector<16xf32> to vector<1x16xf32>
        tpu.vector_store %arg13[%swap3A_904, %swap3A_905], %swap3A_908 {strides = array<i32>} : memref<64x128xf32, #tpu.memory_space<vmem>>, vector<1x16xf32>,
        %mul3A_909 = arith.constant 2 : i32
        %mul3A_910 = arith.muli %mul3A_909, %scan3A_749 : i32
        %add3A_911 = arith.constant 1 : i32
        %add3A_912 = arith.addi %mul3A_910, %add3A_911 : i32
        %get3A_913 = arith.index_cast %add3A_912 : i32 to index
        %get3A_914 = arith.constant 0 : index
        %get3A_915 = tpu.vector_load %arg13[%get3A_913, %get3A_914] {strides = array<i32>} : memref<64x128xf32, #tpu.memory_space<vmem>>, vector<1x16xf32>,
        %get3A_916 = vector.shape_cast %get3A_915 : vector<1x16xf32> to vector<16xf32>
        %mul3A_917 = arith.constant 11.3137083 : f32
        %mul3A_918 = vector.broadcast %mul3A_917 : f32 to vector<16xf32>
        %mul3A_919 = arith.mulf %get3A_916, %mul3A_918 : vector<16xf32>
        %mul3A_920 = arith.constant 2 : i32
        %mul3A_921 = arith.muli %mul3A_920, %scan3A_749 : i32
        %add3A_922 = arith.constant 1 : i32
        %add3A_923 = arith.addi %mul3A_921, %add3A_922 : i32
        %swap3A_924 = arith.index_cast %add3A_923 : i32 to index
        %swap3A_925 = arith.constant 0 : index
        %swap3A_926 = tpu.vector_load %arg13[%swap3A_924, %swap3A_925] {strides = array<i32>} : memref<64x128xf32, #tpu.memory_space<vmem>>, vector<1x16xf32>,
        %swap3A_927 = vector.shape_cast %swap3A_926 : vector<1x16xf32> to vector<16xf32>
        %swap3A_928 = vector.shape_cast %mul3A_919 : vector<16xf32> to vector<1x16xf32>
        tpu.vector_store %arg13[%swap3A_924, %swap3A_925], %swap3A_928 {strides = array<i32>} : memref<64x128xf32, #tpu.memory_space<vmem>>, vector<1x16xf32>,
        %mul3A_929 = arith.constant 2 : i32
        %mul3A_930 = arith.muli %mul3A_929, %scan3A_749 : i32
        %add3A_931 = arith.constant 1 : i32
        %add3A_932 = arith.addi %mul3A_930, %add3A_931 : i32
        %get3A_933 = arith.index_cast %add3A_932 : i32 to index
        %get3A_934 = arith.constant 16 : index
        %get3A_935 = tpu.vector_load %arg13[%get3A_933, %get3A_934] {strides = array<i32>} : memref<64x128xf32, #tpu.memory_space<vmem>>, vector<1x16xf32>,
        %get3A_936 = vector.shape_cast %get3A_935 : vector<1x16xf32> to vector<16xf32>
        %mul3A_937 = arith.constant 11.3137083 : f32
        %mul3A_938 = vector.broadcast %mul3A_937 : f32 to vector<16xf32>
        %mul3A_939 = arith.mulf %get3A_936, %mul3A_938 : vector<16xf32>
        %mul3A_940 = arith.constant 2 : i32
        %mul3A_941 = arith.muli %mul3A_940, %scan3A_749 : i32
        %add3A_942 = arith.constant 1 : i32
        %add3A_943 = arith.addi %mul3A_941, %add3A_942 : i32
        %swap3A_944 = arith.index_cast %add3A_943 : i32 to index
        %swap3A_945 = arith.constant 16 : index
        %swap3A_946 = tpu.vector_load %arg13[%swap3A_944, %swap3A_945] {strides = array<i32>} : memref<64x128xf32, #tpu.memory_space<vmem>>, vector<1x16xf32>,
        %swap3A_947 = vector.shape_cast %swap3A_946 : vector<1x16xf32> to vector<16xf32>
        %swap3A_948 = vector.shape_cast %mul3A_939 : vector<16xf32> to vector<1x16xf32>
        tpu.vector_store %arg13[%swap3A_944, %swap3A_945], %swap3A_948 {strides = array<i32>} : memref<64x128xf32, #tpu.memory_space<vmem>>, vector<1x16xf32>,
        %mul3A_949 = arith.constant 2 : i32
        %mul3A_950 = arith.muli %mul3A_949, %scan3A_749 : i32
        %add3A_951 = arith.constant 1 : i32
        %add3A_952 = arith.addi %mul3A_950, %add3A_951 : i32
        %get3A_953 = arith.index_cast %add3A_952 : i32 to index
        %get3A_954 = arith.constant 32 : index
        %get3A_955 = tpu.vector_load %arg13[%get3A_953, %get3A_954] {strides = array<i32>} : memref<64x128xf32, #tpu.memory_space<vmem>>, vector<1x16xf32>,
        %get3A_956 = vector.shape_cast %get3A_955 : vector<1x16xf32> to vector<16xf32>
        %mul3A_957 = arith.constant 11.3137083 : f32
        %mul3A_958 = vector.broadcast %mul3A_957 : f32 to vector<16xf32>
        %mul3A_959 = arith.mulf %get3A_956, %mul3A_958 : vector<16xf32>
        %mul3A_960 = arith.constant 2 : i32
        %mul3A_961 = arith.muli %mul3A_960, %scan3A_749 : i32
        %add3A_962 = arith.constant 1 : i32
        %add3A_963 = arith.addi %mul3A_961, %add3A_962 : i32
        %swap3A_964 = arith.index_cast %add3A_963 : i32 to index
        %swap3A_965 = arith.constant 32 : index
        %swap3A_966 = tpu.vector_load %arg13[%swap3A_964, %swap3A_965] {strides = array<i32>} : memref<64x128xf32, #tpu.memory_space<vmem>>, vector<1x16xf32>,
        %swap3A_967 = vector.shape_cast %swap3A_966 : vector<1x16xf32> to vector<16xf32>
        %swap3A_968 = vector.shape_cast %mul3A_959 : vector<16xf32> to vector<1x16xf32>
        tpu.vector_store %arg13[%swap3A_964, %swap3A_965], %swap3A_968 {strides = array<i32>} : memref<64x128xf32, #tpu.memory_space<vmem>>, vector<1x16xf32>,
        %mul3A_969 = arith.constant 2 : i32
        %mul3A_970 = arith.muli %mul3A_969, %scan3A_749 : i32
        %add3A_971 = arith.constant 1 : i32
        %add3A_972 = arith.addi %mul3A_970, %add3A_971 : i32
        %get3A_973 = arith.index_cast %add3A_972 : i32 to index
        %get3A_974 = arith.constant 48 : index
        %get3A_975 = tpu.vector_load %arg13[%get3A_973, %get3A_974] {strides = array<i32>} : memref<64x128xf32, #tpu.memory_space<vmem>>, vector<1x16xf32>,
        %get3A_976 = vector.shape_cast %get3A_975 : vector<1x16xf32> to vector<16xf32>
        %mul3A_977 = arith.constant 11.3137083 : f32
        %mul3A_978 = vector.broadcast %mul3A_977 : f32 to vector<16xf32>
        %mul3A_979 = arith.mulf %get3A_976, %mul3A_978 : vector<16xf32>
        %mul3A_980 = arith.constant 2 : i32
        %mul3A_981 = arith.muli %mul3A_980, %scan3A_749 : i32
        %add3A_982 = arith.constant 1 : i32
        %add3A_983 = arith.addi %mul3A_981, %add3A_982 : i32
        %swap3A_984 = arith.index_cast %add3A_983 : i32 to index
        %swap3A_985 = arith.constant 48 : index
        %swap3A_986 = tpu.vector_load %arg13[%swap3A_984, %swap3A_985] {strides = array<i32>} : memref<64x128xf32, #tpu.memory_space<vmem>>, vector<1x16xf32>,
        %swap3A_987 = vector.shape_cast %swap3A_986 : vector<1x16xf32> to vector<16xf32>
        %swap3A_988 = vector.shape_cast %mul3A_979 : vector<16xf32> to vector<1x16xf32>
        tpu.vector_store %arg13[%swap3A_984, %swap3A_985], %swap3A_988 {strides = array<i32>} : memref<64x128xf32, #tpu.memory_space<vmem>>, vector<1x16xf32>,
        %mul3A_989 = arith.constant 2 : i32
        %mul3A_990 = arith.muli %mul3A_989, %scan3A_749 : i32
        %add3A_991 = arith.constant 1 : i32
        %add3A_992 = arith.addi %mul3A_990, %add3A_991 : i32
        %get3A_993 = arith.index_cast %add3A_992 : i32 to index
        %get3A_994 = arith.constant 64 : index
        %get3A_995 = tpu.vector_load %arg13[%get3A_993, %get3A_994] {strides = array<i32>} : memref<64x128xf32, #tpu.memory_space<vmem>>, vector<1x16xf32>,
        %get3A_996 = vector.shape_cast %get3A_995 : vector<1x16xf32> to vector<16xf32>
        %mul3A_997 = arith.constant 11.3137083 : f32
        %mul3A_998 = vector.broadcast %mul3A_997 : f32 to vector<16xf32>
        %mul3A_999 = arith.mulf %get3A_996, %mul3A_998 : vector<16xf32>
        %mul3A_1000 = arith.constant 2 : i32
        %mul3A_1001 = arith.muli %mul3A_1000, %scan3A_749 : i32
        %add3A_1002 = arith.constant 1 : i32
        %add3A_1003 = arith.addi %mul3A_1001, %add3A_1002 : i32
        %swap3A_1004 = arith.index_cast %add3A_1003 : i32 to index
        %swap3A_1005 = arith.constant 64 : index
        %swap3A_1006 = tpu.vector_load %arg13[%swap3A_1004, %swap3A_1005] {strides = array<i32>} : memref<64x128xf32, #tpu.memory_space<vmem>>, vector<1x16xf32>,
        %swap3A_1007 = vector.shape_cast %swap3A_1006 : vector<1x16xf32> to vector<16xf32>
        %swap3A_1008 = vector.shape_cast %mul3A_999 : vector<16xf32> to vector<1x16xf32>
        tpu.vector_store %arg13[%swap3A_1004, %swap3A_1005], %swap3A_1008 {strides = array<i32>} : memref<64x128xf32, #tpu.memory_space<vmem>>, vector<1x16xf32>,
        %mul3A_1009 = arith.constant 2 : i32
        %mul3A_1010 = arith.muli %mul3A_1009, %scan3A_749 : i32
        %add3A_1011 = arith.constant 1 : i32
        %add3A_1012 = arith.addi %mul3A_1010, %add3A_1011 : i32
        %get3A_1013 = arith.index_cast %add3A_1012 : i32 to index
        %get3A_1014 = arith.constant 80 : index
        %get3A_1015 = tpu.vector_load %arg13[%get3A_1013, %get3A_1014] {strides = array<i32>} : memref<64x128xf32, #tpu.memory_space<vmem>>, vector<1x16xf32>,
        %get3A_1016 = vector.shape_cast %get3A_1015 : vector<1x16xf32> to vector<16xf32>
        %mul3A_1017 = arith.constant 11.3137083 : f32
        %mul3A_1018 = vector.broadcast %mul3A_1017 : f32 to vector<16xf32>
        %mul3A_1019 = arith.mulf %get3A_1016, %mul3A_1018 : vector<16xf32>
        %mul3A_1020 = arith.constant 2 : i32
        %mul3A_1021 = arith.muli %mul3A_1020, %scan3A_749 : i32
        %add3A_1022 = arith.constant 1 : i32
        %add3A_1023 = arith.addi %mul3A_1021, %add3A_1022 : i32
        %swap3A_1024 = arith.index_cast %add3A_1023 : i32 to index
        %swap3A_1025 = arith.constant 80 : index
        %swap3A_1026 = tpu.vector_load %arg13[%swap3A_1024, %swap3A_1025] {strides = array<i32>} : memref<64x128xf32, #tpu.memory_space<vmem>>, vector<1x16xf32>,
        %swap3A_1027 = vector.shape_cast %swap3A_1026 : vector<1x16xf32> to vector<16xf32>
        %swap3A_1028 = vector.shape_cast %mul3A_1019 : vector<16xf32> to vector<1x16xf32>
        tpu.vector_store %arg13[%swap3A_1024, %swap3A_1025], %swap3A_1028 {strides = array<i32>} : memref<64x128xf32, #tpu.memory_space<vmem>>, vector<1x16xf32>,
        %mul3A_1029 = arith.constant 2 : i32
        %mul3A_1030 = arith.muli %mul3A_1029, %scan3A_749 : i32
        %add3A_1031 = arith.constant 1 : i32
        %add3A_1032 = arith.addi %mul3A_1030, %add3A_1031 : i32
        %get3A_1033 = arith.index_cast %add3A_1032 : i32 to index
        %get3A_1034 = arith.constant 96 : index
        %get3A_1035 = tpu.vector_load %arg13[%get3A_1033, %get3A_1034] {strides = array<i32>} : memref<64x128xf32, #tpu.memory_space<vmem>>, vector<1x16xf32>,
        %get3A_1036 = vector.shape_cast %get3A_1035 : vector<1x16xf32> to vector<16xf32>
        %mul3A_1037 = arith.constant 11.3137083 : f32
        %mul3A_1038 = vector.broadcast %mul3A_1037 : f32 to vector<16xf32>
        %mul3A_1039 = arith.mulf %get3A_1036, %mul3A_1038 : vector<16xf32>
        %mul3A_1040 = arith.constant 2 : i32
        %mul3A_1041 = arith.muli %mul3A_1040, %scan3A_749 : i32
        %add3A_1042 = arith.constant 1 : i32
        %add3A_1043 = arith.addi %mul3A_1041, %add3A_1042 : i32
        %swap3A_1044 = arith.index_cast %add3A_1043 : i32 to index
        %swap3A_1045 = arith.constant 96 : index
        %swap3A_1046 = tpu.vector_load %arg13[%swap3A_1044, %swap3A_1045] {strides = array<i32>} : memref<64x128xf32, #tpu.memory_space<vmem>>, vector<1x16xf32>,
        %swap3A_1047 = vector.shape_cast %swap3A_1046 : vector<1x16xf32> to vector<16xf32>
        %swap3A_1048 = vector.shape_cast %mul3A_1039 : vector<16xf32> to vector<1x16xf32>
        tpu.vector_store %arg13[%swap3A_1044, %swap3A_1045], %swap3A_1048 {strides = array<i32>} : memref<64x128xf32, #tpu.memory_space<vmem>>, vector<1x16xf32>,
        %mul3A_1049 = arith.constant 2 : i32
        %mul3A_1050 = arith.muli %mul3A_1049, %scan3A_749 : i32
        %add3A_1051 = arith.constant 1 : i32
        %add3A_1052 = arith.addi %mul3A_1050, %add3A_1051 : i32
        %get3A_1053 = arith.index_cast %add3A_1052 : i32 to index
        %get3A_1054 = arith.constant 112 : index
        %get3A_1055 = tpu.vector_load %arg13[%get3A_1053, %get3A_1054] {strides = array<i32>} : memref<64x128xf32, #tpu.memory_space<vmem>>, vector<1x16xf32>,
        %get3A_1056 = vector.shape_cast %get3A_1055 : vector<1x16xf32> to vector<16xf32>
        %mul3A_1057 = arith.constant 11.3137083 : f32
        %mul3A_1058 = vector.broadcast %mul3A_1057 : f32 to vector<16xf32>
        %mul3A_1059 = arith.mulf %get3A_1056, %mul3A_1058 : vector<16xf32>
        %mul3A_1060 = arith.constant 2 : i32
        %mul3A_1061 = arith.muli %mul3A_1060, %scan3A_749 : i32
        %add3A_1062 = arith.constant 1 : i32
        %add3A_1063 = arith.addi %mul3A_1061, %add3A_1062 : i32
        %swap3A_1064 = arith.index_cast %add3A_1063 : i32 to index
        %swap3A_1065 = arith.constant 112 : index
        %swap3A_1066 = tpu.vector_load %arg13[%swap3A_1064, %swap3A_1065] {strides = array<i32>} : memref<64x128xf32, #tpu.memory_space<vmem>>, vector<1x16xf32>,
        %swap3A_1067 = vector.shape_cast %swap3A_1066 : vector<1x16xf32> to vector<16xf32>
        %swap3A_1068 = vector.shape_cast %mul3A_1059 : vector<16xf32> to vector<1x16xf32>
        tpu.vector_store %arg13[%swap3A_1064, %swap3A_1065], %swap3A_1068 {strides = array<i32>} : memref<64x128xf32, #tpu.memory_space<vmem>>, vector<1x16xf32>,
        scf.yield %scan3A_749 : i32
      }
      %scan3A_641 = arith.constant 32 : i32
      %div3A_642 = arith.constant 2 : i32
      %div3A_643 = arith.divsi %add3A_611, %div3A_642 : i32
      %rem3A_644 = arith.constant 2 : i32
      %rem3A_645 = arith.remsi %add3A_611, %rem3A_644 : i32
      %mul3A_646 = arith.constant 64 : i32
      %mul3A_647 = arith.muli %rem3A_645, %mul3A_646 : i32
      %add3A_648 = arith.addi %mul3A_2, %mul3A_647 : i32
      %dma_start3A_649 = arith.constant 0 : i32
      %dma_start3A_650 = tpu.memref_slice %arg4[%div3A_643, %add3A_648, %dma_start3A_649] : memref<50x4096x128xf32, #tpu.memory_space<hbm>> -> memref<1x64x128xf32, #tpu.memory_space<hbm>>
      %dma_start3A_651 = tpu.memref_squeeze %dma_start3A_650 : memref<1x64x128xf32, #tpu.memory_space<hbm>> -> memref<64x128xf32, #tpu.memory_space<hbm>>
      %dma_start3A_652 = arith.constant 0 : i32
      %dma_start3A_653 = tpu.memref_slice %arg4[%div3A_643, %add3A_648, %dma_start3A_652] : memref<50x4096x128xf32, #tpu.memory_space<hbm>> -> memref<1x64x128xf32, #tpu.memory_space<hbm>>
      %dma_start3A_654 = tpu.memref_squeeze %dma_start3A_653 : memref<1x64x128xf32, #tpu.memory_space<hbm>> -> memref<64x128xf32, #tpu.memory_space<hbm>>
      tpu.enqueue_dma source(%arg13 : memref<64x128xf32, #tpu.memory_space<vmem>>) target(%dma_start3A_654 : memref<64x128xf32, #tpu.memory_space<hbm>>) target_semaphore(%arg33 : memref<!tpu.dma_semaphore, #tpu.memory_space<semaphore_mem>>)
      %mul3A_655 = arith.constant 10 : i32
      %mul3A_656 = arith.muli %scan3A_284, %mul3A_655 : i32
      %add3A_657 = arith.constant 8 : i32
      %add3A_658 = arith.addi %mul3A_656, %add3A_657 : i32
      %sub3A_659 = arith.constant 2 : i32
      %sub3A_660 = arith.subi %add3A_658, %sub3A_659 : i32
      %ge3A_661 = arith.constant 0 : i32
      %ge3A_662 = arith.cmpi sge, %sub3A_660, %ge3A_661 : i32
      %add3A_663 = arith.constant 10 : i32
      %add3A_664 = arith.addi %sub3A_660, %add3A_663 : i32
      %lt3A_665 = arith.constant 100 : i32
      %lt3A_666 = arith.cmpi slt, %add3A_664, %lt3A_665 : i32
      %and3A_667 = arith.andi %ge3A_662, %lt3A_666 : i1
      %convert_element_type3A_668 = arith.extui %and3A_667 : i1 to i32
      %cond3A_669 = arith.constant 0 : i32
      %cond3A_670 = arith.cmpi ne, %convert_element_type3A_668, %cond3A_669 : i32
      scf.if %cond3A_670 {
        %div3A_749 = arith.constant 2 : i32
        %div3A_750 = arith.divsi %sub3A_660, %div3A_749 : i32
        %rem3A_751 = arith.constant 2 : i32
        %rem3A_752 = arith.remsi %sub3A_660, %rem3A_751 : i32
        %mul3A_753 = arith.constant 64 : i32
        %mul3A_754 = arith.muli %rem3A_752, %mul3A_753 : i32
        %add3A_755 = arith.addi %mul3A_2, %mul3A_754 : i32
        %dma_wait3A_756 = arith.constant 0 : i32
        %dma_wait3A_757 = tpu.memref_slice %arg4[%div3A_750, %add3A_755, %dma_wait3A_756] : memref<50x4096x128xf32, #tpu.memory_space<hbm>> -> memref<1x64x128xf32, #tpu.memory_space<hbm>>
        %dma_wait3A_758 = tpu.memref_squeeze %dma_wait3A_757 : memref<1x64x128xf32, #tpu.memory_space<hbm>> -> memref<64x128xf32, #tpu.memory_space<hbm>>
        %dma_wait3A_759 = arith.constant 0 : i32
        %dma_wait3A_760 = tpu.memref_slice %arg4[%div3A_750, %add3A_755, %dma_wait3A_759] : memref<50x4096x128xf32, #tpu.memory_space<hbm>> -> memref<1x64x128xf32, #tpu.memory_space<hbm>>
        %dma_wait3A_761 = tpu.memref_squeeze %dma_wait3A_760 : memref<1x64x128xf32, #tpu.memory_space<hbm>> -> memref<64x128xf32, #tpu.memory_space<hbm>>
        tpu.wait_dma2 semaphore(%arg32 : memref<!tpu.dma_semaphore, #tpu.memory_space<semaphore_mem>>) src(%arg12 : memref<64x128xf32, #tpu.memory_space<vmem>>) dst(%dma_wait3A_761 : memref<64x128xf32, #tpu.memory_space<hbm>>)
        %add3A_762 = arith.constant 10 : i32
        %add3A_763 = arith.addi %sub3A_660, %add3A_762 : i32
        %div3A_764 = arith.constant 2 : i32
        %div3A_765 = arith.divsi %add3A_763, %div3A_764 : i32
        %rem3A_766 = arith.constant 2 : i32
        %rem3A_767 = arith.remsi %add3A_763, %rem3A_766 : i32
        %mul3A_768 = arith.constant 64 : i32
        %mul3A_769 = arith.muli %rem3A_767, %mul3A_768 : i32
        %dma_start3A_770 = tpu.memref_slice %arg5[%div3A_765, %mul3A_769] : memref<50x128xi32, #tpu.memory_space<vmem>> -> memref<1x64xi32, #tpu.memory_space<vmem>>
        %dma_start3A_771 = tpu.memref_squeeze %dma_start3A_770 : memref<1x64xi32, #tpu.memory_space<vmem>> -> memref<64xi32, #tpu.memory_space<vmem>>
        %dma_start3A_772 = arith.constant 0 : i32
        %dma_start3A_773 = arith.constant 0 : i32
        %dma_start3A_774 = tpu.memref_slice %arg3[%dma_start3A_772, %dma_start3A_773] : memref<100000x128xf32, #tpu.memory_space<hbm>> -> memref<100000x128xf32, #tpu.memory_space<hbm>>
        tpu.enqueue_indirect_dma source(%dma_start3A_774 : memref<100000x128xf32, #tpu.memory_space<hbm>>) target(%arg12 : memref<64x128xf32, #tpu.memory_space<vmem>>) offsets(%dma_start3A_771 : memref<64xi32, #tpu.memory_space<vmem>>) semaphore(%arg22 : memref<!tpu.dma_semaphore, #tpu.memory_space<semaphore_mem>>)
      } else {
      }
      %div3A_671 = arith.constant 2 : i32
      %div3A_672 = arith.divsi %add3A_658, %div3A_671 : i32
      %rem3A_673 = arith.constant 2 : i32
      %rem3A_674 = arith.remsi %add3A_658, %rem3A_673 : i32
      %mul3A_675 = arith.constant 64 : i32
      %mul3A_676 = arith.muli %rem3A_674, %mul3A_675 : i32
      %dma_wait3A_677 = tpu.memref_slice %arg5[%div3A_672, %mul3A_676] : memref<50x128xi32, #tpu.memory_space<vmem>> -> memref<1x64xi32, #tpu.memory_space<vmem>>
      %dma_wait3A_678 = tpu.memref_squeeze %dma_wait3A_677 : memref<1x64xi32, #tpu.memory_space<vmem>> -> memref<64xi32, #tpu.memory_space<vmem>>
      %dma_wait3A_679 = arith.constant 0 : i32
      %dma_wait3A_680 = arith.constant 0 : i32
      %dma_wait3A_681 = tpu.memref_slice %arg3[%dma_wait3A_679, %dma_wait3A_680] : memref<100000x128xf32, #tpu.memory_space<hbm>> -> memref<100000x128xf32, #tpu.memory_space<hbm>>
      tpu.wait_indirect_dma semaphore(%arg24 : memref<!tpu.dma_semaphore, #tpu.memory_space<semaphore_mem>>) src(%dma_wait3A_681 : memref<100000x128xf32, #tpu.memory_space<hbm>>) dst(%arg14 : memref<64x128xf32, #tpu.memory_space<vmem>>)
      %scan3A_682 = arith.constant 0 : i32
      %scan3A_683 = arith.constant 0 : i32
      %scan3A_684 = arith.constant 32 : i32
      %scan3A_685 = arith.addi %scan3A_683, %scan3A_684 : i32
      %scan3A_686 = arith.constant 1 : i32
      %scan3A_687 = scf.for %scan3A_749 = %scan3A_683 to %scan3A_685 step %scan3A_686 iter_args(%scan3A_750 = %scan3A_682) -> (i32)  : i32 {
        %mul3A_751 = arith.constant 2 : i32
        %mul3A_752 = arith.muli %mul3A_751, %scan3A_749 : i32
        %add3A_753 = arith.constant 0 : i32
        %add3A_754 = arith.addi %mul3A_752, %add3A_753 : i32
        %get3A = arith.index_cast %add3A_754 : i32 to index
        %get3A_755 = arith.constant 0 : index
        %get3A_756 = tpu.vector_load %arg14[%get3A, %get3A_755] {strides = array<i32>} : memref<64x128xf32, #tpu.memory_space<vmem>>, vector<1x16xf32>,
        %get3A_757 = vector.shape_cast %get3A_756 : vector<1x16xf32> to vector<16xf32>
        %mul3A_758 = arith.constant 11.3137083 : f32
        %mul3A_759 = vector.broadcast %mul3A_758 : f32 to vector<16xf32>
        %mul3A_760 = arith.mulf %get3A_757, %mul3A_759 : vector<16xf32>
        %mul3A_761 = arith.constant 2 : i32
        %mul3A_762 = arith.muli %mul3A_761, %scan3A_749 : i32
        %add3A_763 = arith.constant 0 : i32
        %add3A_764 = arith.addi %mul3A_762, %add3A_763 : i32
        %swap3A = arith.index_cast %add3A_764 : i32 to index
        %swap3A_765 = arith.constant 0 : index
        %swap3A_766 = tpu.vector_load %arg14[%swap3A, %swap3A_765] {strides = array<i32>} : memref<64x128xf32, #tpu.memory_space<vmem>>, vector<1x16xf32>,
        %swap3A_767 = vector.shape_cast %swap3A_766 : vector<1x16xf32> to vector<16xf32>
        %swap3A_768 = vector.shape_cast %mul3A_760 : vector<16xf32> to vector<1x16xf32>
        tpu.vector_store %arg14[%swap3A, %swap3A_765], %swap3A_768 {strides = array<i32>} : memref<64x128xf32, #tpu.memory_space<vmem>>, vector<1x16xf32>,
        %mul3A_769 = arith.constant 2 : i32
        %mul3A_770 = arith.muli %mul3A_769, %scan3A_749 : i32
        %add3A_771 = arith.constant 0 : i32
        %add3A_772 = arith.addi %mul3A_770, %add3A_771 : i32
        %get3A_773 = arith.index_cast %add3A_772 : i32 to index
        %get3A_774 = arith.constant 16 : index
        %get3A_775 = tpu.vector_load %arg14[%get3A_773, %get3A_774] {strides = array<i32>} : memref<64x128xf32, #tpu.memory_space<vmem>>, vector<1x16xf32>,
        %get3A_776 = vector.shape_cast %get3A_775 : vector<1x16xf32> to vector<16xf32>
        %mul3A_777 = arith.constant 11.3137083 : f32
        %mul3A_778 = vector.broadcast %mul3A_777 : f32 to vector<16xf32>
        %mul3A_779 = arith.mulf %get3A_776, %mul3A_778 : vector<16xf32>
        %mul3A_780 = arith.constant 2 : i32
        %mul3A_781 = arith.muli %mul3A_780, %scan3A_749 : i32
        %add3A_782 = arith.constant 0 : i32
        %add3A_783 = arith.addi %mul3A_781, %add3A_782 : i32
        %swap3A_784 = arith.index_cast %add3A_783 : i32 to index
        %swap3A_785 = arith.constant 16 : index
        %swap3A_786 = tpu.vector_load %arg14[%swap3A_784, %swap3A_785] {strides = array<i32>} : memref<64x128xf32, #tpu.memory_space<vmem>>, vector<1x16xf32>,
        %swap3A_787 = vector.shape_cast %swap3A_786 : vector<1x16xf32> to vector<16xf32>
        %swap3A_788 = vector.shape_cast %mul3A_779 : vector<16xf32> to vector<1x16xf32>
        tpu.vector_store %arg14[%swap3A_784, %swap3A_785], %swap3A_788 {strides = array<i32>} : memref<64x128xf32, #tpu.memory_space<vmem>>, vector<1x16xf32>,
        %mul3A_789 = arith.constant 2 : i32
        %mul3A_790 = arith.muli %mul3A_789, %scan3A_749 : i32
        %add3A_791 = arith.constant 0 : i32
        %add3A_792 = arith.addi %mul3A_790, %add3A_791 : i32
        %get3A_793 = arith.index_cast %add3A_792 : i32 to index
        %get3A_794 = arith.constant 32 : index
        %get3A_795 = tpu.vector_load %arg14[%get3A_793, %get3A_794] {strides = array<i32>} : memref<64x128xf32, #tpu.memory_space<vmem>>, vector<1x16xf32>,
        %get3A_796 = vector.shape_cast %get3A_795 : vector<1x16xf32> to vector<16xf32>
        %mul3A_797 = arith.constant 11.3137083 : f32
        %mul3A_798 = vector.broadcast %mul3A_797 : f32 to vector<16xf32>
        %mul3A_799 = arith.mulf %get3A_796, %mul3A_798 : vector<16xf32>
        %mul3A_800 = arith.constant 2 : i32
        %mul3A_801 = arith.muli %mul3A_800, %scan3A_749 : i32
        %add3A_802 = arith.constant 0 : i32
        %add3A_803 = arith.addi %mul3A_801, %add3A_802 : i32
        %swap3A_804 = arith.index_cast %add3A_803 : i32 to index
        %swap3A_805 = arith.constant 32 : index
        %swap3A_806 = tpu.vector_load %arg14[%swap3A_804, %swap3A_805] {strides = array<i32>} : memref<64x128xf32, #tpu.memory_space<vmem>>, vector<1x16xf32>,
        %swap3A_807 = vector.shape_cast %swap3A_806 : vector<1x16xf32> to vector<16xf32>
        %swap3A_808 = vector.shape_cast %mul3A_799 : vector<16xf32> to vector<1x16xf32>
        tpu.vector_store %arg14[%swap3A_804, %swap3A_805], %swap3A_808 {strides = array<i32>} : memref<64x128xf32, #tpu.memory_space<vmem>>, vector<1x16xf32>,
        %mul3A_809 = arith.constant 2 : i32
        %mul3A_810 = arith.muli %mul3A_809, %scan3A_749 : i32
        %add3A_811 = arith.constant 0 : i32
        %add3A_812 = arith.addi %mul3A_810, %add3A_811 : i32
        %get3A_813 = arith.index_cast %add3A_812 : i32 to index
        %get3A_814 = arith.constant 48 : index
        %get3A_815 = tpu.vector_load %arg14[%get3A_813, %get3A_814] {strides = array<i32>} : memref<64x128xf32, #tpu.memory_space<vmem>>, vector<1x16xf32>,
        %get3A_816 = vector.shape_cast %get3A_815 : vector<1x16xf32> to vector<16xf32>
        %mul3A_817 = arith.constant 11.3137083 : f32
        %mul3A_818 = vector.broadcast %mul3A_817 : f32 to vector<16xf32>
        %mul3A_819 = arith.mulf %get3A_816, %mul3A_818 : vector<16xf32>
        %mul3A_820 = arith.constant 2 : i32
        %mul3A_821 = arith.muli %mul3A_820, %scan3A_749 : i32
        %add3A_822 = arith.constant 0 : i32
        %add3A_823 = arith.addi %mul3A_821, %add3A_822 : i32
        %swap3A_824 = arith.index_cast %add3A_823 : i32 to index
        %swap3A_825 = arith.constant 48 : index
        %swap3A_826 = tpu.vector_load %arg14[%swap3A_824, %swap3A_825] {strides = array<i32>} : memref<64x128xf32, #tpu.memory_space<vmem>>, vector<1x16xf32>,
        %swap3A_827 = vector.shape_cast %swap3A_826 : vector<1x16xf32> to vector<16xf32>
        %swap3A_828 = vector.shape_cast %mul3A_819 : vector<16xf32> to vector<1x16xf32>
        tpu.vector_store %arg14[%swap3A_824, %swap3A_825], %swap3A_828 {strides = array<i32>} : memref<64x128xf32, #tpu.memory_space<vmem>>, vector<1x16xf32>,
        %mul3A_829 = arith.constant 2 : i32
        %mul3A_830 = arith.muli %mul3A_829, %scan3A_749 : i32
        %add3A_831 = arith.constant 0 : i32
        %add3A_832 = arith.addi %mul3A_830, %add3A_831 : i32
        %get3A_833 = arith.index_cast %add3A_832 : i32 to index
        %get3A_834 = arith.constant 64 : index
        %get3A_835 = tpu.vector_load %arg14[%get3A_833, %get3A_834] {strides = array<i32>} : memref<64x128xf32, #tpu.memory_space<vmem>>, vector<1x16xf32>,
        %get3A_836 = vector.shape_cast %get3A_835 : vector<1x16xf32> to vector<16xf32>
        %mul3A_837 = arith.constant 11.3137083 : f32
        %mul3A_838 = vector.broadcast %mul3A_837 : f32 to vector<16xf32>
        %mul3A_839 = arith.mulf %get3A_836, %mul3A_838 : vector<16xf32>
        %mul3A_840 = arith.constant 2 : i32
        %mul3A_841 = arith.muli %mul3A_840, %scan3A_749 : i32
        %add3A_842 = arith.constant 0 : i32
        %add3A_843 = arith.addi %mul3A_841, %add3A_842 : i32
        %swap3A_844 = arith.index_cast %add3A_843 : i32 to index
        %swap3A_845 = arith.constant 64 : index
        %swap3A_846 = tpu.vector_load %arg14[%swap3A_844, %swap3A_845] {strides = array<i32>} : memref<64x128xf32, #tpu.memory_space<vmem>>, vector<1x16xf32>,
        %swap3A_847 = vector.shape_cast %swap3A_846 : vector<1x16xf32> to vector<16xf32>
        %swap3A_848 = vector.shape_cast %mul3A_839 : vector<16xf32> to vector<1x16xf32>
        tpu.vector_store %arg14[%swap3A_844, %swap3A_845], %swap3A_848 {strides = array<i32>} : memref<64x128xf32, #tpu.memory_space<vmem>>, vector<1x16xf32>,
        %mul3A_849 = arith.constant 2 : i32
        %mul3A_850 = arith.muli %mul3A_849, %scan3A_749 : i32
        %add3A_851 = arith.constant 0 : i32
        %add3A_852 = arith.addi %mul3A_850, %add3A_851 : i32
        %get3A_853 = arith.index_cast %add3A_852 : i32 to index
        %get3A_854 = arith.constant 80 : index
        %get3A_855 = tpu.vector_load %arg14[%get3A_853, %get3A_854] {strides = array<i32>} : memref<64x128xf32, #tpu.memory_space<vmem>>, vector<1x16xf32>,
        %get3A_856 = vector.shape_cast %get3A_855 : vector<1x16xf32> to vector<16xf32>
        %mul3A_857 = arith.constant 11.3137083 : f32
        %mul3A_858 = vector.broadcast %mul3A_857 : f32 to vector<16xf32>
        %mul3A_859 = arith.mulf %get3A_856, %mul3A_858 : vector<16xf32>
        %mul3A_860 = arith.constant 2 : i32
        %mul3A_861 = arith.muli %mul3A_860, %scan3A_749 : i32
        %add3A_862 = arith.constant 0 : i32
        %add3A_863 = arith.addi %mul3A_861, %add3A_862 : i32
        %swap3A_864 = arith.index_cast %add3A_863 : i32 to index
        %swap3A_865 = arith.constant 80 : index
        %swap3A_866 = tpu.vector_load %arg14[%swap3A_864, %swap3A_865] {strides = array<i32>} : memref<64x128xf32, #tpu.memory_space<vmem>>, vector<1x16xf32>,
        %swap3A_867 = vector.shape_cast %swap3A_866 : vector<1x16xf32> to vector<16xf32>
        %swap3A_868 = vector.shape_cast %mul3A_859 : vector<16xf32> to vector<1x16xf32>
        tpu.vector_store %arg14[%swap3A_864, %swap3A_865], %swap3A_868 {strides = array<i32>} : memref<64x128xf32, #tpu.memory_space<vmem>>, vector<1x16xf32>,
        %mul3A_869 = arith.constant 2 : i32
        %mul3A_870 = arith.muli %mul3A_869, %scan3A_749 : i32
        %add3A_871 = arith.constant 0 : i32
        %add3A_872 = arith.addi %mul3A_870, %add3A_871 : i32
        %get3A_873 = arith.index_cast %add3A_872 : i32 to index
        %get3A_874 = arith.constant 96 : index
        %get3A_875 = tpu.vector_load %arg14[%get3A_873, %get3A_874] {strides = array<i32>} : memref<64x128xf32, #tpu.memory_space<vmem>>, vector<1x16xf32>,
        %get3A_876 = vector.shape_cast %get3A_875 : vector<1x16xf32> to vector<16xf32>
        %mul3A_877 = arith.constant 11.3137083 : f32
        %mul3A_878 = vector.broadcast %mul3A_877 : f32 to vector<16xf32>
        %mul3A_879 = arith.mulf %get3A_876, %mul3A_878 : vector<16xf32>
        %mul3A_880 = arith.constant 2 : i32
        %mul3A_881 = arith.muli %mul3A_880, %scan3A_749 : i32
        %add3A_882 = arith.constant 0 : i32
        %add3A_883 = arith.addi %mul3A_881, %add3A_882 : i32
        %swap3A_884 = arith.index_cast %add3A_883 : i32 to index
        %swap3A_885 = arith.constant 96 : index
        %swap3A_886 = tpu.vector_load %arg14[%swap3A_884, %swap3A_885] {strides = array<i32>} : memref<64x128xf32, #tpu.memory_space<vmem>>, vector<1x16xf32>,
        %swap3A_887 = vector.shape_cast %swap3A_886 : vector<1x16xf32> to vector<16xf32>
        %swap3A_888 = vector.shape_cast %mul3A_879 : vector<16xf32> to vector<1x16xf32>
        tpu.vector_store %arg14[%swap3A_884, %swap3A_885], %swap3A_888 {strides = array<i32>} : memref<64x128xf32, #tpu.memory_space<vmem>>, vector<1x16xf32>,
        %mul3A_889 = arith.constant 2 : i32
        %mul3A_890 = arith.muli %mul3A_889, %scan3A_749 : i32
        %add3A_891 = arith.constant 0 : i32
        %add3A_892 = arith.addi %mul3A_890, %add3A_891 : i32
        %get3A_893 = arith.index_cast %add3A_892 : i32 to index
        %get3A_894 = arith.constant 112 : index
        %get3A_895 = tpu.vector_load %arg14[%get3A_893, %get3A_894] {strides = array<i32>} : memref<64x128xf32, #tpu.memory_space<vmem>>, vector<1x16xf32>,
        %get3A_896 = vector.shape_cast %get3A_895 : vector<1x16xf32> to vector<16xf32>
        %mul3A_897 = arith.constant 11.3137083 : f32
        %mul3A_898 = vector.broadcast %mul3A_897 : f32 to vector<16xf32>
        %mul3A_899 = arith.mulf %get3A_896, %mul3A_898 : vector<16xf32>
        %mul3A_900 = arith.constant 2 : i32
        %mul3A_901 = arith.muli %mul3A_900, %scan3A_749 : i32
        %add3A_902 = arith.constant 0 : i32
        %add3A_903 = arith.addi %mul3A_901, %add3A_902 : i32
        %swap3A_904 = arith.index_cast %add3A_903 : i32 to index
        %swap3A_905 = arith.constant 112 : index
        %swap3A_906 = tpu.vector_load %arg14[%swap3A_904, %swap3A_905] {strides = array<i32>} : memref<64x128xf32, #tpu.memory_space<vmem>>, vector<1x16xf32>,
        %swap3A_907 = vector.shape_cast %swap3A_906 : vector<1x16xf32> to vector<16xf32>
        %swap3A_908 = vector.shape_cast %mul3A_899 : vector<16xf32> to vector<1x16xf32>
        tpu.vector_store %arg14[%swap3A_904, %swap3A_905], %swap3A_908 {strides = array<i32>} : memref<64x128xf32, #tpu.memory_space<vmem>>, vector<1x16xf32>,
        %mul3A_909 = arith.constant 2 : i32
        %mul3A_910 = arith.muli %mul3A_909, %scan3A_749 : i32
        %add3A_911 = arith.constant 1 : i32
        %add3A_912 = arith.addi %mul3A_910, %add3A_911 : i32
        %get3A_913 = arith.index_cast %add3A_912 : i32 to index
        %get3A_914 = arith.constant 0 : index
        %get3A_915 = tpu.vector_load %arg14[%get3A_913, %get3A_914] {strides = array<i32>} : memref<64x128xf32, #tpu.memory_space<vmem>>, vector<1x16xf32>,
        %get3A_916 = vector.shape_cast %get3A_915 : vector<1x16xf32> to vector<16xf32>
        %mul3A_917 = arith.constant 11.3137083 : f32
        %mul3A_918 = vector.broadcast %mul3A_917 : f32 to vector<16xf32>
        %mul3A_919 = arith.mulf %get3A_916, %mul3A_918 : vector<16xf32>
        %mul3A_920 = arith.constant 2 : i32
        %mul3A_921 = arith.muli %mul3A_920, %scan3A_749 : i32
        %add3A_922 = arith.constant 1 : i32
        %add3A_923 = arith.addi %mul3A_921, %add3A_922 : i32
        %swap3A_924 = arith.index_cast %add3A_923 : i32 to index
        %swap3A_925 = arith.constant 0 : index
        %swap3A_926 = tpu.vector_load %arg14[%swap3A_924, %swap3A_925] {strides = array<i32>} : memref<64x128xf32, #tpu.memory_space<vmem>>, vector<1x16xf32>,
        %swap3A_927 = vector.shape_cast %swap3A_926 : vector<1x16xf32> to vector<16xf32>
        %swap3A_928 = vector.shape_cast %mul3A_919 : vector<16xf32> to vector<1x16xf32>
        tpu.vector_store %arg14[%swap3A_924, %swap3A_925], %swap3A_928 {strides = array<i32>} : memref<64x128xf32, #tpu.memory_space<vmem>>, vector<1x16xf32>,
        %mul3A_929 = arith.constant 2 : i32
        %mul3A_930 = arith.muli %mul3A_929, %scan3A_749 : i32
        %add3A_931 = arith.constant 1 : i32
        %add3A_932 = arith.addi %mul3A_930, %add3A_931 : i32
        %get3A_933 = arith.index_cast %add3A_932 : i32 to index
        %get3A_934 = arith.constant 16 : index
        %get3A_935 = tpu.vector_load %arg14[%get3A_933, %get3A_934] {strides = array<i32>} : memref<64x128xf32, #tpu.memory_space<vmem>>, vector<1x16xf32>,
        %get3A_936 = vector.shape_cast %get3A_935 : vector<1x16xf32> to vector<16xf32>
        %mul3A_937 = arith.constant 11.3137083 : f32
        %mul3A_938 = vector.broadcast %mul3A_937 : f32 to vector<16xf32>
        %mul3A_939 = arith.mulf %get3A_936, %mul3A_938 : vector<16xf32>
        %mul3A_940 = arith.constant 2 : i32
        %mul3A_941 = arith.muli %mul3A_940, %scan3A_749 : i32
        %add3A_942 = arith.constant 1 : i32
        %add3A_943 = arith.addi %mul3A_941, %add3A_942 : i32
        %swap3A_944 = arith.index_cast %add3A_943 : i32 to index
        %swap3A_945 = arith.constant 16 : index
        %swap3A_946 = tpu.vector_load %arg14[%swap3A_944, %swap3A_945] {strides = array<i32>} : memref<64x128xf32, #tpu.memory_space<vmem>>, vector<1x16xf32>,
        %swap3A_947 = vector.shape_cast %swap3A_946 : vector<1x16xf32> to vector<16xf32>
        %swap3A_948 = vector.shape_cast %mul3A_939 : vector<16xf32> to vector<1x16xf32>
        tpu.vector_store %arg14[%swap3A_944, %swap3A_945], %swap3A_948 {strides = array<i32>} : memref<64x128xf32, #tpu.memory_space<vmem>>, vector<1x16xf32>,
        %mul3A_949 = arith.constant 2 : i32
        %mul3A_950 = arith.muli %mul3A_949, %scan3A_749 : i32
        %add3A_951 = arith.constant 1 : i32
        %add3A_952 = arith.addi %mul3A_950, %add3A_951 : i32
        %get3A_953 = arith.index_cast %add3A_952 : i32 to index
        %get3A_954 = arith.constant 32 : index
        %get3A_955 = tpu.vector_load %arg14[%get3A_953, %get3A_954] {strides = array<i32>} : memref<64x128xf32, #tpu.memory_space<vmem>>, vector<1x16xf32>,
        %get3A_956 = vector.shape_cast %get3A_955 : vector<1x16xf32> to vector<16xf32>
        %mul3A_957 = arith.constant 11.3137083 : f32
        %mul3A_958 = vector.broadcast %mul3A_957 : f32 to vector<16xf32>
        %mul3A_959 = arith.mulf %get3A_956, %mul3A_958 : vector<16xf32>
        %mul3A_960 = arith.constant 2 : i32
        %mul3A_961 = arith.muli %mul3A_960, %scan3A_749 : i32
        %add3A_962 = arith.constant 1 : i32
        %add3A_963 = arith.addi %mul3A_961, %add3A_962 : i32
        %swap3A_964 = arith.index_cast %add3A_963 : i32 to index
        %swap3A_965 = arith.constant 32 : index
        %swap3A_966 = tpu.vector_load %arg14[%swap3A_964, %swap3A_965] {strides = array<i32>} : memref<64x128xf32, #tpu.memory_space<vmem>>, vector<1x16xf32>,
        %swap3A_967 = vector.shape_cast %swap3A_966 : vector<1x16xf32> to vector<16xf32>
        %swap3A_968 = vector.shape_cast %mul3A_959 : vector<16xf32> to vector<1x16xf32>
        tpu.vector_store %arg14[%swap3A_964, %swap3A_965], %swap3A_968 {strides = array<i32>} : memref<64x128xf32, #tpu.memory_space<vmem>>, vector<1x16xf32>,
        %mul3A_969 = arith.constant 2 : i32
        %mul3A_970 = arith.muli %mul3A_969, %scan3A_749 : i32
        %add3A_971 = arith.constant 1 : i32
        %add3A_972 = arith.addi %mul3A_970, %add3A_971 : i32
        %get3A_973 = arith.index_cast %add3A_972 : i32 to index
        %get3A_974 = arith.constant 48 : index
        %get3A_975 = tpu.vector_load %arg14[%get3A_973, %get3A_974] {strides = array<i32>} : memref<64x128xf32, #tpu.memory_space<vmem>>, vector<1x16xf32>,
        %get3A_976 = vector.shape_cast %get3A_975 : vector<1x16xf32> to vector<16xf32>
        %mul3A_977 = arith.constant 11.3137083 : f32
        %mul3A_978 = vector.broadcast %mul3A_977 : f32 to vector<16xf32>
        %mul3A_979 = arith.mulf %get3A_976, %mul3A_978 : vector<16xf32>
        %mul3A_980 = arith.constant 2 : i32
        %mul3A_981 = arith.muli %mul3A_980, %scan3A_749 : i32
        %add3A_982 = arith.constant 1 : i32
        %add3A_983 = arith.addi %mul3A_981, %add3A_982 : i32
        %swap3A_984 = arith.index_cast %add3A_983 : i32 to index
        %swap3A_985 = arith.constant 48 : index
        %swap3A_986 = tpu.vector_load %arg14[%swap3A_984, %swap3A_985] {strides = array<i32>} : memref<64x128xf32, #tpu.memory_space<vmem>>, vector<1x16xf32>,
        %swap3A_987 = vector.shape_cast %swap3A_986 : vector<1x16xf32> to vector<16xf32>
        %swap3A_988 = vector.shape_cast %mul3A_979 : vector<16xf32> to vector<1x16xf32>
        tpu.vector_store %arg14[%swap3A_984, %swap3A_985], %swap3A_988 {strides = array<i32>} : memref<64x128xf32, #tpu.memory_space<vmem>>, vector<1x16xf32>,
        %mul3A_989 = arith.constant 2 : i32
        %mul3A_990 = arith.muli %mul3A_989, %scan3A_749 : i32
        %add3A_991 = arith.constant 1 : i32
        %add3A_992 = arith.addi %mul3A_990, %add3A_991 : i32
        %get3A_993 = arith.index_cast %add3A_992 : i32 to index
        %get3A_994 = arith.constant 64 : index
        %get3A_995 = tpu.vector_load %arg14[%get3A_993, %get3A_994] {strides = array<i32>} : memref<64x128xf32, #tpu.memory_space<vmem>>, vector<1x16xf32>,
        %get3A_996 = vector.shape_cast %get3A_995 : vector<1x16xf32> to vector<16xf32>
        %mul3A_997 = arith.constant 11.3137083 : f32
        %mul3A_998 = vector.broadcast %mul3A_997 : f32 to vector<16xf32>
        %mul3A_999 = arith.mulf %get3A_996, %mul3A_998 : vector<16xf32>
        %mul3A_1000 = arith.constant 2 : i32
        %mul3A_1001 = arith.muli %mul3A_1000, %scan3A_749 : i32
        %add3A_1002 = arith.constant 1 : i32
        %add3A_1003 = arith.addi %mul3A_1001, %add3A_1002 : i32
        %swap3A_1004 = arith.index_cast %add3A_1003 : i32 to index
        %swap3A_1005 = arith.constant 64 : index
        %swap3A_1006 = tpu.vector_load %arg14[%swap3A_1004, %swap3A_1005] {strides = array<i32>} : memref<64x128xf32, #tpu.memory_space<vmem>>, vector<1x16xf32>,
        %swap3A_1007 = vector.shape_cast %swap3A_1006 : vector<1x16xf32> to vector<16xf32>
        %swap3A_1008 = vector.shape_cast %mul3A_999 : vector<16xf32> to vector<1x16xf32>
        tpu.vector_store %arg14[%swap3A_1004, %swap3A_1005], %swap3A_1008 {strides = array<i32>} : memref<64x128xf32, #tpu.memory_space<vmem>>, vector<1x16xf32>,
        %mul3A_1009 = arith.constant 2 : i32
        %mul3A_1010 = arith.muli %mul3A_1009, %scan3A_749 : i32
        %add3A_1011 = arith.constant 1 : i32
        %add3A_1012 = arith.addi %mul3A_1010, %add3A_1011 : i32
        %get3A_1013 = arith.index_cast %add3A_1012 : i32 to index
        %get3A_1014 = arith.constant 80 : index
        %get3A_1015 = tpu.vector_load %arg14[%get3A_1013, %get3A_1014] {strides = array<i32>} : memref<64x128xf32, #tpu.memory_space<vmem>>, vector<1x16xf32>,
        %get3A_1016 = vector.shape_cast %get3A_1015 : vector<1x16xf32> to vector<16xf32>
        %mul3A_1017 = arith.constant 11.3137083 : f32
        %mul3A_1018 = vector.broadcast %mul3A_1017 : f32 to vector<16xf32>
        %mul3A_1019 = arith.mulf %get3A_1016, %mul3A_1018 : vector<16xf32>
        %mul3A_1020 = arith.constant 2 : i32
        %mul3A_1021 = arith.muli %mul3A_1020, %scan3A_749 : i32
        %add3A_1022 = arith.constant 1 : i32
        %add3A_1023 = arith.addi %mul3A_1021, %add3A_1022 : i32
        %swap3A_1024 = arith.index_cast %add3A_1023 : i32 to index
        %swap3A_1025 = arith.constant 80 : index
        %swap3A_1026 = tpu.vector_load %arg14[%swap3A_1024, %swap3A_1025] {strides = array<i32>} : memref<64x128xf32, #tpu.memory_space<vmem>>, vector<1x16xf32>,
        %swap3A_1027 = vector.shape_cast %swap3A_1026 : vector<1x16xf32> to vector<16xf32>
        %swap3A_1028 = vector.shape_cast %mul3A_1019 : vector<16xf32> to vector<1x16xf32>
        tpu.vector_store %arg14[%swap3A_1024, %swap3A_1025], %swap3A_1028 {strides = array<i32>} : memref<64x128xf32, #tpu.memory_space<vmem>>, vector<1x16xf32>,
        %mul3A_1029 = arith.constant 2 : i32
        %mul3A_1030 = arith.muli %mul3A_1029, %scan3A_749 : i32
        %add3A_1031 = arith.constant 1 : i32
        %add3A_1032 = arith.addi %mul3A_1030, %add3A_1031 : i32
        %get3A_1033 = arith.index_cast %add3A_1032 : i32 to index
        %get3A_1034 = arith.constant 96 : index
        %get3A_1035 = tpu.vector_load %arg14[%get3A_1033, %get3A_1034] {strides = array<i32>} : memref<64x128xf32, #tpu.memory_space<vmem>>, vector<1x16xf32>,
        %get3A_1036 = vector.shape_cast %get3A_1035 : vector<1x16xf32> to vector<16xf32>
        %mul3A_1037 = arith.constant 11.3137083 : f32
        %mul3A_1038 = vector.broadcast %mul3A_1037 : f32 to vector<16xf32>
        %mul3A_1039 = arith.mulf %get3A_1036, %mul3A_1038 : vector<16xf32>
        %mul3A_1040 = arith.constant 2 : i32
        %mul3A_1041 = arith.muli %mul3A_1040, %scan3A_749 : i32
        %add3A_1042 = arith.constant 1 : i32
        %add3A_1043 = arith.addi %mul3A_1041, %add3A_1042 : i32
        %swap3A_1044 = arith.index_cast %add3A_1043 : i32 to index
        %swap3A_1045 = arith.constant 96 : index
        %swap3A_1046 = tpu.vector_load %arg14[%swap3A_1044, %swap3A_1045] {strides = array<i32>} : memref<64x128xf32, #tpu.memory_space<vmem>>, vector<1x16xf32>,
        %swap3A_1047 = vector.shape_cast %swap3A_1046 : vector<1x16xf32> to vector<16xf32>
        %swap3A_1048 = vector.shape_cast %mul3A_1039 : vector<16xf32> to vector<1x16xf32>
        tpu.vector_store %arg14[%swap3A_1044, %swap3A_1045], %swap3A_1048 {strides = array<i32>} : memref<64x128xf32, #tpu.memory_space<vmem>>, vector<1x16xf32>,
        %mul3A_1049 = arith.constant 2 : i32
        %mul3A_1050 = arith.muli %mul3A_1049, %scan3A_749 : i32
        %add3A_1051 = arith.constant 1 : i32
        %add3A_1052 = arith.addi %mul3A_1050, %add3A_1051 : i32
        %get3A_1053 = arith.index_cast %add3A_1052 : i32 to index
        %get3A_1054 = arith.constant 112 : index
        %get3A_1055 = tpu.vector_load %arg14[%get3A_1053, %get3A_1054] {strides = array<i32>} : memref<64x128xf32, #tpu.memory_space<vmem>>, vector<1x16xf32>,
        %get3A_1056 = vector.shape_cast %get3A_1055 : vector<1x16xf32> to vector<16xf32>
        %mul3A_1057 = arith.constant 11.3137083 : f32
        %mul3A_1058 = vector.broadcast %mul3A_1057 : f32 to vector<16xf32>
        %mul3A_1059 = arith.mulf %get3A_1056, %mul3A_1058 : vector<16xf32>
        %mul3A_1060 = arith.constant 2 : i32
        %mul3A_1061 = arith.muli %mul3A_1060, %scan3A_749 : i32
        %add3A_1062 = arith.constant 1 : i32
        %add3A_1063 = arith.addi %mul3A_1061, %add3A_1062 : i32
        %swap3A_1064 = arith.index_cast %add3A_1063 : i32 to index
        %swap3A_1065 = arith.constant 112 : index
        %swap3A_1066 = tpu.vector_load %arg14[%swap3A_1064, %swap3A_1065] {strides = array<i32>} : memref<64x128xf32, #tpu.memory_space<vmem>>, vector<1x16xf32>,
        %swap3A_1067 = vector.shape_cast %swap3A_1066 : vector<1x16xf32> to vector<16xf32>
        %swap3A_1068 = vector.shape_cast %mul3A_1059 : vector<16xf32> to vector<1x16xf32>
        tpu.vector_store %arg14[%swap3A_1064, %swap3A_1065], %swap3A_1068 {strides = array<i32>} : memref<64x128xf32, #tpu.memory_space<vmem>>, vector<1x16xf32>,
        scf.yield %scan3A_749 : i32
      }
      %scan3A_688 = arith.constant 32 : i32
      %div3A_689 = arith.constant 2 : i32
      %div3A_690 = arith.divsi %add3A_658, %div3A_689 : i32
      %rem3A_691 = arith.constant 2 : i32
      %rem3A_692 = arith.remsi %add3A_658, %rem3A_691 : i32
      %mul3A_693 = arith.constant 64 : i32
      %mul3A_694 = arith.muli %rem3A_692, %mul3A_693 : i32
      %add3A_695 = arith.addi %mul3A_2, %mul3A_694 : i32
      %dma_start3A_696 = arith.constant 0 : i32
      %dma_start3A_697 = tpu.memref_slice %arg4[%div3A_690, %add3A_695, %dma_start3A_696] : memref<50x4096x128xf32, #tpu.memory_space<hbm>> -> memref<1x64x128xf32, #tpu.memory_space<hbm>>
      %dma_start3A_698 = tpu.memref_squeeze %dma_start3A_697 : memref<1x64x128xf32, #tpu.memory_space<hbm>> -> memref<64x128xf32, #tpu.memory_space<hbm>>
      %dma_start3A_699 = arith.constant 0 : i32
      %dma_start3A_700 = tpu.memref_slice %arg4[%div3A_690, %add3A_695, %dma_start3A_699] : memref<50x4096x128xf32, #tpu.memory_space<hbm>> -> memref<1x64x128xf32, #tpu.memory_space<hbm>>
      %dma_start3A_701 = tpu.memref_squeeze %dma_start3A_700 : memref<1x64x128xf32, #tpu.memory_space<hbm>> -> memref<64x128xf32, #tpu.memory_space<hbm>>
      tpu.enqueue_dma source(%arg14 : memref<64x128xf32, #tpu.memory_space<vmem>>) target(%dma_start3A_701 : memref<64x128xf32, #tpu.memory_space<hbm>>) target_semaphore(%arg34 : memref<!tpu.dma_semaphore, #tpu.memory_space<semaphore_mem>>)
      %mul3A_702 = arith.constant 10 : i32
      %mul3A_703 = arith.muli %scan3A_284, %mul3A_702 : i32
      %add3A_704 = arith.constant 9 : i32
      %add3A_705 = arith.addi %mul3A_703, %add3A_704 : i32
      %sub3A_706 = arith.constant 2 : i32
      %sub3A_707 = arith.subi %add3A_705, %sub3A_706 : i32
      %ge3A_708 = arith.constant 0 : i32
      %ge3A_709 = arith.cmpi sge, %sub3A_707, %ge3A_708 : i32
      %add3A_710 = arith.constant 10 : i32
      %add3A_711 = arith.addi %sub3A_707, %add3A_710 : i32
      %lt3A_712 = arith.constant 100 : i32
      %lt3A_713 = arith.cmpi slt, %add3A_711, %lt3A_712 : i32
      %and3A_714 = arith.andi %ge3A_709, %lt3A_713 : i1
      %convert_element_type3A_715 = arith.extui %and3A_714 : i1 to i32
      %cond3A_716 = arith.constant 0 : i32
      %cond3A_717 = arith.cmpi ne, %convert_element_type3A_715, %cond3A_716 : i32
      scf.if %cond3A_717 {
        %div3A_749 = arith.constant 2 : i32
        %div3A_750 = arith.divsi %sub3A_707, %div3A_749 : i32
        %rem3A_751 = arith.constant 2 : i32
        %rem3A_752 = arith.remsi %sub3A_707, %rem3A_751 : i32
        %mul3A_753 = arith.constant 64 : i32
        %mul3A_754 = arith.muli %rem3A_752, %mul3A_753 : i32
        %add3A_755 = arith.addi %mul3A_2, %mul3A_754 : i32
        %dma_wait3A_756 = arith.constant 0 : i32
        %dma_wait3A_757 = tpu.memref_slice %arg4[%div3A_750, %add3A_755, %dma_wait3A_756] : memref<50x4096x128xf32, #tpu.memory_space<hbm>> -> memref<1x64x128xf32, #tpu.memory_space<hbm>>
        %dma_wait3A_758 = tpu.memref_squeeze %dma_wait3A_757 : memref<1x64x128xf32, #tpu.memory_space<hbm>> -> memref<64x128xf32, #tpu.memory_space<hbm>>
        %dma_wait3A_759 = arith.constant 0 : i32
        %dma_wait3A_760 = tpu.memref_slice %arg4[%div3A_750, %add3A_755, %dma_wait3A_759] : memref<50x4096x128xf32, #tpu.memory_space<hbm>> -> memref<1x64x128xf32, #tpu.memory_space<hbm>>
        %dma_wait3A_761 = tpu.memref_squeeze %dma_wait3A_760 : memref<1x64x128xf32, #tpu.memory_space<hbm>> -> memref<64x128xf32, #tpu.memory_space<hbm>>
        tpu.wait_dma2 semaphore(%arg33 : memref<!tpu.dma_semaphore, #tpu.memory_space<semaphore_mem>>) src(%arg13 : memref<64x128xf32, #tpu.memory_space<vmem>>) dst(%dma_wait3A_761 : memref<64x128xf32, #tpu.memory_space<hbm>>)
        %add3A_762 = arith.constant 10 : i32
        %add3A_763 = arith.addi %sub3A_707, %add3A_762 : i32
        %div3A_764 = arith.constant 2 : i32
        %div3A_765 = arith.divsi %add3A_763, %div3A_764 : i32
        %rem3A_766 = arith.constant 2 : i32
        %rem3A_767 = arith.remsi %add3A_763, %rem3A_766 : i32
        %mul3A_768 = arith.constant 64 : i32
        %mul3A_769 = arith.muli %rem3A_767, %mul3A_768 : i32
        %dma_start3A_770 = tpu.memref_slice %arg5[%div3A_765, %mul3A_769] : memref<50x128xi32, #tpu.memory_space<vmem>> -> memref<1x64xi32, #tpu.memory_space<vmem>>
        %dma_start3A_771 = tpu.memref_squeeze %dma_start3A_770 : memref<1x64xi32, #tpu.memory_space<vmem>> -> memref<64xi32, #tpu.memory_space<vmem>>
        %dma_start3A_772 = arith.constant 0 : i32
        %dma_start3A_773 = arith.constant 0 : i32
        %dma_start3A_774 = tpu.memref_slice %arg3[%dma_start3A_772, %dma_start3A_773] : memref<100000x128xf32, #tpu.memory_space<hbm>> -> memref<100000x128xf32, #tpu.memory_space<hbm>>
        tpu.enqueue_indirect_dma source(%dma_start3A_774 : memref<100000x128xf32, #tpu.memory_space<hbm>>) target(%arg13 : memref<64x128xf32, #tpu.memory_space<vmem>>) offsets(%dma_start3A_771 : memref<64xi32, #tpu.memory_space<vmem>>) semaphore(%arg23 : memref<!tpu.dma_semaphore, #tpu.memory_space<semaphore_mem>>)
      } else {
      }
      %div3A_718 = arith.constant 2 : i32
      %div3A_719 = arith.divsi %add3A_705, %div3A_718 : i32
      %rem3A_720 = arith.constant 2 : i32
      %rem3A_721 = arith.remsi %add3A_705, %rem3A_720 : i32
      %mul3A_722 = arith.constant 64 : i32
      %mul3A_723 = arith.muli %rem3A_721, %mul3A_722 : i32
      %dma_wait3A_724 = tpu.memref_slice %arg5[%div3A_719, %mul3A_723] : memref<50x128xi32, #tpu.memory_space<vmem>> -> memref<1x64xi32, #tpu.memory_space<vmem>>
      %dma_wait3A_725 = tpu.memref_squeeze %dma_wait3A_724 : memref<1x64xi32, #tpu.memory_space<vmem>> -> memref<64xi32, #tpu.memory_space<vmem>>
      %dma_wait3A_726 = arith.constant 0 : i32
      %dma_wait3A_727 = arith.constant 0 : i32
      %dma_wait3A_728 = tpu.memref_slice %arg3[%dma_wait3A_726, %dma_wait3A_727] : memref<100000x128xf32, #tpu.memory_space<hbm>> -> memref<100000x128xf32, #tpu.memory_space<hbm>>
      tpu.wait_indirect_dma semaphore(%arg25 : memref<!tpu.dma_semaphore, #tpu.memory_space<semaphore_mem>>) src(%dma_wait3A_728 : memref<100000x128xf32, #tpu.memory_space<hbm>>) dst(%arg15 : memref<64x128xf32, #tpu.memory_space<vmem>>)
      %scan3A_729 = arith.constant 0 : i32
      %scan3A_730 = arith.constant 0 : i32
      %scan3A_731 = arith.constant 32 : i32
      %scan3A_732 = arith.addi %scan3A_730, %scan3A_731 : i32
      %scan3A_733 = arith.constant 1 : i32
      %scan3A_734 = scf.for %scan3A_749 = %scan3A_730 to %scan3A_732 step %scan3A_733 iter_args(%scan3A_750 = %scan3A_729) -> (i32)  : i32 {
        %mul3A_751 = arith.constant 2 : i32
        %mul3A_752 = arith.muli %mul3A_751, %scan3A_749 : i32
        %add3A_753 = arith.constant 0 : i32
        %add3A_754 = arith.addi %mul3A_752, %add3A_753 : i32
        %get3A = arith.index_cast %add3A_754 : i32 to index
        %get3A_755 = arith.constant 0 : index
        %get3A_756 = tpu.vector_load %arg15[%get3A, %get3A_755] {strides = array<i32>} : memref<64x128xf32, #tpu.memory_space<vmem>>, vector<1x16xf32>,
        %get3A_757 = vector.shape_cast %get3A_756 : vector<1x16xf32> to vector<16xf32>
        %mul3A_758 = arith.constant 11.3137083 : f32
        %mul3A_759 = vector.broadcast %mul3A_758 : f32 to vector<16xf32>
        %mul3A_760 = arith.mulf %get3A_757, %mul3A_759 : vector<16xf32>
        %mul3A_761 = arith.constant 2 : i32
        %mul3A_762 = arith.muli %mul3A_761, %scan3A_749 : i32
        %add3A_763 = arith.constant 0 : i32
        %add3A_764 = arith.addi %mul3A_762, %add3A_763 : i32
        %swap3A = arith.index_cast %add3A_764 : i32 to index
        %swap3A_765 = arith.constant 0 : index
        %swap3A_766 = tpu.vector_load %arg15[%swap3A, %swap3A_765] {strides = array<i32>} : memref<64x128xf32, #tpu.memory_space<vmem>>, vector<1x16xf32>,
        %swap3A_767 = vector.shape_cast %swap3A_766 : vector<1x16xf32> to vector<16xf32>
        %swap3A_768 = vector.shape_cast %mul3A_760 : vector<16xf32> to vector<1x16xf32>
        tpu.vector_store %arg15[%swap3A, %swap3A_765], %swap3A_768 {strides = array<i32>} : memref<64x128xf32, #tpu.memory_space<vmem>>, vector<1x16xf32>,
        %mul3A_769 = arith.constant 2 : i32
        %mul3A_770 = arith.muli %mul3A_769, %scan3A_749 : i32
        %add3A_771 = arith.constant 0 : i32
        %add3A_772 = arith.addi %mul3A_770, %add3A_771 : i32
        %get3A_773 = arith.index_cast %add3A_772 : i32 to index
        %get3A_774 = arith.constant 16 : index
        %get3A_775 = tpu.vector_load %arg15[%get3A_773, %get3A_774] {strides = array<i32>} : memref<64x128xf32, #tpu.memory_space<vmem>>, vector<1x16xf32>,
        %get3A_776 = vector.shape_cast %get3A_775 : vector<1x16xf32> to vector<16xf32>
        %mul3A_777 = arith.constant 11.3137083 : f32
        %mul3A_778 = vector.broadcast %mul3A_777 : f32 to vector<16xf32>
        %mul3A_779 = arith.mulf %get3A_776, %mul3A_778 : vector<16xf32>
        %mul3A_780 = arith.constant 2 : i32
        %mul3A_781 = arith.muli %mul3A_780, %scan3A_749 : i32
        %add3A_782 = arith.constant 0 : i32
        %add3A_783 = arith.addi %mul3A_781, %add3A_782 : i32
        %swap3A_784 = arith.index_cast %add3A_783 : i32 to index
        %swap3A_785 = arith.constant 16 : index
        %swap3A_786 = tpu.vector_load %arg15[%swap3A_784, %swap3A_785] {strides = array<i32>} : memref<64x128xf32, #tpu.memory_space<vmem>>, vector<1x16xf32>,
        %swap3A_787 = vector.shape_cast %swap3A_786 : vector<1x16xf32> to vector<16xf32>
        %swap3A_788 = vector.shape_cast %mul3A_779 : vector<16xf32> to vector<1x16xf32>
        tpu.vector_store %arg15[%swap3A_784, %swap3A_785], %swap3A_788 {strides = array<i32>} : memref<64x128xf32, #tpu.memory_space<vmem>>, vector<1x16xf32>,
        %mul3A_789 = arith.constant 2 : i32
        %mul3A_790 = arith.muli %mul3A_789, %scan3A_749 : i32
        %add3A_791 = arith.constant 0 : i32
        %add3A_792 = arith.addi %mul3A_790, %add3A_791 : i32
        %get3A_793 = arith.index_cast %add3A_792 : i32 to index
        %get3A_794 = arith.constant 32 : index
        %get3A_795 = tpu.vector_load %arg15[%get3A_793, %get3A_794] {strides = array<i32>} : memref<64x128xf32, #tpu.memory_space<vmem>>, vector<1x16xf32>,
        %get3A_796 = vector.shape_cast %get3A_795 : vector<1x16xf32> to vector<16xf32>
        %mul3A_797 = arith.constant 11.3137083 : f32
        %mul3A_798 = vector.broadcast %mul3A_797 : f32 to vector<16xf32>
        %mul3A_799 = arith.mulf %get3A_796, %mul3A_798 : vector<16xf32>
        %mul3A_800 = arith.constant 2 : i32
        %mul3A_801 = arith.muli %mul3A_800, %scan3A_749 : i32
        %add3A_802 = arith.constant 0 : i32
        %add3A_803 = arith.addi %mul3A_801, %add3A_802 : i32
        %swap3A_804 = arith.index_cast %add3A_803 : i32 to index
        %swap3A_805 = arith.constant 32 : index
        %swap3A_806 = tpu.vector_load %arg15[%swap3A_804, %swap3A_805] {strides = array<i32>} : memref<64x128xf32, #tpu.memory_space<vmem>>, vector<1x16xf32>,
        %swap3A_807 = vector.shape_cast %swap3A_806 : vector<1x16xf32> to vector<16xf32>
        %swap3A_808 = vector.shape_cast %mul3A_799 : vector<16xf32> to vector<1x16xf32>
        tpu.vector_store %arg15[%swap3A_804, %swap3A_805], %swap3A_808 {strides = array<i32>} : memref<64x128xf32, #tpu.memory_space<vmem>>, vector<1x16xf32>,
        %mul3A_809 = arith.constant 2 : i32
        %mul3A_810 = arith.muli %mul3A_809, %scan3A_749 : i32
        %add3A_811 = arith.constant 0 : i32
        %add3A_812 = arith.addi %mul3A_810, %add3A_811 : i32
        %get3A_813 = arith.index_cast %add3A_812 : i32 to index
        %get3A_814 = arith.constant 48 : index
        %get3A_815 = tpu.vector_load %arg15[%get3A_813, %get3A_814] {strides = array<i32>} : memref<64x128xf32, #tpu.memory_space<vmem>>, vector<1x16xf32>,
        %get3A_816 = vector.shape_cast %get3A_815 : vector<1x16xf32> to vector<16xf32>
        %mul3A_817 = arith.constant 11.3137083 : f32
        %mul3A_818 = vector.broadcast %mul3A_817 : f32 to vector<16xf32>
        %mul3A_819 = arith.mulf %get3A_816, %mul3A_818 : vector<16xf32>
        %mul3A_820 = arith.constant 2 : i32
        %mul3A_821 = arith.muli %mul3A_820, %scan3A_749 : i32
        %add3A_822 = arith.constant 0 : i32
        %add3A_823 = arith.addi %mul3A_821, %add3A_822 : i32
        %swap3A_824 = arith.index_cast %add3A_823 : i32 to index
        %swap3A_825 = arith.constant 48 : index
        %swap3A_826 = tpu.vector_load %arg15[%swap3A_824, %swap3A_825] {strides = array<i32>} : memref<64x128xf32, #tpu.memory_space<vmem>>, vector<1x16xf32>,
        %swap3A_827 = vector.shape_cast %swap3A_826 : vector<1x16xf32> to vector<16xf32>
        %swap3A_828 = vector.shape_cast %mul3A_819 : vector<16xf32> to vector<1x16xf32>
        tpu.vector_store %arg15[%swap3A_824, %swap3A_825], %swap3A_828 {strides = array<i32>} : memref<64x128xf32, #tpu.memory_space<vmem>>, vector<1x16xf32>,
        %mul3A_829 = arith.constant 2 : i32
        %mul3A_830 = arith.muli %mul3A_829, %scan3A_749 : i32
        %add3A_831 = arith.constant 0 : i32
        %add3A_832 = arith.addi %mul3A_830, %add3A_831 : i32
        %get3A_833 = arith.index_cast %add3A_832 : i32 to index
        %get3A_834 = arith.constant 64 : index
        %get3A_835 = tpu.vector_load %arg15[%get3A_833, %get3A_834] {strides = array<i32>} : memref<64x128xf32, #tpu.memory_space<vmem>>, vector<1x16xf32>,
        %get3A_836 = vector.shape_cast %get3A_835 : vector<1x16xf32> to vector<16xf32>
        %mul3A_837 = arith.constant 11.3137083 : f32
        %mul3A_838 = vector.broadcast %mul3A_837 : f32 to vector<16xf32>
        %mul3A_839 = arith.mulf %get3A_836, %mul3A_838 : vector<16xf32>
        %mul3A_840 = arith.constant 2 : i32
        %mul3A_841 = arith.muli %mul3A_840, %scan3A_749 : i32
        %add3A_842 = arith.constant 0 : i32
        %add3A_843 = arith.addi %mul3A_841, %add3A_842 : i32
        %swap3A_844 = arith.index_cast %add3A_843 : i32 to index
        %swap3A_845 = arith.constant 64 : index
        %swap3A_846 = tpu.vector_load %arg15[%swap3A_844, %swap3A_845] {strides = array<i32>} : memref<64x128xf32, #tpu.memory_space<vmem>>, vector<1x16xf32>,
        %swap3A_847 = vector.shape_cast %swap3A_846 : vector<1x16xf32> to vector<16xf32>
        %swap3A_848 = vector.shape_cast %mul3A_839 : vector<16xf32> to vector<1x16xf32>
        tpu.vector_store %arg15[%swap3A_844, %swap3A_845], %swap3A_848 {strides = array<i32>} : memref<64x128xf32, #tpu.memory_space<vmem>>, vector<1x16xf32>,
        %mul3A_849 = arith.constant 2 : i32
        %mul3A_850 = arith.muli %mul3A_849, %scan3A_749 : i32
        %add3A_851 = arith.constant 0 : i32
        %add3A_852 = arith.addi %mul3A_850, %add3A_851 : i32
        %get3A_853 = arith.index_cast %add3A_852 : i32 to index
        %get3A_854 = arith.constant 80 : index
        %get3A_855 = tpu.vector_load %arg15[%get3A_853, %get3A_854] {strides = array<i32>} : memref<64x128xf32, #tpu.memory_space<vmem>>, vector<1x16xf32>,
        %get3A_856 = vector.shape_cast %get3A_855 : vector<1x16xf32> to vector<16xf32>
        %mul3A_857 = arith.constant 11.3137083 : f32
        %mul3A_858 = vector.broadcast %mul3A_857 : f32 to vector<16xf32>
        %mul3A_859 = arith.mulf %get3A_856, %mul3A_858 : vector<16xf32>
        %mul3A_860 = arith.constant 2 : i32
        %mul3A_861 = arith.muli %mul3A_860, %scan3A_749 : i32
        %add3A_862 = arith.constant 0 : i32
        %add3A_863 = arith.addi %mul3A_861, %add3A_862 : i32
        %swap3A_864 = arith.index_cast %add3A_863 : i32 to index
        %swap3A_865 = arith.constant 80 : index
        %swap3A_866 = tpu.vector_load %arg15[%swap3A_864, %swap3A_865] {strides = array<i32>} : memref<64x128xf32, #tpu.memory_space<vmem>>, vector<1x16xf32>,
        %swap3A_867 = vector.shape_cast %swap3A_866 : vector<1x16xf32> to vector<16xf32>
        %swap3A_868 = vector.shape_cast %mul3A_859 : vector<16xf32> to vector<1x16xf32>
        tpu.vector_store %arg15[%swap3A_864, %swap3A_865], %swap3A_868 {strides = array<i32>} : memref<64x128xf32, #tpu.memory_space<vmem>>, vector<1x16xf32>,
        %mul3A_869 = arith.constant 2 : i32
        %mul3A_870 = arith.muli %mul3A_869, %scan3A_749 : i32
        %add3A_871 = arith.constant 0 : i32
        %add3A_872 = arith.addi %mul3A_870, %add3A_871 : i32
        %get3A_873 = arith.index_cast %add3A_872 : i32 to index
        %get3A_874 = arith.constant 96 : index
        %get3A_875 = tpu.vector_load %arg15[%get3A_873, %get3A_874] {strides = array<i32>} : memref<64x128xf32, #tpu.memory_space<vmem>>, vector<1x16xf32>,
        %get3A_876 = vector.shape_cast %get3A_875 : vector<1x16xf32> to vector<16xf32>
        %mul3A_877 = arith.constant 11.3137083 : f32
        %mul3A_878 = vector.broadcast %mul3A_877 : f32 to vector<16xf32>
        %mul3A_879 = arith.mulf %get3A_876, %mul3A_878 : vector<16xf32>
        %mul3A_880 = arith.constant 2 : i32
        %mul3A_881 = arith.muli %mul3A_880, %scan3A_749 : i32
        %add3A_882 = arith.constant 0 : i32
        %add3A_883 = arith.addi %mul3A_881, %add3A_882 : i32
        %swap3A_884 = arith.index_cast %add3A_883 : i32 to index
        %swap3A_885 = arith.constant 96 : index
        %swap3A_886 = tpu.vector_load %arg15[%swap3A_884, %swap3A_885] {strides = array<i32>} : memref<64x128xf32, #tpu.memory_space<vmem>>, vector<1x16xf32>,
        %swap3A_887 = vector.shape_cast %swap3A_886 : vector<1x16xf32> to vector<16xf32>
        %swap3A_888 = vector.shape_cast %mul3A_879 : vector<16xf32> to vector<1x16xf32>
        tpu.vector_store %arg15[%swap3A_884, %swap3A_885], %swap3A_888 {strides = array<i32>} : memref<64x128xf32, #tpu.memory_space<vmem>>, vector<1x16xf32>,
        %mul3A_889 = arith.constant 2 : i32
        %mul3A_890 = arith.muli %mul3A_889, %scan3A_749 : i32
        %add3A_891 = arith.constant 0 : i32
        %add3A_892 = arith.addi %mul3A_890, %add3A_891 : i32
        %get3A_893 = arith.index_cast %add3A_892 : i32 to index
        %get3A_894 = arith.constant 112 : index
        %get3A_895 = tpu.vector_load %arg15[%get3A_893, %get3A_894] {strides = array<i32>} : memref<64x128xf32, #tpu.memory_space<vmem>>, vector<1x16xf32>,
        %get3A_896 = vector.shape_cast %get3A_895 : vector<1x16xf32> to vector<16xf32>
        %mul3A_897 = arith.constant 11.3137083 : f32
        %mul3A_898 = vector.broadcast %mul3A_897 : f32 to vector<16xf32>
        %mul3A_899 = arith.mulf %get3A_896, %mul3A_898 : vector<16xf32>
        %mul3A_900 = arith.constant 2 : i32
        %mul3A_901 = arith.muli %mul3A_900, %scan3A_749 : i32
        %add3A_902 = arith.constant 0 : i32
        %add3A_903 = arith.addi %mul3A_901, %add3A_902 : i32
        %swap3A_904 = arith.index_cast %add3A_903 : i32 to index
        %swap3A_905 = arith.constant 112 : index
        %swap3A_906 = tpu.vector_load %arg15[%swap3A_904, %swap3A_905] {strides = array<i32>} : memref<64x128xf32, #tpu.memory_space<vmem>>, vector<1x16xf32>,
        %swap3A_907 = vector.shape_cast %swap3A_906 : vector<1x16xf32> to vector<16xf32>
        %swap3A_908 = vector.shape_cast %mul3A_899 : vector<16xf32> to vector<1x16xf32>
        tpu.vector_store %arg15[%swap3A_904, %swap3A_905], %swap3A_908 {strides = array<i32>} : memref<64x128xf32, #tpu.memory_space<vmem>>, vector<1x16xf32>,
        %mul3A_909 = arith.constant 2 : i32
        %mul3A_910 = arith.muli %mul3A_909, %scan3A_749 : i32
        %add3A_911 = arith.constant 1 : i32
        %add3A_912 = arith.addi %mul3A_910, %add3A_911 : i32
        %get3A_913 = arith.index_cast %add3A_912 : i32 to index
        %get3A_914 = arith.constant 0 : index
        %get3A_915 = tpu.vector_load %arg15[%get3A_913, %get3A_914] {strides = array<i32>} : memref<64x128xf32, #tpu.memory_space<vmem>>, vector<1x16xf32>,
        %get3A_916 = vector.shape_cast %get3A_915 : vector<1x16xf32> to vector<16xf32>
        %mul3A_917 = arith.constant 11.3137083 : f32
        %mul3A_918 = vector.broadcast %mul3A_917 : f32 to vector<16xf32>
        %mul3A_919 = arith.mulf %get3A_916, %mul3A_918 : vector<16xf32>
        %mul3A_920 = arith.constant 2 : i32
        %mul3A_921 = arith.muli %mul3A_920, %scan3A_749 : i32
        %add3A_922 = arith.constant 1 : i32
        %add3A_923 = arith.addi %mul3A_921, %add3A_922 : i32
        %swap3A_924 = arith.index_cast %add3A_923 : i32 to index
        %swap3A_925 = arith.constant 0 : index
        %swap3A_926 = tpu.vector_load %arg15[%swap3A_924, %swap3A_925] {strides = array<i32>} : memref<64x128xf32, #tpu.memory_space<vmem>>, vector<1x16xf32>,
        %swap3A_927 = vector.shape_cast %swap3A_926 : vector<1x16xf32> to vector<16xf32>
        %swap3A_928 = vector.shape_cast %mul3A_919 : vector<16xf32> to vector<1x16xf32>
        tpu.vector_store %arg15[%swap3A_924, %swap3A_925], %swap3A_928 {strides = array<i32>} : memref<64x128xf32, #tpu.memory_space<vmem>>, vector<1x16xf32>,
        %mul3A_929 = arith.constant 2 : i32
        %mul3A_930 = arith.muli %mul3A_929, %scan3A_749 : i32
        %add3A_931 = arith.constant 1 : i32
        %add3A_932 = arith.addi %mul3A_930, %add3A_931 : i32
        %get3A_933 = arith.index_cast %add3A_932 : i32 to index
        %get3A_934 = arith.constant 16 : index
        %get3A_935 = tpu.vector_load %arg15[%get3A_933, %get3A_934] {strides = array<i32>} : memref<64x128xf32, #tpu.memory_space<vmem>>, vector<1x16xf32>,
        %get3A_936 = vector.shape_cast %get3A_935 : vector<1x16xf32> to vector<16xf32>
        %mul3A_937 = arith.constant 11.3137083 : f32
        %mul3A_938 = vector.broadcast %mul3A_937 : f32 to vector<16xf32>
        %mul3A_939 = arith.mulf %get3A_936, %mul3A_938 : vector<16xf32>
        %mul3A_940 = arith.constant 2 : i32
        %mul3A_941 = arith.muli %mul3A_940, %scan3A_749 : i32
        %add3A_942 = arith.constant 1 : i32
        %add3A_943 = arith.addi %mul3A_941, %add3A_942 : i32
        %swap3A_944 = arith.index_cast %add3A_943 : i32 to index
        %swap3A_945 = arith.constant 16 : index
        %swap3A_946 = tpu.vector_load %arg15[%swap3A_944, %swap3A_945] {strides = array<i32>} : memref<64x128xf32, #tpu.memory_space<vmem>>, vector<1x16xf32>,
        %swap3A_947 = vector.shape_cast %swap3A_946 : vector<1x16xf32> to vector<16xf32>
        %swap3A_948 = vector.shape_cast %mul3A_939 : vector<16xf32> to vector<1x16xf32>
        tpu.vector_store %arg15[%swap3A_944, %swap3A_945], %swap3A_948 {strides = array<i32>} : memref<64x128xf32, #tpu.memory_space<vmem>>, vector<1x16xf32>,
        %mul3A_949 = arith.constant 2 : i32
        %mul3A_950 = arith.muli %mul3A_949, %scan3A_749 : i32
        %add3A_951 = arith.constant 1 : i32
        %add3A_952 = arith.addi %mul3A_950, %add3A_951 : i32
        %get3A_953 = arith.index_cast %add3A_952 : i32 to index
        %get3A_954 = arith.constant 32 : index
        %get3A_955 = tpu.vector_load %arg15[%get3A_953, %get3A_954] {strides = array<i32>} : memref<64x128xf32, #tpu.memory_space<vmem>>, vector<1x16xf32>,
        %get3A_956 = vector.shape_cast %get3A_955 : vector<1x16xf32> to vector<16xf32>
        %mul3A_957 = arith.constant 11.3137083 : f32
        %mul3A_958 = vector.broadcast %mul3A_957 : f32 to vector<16xf32>
        %mul3A_959 = arith.mulf %get3A_956, %mul3A_958 : vector<16xf32>
        %mul3A_960 = arith.constant 2 : i32
        %mul3A_961 = arith.muli %mul3A_960, %scan3A_749 : i32
        %add3A_962 = arith.constant 1 : i32
        %add3A_963 = arith.addi %mul3A_961, %add3A_962 : i32
        %swap3A_964 = arith.index_cast %add3A_963 : i32 to index
        %swap3A_965 = arith.constant 32 : index
        %swap3A_966 = tpu.vector_load %arg15[%swap3A_964, %swap3A_965] {strides = array<i32>} : memref<64x128xf32, #tpu.memory_space<vmem>>, vector<1x16xf32>,
        %swap3A_967 = vector.shape_cast %swap3A_966 : vector<1x16xf32> to vector<16xf32>
        %swap3A_968 = vector.shape_cast %mul3A_959 : vector<16xf32> to vector<1x16xf32>
        tpu.vector_store %arg15[%swap3A_964, %swap3A_965], %swap3A_968 {strides = array<i32>} : memref<64x128xf32, #tpu.memory_space<vmem>>, vector<1x16xf32>,
        %mul3A_969 = arith.constant 2 : i32
        %mul3A_970 = arith.muli %mul3A_969, %scan3A_749 : i32
        %add3A_971 = arith.constant 1 : i32
        %add3A_972 = arith.addi %mul3A_970, %add3A_971 : i32
        %get3A_973 = arith.index_cast %add3A_972 : i32 to index
        %get3A_974 = arith.constant 48 : index
        %get3A_975 = tpu.vector_load %arg15[%get3A_973, %get3A_974] {strides = array<i32>} : memref<64x128xf32, #tpu.memory_space<vmem>>, vector<1x16xf32>,
        %get3A_976 = vector.shape_cast %get3A_975 : vector<1x16xf32> to vector<16xf32>
        %mul3A_977 = arith.constant 11.3137083 : f32
        %mul3A_978 = vector.broadcast %mul3A_977 : f32 to vector<16xf32>
        %mul3A_979 = arith.mulf %get3A_976, %mul3A_978 : vector<16xf32>
        %mul3A_980 = arith.constant 2 : i32
        %mul3A_981 = arith.muli %mul3A_980, %scan3A_749 : i32
        %add3A_982 = arith.constant 1 : i32
        %add3A_983 = arith.addi %mul3A_981, %add3A_982 : i32
        %swap3A_984 = arith.index_cast %add3A_983 : i32 to index
        %swap3A_985 = arith.constant 48 : index
        %swap3A_986 = tpu.vector_load %arg15[%swap3A_984, %swap3A_985] {strides = array<i32>} : memref<64x128xf32, #tpu.memory_space<vmem>>, vector<1x16xf32>,
        %swap3A_987 = vector.shape_cast %swap3A_986 : vector<1x16xf32> to vector<16xf32>
        %swap3A_988 = vector.shape_cast %mul3A_979 : vector<16xf32> to vector<1x16xf32>
        tpu.vector_store %arg15[%swap3A_984, %swap3A_985], %swap3A_988 {strides = array<i32>} : memref<64x128xf32, #tpu.memory_space<vmem>>, vector<1x16xf32>,
        %mul3A_989 = arith.constant 2 : i32
        %mul3A_990 = arith.muli %mul3A_989, %scan3A_749 : i32
        %add3A_991 = arith.constant 1 : i32
        %add3A_992 = arith.addi %mul3A_990, %add3A_991 : i32
        %get3A_993 = arith.index_cast %add3A_992 : i32 to index
        %get3A_994 = arith.constant 64 : index
        %get3A_995 = tpu.vector_load %arg15[%get3A_993, %get3A_994] {strides = array<i32>} : memref<64x128xf32, #tpu.memory_space<vmem>>, vector<1x16xf32>,
        %get3A_996 = vector.shape_cast %get3A_995 : vector<1x16xf32> to vector<16xf32>
        %mul3A_997 = arith.constant 11.3137083 : f32
        %mul3A_998 = vector.broadcast %mul3A_997 : f32 to vector<16xf32>
        %mul3A_999 = arith.mulf %get3A_996, %mul3A_998 : vector<16xf32>
        %mul3A_1000 = arith.constant 2 : i32
        %mul3A_1001 = arith.muli %mul3A_1000, %scan3A_749 : i32
        %add3A_1002 = arith.constant 1 : i32
        %add3A_1003 = arith.addi %mul3A_1001, %add3A_1002 : i32
        %swap3A_1004 = arith.index_cast %add3A_1003 : i32 to index
        %swap3A_1005 = arith.constant 64 : index
        %swap3A_1006 = tpu.vector_load %arg15[%swap3A_1004, %swap3A_1005] {strides = array<i32>} : memref<64x128xf32, #tpu.memory_space<vmem>>, vector<1x16xf32>,
        %swap3A_1007 = vector.shape_cast %swap3A_1006 : vector<1x16xf32> to vector<16xf32>
        %swap3A_1008 = vector.shape_cast %mul3A_999 : vector<16xf32> to vector<1x16xf32>
        tpu.vector_store %arg15[%swap3A_1004, %swap3A_1005], %swap3A_1008 {strides = array<i32>} : memref<64x128xf32, #tpu.memory_space<vmem>>, vector<1x16xf32>,
        %mul3A_1009 = arith.constant 2 : i32
        %mul3A_1010 = arith.muli %mul3A_1009, %scan3A_749 : i32
        %add3A_1011 = arith.constant 1 : i32
        %add3A_1012 = arith.addi %mul3A_1010, %add3A_1011 : i32
        %get3A_1013 = arith.index_cast %add3A_1012 : i32 to index
        %get3A_1014 = arith.constant 80 : index
        %get3A_1015 = tpu.vector_load %arg15[%get3A_1013, %get3A_1014] {strides = array<i32>} : memref<64x128xf32, #tpu.memory_space<vmem>>, vector<1x16xf32>,
        %get3A_1016 = vector.shape_cast %get3A_1015 : vector<1x16xf32> to vector<16xf32>
        %mul3A_1017 = arith.constant 11.3137083 : f32
        %mul3A_1018 = vector.broadcast %mul3A_1017 : f32 to vector<16xf32>
        %mul3A_1019 = arith.mulf %get3A_1016, %mul3A_1018 : vector<16xf32>
        %mul3A_1020 = arith.constant 2 : i32
        %mul3A_1021 = arith.muli %mul3A_1020, %scan3A_749 : i32
        %add3A_1022 = arith.constant 1 : i32
        %add3A_1023 = arith.addi %mul3A_1021, %add3A_1022 : i32
        %swap3A_1024 = arith.index_cast %add3A_1023 : i32 to index
        %swap3A_1025 = arith.constant 80 : index
        %swap3A_1026 = tpu.vector_load %arg15[%swap3A_1024, %swap3A_1025] {strides = array<i32>} : memref<64x128xf32, #tpu.memory_space<vmem>>, vector<1x16xf32>,
        %swap3A_1027 = vector.shape_cast %swap3A_1026 : vector<1x16xf32> to vector<16xf32>
        %swap3A_1028 = vector.shape_cast %mul3A_1019 : vector<16xf32> to vector<1x16xf32>
        tpu.vector_store %arg15[%swap3A_1024, %swap3A_1025], %swap3A_1028 {strides = array<i32>} : memref<64x128xf32, #tpu.memory_space<vmem>>, vector<1x16xf32>,
        %mul3A_1029 = arith.constant 2 : i32
        %mul3A_1030 = arith.muli %mul3A_1029, %scan3A_749 : i32
        %add3A_1031 = arith.constant 1 : i32
        %add3A_1032 = arith.addi %mul3A_1030, %add3A_1031 : i32
        %get3A_1033 = arith.index_cast %add3A_1032 : i32 to index
        %get3A_1034 = arith.constant 96 : index
        %get3A_1035 = tpu.vector_load %arg15[%get3A_1033, %get3A_1034] {strides = array<i32>} : memref<64x128xf32, #tpu.memory_space<vmem>>, vector<1x16xf32>,
        %get3A_1036 = vector.shape_cast %get3A_1035 : vector<1x16xf32> to vector<16xf32>
        %mul3A_1037 = arith.constant 11.3137083 : f32
        %mul3A_1038 = vector.broadcast %mul3A_1037 : f32 to vector<16xf32>
        %mul3A_1039 = arith.mulf %get3A_1036, %mul3A_1038 : vector<16xf32>
        %mul3A_1040 = arith.constant 2 : i32
        %mul3A_1041 = arith.muli %mul3A_1040, %scan3A_749 : i32
        %add3A_1042 = arith.constant 1 : i32
        %add3A_1043 = arith.addi %mul3A_1041, %add3A_1042 : i32
        %swap3A_1044 = arith.index_cast %add3A_1043 : i32 to index
        %swap3A_1045 = arith.constant 96 : index
        %swap3A_1046 = tpu.vector_load %arg15[%swap3A_1044, %swap3A_1045] {strides = array<i32>} : memref<64x128xf32, #tpu.memory_space<vmem>>, vector<1x16xf32>,
        %swap3A_1047 = vector.shape_cast %swap3A_1046 : vector<1x16xf32> to vector<16xf32>
        %swap3A_1048 = vector.shape_cast %mul3A_1039 : vector<16xf32> to vector<1x16xf32>
        tpu.vector_store %arg15[%swap3A_1044, %swap3A_1045], %swap3A_1048 {strides = array<i32>} : memref<64x128xf32, #tpu.memory_space<vmem>>, vector<1x16xf32>,
        %mul3A_1049 = arith.constant 2 : i32
        %mul3A_1050 = arith.muli %mul3A_1049, %scan3A_749 : i32
        %add3A_1051 = arith.constant 1 : i32
        %add3A_1052 = arith.addi %mul3A_1050, %add3A_1051 : i32
        %get3A_1053 = arith.index_cast %add3A_1052 : i32 to index
        %get3A_1054 = arith.constant 112 : index
        %get3A_1055 = tpu.vector_load %arg15[%get3A_1053, %get3A_1054] {strides = array<i32>} : memref<64x128xf32, #tpu.memory_space<vmem>>, vector<1x16xf32>,
        %get3A_1056 = vector.shape_cast %get3A_1055 : vector<1x16xf32> to vector<16xf32>
        %mul3A_1057 = arith.constant 11.3137083 : f32
        %mul3A_1058 = vector.broadcast %mul3A_1057 : f32 to vector<16xf32>
        %mul3A_1059 = arith.mulf %get3A_1056, %mul3A_1058 : vector<16xf32>
        %mul3A_1060 = arith.constant 2 : i32
        %mul3A_1061 = arith.muli %mul3A_1060, %scan3A_749 : i32
        %add3A_1062 = arith.constant 1 : i32
        %add3A_1063 = arith.addi %mul3A_1061, %add3A_1062 : i32
        %swap3A_1064 = arith.index_cast %add3A_1063 : i32 to index
        %swap3A_1065 = arith.constant 112 : index
        %swap3A_1066 = tpu.vector_load %arg15[%swap3A_1064, %swap3A_1065] {strides = array<i32>} : memref<64x128xf32, #tpu.memory_space<vmem>>, vector<1x16xf32>,
        %swap3A_1067 = vector.shape_cast %swap3A_1066 : vector<1x16xf32> to vector<16xf32>
        %swap3A_1068 = vector.shape_cast %mul3A_1059 : vector<16xf32> to vector<1x16xf32>
        tpu.vector_store %arg15[%swap3A_1064, %swap3A_1065], %swap3A_1068 {strides = array<i32>} : memref<64x128xf32, #tpu.memory_space<vmem>>, vector<1x16xf32>,
        scf.yield %scan3A_749 : i32
      }
      %scan3A_735 = arith.constant 32 : i32
      %div3A_736 = arith.constant 2 : i32
      %div3A_737 = arith.divsi %add3A_705, %div3A_736 : i32
      %rem3A_738 = arith.constant 2 : i32
      %rem3A_739 = arith.remsi %add3A_705, %rem3A_738 : i32
      %mul3A_740 = arith.constant 64 : i32
      %mul3A_741 = arith.muli %rem3A_739, %mul3A_740 : i32
      %add3A_742 = arith.addi %mul3A_2, %mul3A_741 : i32
      %dma_start3A_743 = arith.constant 0 : i32
      %dma_start3A_744 = tpu.memref_slice %arg4[%div3A_737, %add3A_742, %dma_start3A_743] : memref<50x4096x128xf32, #tpu.memory_space<hbm>> -> memref<1x64x128xf32, #tpu.memory_space<hbm>>
      %dma_start3A_745 = tpu.memref_squeeze %dma_start3A_744 : memref<1x64x128xf32, #tpu.memory_space<hbm>> -> memref<64x128xf32, #tpu.memory_space<hbm>>
      %dma_start3A_746 = arith.constant 0 : i32
      %dma_start3A_747 = tpu.memref_slice %arg4[%div3A_737, %add3A_742, %dma_start3A_746] : memref<50x4096x128xf32, #tpu.memory_space<hbm>> -> memref<1x64x128xf32, #tpu.memory_space<hbm>>
      %dma_start3A_748 = tpu.memref_squeeze %dma_start3A_747 : memref<1x64x128xf32, #tpu.memory_space<hbm>> -> memref<64x128xf32, #tpu.memory_space<hbm>>
      tpu.enqueue_dma source(%arg15 : memref<64x128xf32, #tpu.memory_space<vmem>>) target(%dma_start3A_748 : memref<64x128xf32, #tpu.memory_space<hbm>>) target_semaphore(%arg35 : memref<!tpu.dma_semaphore, #tpu.memory_space<semaphore_mem>>)
    }
    %scan3A_134 = arith.constant 10 : i32
    %div3A_135 = arith.constant 90 : i32
    %div3A_136 = arith.constant 2 : i32
    %div3A_137 = arith.divsi %div3A_135, %div3A_136 : i32
    %rem3A_138 = arith.constant 90 : i32
    %rem3A_139 = arith.constant 2 : i32
    %rem3A_140 = arith.remsi %rem3A_138, %rem3A_139 : i32
    %mul3A_141 = arith.constant 64 : i32
    %mul3A_142 = arith.muli %rem3A_140, %mul3A_141 : i32
    %add3A_143 = arith.addi %mul3A_2, %mul3A_142 : i32
    %dma_wait3A = arith.constant 0 : i32
    %dma_wait3A_144 = tpu.memref_slice %arg4[%div3A_137, %add3A_143, %dma_wait3A] : memref<50x4096x128xf32, #tpu.memory_space<hbm>> -> memref<1x64x128xf32, #tpu.memory_space<hbm>>
    %dma_wait3A_145 = tpu.memref_squeeze %dma_wait3A_144 : memref<1x64x128xf32, #tpu.memory_space<hbm>> -> memref<64x128xf32, #tpu.memory_space<hbm>>
    %dma_wait3A_146 = arith.constant 0 : i32
    %dma_wait3A_147 = tpu.memref_slice %arg4[%div3A_137, %add3A_143, %dma_wait3A_146] : memref<50x4096x128xf32, #tpu.memory_space<hbm>> -> memref<1x64x128xf32, #tpu.memory_space<hbm>>
    %dma_wait3A_148 = tpu.memref_squeeze %dma_wait3A_147 : memref<1x64x128xf32, #tpu.memory_space<hbm>> -> memref<64x128xf32, #tpu.memory_space<hbm>>
    tpu.wait_dma2 semaphore(%arg26 : memref<!tpu.dma_semaphore, #tpu.memory_space<semaphore_mem>>) src(%arg6 : memref<64x128xf32, #tpu.memory_space<vmem>>) dst(%dma_wait3A_148 : memref<64x128xf32, #tpu.memory_space<hbm>>)
    %div3A_149 = arith.constant 91 : i32
    %div3A_150 = arith.constant 2 : i32
    %div3A_151 = arith.divsi %div3A_149, %div3A_150 : i32
    %rem3A_152 = arith.constant 91 : i32
    %rem3A_153 = arith.constant 2 : i32
    %rem3A_154 = arith.remsi %rem3A_152, %rem3A_153 : i32
    %mul3A_155 = arith.constant 64 : i32
    %mul3A_156 = arith.muli %rem3A_154, %mul3A_155 : i32
    %add3A_157 = arith.addi %mul3A_2, %mul3A_156 : i32
    %dma_wait3A_158 = arith.constant 0 : i32
    %dma_wait3A_159 = tpu.memref_slice %arg4[%div3A_151, %add3A_157, %dma_wait3A_158] : memref<50x4096x128xf32, #tpu.memory_space<hbm>> -> memref<1x64x128xf32, #tpu.memory_space<hbm>>
    %dma_wait3A_160 = tpu.memref_squeeze %dma_wait3A_159 : memref<1x64x128xf32, #tpu.memory_space<hbm>> -> memref<64x128xf32, #tpu.memory_space<hbm>>
    %dma_wait3A_161 = arith.constant 0 : i32
    %dma_wait3A_162 = tpu.memref_slice %arg4[%div3A_151, %add3A_157, %dma_wait3A_161] : memref<50x4096x128xf32, #tpu.memory_space<hbm>> -> memref<1x64x128xf32, #tpu.memory_space<hbm>>
    %dma_wait3A_163 = tpu.memref_squeeze %dma_wait3A_162 : memref<1x64x128xf32, #tpu.memory_space<hbm>> -> memref<64x128xf32, #tpu.memory_space<hbm>>
    tpu.wait_dma2 semaphore(%arg27 : memref<!tpu.dma_semaphore, #tpu.memory_space<semaphore_mem>>) src(%arg7 : memref<64x128xf32, #tpu.memory_space<vmem>>) dst(%dma_wait3A_163 : memref<64x128xf32, #tpu.memory_space<hbm>>)
    %div3A_164 = arith.constant 92 : i32
    %div3A_165 = arith.constant 2 : i32
    %div3A_166 = arith.divsi %div3A_164, %div3A_165 : i32
    %rem3A_167 = arith.constant 92 : i32
    %rem3A_168 = arith.constant 2 : i32
    %rem3A_169 = arith.remsi %rem3A_167, %rem3A_168 : i32
    %mul3A_170 = arith.constant 64 : i32
    %mul3A_171 = arith.muli %rem3A_169, %mul3A_170 : i32
    %add3A_172 = arith.addi %mul3A_2, %mul3A_171 : i32
    %dma_wait3A_173 = arith.constant 0 : i32
    %dma_wait3A_174 = tpu.memref_slice %arg4[%div3A_166, %add3A_172, %dma_wait3A_173] : memref<50x4096x128xf32, #tpu.memory_space<hbm>> -> memref<1x64x128xf32, #tpu.memory_space<hbm>>
    %dma_wait3A_175 = tpu.memref_squeeze %dma_wait3A_174 : memref<1x64x128xf32, #tpu.memory_space<hbm>> -> memref<64x128xf32, #tpu.memory_space<hbm>>
    %dma_wait3A_176 = arith.constant 0 : i32
    %dma_wait3A_177 = tpu.memref_slice %arg4[%div3A_166, %add3A_172, %dma_wait3A_176] : memref<50x4096x128xf32, #tpu.memory_space<hbm>> -> memref<1x64x128xf32, #tpu.memory_space<hbm>>
    %dma_wait3A_178 = tpu.memref_squeeze %dma_wait3A_177 : memref<1x64x128xf32, #tpu.memory_space<hbm>> -> memref<64x128xf32, #tpu.memory_space<hbm>>
    tpu.wait_dma2 semaphore(%arg28 : memref<!tpu.dma_semaphore, #tpu.memory_space<semaphore_mem>>) src(%arg8 : memref<64x128xf32, #tpu.memory_space<vmem>>) dst(%dma_wait3A_178 : memref<64x128xf32, #tpu.memory_space<hbm>>)
    %div3A_179 = arith.constant 93 : i32
    %div3A_180 = arith.constant 2 : i32
    %div3A_181 = arith.divsi %div3A_179, %div3A_180 : i32
    %rem3A_182 = arith.constant 93 : i32
    %rem3A_183 = arith.constant 2 : i32
    %rem3A_184 = arith.remsi %rem3A_182, %rem3A_183 : i32
    %mul3A_185 = arith.constant 64 : i32
    %mul3A_186 = arith.muli %rem3A_184, %mul3A_185 : i32
    %add3A_187 = arith.addi %mul3A_2, %mul3A_186 : i32
    %dma_wait3A_188 = arith.constant 0 : i32
    %dma_wait3A_189 = tpu.memref_slice %arg4[%div3A_181, %add3A_187, %dma_wait3A_188] : memref<50x4096x128xf32, #tpu.memory_space<hbm>> -> memref<1x64x128xf32, #tpu.memory_space<hbm>>
    %dma_wait3A_190 = tpu.memref_squeeze %dma_wait3A_189 : memref<1x64x128xf32, #tpu.memory_space<hbm>> -> memref<64x128xf32, #tpu.memory_space<hbm>>
    %dma_wait3A_191 = arith.constant 0 : i32
    %dma_wait3A_192 = tpu.memref_slice %arg4[%div3A_181, %add3A_187, %dma_wait3A_191] : memref<50x4096x128xf32, #tpu.memory_space<hbm>> -> memref<1x64x128xf32, #tpu.memory_space<hbm>>
    %dma_wait3A_193 = tpu.memref_squeeze %dma_wait3A_192 : memref<1x64x128xf32, #tpu.memory_space<hbm>> -> memref<64x128xf32, #tpu.memory_space<hbm>>
    tpu.wait_dma2 semaphore(%arg29 : memref<!tpu.dma_semaphore, #tpu.memory_space<semaphore_mem>>) src(%arg9 : memref<64x128xf32, #tpu.memory_space<vmem>>) dst(%dma_wait3A_193 : memref<64x128xf32, #tpu.memory_space<hbm>>)
    %div3A_194 = arith.constant 94 : i32
    %div3A_195 = arith.constant 2 : i32
    %div3A_196 = arith.divsi %div3A_194, %div3A_195 : i32
    %rem3A_197 = arith.constant 94 : i32
    %rem3A_198 = arith.constant 2 : i32
    %rem3A_199 = arith.remsi %rem3A_197, %rem3A_198 : i32
    %mul3A_200 = arith.constant 64 : i32
    %mul3A_201 = arith.muli %rem3A_199, %mul3A_200 : i32
    %add3A_202 = arith.addi %mul3A_2, %mul3A_201 : i32
    %dma_wait3A_203 = arith.constant 0 : i32
    %dma_wait3A_204 = tpu.memref_slice %arg4[%div3A_196, %add3A_202, %dma_wait3A_203] : memref<50x4096x128xf32, #tpu.memory_space<hbm>> -> memref<1x64x128xf32, #tpu.memory_space<hbm>>
    %dma_wait3A_205 = tpu.memref_squeeze %dma_wait3A_204 : memref<1x64x128xf32, #tpu.memory_space<hbm>> -> memref<64x128xf32, #tpu.memory_space<hbm>>
    %dma_wait3A_206 = arith.constant 0 : i32
    %dma_wait3A_207 = tpu.memref_slice %arg4[%div3A_196, %add3A_202, %dma_wait3A_206] : memref<50x4096x128xf32, #tpu.memory_space<hbm>> -> memref<1x64x128xf32, #tpu.memory_space<hbm>>
    %dma_wait3A_208 = tpu.memref_squeeze %dma_wait3A_207 : memref<1x64x128xf32, #tpu.memory_space<hbm>> -> memref<64x128xf32, #tpu.memory_space<hbm>>
    tpu.wait_dma2 semaphore(%arg30 : memref<!tpu.dma_semaphore, #tpu.memory_space<semaphore_mem>>) src(%arg10 : memref<64x128xf32, #tpu.memory_space<vmem>>) dst(%dma_wait3A_208 : memref<64x128xf32, #tpu.memory_space<hbm>>)
    %div3A_209 = arith.constant 95 : i32
    %div3A_210 = arith.constant 2 : i32
    %div3A_211 = arith.divsi %div3A_209, %div3A_210 : i32
    %rem3A_212 = arith.constant 95 : i32
    %rem3A_213 = arith.constant 2 : i32
    %rem3A_214 = arith.remsi %rem3A_212, %rem3A_213 : i32
    %mul3A_215 = arith.constant 64 : i32
    %mul3A_216 = arith.muli %rem3A_214, %mul3A_215 : i32
    %add3A_217 = arith.addi %mul3A_2, %mul3A_216 : i32
    %dma_wait3A_218 = arith.constant 0 : i32
    %dma_wait3A_219 = tpu.memref_slice %arg4[%div3A_211, %add3A_217, %dma_wait3A_218] : memref<50x4096x128xf32, #tpu.memory_space<hbm>> -> memref<1x64x128xf32, #tpu.memory_space<hbm>>
    %dma_wait3A_220 = tpu.memref_squeeze %dma_wait3A_219 : memref<1x64x128xf32, #tpu.memory_space<hbm>> -> memref<64x128xf32, #tpu.memory_space<hbm>>
    %dma_wait3A_221 = arith.constant 0 : i32
    %dma_wait3A_222 = tpu.memref_slice %arg4[%div3A_211, %add3A_217, %dma_wait3A_221] : memref<50x4096x128xf32, #tpu.memory_space<hbm>> -> memref<1x64x128xf32, #tpu.memory_space<hbm>>
    %dma_wait3A_223 = tpu.memref_squeeze %dma_wait3A_222 : memref<1x64x128xf32, #tpu.memory_space<hbm>> -> memref<64x128xf32, #tpu.memory_space<hbm>>
    tpu.wait_dma2 semaphore(%arg31 : memref<!tpu.dma_semaphore, #tpu.memory_space<semaphore_mem>>) src(%arg11 : memref<64x128xf32, #tpu.memory_space<vmem>>) dst(%dma_wait3A_223 : memref<64x128xf32, #tpu.memory_space<hbm>>)
    %div3A_224 = arith.constant 96 : i32
    %div3A_225 = arith.constant 2 : i32
    %div3A_226 = arith.divsi %div3A_224, %div3A_225 : i32
    %rem3A_227 = arith.constant 96 : i32
    %rem3A_228 = arith.constant 2 : i32
    %rem3A_229 = arith.remsi %rem3A_227, %rem3A_228 : i32
    %mul3A_230 = arith.constant 64 : i32
    %mul3A_231 = arith.muli %rem3A_229, %mul3A_230 : i32
    %add3A_232 = arith.addi %mul3A_2, %mul3A_231 : i32
    %dma_wait3A_233 = arith.constant 0 : i32
    %dma_wait3A_234 = tpu.memref_slice %arg4[%div3A_226, %add3A_232, %dma_wait3A_233] : memref<50x4096x128xf32, #tpu.memory_space<hbm>> -> memref<1x64x128xf32, #tpu.memory_space<hbm>>
    %dma_wait3A_235 = tpu.memref_squeeze %dma_wait3A_234 : memref<1x64x128xf32, #tpu.memory_space<hbm>> -> memref<64x128xf32, #tpu.memory_space<hbm>>
    %dma_wait3A_236 = arith.constant 0 : i32
    %dma_wait3A_237 = tpu.memref_slice %arg4[%div3A_226, %add3A_232, %dma_wait3A_236] : memref<50x4096x128xf32, #tpu.memory_space<hbm>> -> memref<1x64x128xf32, #tpu.memory_space<hbm>>
    %dma_wait3A_238 = tpu.memref_squeeze %dma_wait3A_237 : memref<1x64x128xf32, #tpu.memory_space<hbm>> -> memref<64x128xf32, #tpu.memory_space<hbm>>
    tpu.wait_dma2 semaphore(%arg32 : memref<!tpu.dma_semaphore, #tpu.memory_space<semaphore_mem>>) src(%arg12 : memref<64x128xf32, #tpu.memory_space<vmem>>) dst(%dma_wait3A_238 : memref<64x128xf32, #tpu.memory_space<hbm>>)
    %div3A_239 = arith.constant 97 : i32
    %div3A_240 = arith.constant 2 : i32
    %div3A_241 = arith.divsi %div3A_239, %div3A_240 : i32
    %rem3A_242 = arith.constant 97 : i32
    %rem3A_243 = arith.constant 2 : i32
    %rem3A_244 = arith.remsi %rem3A_242, %rem3A_243 : i32
    %mul3A_245 = arith.constant 64 : i32
    %mul3A_246 = arith.muli %rem3A_244, %mul3A_245 : i32
    %add3A_247 = arith.addi %mul3A_2, %mul3A_246 : i32
    %dma_wait3A_248 = arith.constant 0 : i32
    %dma_wait3A_249 = tpu.memref_slice %arg4[%div3A_241, %add3A_247, %dma_wait3A_248] : memref<50x4096x128xf32, #tpu.memory_space<hbm>> -> memref<1x64x128xf32, #tpu.memory_space<hbm>>
    %dma_wait3A_250 = tpu.memref_squeeze %dma_wait3A_249 : memref<1x64x128xf32, #tpu.memory_space<hbm>> -> memref<64x128xf32, #tpu.memory_space<hbm>>
    %dma_wait3A_251 = arith.constant 0 : i32
    %dma_wait3A_252 = tpu.memref_slice %arg4[%div3A_241, %add3A_247, %dma_wait3A_251] : memref<50x4096x128xf32, #tpu.memory_space<hbm>> -> memref<1x64x128xf32, #tpu.memory_space<hbm>>
    %dma_wait3A_253 = tpu.memref_squeeze %dma_wait3A_252 : memref<1x64x128xf32, #tpu.memory_space<hbm>> -> memref<64x128xf32, #tpu.memory_space<hbm>>
    tpu.wait_dma2 semaphore(%arg33 : memref<!tpu.dma_semaphore, #tpu.memory_space<semaphore_mem>>) src(%arg13 : memref<64x128xf32, #tpu.memory_space<vmem>>) dst(%dma_wait3A_253 : memref<64x128xf32, #tpu.memory_space<hbm>>)
    %div3A_254 = arith.constant 98 : i32
    %div3A_255 = arith.constant 2 : i32
    %div3A_256 = arith.divsi %div3A_254, %div3A_255 : i32
    %rem3A_257 = arith.constant 98 : i32
    %rem3A_258 = arith.constant 2 : i32
    %rem3A_259 = arith.remsi %rem3A_257, %rem3A_258 : i32
    %mul3A_260 = arith.constant 64 : i32
    %mul3A_261 = arith.muli %rem3A_259, %mul3A_260 : i32
    %add3A_262 = arith.addi %mul3A_2, %mul3A_261 : i32
    %dma_wait3A_263 = arith.constant 0 : i32
    %dma_wait3A_264 = tpu.memref_slice %arg4[%div3A_256, %add3A_262, %dma_wait3A_263] : memref<50x4096x128xf32, #tpu.memory_space<hbm>> -> memref<1x64x128xf32, #tpu.memory_space<hbm>>
    %dma_wait3A_265 = tpu.memref_squeeze %dma_wait3A_264 : memref<1x64x128xf32, #tpu.memory_space<hbm>> -> memref<64x128xf32, #tpu.memory_space<hbm>>
    %dma_wait3A_266 = arith.constant 0 : i32
    %dma_wait3A_267 = tpu.memref_slice %arg4[%div3A_256, %add3A_262, %dma_wait3A_266] : memref<50x4096x128xf32, #tpu.memory_space<hbm>> -> memref<1x64x128xf32, #tpu.memory_space<hbm>>
    %dma_wait3A_268 = tpu.memref_squeeze %dma_wait3A_267 : memref<1x64x128xf32, #tpu.memory_space<hbm>> -> memref<64x128xf32, #tpu.memory_space<hbm>>
    tpu.wait_dma2 semaphore(%arg34 : memref<!tpu.dma_semaphore, #tpu.memory_space<semaphore_mem>>) src(%arg14 : memref<64x128xf32, #tpu.memory_space<vmem>>) dst(%dma_wait3A_268 : memref<64x128xf32, #tpu.memory_space<hbm>>)
    %div3A_269 = arith.constant 99 : i32
    %div3A_270 = arith.constant 2 : i32
    %div3A_271 = arith.divsi %div3A_269, %div3A_270 : i32
    %rem3A_272 = arith.constant 99 : i32
    %rem3A_273 = arith.constant 2 : i32
    %rem3A_274 = arith.remsi %rem3A_272, %rem3A_273 : i32
    %mul3A_275 = arith.constant 64 : i32
    %mul3A_276 = arith.muli %rem3A_274, %mul3A_275 : i32
    %add3A_277 = arith.addi %mul3A_2, %mul3A_276 : i32
    %dma_wait3A_278 = arith.constant 0 : i32
    %dma_wait3A_279 = tpu.memref_slice %arg4[%div3A_271, %add3A_277, %dma_wait3A_278] : memref<50x4096x128xf32, #tpu.memory_space<hbm>> -> memref<1x64x128xf32, #tpu.memory_space<hbm>>
    %dma_wait3A_280 = tpu.memref_squeeze %dma_wait3A_279 : memref<1x64x128xf32, #tpu.memory_space<hbm>> -> memref<64x128xf32, #tpu.memory_space<hbm>>
    %dma_wait3A_281 = arith.constant 0 : i32
    %dma_wait3A_282 = tpu.memref_slice %arg4[%div3A_271, %add3A_277, %dma_wait3A_281] : memref<50x4096x128xf32, #tpu.memory_space<hbm>> -> memref<1x64x128xf32, #tpu.memory_space<hbm>>
    %dma_wait3A_283 = tpu.memref_squeeze %dma_wait3A_282 : memref<1x64x128xf32, #tpu.memory_space<hbm>> -> memref<64x128xf32, #tpu.memory_space<hbm>>
    tpu.wait_dma2 semaphore(%arg35 : memref<!tpu.dma_semaphore, #tpu.memory_space<semaphore_mem>>) src(%arg15 : memref<64x128xf32, #tpu.memory_space<vmem>>) dst(%dma_wait3A_283 : memref<64x128xf32, #tpu.memory_space<hbm>>)
    return
  }
}

</mosaic_0001>

<sc_bundles>
// kernel: kernel.3.cloned.1.call-start
scs
__scs_entry_jumppad:
0x0: {  	(pc) =	sbr.rel $0x88, $3  }
0x1: {  	(tag) =	ssettag $0x0;
	lr =	simm.s32 $0x1  }
0x2: {  	[smem:$0x3F9F] =	sst lr;
	_ =	strace $0xD0000000  }
0x3: {  	_ = 	snop  }
0x4: {  	_ = 	snop  }
0x5: {  	_ = 	snop  }
0x6: {  	_ = 	snop  }
0x7: {  	_ = 	snop  }
__scs_overlays_trampoline_lowered:
0x8: {  	[smem:$0x3FAE] =	sst s0  }
0x9: {  	[smem:$0x3FAF] =	sst s1  }
0xa: {  	[smem:$0x3FB0] =	sst s2  }
0xb: {  	[smem:$0x3FB1] =	sst s3  }
0xc: {  	[smem:$0x3FB2] =	sst s4  }
0xd: {  	[smem:$0x3FB3] =	sst s5  }
0xe: {  	[smem:$0x3FB4] =	sst s6  }
0xf: {  	[smem:$0x3FB5] =	sst s7  }
0x10: {  	[smem:$0x3FB6] =	sst s8  }
0x11: {  	[smem:$0x3FB7] =	sst s9;
	s0 =	simm.s32 @!p0 $0x0  }
0x12: {  	s1 =	sld [smem:$0x3F9D];
	s0 =	simm.s32 @p0 $0x1  }
0x13: {  	[smem:$0x3FB8] =	sst s0;
	s0 =	simm.s32 @!p1 $0x0  }
0x14: {  	s2 =	sld [smem:$0x3F9C];
	s0 =	simm.s32 @p1 $0x1  }
0x15: {  	[smem:$0x3FB9] =	sst s0;
	s0 =	simm.s32 @!p2 $0x0  }
0x16: {  	s3 =	sld [smem:$0x3FDB];
	s0 =	simm.s32 @p2 $0x1  }
0x17: {  	s4 =	simm.s32 $0x1BF5;
	[smem:$0x3FBB] =	sst s0  }
0x18: {  	s0 =	sld [smem:$0x3F9E];
	_ =	swait.ge [sflag:s4], $0x0  }
0x19: {  	s7 =	sld [smem:$0x3F9F]  }
0x1a: {  	s8 =	sadd.s32 $0xFFFFE003, lr  }
0x1b: {  	s9 =	sadd.s32 $0xFFFFFEF7, lr;
	s5 =	simm.s32 $0xFFFFFFFF;
	p2 =	slt.u32 s8, $0xFFFFF086  }
0x1c: {  	p1 =	slt.u32 s9, $0xF7A;
	s5 =	simm.s32 @!p2 $0x0  }
0x1d: {  	s5 =	simm.s32 @p1 $0x1;
	p0 =	seq.s32 s7, s2  }
0x1e: {  	s7 =	smul.u32 @!p0 $0xF7A, s2;
	p2 =	seq.s32 @!p0 s5, $0x0  }
0x1f: {  	s9 =	smul.u32 $0xF7A, s1;
	s8 =	simm.s32 @!p0 $0x1BF5;
	p2 =	por !p2, p0  }
0x20: {  	[sflag:s8] =	ssyncset.s32 @!p0 $0xFFFFF086;
	s6 =	sadd.s32 @!p0 s3, s7;
	s7 =	simm.s32 @!p0 $0x108  }
0x21: {  	s3 =	sadd.s32 s3, s9;
	s6 =	sadd.s32 @!p0 $0x88, s6;
	s7 =	simm.s32 @p2 $0x1082  }
0x22: {  	[simem:s7], [sflag:s8] =	dma.local @!p0 [hbm:s6], $0xF7A  }
0x23: {  	s9 =	sor.u32 $0xD0000000, s2;
	s6 =	simm.s32 $0x108;
	_ =	swait.ge @!p0 [sflag:s8], $0x0  }
0x24: {  	s3 =	sadd.s32 $0x88, s3;
	s6 =	simm.s32 @!p1 $0x1082;
	[sflag:s4] =	ssyncset.s32 $0xFFFFF086  }
0x25: {  	[simem:s6], [sflag:s4] =	dma.local [hbm:s3], $0xF7A  }
0x26: {  	[smem:$0x3F9F] =	sst s1;
	(tag) =	ssettag s2;
	_ =	strace s9  }
0x27: {  	s1 =	sld [smem:$0x3FAF]  }
0x28: {  	s2 =	sld [smem:$0x3FB0]  }
0x29: {  	s4 =	sld [smem:$0x3FB2]  }
0x2a: {  	p0 =	seq.s32 s5, $0x0;
	s5 =	sld [smem:$0x3FB3]  }
0x2b: {  	s6 =	sld [smem:$0x3FB4]  }
0x2c: {  	s7 =	sld [smem:$0x3FB5]  }
0x2d: {  	s3 =	simm.s32 $0x108;
	s8 =	sld [smem:$0x3FB6]  }
0x2e: {  	s3 =	simm.s32 @!p0 $0x1082;
	s9 =	sld [smem:$0x3FB7]  }
0x2f: {  	lr =	sadd.s32 s0, s3;
	s0 =	sld [smem:$0x3FAE]  }
0x30: {  	s3 =	sld [smem:$0x3FB1]  }
0x31: {  	[smem:$0x3FBA] =	sst s10  }
0x32: {  	s10 =	sld [smem:$0x3FB8];
	_ =	sdelay $0x3  }
0x33: {  	p0 =	seq.s32 s10, $0x1;
	s10 =	sld [smem:$0x3FBA];
	_ =	sdelay $0x3  }
0x34: {  	[smem:$0x3FBA] =	sst s10  }
0x35: {  	s10 =	sld [smem:$0x3FB9];
	_ =	sdelay $0x3  }
0x36: {  	p1 =	seq.s32 s10, $0x1;
	s10 =	sld [smem:$0x3FBA];
	_ =	sdelay $0x3  }
0x37: {  	[smem:$0x3FBA] =	sst s10  }
0x38: {  	s10 =	sld [smem:$0x3FBB]  }
0x39: {  	_ = 	snop;
	(pc) =	sbr.ind lr, $3  }
0x3a: {  	_ = 	snop  }
0x3b: {  	_ = 	snop  }
0x3c: {  	p2 =	seq.s32 s10, $0x1;
	s10 =	sld [smem:$0x3FBA]  }
0x3d: {  	_ =	shalt  }
0x3e: {  	_ =	shalt  }
0x3f: {  	_ =	shalt  }
0x40: {  	_ =	shalt  }
0x41: {  	_ =	shalt  }
0x42: {  	_ =	shalt  }
0x43: {  	_ =	shalt  }
0x44: {  	_ =	shalt  }
0x45: {  	_ =	shalt  }
0x46: {  	_ =	shalt  }
0x47: {  	_ =	shalt  }
0x48: {  	_ =	shalt  }
0x49: {  	_ =	shalt  }
0x4a: {  	_ =	shalt  }
0x4b: {  	_ =	shalt  }
0x4c: {  	_ =	shalt  }
0x4d: {  	_ =	shalt  }
0x4e: {  	_ =	shalt  }
0x4f: {  	_ =	shalt  }
0x50: {  	_ =	shalt  }
0x51: {  	_ =	shalt  }
0x52: {  	_ =	shalt  }
0x53: {  	_ =	shalt  }
0x54: {  	_ =	shalt  }
0x55: {  	_ =	shalt  }
0x56: {  	_ =	shalt  }
0x57: {  	_ =	shalt  }
0x58: {  	_ =	shalt  }
0x59: {  	_ =	shalt  }
0x5a: {  	_ =	shalt  }
0x5b: {  	_ =	shalt  }
0x5c: {  	_ =	shalt  }
0x5d: {  	_ =	shalt  }
0x5e: {  	_ =	shalt  }
0x5f: {  	_ =	shalt  }
0x60: {  	_ =	shalt  }
0x61: {  	_ =	shalt  }
0x62: {  	_ =	shalt  }
0x63: {  	_ =	shalt  }
0x64: {  	_ =	shalt  }
0x65: {  	_ =	shalt  }
0x66: {  	_ =	shalt  }
0x67: {  	_ =	shalt  }
0x68: {  	_ =	shalt  }
0x69: {  	_ =	shalt  }
0x6a: {  	_ =	shalt  }
0x6b: {  	_ =	shalt  }
0x6c: {  	_ =	shalt  }
0x6d: {  	_ =	shalt  }
0x6e: {  	_ =	shalt  }
0x6f: {  	_ =	shalt  }
0x70: {  	_ =	shalt  }
0x71: {  	_ =	shalt  }
0x72: {  	_ =	shalt  }
0x73: {  	_ =	shalt  }
0x74: {  	_ =	shalt  }
0x75: {  	_ =	shalt  }
0x76: {  	_ =	shalt  }
0x77: {  	_ =	shalt  }
0x78: {  	_ =	shalt  }
0x79: {  	_ =	shalt  }
0x7a: {  	_ =	shalt  }
0x7b: {  	_ =	shalt  }
0x7c: {  	_ =	shalt  }
0x7d: {  	_ =	shalt  }
0x7e: {  	_ =	shalt  }
0x7f: {  	_ =	shalt  }
0x80: {  	_ =	shalt  }
0x81: {  	_ =	shalt  }
0x82: {  	_ =	shalt  }
0x83: {  	_ =	shalt  }
0x84: {  	_ =	shalt  }
0x85: {  	_ =	shalt  }
0x86: {  	_ =	shalt  }
0x87: {  	_ =	shalt  }
.Lfunc_end0:
.L_simem_size_0:
called_computation_lowered:
.L_overlay_start_0:
0x88: {  	s2 =	sld [smem:$0x3FD9]  }
0x89: {  	s3 =	sld [smem:$0x3FFE];
	_ =	sdelay $0x1  }
0x8a: {  	s1 =	srdreg.scid  }
0x8b: {  	s0 =	sand.u32 $0x1, s1  }
0x8c: {  	s18 =	sshll.u32 s0, $0xA;
	s2 =	sadd.s32 s3, s2  }
0x8d: {  	s2 =	sadd.s32 s2, s18  }
0x8e: {  	[smem:$0x3FC6] =	sst s2  }
0x8f: {  	_ = 	snop  }
0x90: {  	s2 =	sld [smem:$0x3FC9]  }
0x91: {  	s19 =	sld [smem:$0x3FC8]  }
0x92: {  	s4 =	sld [smem:$0x3FD0];
	(tm) =	ssettm $0x1  }
0x93: {  	s5 =	sld [smem:$0x3FFB];
	_ =	sdelay $0x3  }
0x94: {  	_ =	strace s5  }
0x95: {  	s5 =	sld [smem:$0x3FFC];
	_ =	sdelay $0x3  }
0x96: {  	_ =	strace s5  }
0x97: {  	s5 =	sld [smem:$0x3FFD];
	_ =	sdelay $0x3  }
0x98: {  	_ =	strace s5  }
0x99: {  	_ =	strace $0x8FFFFFFF  }
0x9a: {  	s20 =	sld [smem:$0x3FDB];
	_ =	sdelay $0x1  }
0x9b: {  	s6 =	simm.s32 $_scs_section_size  }
0x9c: {  	s7 =	simm.s32 $_size__tile_overlayer_lowered;
	s8 =	simm.s32 $_tile_overlayer_lowered  }
0x9d: {  	s23 =	simm.s32 $0x1BFF;
	s22 =	sshll.u32 s8, $0x1;
	s5 =	sadd.s32 s6, s20  }
0x9e: {  	s9 =	simm.s32 $0x0;
	s21 =	sshll.u32 s7, $0x1;
	s7 =	sadd.s32 s22, s5  }
0x9f: {  	[timem:s9], [sflag:s23] =	dma.local [hbm:s7], s21  }
0xa0: {  	_ =	swait.ge [sflag:s23], s21  }
0xa1: {  	s6 =	ssub.s32 $0x0, s21;
	[sflag:s23] =	ssyncset.done $0x0  }
0xa2: {  	[sflag:s23] =	ssyncadd.s32 s6;
	_ =	sdelay $0x1  }
0xa3: {  	s24 =	simm.s32 $0x1B8B  }
0xa4: {  	_ =	swait.ge [sflag:s24], $0x1  }
0xa5: {  	[sflag:s24] =	ssyncset.done $0x0  }
0xa6: {  	s25 =	simm.s32 $0x1B8E;
	[sflag:s24] =	ssyncadd.s32 $0xFFFFFFFF  }
0xa7: {  	s26 =	simm.s32 $execute0_lowered;
	[smem:$0x3FD2] =	sst s25  }
0xa8: {  	s6 =	sshll.u32 s26, $0x1;
	_ =	strace $0x80000046;
	[dreg:$0x1] =	wrdreg $0xFFFFFFFF  }
0xa9: {  	s28 =	simm.s32 $_size_execute0_lowered;
	s5 =	sadd.s32 s5, s6;
	[dreg:$0x0] =	wrdreg $0x0  }
0xaa: {  	s6 =	sshll.u32 s28, $0x1;
	[dreg:$0x2] =	wrdreg s5  }
0xab: {  	[dreg:$0x3] =	wrdreg s6  }
0xac: {  	[dreg:$0x4] =	wrdreg $0xC0  }
0xad: {  	_ =	task [dreg:s9], $0x5FFFF  }
0xae: {  	[dreg:$0x1] =	wrdreg $0xFFFFFFFF  }
0xaf: {  	[dreg:$0x0] =	wrdreg $0x60  }
0xb0: {  	[dreg:$0x2] =	wrdreg s2  }
0xb1: {  	[dreg:$0x3] =	wrdreg s19  }
0xb2: {  	[dreg:$0x4] =	wrdreg s4  }
0xb3: {  	[dreg:$0x5] =	wrdreg $0x9  }
0xb4: {  	_ =	task.clear_ibuf [dreg:s9], $0x6FFFF;
	_ =	strace $0x90000046  }
0xb5: {  	s29 =	simm.s32 $0x9;
	_ =	strace $0x80000048  }
0xb6: {  	_ =	swait.ge [sflag:s29], $0x1  }
0xb7: {  	[sflag:s29] =	ssyncadd.s32 $0xFFFFFFFF  }
0xb8: {  	_ =	strace $0x90000048  }
0xb9: {  	_ =	sfence  }
0xba: {  	s30 =	sld [smem:$0x0];
	_ =	sdelay $0x2  }
0xbb: {  	s31 =	sshll.u32 s1, $0xD;
	s1 =	sshrl.u32 s1, $0x2  }
0xbc: {  	s3 =	sand.u32 $0x4000, s31;
	s1 =	sadd.s32 s1, s30  }
0xbd: {  	s0 =	sor.u32 s3, s0;
	s1 =	sshll.u32 s1, $0x11  }
0xbe: {  	s0 =	sor.u32 s1, s0  }
0xbf: {  	s0 =	sadd.s32 $0x8F2B, s0  }
0xc0: {  	[sflag:s0] =	ssyncadd.remote.s32 $0x1  }
0xc1: {  	_ =	sfence.sel $0xFFFF  }
0xc2: {  	[dreg:$0x0] =	wrdreg $0xFFFFFFFF;
	(pc) =	sbr.abs _section_cstart, $3  }
0xc3: {  	[dreg:$0x1] =	wrdreg $0xFFFFFFFF  }
0xc4: {  	_ =	task.clear_ibuf [dreg:s9], $0x2FFFF;
	_ =	strace $0x9FFFFFFF  }
0xc5: {  	(tm) =	ssettm $0x7FFFFFFF  }
tec
execute0_lowered:
.L_overlay_start_1:
0x0: {  	(tag) =	ssettag $0x1  }
0x1: {  	s0 =	rddreg [dreg:$0x0]  }
0x2: {  	s1 =	rddreg [dreg:$0x1]  }
0x3: {  	s3 =	rddreg [dreg:$0x2]  }
0x4: {  	s2 =	srdreg.scid;
	s4 =	simm.s32 $0x0;
	s6 =	stileid.u32  }
0x5: {  	s29 =	simm.s32 $0xDC00;
	s31 =	simm.s32 $0xFC00;
	s13 =	simm.s32 $0x13C00  }
0x6: {  	s14 =	simm.s32 $0x1;
	s19 =	simm.s32 $0x2;
	s21 =	simm.s32 $0x3  }
0x7: {  	s23 =	simm.s32 $0x4;
	s28 =	simm.s32 $0x6;
	s30 =	simm.s32 $0x7  }
0x8: {  	s12 =	simm.s32 $0x9;
	s8 =	simm.s32 $0xA;
	s2 =	sand.u32 $0x1, s2  }
0x9: {  	s15 =	simm.s32 $0x0;
	s6 =	sshll.u32 s6, $0x8;
	s5 =	ssub.s32 $0x2, s2  }
0xa: {  	[smem:$0x7FF] =	sst s4;
	s2 =	sshll.u32 s2, $0x7;
	s7 =	sshrl.u32 s5, $0x1  }
0xb: {  	_ =	strace $0x80000047;
	s2 =	sor.u32 s2, s6;
	s5 =	ssub.s32 s5, s7  }
0xc: {  	s25 =	sshll.u32 s2, $0x4;
	s0 =	sadd.s32 s0, s2;
	s6 =	sshll.u32 s2, $0x7  }
0xd: {  	s2 =	simm.s32 $0x11C00;
	s7 =	sadd.s32 s3, s25;
	[dreg:$0x4] =	wrdreg s0  }
0xe: {  	s0 =	sadd.s32 $0x6000, s0;
	s9 =	sor.u32 $0x2000, s6;
	s26 =	smax.u32 s5, $0x1  }
0xf: {  	s25 =	simm.s32 $0x5;
	[dreg:$0x5] =	wrdreg s0;
	s10 =	sadd.s32 $0x400, s7  }
0x10: {  	[dreg:$0x6] =	wrdreg s26;
	s26 =	simm.s32 $0xBC00;
	s0 =	simm.s32 $0x8  }
.LBB2_1:
0x11: {  	[dreg:$0x7] =	wrdreg s15  }
0x12: {  	s5 =	rddreg [dreg:$0x4];
	s11 =	simm.s32 $0x400;
	s20 =	simm.s32 $0x8000  }
0x13: {  	[tilespmem:s4], [sflag:$0x15] =	stream.strided.gather [hbm4b:s5+s11], $0x1800, s20, s11, $0x38;
	[tilespmem:$0x15C00] =	vst v63  }
0x14: {  	s22 =	rddreg [dreg:$0x5];
	s24 =	simm.s32 $0x1800;
	s15 =	simm.s32 $0x15  }
0x15: {  	[tilespmem:s24], [sflag:$0x15] =	stream.linear.gather [hbm4b:s22+s4], $0x100, $0x38;
	[tilespmem:$0x15C00] =	vst v63  }
0x16: {  	_ =	swait.ge [sflag:s15], $0x1900  }
0x17: {  	[sflag:s15] =	ssyncset.done $0x0  }
0x18: {  	s16 =	simm.s32 $0x1C00;
	s5 =	simm.s32 $0x40;
	[sflag:s15] =	ssyncadd.s32 $0xFFFFE700  }
0x19: {  	[tilespmem:s16], [sflag:$0x1] =	stream.indirect.gather [hbm4b:s1+s5], $0x80, s4, s5, $0xb8;
	[tilespmem:$0x15C00] =	vst v63  }
0x1a: {  	s17 =	simm.s32 $0x3C00  }
0x1b: {  	[tilespmem:s17], [sflag:$0x2] =	stream.indirect.gather [hbm4b:s1+s5], $0x80, s5, s5, $0xb8;
	[tilespmem:$0x15C00] =	vst v63  }
0x1c: {  	s18 =	simm.s32 $0x80;
	s20 =	simm.s32 $0x5C00  }
0x1d: {  	[tilespmem:s20], [sflag:$0x3] =	stream.indirect.gather [hbm4b:s1+s5], $0x80, s18, s5, $0xb8;
	[tilespmem:$0x15C00] =	vst v63  }
0x1e: {  	s22 =	simm.s32 $0xC0;
	s24 =	simm.s32 $0x7C00  }
0x1f: {  	[tilespmem:s24], [sflag:$0x4] =	stream.indirect.gather [hbm4b:s1+s5], $0x80, s22, s5, $0xb8;
	[tilespmem:$0x15C00] =	vst v63  }
0x20: {  	s15 =	simm.s32 $0x100;
	s16 =	simm.s32 $0x9C00  }
0x21: {  	[tilespmem:s16], [sflag:$0x5] =	stream.indirect.gather [hbm4b:s1+s5], $0x80, s15, s5, $0xb8;
	[tilespmem:$0x15C00] =	vst v63  }
0x22: {  	s17 =	simm.s32 $0x140  }
0x23: {  	[tilespmem:s26], [sflag:$0x6] =	stream.indirect.gather [hbm4b:s1+s5], $0x80, s17, s5, $0xb8;
	[tilespmem:$0x15C00] =	vst v63  }
0x24: {  	s18 =	simm.s32 $0x180  }
0x25: {  	[tilespmem:s29], [sflag:$0x7] =	stream.indirect.gather [hbm4b:s1+s5], $0x80, s18, s5, $0xb8;
	[tilespmem:$0x15C00] =	vst v63  }
0x26: {  	s20 =	simm.s32 $0x1C0  }
0x27: {  	[tilespmem:s31], [sflag:$0x8] =	stream.indirect.gather [hbm4b:s1+s5], $0x80, s20, s5, $0xb8;
	[tilespmem:$0x15C00] =	vst v63  }
0x28: {  	s22 =	simm.s32 $0x200  }
0x29: {  	[tilespmem:s2], [sflag:$0x9] =	stream.indirect.gather [hbm4b:s1+s5], $0x80, s22, s5, $0xb8;
	[tilespmem:$0x15C00] =	vst v63  }
0x2a: {  	s24 =	simm.s32 $0x240;
	s15 =	simm.s32 $0x0  }
0x2b: {  	[tilespmem:s13], [sflag:$0xA] =	stream.indirect.gather [hbm4b:s1+s5], $0x80, s24, s5, $0xb8;
	[tilespmem:$0x15C00] =	vst v63  }
.LBB2_2:
0x2c: {  	p0 =	seq.s32 s15, $0x0  }
0x2d: {  	s16 =	smul.u32 $0xA, s15;
	s5 =	simm.s32 @!p0 $0x13  }
0x2e: {  	_ =	swait.ge @!p0 [sflag:s5], $0x2000  }
0x2f: {  	s11 =	sadd.s32 $0x8, s16;
	[sflag:s5] =	ssyncset.done @!p0 $0x0  }
0x30: {  	[sflag:s5] =	ssyncadd.s32 @!p0 $0xFFFFE000;
	s5 =	sshll.u32 @!p0 s11, $0x6  }
0x31: {  	s17 =	simm.s32 @!p0 $0x40;
	s18 =	simm.s32 @!p0 $0x11C00;
	s5 =	sand.u32 @!p0 $0x3FFFFFC0, s5  }
0x32: {  	[tilespmem:s18], [sflag:$0x9] =	stream.indirect.gather @!p0 [hbm4b:s1+s17], $0x80, s5, s17, $0xb8;
	[tilespmem:$0x15C00] =	vst v63  }
0x33: {  	_ =	swait.ge [sflag:s14], $0x2000  }
0x34: {  	[sflag:s14] =	ssyncset.done $0x0  }
0x35: {  	s17 =	simm.s32 $0x0;
	[sflag:s14] =	ssyncadd.s32 $0xFFFFE000  }
0x36: {  	v0 =	vld [tilespmem:s17+$0x1C00]  }
0x37: {  	v1 =	vld [tilespmem:s17+$0x1C10]  }
0x38: {  	v2 =	vld [tilespmem:s17+$0x1C20]  }
0x39: {  	v3 =	vld [tilespmem:s17+$0x1C30]  }
0x3a: {  	v4 =	vld [tilespmem:s17+$0x1C40]  }
0x3b: {  	v5 =	vld [tilespmem:s17+$0x1C50];
	v0 =	vmul.f32 $1.131370830e+01, v0  }
0x3c: {  	v6 =	vld [tilespmem:s17+$0x1C60];
	v1 =	vmul.f32 $1.131370830e+01, v1  }
0x3d: {  	v7 =	vld [tilespmem:s17+$0x1C70];
	[tilespmem:s17+$0x1C00] =	vst v0;
	v0 =	vmul.f32 $1.131370830e+01, v2  }
0x3e: {  	v8 =	vld [tilespmem:s17+$0x1C80];
	[tilespmem:s17+$0x1C10] =	vst v1;
	v1 =	vmul.f32 $1.131370830e+01, v3  }
0x3f: {  	v9 =	vld [tilespmem:s17+$0x1C90];
	[tilespmem:s17+$0x1C20] =	vst v0;
	v0 =	vmul.f32 $1.131370830e+01, v4  }
0x40: {  	v2 =	vmul.f32 $1.131370830e+01, v5;
	[tilespmem:s17+$0x1C30] =	vst v1;
	v1 =	vld [tilespmem:s17+$0x1CA0]  }
0x41: {  	v3 =	vmul.f32 $1.131370830e+01, v6;
	[tilespmem:s17+$0x1C40] =	vst v0;
	v0 =	vld [tilespmem:s17+$0x1CB0]  }
0x42: {  	[tilespmem:s17+$0x1C50] =	vst v2;
	v2 =	vld [tilespmem:s17+$0x1CC0];
	v4 =	vmul.f32 $1.131370830e+01, v7  }
0x43: {  	v6 =	vmul.f32 $1.131370830e+01, v8;
	[tilespmem:s17+$0x1C60] =	vst v3;
	v3 =	vld [tilespmem:s17+$0x1CD0]  }
0x44: {  	s5 =	simm.s32 $0x400;
	v5 =	vmul.f32 $1.131370830e+01, v9;
	[tilespmem:s17+$0x1C70] =	vst v4;
	v4 =	vld [tilespmem:s17+$0x1CE0]  }
.LBB2_3:
0x45: {  	s18 =	sshra.s32 s5, $0x2;
	p1 =	sne.s32 s5, $0x7C00;
	[tilespmem:s17+$0x1C80] =	vst v6;
	v1 =	vmul.f32 $1.131370830e+01, v1;
	v6 =	vld [tilespmem:s17+$0x1CF0]  }
0x46: {  	v7 =	vld [tilespmem:s18+$0x1C00];
	[tilespmem:s17+$0x1C90] =	vst v5;
	v0 =	vmul.f32 $1.131370830e+01, v0  }
0x47: {  	v5 =	vld [tilespmem:s18+$0x1C10];
	[tilespmem:s17+$0x1CA0] =	vst v1;
	v1 =	vmul.f32 $1.131370830e+01, v2  }
0x48: {  	v2 =	vld [tilespmem:s18+$0x1C20];
	[tilespmem:s17+$0x1CB0] =	vst v0;
	v0 =	vmul.f32 $1.131370830e+01, v3  }
0x49: {  	v3 =	vld [tilespmem:s18+$0x1C30];
	[tilespmem:s17+$0x1CC0] =	vst v1;
	v1 =	vmul.f32 $1.131370830e+01, v4  }
0x4a: {  	v4 =	vld [tilespmem:s18+$0x1C40];
	[tilespmem:s17+$0x1CD0] =	vst v0;
	v0 =	vmul.f32 $1.131370830e+01, v6  }
0x4b: {  	v6 =	vmul.f32 $1.131370830e+01, v7;
	v7 =	vld [tilespmem:s18+$0x1C50];
	[tilespmem:s17+$0x1CE0] =	vst v1  }
0x4c: {  	v1 =	vmul.f32 $1.131370830e+01, v5;
	v5 =	vld [tilespmem:s18+$0x1C60];
	[tilespmem:s17+$0x1CF0] =	vst v0;
	s17 =	smov.u32 s18  }
0x4d: {  	[tilespmem:s17+$0x1C00] =	vst v6;
	v0 =	vmul.f32 $1.131370830e+01, v2;
	v2 =	vld [tilespmem:s17+$0x1C70]  }
0x4e: {  	[tilespmem:s17+$0x1C10] =	vst v1;
	v1 =	vmul.f32 $1.131370830e+01, v3;
	v3 =	vld [tilespmem:s17+$0x1C80]  }
0x4f: {  	[tilespmem:s17+$0x1C20] =	vst v0;
	v0 =	vmul.f32 $1.131370830e+01, v4;
	v4 =	vld [tilespmem:s17+$0x1C90]  }
.Ltmp0:
0x50: {  	[tilespmem:s17+$0x1C30] =	vst v1;
	v6 =	vmul.f32 $1.131370830e+01, v7;
	v1 =	vld [tilespmem:s17+$0x1CA0];
	(pc) =	sbr.rel @p1 .LBB2_3-.Ltmp0, $4  }
0x51: {  	[tilespmem:s17+$0x1C40] =	vst v0;
	v5 =	vmul.f32 $1.131370830e+01, v5;
	v0 =	vld [tilespmem:s17+$0x1CB0]  }
0x52: {  	[tilespmem:s17+$0x1C50] =	vst v6;
	v7 =	vmul.f32 $1.131370830e+01, v2;
	v2 =	vld [tilespmem:s17+$0x1CC0]  }
0x53: {  	[tilespmem:s17+$0x1C60] =	vst v5;
	v6 =	vmul.f32 $1.131370830e+01, v3;
	v3 =	vld [tilespmem:s17+$0x1CD0]  }
0x54: {  	s5 =	sadd.s32 $0x400, s5;
	[tilespmem:s17+$0x1C70] =	vst v7;
	v5 =	vmul.f32 $1.131370830e+01, v4;
	v4 =	vld [tilespmem:s17+$0x1CE0]  }
0x55: {  	[tilespmem:s17+$0x1C80] =	vst v6;
	v1 =	vmul.f32 $1.131370830e+01, v1;
	v6 =	vld [tilespmem:s17+$0x1CF0]  }
0x56: {  	[tilespmem:s17+$0x1C90] =	vst v5;
	v0 =	vmul.f32 $1.131370830e+01, v0  }
0x57: {  	[tilespmem:s17+$0x1CA0] =	vst v1;
	v1 =	vmul.f32 $1.131370830e+01, v2  }
0x58: {  	s5 =	smul.u32 $0x280000, s15;
	[tilespmem:s17+$0x1CB0] =	vst v0;
	v0 =	vmul.f32 $1.131370830e+01, v3  }
0x59: {  	[tilespmem:s17+$0x1CC0] =	vst v1;
	v1 =	vmul.f32 $1.131370830e+01, v4  }
0x5a: {  	s18 =	sor.u32 s6, s5;
	[tilespmem:s17+$0x1CD0] =	vst v0;
	v0 =	vmul.f32 $1.131370830e+01, v6  }
0x5b: {  	s18 =	sshrl.u32 s18, $0x3;
	[tilespmem:s17+$0x1CE0] =	vst v1  }
0x5c: {  	s24 =	simm.s32 $0x1C00;
	s22 =	sadd.s32 s3, s18;
	[tilespmem:s17+$0x1CF0] =	vst v0;
	s17 =	simm.s32 @!p0 $0x14  }
0x5d: {  	[hbm4b:s22+s4] =	stream.linear.scatter [tilespmem:s24], [sflag:$0xB], $0x2000, $0x38;
	[tilespmem:$0x15C00] =	vst v63  }
0x5e: {  	s16 =	sadd.s32 $0x9, s16;
	_ =	swait.ge @!p0 [sflag:s17], $0x2000  }
0x5f: {  	s18 =	sshll.u32 @!p0 s16, $0x6;
	[sflag:s17] =	ssyncset.done @!p0 $0x0  }
0x60: {  	[sflag:s17] =	ssyncadd.s32 @!p0 $0xFFFFE000;
	s17 =	sand.u32 @!p0 $0x7F80, s18  }
0x61: {  	s20 =	simm.s32 @!p0 $0x13C00;
	s18 =	simm.s32 @!p0 $0x40;
	s17 =	sor.u32 @!p0 $0x40, s17  }
0x62: {  	[tilespmem:s20], [sflag:$0xA] =	stream.indirect.gather @!p0 [hbm4b:s1+s18], $0x80, s17, s18, $0xb8;
	[tilespmem:$0x15C00] =	vst v63  }
0x63: {  	_ =	swait.ge [sflag:s19], $0x2000  }
0x64: {  	[sflag:s19] =	ssyncset.done $0x0  }
0x65: {  	s17 =	simm.s32 $0x0;
	[sflag:s19] =	ssyncadd.s32 $0xFFFFE000  }
0x66: {  	v0 =	vld [tilespmem:s17+$0x3C00]  }
0x67: {  	v1 =	vld [tilespmem:s17+$0x3C10]  }
0x68: {  	v2 =	vld [tilespmem:s17+$0x3C20]  }
0x69: {  	v3 =	vld [tilespmem:s17+$0x3C30]  }
0x6a: {  	v4 =	vld [tilespmem:s17+$0x3C40]  }
0x6b: {  	v5 =	vld [tilespmem:s17+$0x3C50];
	v0 =	vmul.f32 $1.131370830e+01, v0  }
0x6c: {  	v6 =	vld [tilespmem:s17+$0x3C60];
	v1 =	vmul.f32 $1.131370830e+01, v1  }
0x6d: {  	v7 =	vld [tilespmem:s17+$0x3C70];
	[tilespmem:s17+$0x3C00] =	vst v0;
	v0 =	vmul.f32 $1.131370830e+01, v2  }
0x6e: {  	v8 =	vld [tilespmem:s17+$0x3C80];
	[tilespmem:s17+$0x3C10] =	vst v1;
	v1 =	vmul.f32 $1.131370830e+01, v3  }
0x6f: {  	v9 =	vld [tilespmem:s17+$0x3C90];
	[tilespmem:s17+$0x3C20] =	vst v0;
	v0 =	vmul.f32 $1.131370830e+01, v4  }
0x70: {  	v2 =	vmul.f32 $1.131370830e+01, v5;
	[tilespmem:s17+$0x3C30] =	vst v1;
	v1 =	vld [tilespmem:s17+$0x3CA0]  }
0x71: {  	v3 =	vmul.f32 $1.131370830e+01, v6;
	[tilespmem:s17+$0x3C40] =	vst v0;
	v0 =	vld [tilespmem:s17+$0x3CB0]  }
0x72: {  	[tilespmem:s17+$0x3C50] =	vst v2;
	v2 =	vld [tilespmem:s17+$0x3CC0];
	v4 =	vmul.f32 $1.131370830e+01, v7  }
0x73: {  	v6 =	vmul.f32 $1.131370830e+01, v8;
	[tilespmem:s17+$0x3C60] =	vst v3;
	v3 =	vld [tilespmem:s17+$0x3CD0]  }
0x74: {  	s18 =	simm.s32 $0x400;
	v5 =	vmul.f32 $1.131370830e+01, v9;
	[tilespmem:s17+$0x3C70] =	vst v4;
	v4 =	vld [tilespmem:s17+$0x3CE0]  }
.LBB2_5:
0x75: {  	s20 =	sshra.s32 s18, $0x2;
	p0 =	sne.s32 s18, $0x7C00;
	[tilespmem:s17+$0x3C80] =	vst v6;
	v1 =	vmul.f32 $1.131370830e+01, v1;
	v6 =	vld [tilespmem:s17+$0x3CF0]  }
0x76: {  	v7 =	vld [tilespmem:s20+$0x3C00];
	[tilespmem:s17+$0x3C90] =	vst v5;
	v0 =	vmul.f32 $1.131370830e+01, v0  }
0x77: {  	v5 =	vld [tilespmem:s20+$0x3C10];
	[tilespmem:s17+$0x3CA0] =	vst v1;
	v1 =	vmul.f32 $1.131370830e+01, v2  }
0x78: {  	v2 =	vld [tilespmem:s20+$0x3C20];
	[tilespmem:s17+$0x3CB0] =	vst v0;
	v0 =	vmul.f32 $1.131370830e+01, v3  }
0x79: {  	v3 =	vld [tilespmem:s20+$0x3C30];
	[tilespmem:s17+$0x3CC0] =	vst v1;
	v1 =	vmul.f32 $1.131370830e+01, v4  }
0x7a: {  	v4 =	vld [tilespmem:s20+$0x3C40];
	[tilespmem:s17+$0x3CD0] =	vst v0;
	v0 =	vmul.f32 $1.131370830e+01, v6  }
0x7b: {  	v6 =	vmul.f32 $1.131370830e+01, v7;
	v7 =	vld [tilespmem:s20+$0x3C50];
	[tilespmem:s17+$0x3CE0] =	vst v1  }
0x7c: {  	v1 =	vmul.f32 $1.131370830e+01, v5;
	v5 =	vld [tilespmem:s20+$0x3C60];
	[tilespmem:s17+$0x3CF0] =	vst v0;
	s17 =	smov.u32 s20  }
0x7d: {  	[tilespmem:s17+$0x3C00] =	vst v6;
	v0 =	vmul.f32 $1.131370830e+01, v2;
	v2 =	vld [tilespmem:s17+$0x3C70]  }
0x7e: {  	[tilespmem:s17+$0x3C10] =	vst v1;
	v1 =	vmul.f32 $1.131370830e+01, v3;
	v3 =	vld [tilespmem:s17+$0x3C80]  }
0x7f: {  	[tilespmem:s17+$0x3C20] =	vst v0;
	v0 =	vmul.f32 $1.131370830e+01, v4;
	v4 =	vld [tilespmem:s17+$0x3C90]  }
.Ltmp1:
0x80: {  	[tilespmem:s17+$0x3C30] =	vst v1;
	v6 =	vmul.f32 $1.131370830e+01, v7;
	v1 =	vld [tilespmem:s17+$0x3CA0];
	(pc) =	sbr.rel @p0 .LBB2_5-.Ltmp1, $4  }
0x81: {  	[tilespmem:s17+$0x3C40] =	vst v0;
	v5 =	vmul.f32 $1.131370830e+01, v5;
	v0 =	vld [tilespmem:s17+$0x3CB0]  }
0x82: {  	[tilespmem:s17+$0x3C50] =	vst v6;
	v7 =	vmul.f32 $1.131370830e+01, v2;
	v2 =	vld [tilespmem:s17+$0x3CC0]  }
0x83: {  	[tilespmem:s17+$0x3C60] =	vst v5;
	v6 =	vmul.f32 $1.131370830e+01, v3;
	v3 =	vld [tilespmem:s17+$0x3CD0]  }
0x84: {  	s18 =	sadd.s32 $0x400, s18;
	[tilespmem:s17+$0x3C70] =	vst v7;
	v5 =	vmul.f32 $1.131370830e+01, v4;
	v4 =	vld [tilespmem:s17+$0x3CE0]  }
0x85: {  	[tilespmem:s17+$0x3C80] =	vst v6;
	v1 =	vmul.f32 $1.131370830e+01, v1;
	v6 =	vld [tilespmem:s17+$0x3CF0]  }
0x86: {  	[tilespmem:s17+$0x3C90] =	vst v5;
	v0 =	vmul.f32 $1.131370830e+01, v0  }
0x87: {  	[tilespmem:s17+$0x3CA0] =	vst v1;
	v1 =	vmul.f32 $1.131370830e+01, v2  }
0x88: {  	[tilespmem:s17+$0x3CB0] =	vst v0;
	v0 =	vmul.f32 $1.131370830e+01, v3  }
0x89: {  	[tilespmem:s17+$0x3CC0] =	vst v1;
	v1 =	vmul.f32 $1.131370830e+01, v4  }
0x8a: {  	s5 =	sor.u32 s9, s5;
	[tilespmem:s17+$0x3CD0] =	vst v0;
	v0 =	vmul.f32 $1.131370830e+01, v6  }
0x8b: {  	s5 =	sshrl.u32 s5, $0x3;
	[tilespmem:s17+$0x3CE0] =	vst v1  }
0x8c: {  	s24 =	simm.s32 $0x3C00;
	p0 =	seq.s32 s15, $0x9;
	s5 =	sadd.s32 s3, s5;
	[tilespmem:s17+$0x3CF0] =	vst v0  }
0x8d: {  	[hbm4b:s5+s4] =	stream.linear.scatter [tilespmem:s24], [sflag:$0xC], $0x2000, $0x38;
	[tilespmem:$0x15C00] =	vst v63  }
0x8e: {  	s5 =	simm.s32 @!p0 $0xB  }
0x8f: {  	s17 =	smul.u32 @!p0 $0xA00, s15;
	_ =	swait.ge @!p0 [sflag:s5], $0x2000  }
0x90: {  	[sflag:s5] =	ssyncset.done @!p0 $0x0  }
0x91: {  	[sflag:s5] =	ssyncadd.s32 @!p0 $0xFFFFE000;
	s5 =	sshra.s32 @!p0 s17, $0x2  }
0x92: {  	s18 =	simm.s32 @!p0 $0x40;
	s20 =	simm.s32 @!p0 $0x1C00;
	s17 =	sadd.s32 @!p0 $0x280, s5  }
0x93: {  	[tilespmem:s20], [sflag:$0x1] =	stream.indirect.gather @!p0 [hbm4b:s1+s18], $0x80, s17, s18, $0xb8;
	[tilespmem:$0x15C00] =	vst v63  }
0x94: {  	_ =	swait.ge [sflag:s21], $0x2000  }
0x95: {  	[sflag:s21] =	ssyncset.done $0x0  }
0x96: {  	s20 =	simm.s32 $0x0;
	[sflag:s21] =	ssyncadd.s32 $0xFFFFE000  }
0x97: {  	v0 =	vld [tilespmem:s20+$0x5C00]  }
0x98: {  	v1 =	vld [tilespmem:s20+$0x5C10]  }
0x99: {  	v2 =	vld [tilespmem:s20+$0x5C20]  }
0x9a: {  	v3 =	vld [tilespmem:s20+$0x5C30]  }
0x9b: {  	v4 =	vld [tilespmem:s20+$0x5C40]  }
0x9c: {  	v5 =	vld [tilespmem:s20+$0x5C50];
	v0 =	vmul.f32 $1.131370830e+01, v0  }
0x9d: {  	v6 =	vld [tilespmem:s20+$0x5C60];
	v1 =	vmul.f32 $1.131370830e+01, v1  }
0x9e: {  	v7 =	vld [tilespmem:s20+$0x5C70];
	[tilespmem:s20+$0x5C00] =	vst v0;
	v0 =	vmul.f32 $1.131370830e+01, v2  }
0x9f: {  	v8 =	vld [tilespmem:s20+$0x5C80];
	[tilespmem:s20+$0x5C10] =	vst v1;
	v1 =	vmul.f32 $1.131370830e+01, v3  }
0xa0: {  	v9 =	vld [tilespmem:s20+$0x5C90];
	[tilespmem:s20+$0x5C20] =	vst v0;
	v0 =	vmul.f32 $1.131370830e+01, v4  }
0xa1: {  	v2 =	vmul.f32 $1.131370830e+01, v5;
	[tilespmem:s20+$0x5C30] =	vst v1;
	v1 =	vld [tilespmem:s20+$0x5CA0]  }
0xa2: {  	v3 =	vmul.f32 $1.131370830e+01, v6;
	[tilespmem:s20+$0x5C40] =	vst v0;
	v0 =	vld [tilespmem:s20+$0x5CB0]  }
0xa3: {  	[tilespmem:s20+$0x5C50] =	vst v2;
	v2 =	vld [tilespmem:s20+$0x5CC0];
	v4 =	vmul.f32 $1.131370830e+01, v7  }
0xa4: {  	v6 =	vmul.f32 $1.131370830e+01, v8;
	[tilespmem:s20+$0x5C60] =	vst v3;
	v3 =	vld [tilespmem:s20+$0x5CD0]  }
0xa5: {  	s17 =	simm.s32 $0x400;
	v5 =	vmul.f32 $1.131370830e+01, v9;
	[tilespmem:s20+$0x5C70] =	vst v4;
	v4 =	vld [tilespmem:s20+$0x5CE0]  }
.LBB2_7:
0xa6: {  	s18 =	sshra.s32 s17, $0x2;
	p1 =	sne.s32 s17, $0x7C00;
	[tilespmem:s20+$0x5C80] =	vst v6;
	v1 =	vmul.f32 $1.131370830e+01, v1;
	v6 =	vld [tilespmem:s20+$0x5CF0]  }
0xa7: {  	v7 =	vld [tilespmem:s18+$0x5C00];
	[tilespmem:s20+$0x5C90] =	vst v5;
	v0 =	vmul.f32 $1.131370830e+01, v0  }
0xa8: {  	v5 =	vld [tilespmem:s18+$0x5C10];
	[tilespmem:s20+$0x5CA0] =	vst v1;
	v1 =	vmul.f32 $1.131370830e+01, v2  }
0xa9: {  	v2 =	vld [tilespmem:s18+$0x5C20];
	[tilespmem:s20+$0x5CB0] =	vst v0;
	v0 =	vmul.f32 $1.131370830e+01, v3  }
0xaa: {  	v3 =	vld [tilespmem:s18+$0x5C30];
	[tilespmem:s20+$0x5CC0] =	vst v1;
	v1 =	vmul.f32 $1.131370830e+01, v4  }
0xab: {  	v4 =	vld [tilespmem:s18+$0x5C40];
	[tilespmem:s20+$0x5CD0] =	vst v0;
	v0 =	vmul.f32 $1.131370830e+01, v6  }
0xac: {  	v6 =	vmul.f32 $1.131370830e+01, v7;
	v7 =	vld [tilespmem:s18+$0x5C50];
	[tilespmem:s20+$0x5CE0] =	vst v1  }
0xad: {  	v1 =	vmul.f32 $1.131370830e+01, v5;
	v5 =	vld [tilespmem:s18+$0x5C60];
	[tilespmem:s20+$0x5CF0] =	vst v0;
	s20 =	smov.u32 s18  }
0xae: {  	[tilespmem:s20+$0x5C00] =	vst v6;
	v0 =	vmul.f32 $1.131370830e+01, v2;
	v2 =	vld [tilespmem:s20+$0x5C70]  }
0xaf: {  	[tilespmem:s20+$0x5C10] =	vst v1;
	v1 =	vmul.f32 $1.131370830e+01, v3;
	v3 =	vld [tilespmem:s20+$0x5C80]  }
0xb0: {  	[tilespmem:s20+$0x5C20] =	vst v0;
	v0 =	vmul.f32 $1.131370830e+01, v4;
	v4 =	vld [tilespmem:s20+$0x5C90]  }
.Ltmp2:
0xb1: {  	[tilespmem:s20+$0x5C30] =	vst v1;
	v6 =	vmul.f32 $1.131370830e+01, v7;
	v1 =	vld [tilespmem:s20+$0x5CA0];
	(pc) =	sbr.rel @p1 .LBB2_7-.Ltmp2, $4  }
0xb2: {  	[tilespmem:s20+$0x5C40] =	vst v0;
	v5 =	vmul.f32 $1.131370830e+01, v5;
	v0 =	vld [tilespmem:s20+$0x5CB0]  }
0xb3: {  	[tilespmem:s20+$0x5C50] =	vst v6;
	v7 =	vmul.f32 $1.131370830e+01, v2;
	v2 =	vld [tilespmem:s20+$0x5CC0]  }
0xb4: {  	[tilespmem:s20+$0x5C60] =	vst v5;
	v6 =	vmul.f32 $1.131370830e+01, v3;
	v3 =	vld [tilespmem:s20+$0x5CD0]  }
0xb5: {  	s17 =	sadd.s32 $0x400, s17;
	[tilespmem:s20+$0x5C70] =	vst v7;
	v5 =	vmul.f32 $1.131370830e+01, v4;
	v4 =	vld [tilespmem:s20+$0x5CE0]  }
0xb6: {  	[tilespmem:s20+$0x5C80] =	vst v6;
	v1 =	vmul.f32 $1.131370830e+01, v1;
	v6 =	vld [tilespmem:s20+$0x5CF0]  }
0xb7: {  	[tilespmem:s20+$0x5C90] =	vst v5;
	v0 =	vmul.f32 $1.131370830e+01, v0  }
0xb8: {  	[tilespmem:s20+$0x5CA0] =	vst v1;
	v1 =	vmul.f32 $1.131370830e+01, v2  }
0xb9: {  	[tilespmem:s20+$0x5CB0] =	vst v0;
	v0 =	vmul.f32 $1.131370830e+01, v3  }
0xba: {  	s17 =	smul.u32 $0x50000, s15;
	[tilespmem:s20+$0x5CC0] =	vst v1;
	v1 =	vmul.f32 $1.131370830e+01, v4  }
0xbb: {  	[tilespmem:s20+$0x5CD0] =	vst v0;
	v0 =	vmul.f32 $1.131370830e+01, v6  }
0xbc: {  	s18 =	sadd.s32 $0x10000, s17;
	[tilespmem:s20+$0x5CE0] =	vst v1  }
0xbd: {  	s22 =	simm.s32 $0x5C00;
	s24 =	sadd.s32 s18, s7;
	[tilespmem:s20+$0x5CF0] =	vst v0;
	s20 =	simm.s32 @!p0 $0xC  }
0xbe: {  	[hbm4b:s24+s4] =	stream.linear.scatter [tilespmem:s22], [sflag:$0xD], $0x2000, $0x38;
	[tilespmem:$0x15C00] =	vst v63  }
0xbf: {  	_ =	swait.ge @!p0 [sflag:s20], $0x2000  }
0xc0: {  	s22 =	simm.s32 @!p0 $0x40;
	[sflag:s20] =	ssyncset.done @!p0 $0x0  }
0xc1: {  	s24 =	simm.s32 @!p0 $0x3C00;
	[sflag:s20] =	ssyncadd.s32 @!p0 $0xFFFFE000;
	s20 =	sadd.s32 @!p0 $0x2C0, s5  }
0xc2: {  	[tilespmem:s24], [sflag:$0x2] =	stream.indirect.gather @!p0 [hbm4b:s1+s22], $0x80, s20, s22, $0xb8;
	[tilespmem:$0x15C00] =	vst v63  }
0xc3: {  	_ =	swait.ge [sflag:s23], $0x2000  }
0xc4: {  	[sflag:s23] =	ssyncset.done $0x0  }
0xc5: {  	s20 =	simm.s32 $0x0;
	[sflag:s23] =	ssyncadd.s32 $0xFFFFE000  }
0xc6: {  	v0 =	vld [tilespmem:s20+$0x7C00]  }
0xc7: {  	v1 =	vld [tilespmem:s20+$0x7C10]  }
0xc8: {  	v2 =	vld [tilespmem:s20+$0x7C20]  }
0xc9: {  	v3 =	vld [tilespmem:s20+$0x7C30]  }
0xca: {  	v4 =	vld [tilespmem:s20+$0x7C40]  }
0xcb: {  	v5 =	vld [tilespmem:s20+$0x7C50];
	v0 =	vmul.f32 $1.131370830e+01, v0  }
0xcc: {  	v6 =	vld [tilespmem:s20+$0x7C60];
	v1 =	vmul.f32 $1.131370830e+01, v1  }
0xcd: {  	v7 =	vld [tilespmem:s20+$0x7C70];
	[tilespmem:s20+$0x7C00] =	vst v0;
	v0 =	vmul.f32 $1.131370830e+01, v2  }
0xce: {  	v8 =	vld [tilespmem:s20+$0x7C80];
	[tilespmem:s20+$0x7C10] =	vst v1;
	v1 =	vmul.f32 $1.131370830e+01, v3  }
0xcf: {  	v9 =	vld [tilespmem:s20+$0x7C90];
	[tilespmem:s20+$0x7C20] =	vst v0;
	v0 =	vmul.f32 $1.131370830e+01, v4  }
0xd0: {  	v2 =	vmul.f32 $1.131370830e+01, v5;
	[tilespmem:s20+$0x7C30] =	vst v1;
	v1 =	vld [tilespmem:s20+$0x7CA0]  }
0xd1: {  	v3 =	vmul.f32 $1.131370830e+01, v6;
	[tilespmem:s20+$0x7C40] =	vst v0;
	v0 =	vld [tilespmem:s20+$0x7CB0]  }
0xd2: {  	[tilespmem:s20+$0x7C50] =	vst v2;
	v2 =	vld [tilespmem:s20+$0x7CC0];
	v4 =	vmul.f32 $1.131370830e+01, v7  }
0xd3: {  	v6 =	vmul.f32 $1.131370830e+01, v8;
	[tilespmem:s20+$0x7C60] =	vst v3;
	v3 =	vld [tilespmem:s20+$0x7CD0]  }
0xd4: {  	s22 =	simm.s32 $0x400;
	v5 =	vmul.f32 $1.131370830e+01, v9;
	[tilespmem:s20+$0x7C70] =	vst v4;
	v4 =	vld [tilespmem:s20+$0x7CE0]  }
.LBB2_9:
0xd5: {  	s24 =	sshra.s32 s22, $0x2;
	p1 =	sne.s32 s22, $0x7C00;
	[tilespmem:s20+$0x7C80] =	vst v6;
	v1 =	vmul.f32 $1.131370830e+01, v1;
	v6 =	vld [tilespmem:s20+$0x7CF0]  }
0xd6: {  	v7 =	vld [tilespmem:s24+$0x7C00];
	[tilespmem:s20+$0x7C90] =	vst v5;
	v0 =	vmul.f32 $1.131370830e+01, v0  }
0xd7: {  	v5 =	vld [tilespmem:s24+$0x7C10];
	[tilespmem:s20+$0x7CA0] =	vst v1;
	v1 =	vmul.f32 $1.131370830e+01, v2  }
0xd8: {  	v2 =	vld [tilespmem:s24+$0x7C20];
	[tilespmem:s20+$0x7CB0] =	vst v0;
	v0 =	vmul.f32 $1.131370830e+01, v3  }
0xd9: {  	v3 =	vld [tilespmem:s24+$0x7C30];
	[tilespmem:s20+$0x7CC0] =	vst v1;
	v1 =	vmul.f32 $1.131370830e+01, v4  }
0xda: {  	v4 =	vld [tilespmem:s24+$0x7C40];
	[tilespmem:s20+$0x7CD0] =	vst v0;
	v0 =	vmul.f32 $1.131370830e+01, v6  }
0xdb: {  	v6 =	vmul.f32 $1.131370830e+01, v7;
	v7 =	vld [tilespmem:s24+$0x7C50];
	[tilespmem:s20+$0x7CE0] =	vst v1  }
0xdc: {  	v1 =	vmul.f32 $1.131370830e+01, v5;
	v5 =	vld [tilespmem:s24+$0x7C60];
	[tilespmem:s20+$0x7CF0] =	vst v0;
	s20 =	smov.u32 s24  }
0xdd: {  	[tilespmem:s20+$0x7C00] =	vst v6;
	v0 =	vmul.f32 $1.131370830e+01, v2;
	v2 =	vld [tilespmem:s20+$0x7C70]  }
0xde: {  	[tilespmem:s20+$0x7C10] =	vst v1;
	v1 =	vmul.f32 $1.131370830e+01, v3;
	v3 =	vld [tilespmem:s20+$0x7C80]  }
0xdf: {  	[tilespmem:s20+$0x7C20] =	vst v0;
	v0 =	vmul.f32 $1.131370830e+01, v4;
	v4 =	vld [tilespmem:s20+$0x7C90]  }
.Ltmp3:
0xe0: {  	[tilespmem:s20+$0x7C30] =	vst v1;
	v6 =	vmul.f32 $1.131370830e+01, v7;
	v1 =	vld [tilespmem:s20+$0x7CA0];
	(pc) =	sbr.rel @p1 .LBB2_9-.Ltmp3, $4  }
0xe1: {  	[tilespmem:s20+$0x7C40] =	vst v0;
	v5 =	vmul.f32 $1.131370830e+01, v5;
	v0 =	vld [tilespmem:s20+$0x7CB0]  }
0xe2: {  	[tilespmem:s20+$0x7C50] =	vst v6;
	v7 =	vmul.f32 $1.131370830e+01, v2;
	v2 =	vld [tilespmem:s20+$0x7CC0]  }
0xe3: {  	[tilespmem:s20+$0x7C60] =	vst v5;
	v6 =	vmul.f32 $1.131370830e+01, v3;
	v3 =	vld [tilespmem:s20+$0x7CD0]  }
0xe4: {  	s22 =	sadd.s32 $0x400, s22;
	[tilespmem:s20+$0x7C70] =	vst v7;
	v5 =	vmul.f32 $1.131370830e+01, v4;
	v4 =	vld [tilespmem:s20+$0x7CE0]  }
0xe5: {  	[tilespmem:s20+$0x7C80] =	vst v6;
	v1 =	vmul.f32 $1.131370830e+01, v1;
	v6 =	vld [tilespmem:s20+$0x7CF0]  }
0xe6: {  	[tilespmem:s20+$0x7C90] =	vst v5;
	v0 =	vmul.f32 $1.131370830e+01, v0  }
0xe7: {  	[tilespmem:s20+$0x7CA0] =	vst v1;
	v1 =	vmul.f32 $1.131370830e+01, v2  }
0xe8: {  	[tilespmem:s20+$0x7CB0] =	vst v0;
	v0 =	vmul.f32 $1.131370830e+01, v3  }
0xe9: {  	[tilespmem:s20+$0x7CC0] =	vst v1;
	v1 =	vmul.f32 $1.131370830e+01, v4  }
0xea: {  	[tilespmem:s20+$0x7CD0] =	vst v0;
	v0 =	vmul.f32 $1.131370830e+01, v6  }
0xeb: {  	[tilespmem:s20+$0x7CE0] =	vst v1  }
0xec: {  	s18 =	sadd.s32 s18, s10;
	s24 =	simm.s32 $0x7C00;
	[tilespmem:s20+$0x7CF0] =	vst v0  }
0xed: {  	[hbm4b:s18+s4] =	stream.linear.scatter [tilespmem:s24], [sflag:$0xE], $0x2000, $0x38;
	[tilespmem:$0x15C00] =	vst v63  }
0xee: {  	s18 =	simm.s32 @!p0 $0xD  }
0xef: {  	_ =	swait.ge @!p0 [sflag:s18], $0x2000  }
0xf0: {  	s22 =	simm.s32 @!p0 $0x5C00;
	[sflag:s18] =	ssyncset.done @!p0 $0x0  }
0xf1: {  	s20 =	simm.s32 @!p0 $0x40;
	[sflag:s18] =	ssyncadd.s32 @!p0 $0xFFFFE000;
	s18 =	sadd.s32 @!p0 $0x300, s5  }
0xf2: {  	[tilespmem:s22], [sflag:$0x3] =	stream.indirect.gather @!p0 [hbm4b:s1+s20], $0x80, s18, s20, $0xb8;
	[tilespmem:$0x15C00] =	vst v63  }
0xf3: {  	_ =	swait.ge [sflag:s25], $0x2000  }
0xf4: {  	[sflag:s25] =	ssyncset.done $0x0  }
0xf5: {  	s20 =	simm.s32 $0x0;
	[sflag:s25] =	ssyncadd.s32 $0xFFFFE000  }
0xf6: {  	v0 =	vld [tilespmem:s20+$0x9C00]  }
0xf7: {  	v1 =	vld [tilespmem:s20+$0x9C10]  }
0xf8: {  	v2 =	vld [tilespmem:s20+$0x9C20]  }
0xf9: {  	v3 =	vld [tilespmem:s20+$0x9C30]  }
0xfa: {  	v4 =	vld [tilespmem:s20+$0x9C40]  }
0xfb: {  	v5 =	vld [tilespmem:s20+$0x9C50];
	v0 =	vmul.f32 $1.131370830e+01, v0  }
0xfc: {  	v6 =	vld [tilespmem:s20+$0x9C60];
	v1 =	vmul.f32 $1.131370830e+01, v1  }
0xfd: {  	v7 =	vld [tilespmem:s20+$0x9C70];
	[tilespmem:s20+$0x9C00] =	vst v0;
	v0 =	vmul.f32 $1.131370830e+01, v2  }
0xfe: {  	v8 =	vld [tilespmem:s20+$0x9C80];
	[tilespmem:s20+$0x9C10] =	vst v1;
	v1 =	vmul.f32 $1.131370830e+01, v3  }
0xff: {  	v9 =	vld [tilespmem:s20+$0x9C90];
	[tilespmem:s20+$0x9C20] =	vst v0;
	v0 =	vmul.f32 $1.131370830e+01, v4  }
0x100: {  	v2 =	vmul.f32 $1.131370830e+01, v5;
	[tilespmem:s20+$0x9C30] =	vst v1;
	v1 =	vld [tilespmem:s20+$0x9CA0]  }
0x101: {  	v3 =	vmul.f32 $1.131370830e+01, v6;
	[tilespmem:s20+$0x9C40] =	vst v0;
	v0 =	vld [tilespmem:s20+$0x9CB0]  }
0x102: {  	[tilespmem:s20+$0x9C50] =	vst v2;
	v2 =	vld [tilespmem:s20+$0x9CC0];
	v4 =	vmul.f32 $1.131370830e+01, v7  }
0x103: {  	v6 =	vmul.f32 $1.131370830e+01, v8;
	[tilespmem:s20+$0x9C60] =	vst v3;
	v3 =	vld [tilespmem:s20+$0x9CD0]  }
0x104: {  	s18 =	simm.s32 $0x400;
	v5 =	vmul.f32 $1.131370830e+01, v9;
	[tilespmem:s20+$0x9C70] =	vst v4;
	v4 =	vld [tilespmem:s20+$0x9CE0]  }
.LBB2_11:
0x105: {  	s22 =	sshra.s32 s18, $0x2;
	p1 =	sne.s32 s18, $0x7C00;
	[tilespmem:s20+$0x9C80] =	vst v6;
	v1 =	vmul.f32 $1.131370830e+01, v1;
	v6 =	vld [tilespmem:s20+$0x9CF0]  }
0x106: {  	v7 =	vld [tilespmem:s22+$0x9C00];
	[tilespmem:s20+$0x9C90] =	vst v5;
	v0 =	vmul.f32 $1.131370830e+01, v0  }
0x107: {  	v5 =	vld [tilespmem:s22+$0x9C10];
	[tilespmem:s20+$0x9CA0] =	vst v1;
	v1 =	vmul.f32 $1.131370830e+01, v2  }
0x108: {  	v2 =	vld [tilespmem:s22+$0x9C20];
	[tilespmem:s20+$0x9CB0] =	vst v0;
	v0 =	vmul.f32 $1.131370830e+01, v3  }
0x109: {  	v3 =	vld [tilespmem:s22+$0x9C30];
	[tilespmem:s20+$0x9CC0] =	vst v1;
	v1 =	vmul.f32 $1.131370830e+01, v4  }
0x10a: {  	v4 =	vld [tilespmem:s22+$0x9C40];
	[tilespmem:s20+$0x9CD0] =	vst v0;
	v0 =	vmul.f32 $1.131370830e+01, v6  }
0x10b: {  	v6 =	vmul.f32 $1.131370830e+01, v7;
	v7 =	vld [tilespmem:s22+$0x9C50];
	[tilespmem:s20+$0x9CE0] =	vst v1  }
0x10c: {  	v1 =	vmul.f32 $1.131370830e+01, v5;
	v5 =	vld [tilespmem:s22+$0x9C60];
	[tilespmem:s20+$0x9CF0] =	vst v0;
	s20 =	smov.u32 s22  }
0x10d: {  	[tilespmem:s20+$0x9C00] =	vst v6;
	v0 =	vmul.f32 $1.131370830e+01, v2;
	v2 =	vld [tilespmem:s20+$0x9C70]  }
0x10e: {  	[tilespmem:s20+$0x9C10] =	vst v1;
	v1 =	vmul.f32 $1.131370830e+01, v3;
	v3 =	vld [tilespmem:s20+$0x9C80]  }
0x10f: {  	[tilespmem:s20+$0x9C20] =	vst v0;
	v0 =	vmul.f32 $1.131370830e+01, v4;
	v4 =	vld [tilespmem:s20+$0x9C90]  }
.Ltmp4:
0x110: {  	[tilespmem:s20+$0x9C30] =	vst v1;
	v6 =	vmul.f32 $1.131370830e+01, v7;
	v1 =	vld [tilespmem:s20+$0x9CA0];
	(pc) =	sbr.rel @p1 .LBB2_11-.Ltmp4, $4  }
0x111: {  	[tilespmem:s20+$0x9C40] =	vst v0;
	v5 =	vmul.f32 $1.131370830e+01, v5;
	v0 =	vld [tilespmem:s20+$0x9CB0]  }
0x112: {  	[tilespmem:s20+$0x9C50] =	vst v6;
	v7 =	vmul.f32 $1.131370830e+01, v2;
	v2 =	vld [tilespmem:s20+$0x9CC0]  }
0x113: {  	[tilespmem:s20+$0x9C60] =	vst v5;
	v6 =	vmul.f32 $1.131370830e+01, v3;
	v3 =	vld [tilespmem:s20+$0x9CD0]  }
0x114: {  	s18 =	sadd.s32 $0x400, s18;
	[tilespmem:s20+$0x9C70] =	vst v7;
	v5 =	vmul.f32 $1.131370830e+01, v4;
	v4 =	vld [tilespmem:s20+$0x9CE0]  }
0x115: {  	[tilespmem:s20+$0x9C80] =	vst v6;
	v1 =	vmul.f32 $1.131370830e+01, v1;
	v6 =	vld [tilespmem:s20+$0x9CF0]  }
0x116: {  	[tilespmem:s20+$0x9C90] =	vst v5;
	v0 =	vmul.f32 $1.131370830e+01, v0  }
0x117: {  	[tilespmem:s20+$0x9CA0] =	vst v1;
	v1 =	vmul.f32 $1.131370830e+01, v2  }
0x118: {  	[tilespmem:s20+$0x9CB0] =	vst v0;
	v0 =	vmul.f32 $1.131370830e+01, v3  }
0x119: {  	[tilespmem:s20+$0x9CC0] =	vst v1;
	v1 =	vmul.f32 $1.131370830e+01, v4  }
0x11a: {  	[tilespmem:s20+$0x9CD0] =	vst v0;
	v0 =	vmul.f32 $1.131370830e+01, v6  }
0x11b: {  	s18 =	sadd.s32 $0x20000, s17;
	[tilespmem:s20+$0x9CE0] =	vst v1  }
0x11c: {  	s22 =	simm.s32 $0x9C00;
	s24 =	sadd.s32 s18, s7;
	[tilespmem:s20+$0x9CF0] =	vst v0;
	s20 =	simm.s32 @!p0 $0xE  }
0x11d: {  	[hbm4b:s24+s4] =	stream.linear.scatter [tilespmem:s22], [sflag:$0xF], $0x2000, $0x38;
	[tilespmem:$0x15C00] =	vst v63  }
0x11e: {  	_ =	swait.ge @!p0 [sflag:s20], $0x2000  }
0x11f: {  	s22 =	simm.s32 @!p0 $0x40;
	[sflag:s20] =	ssyncset.done @!p0 $0x0  }
0x120: {  	s24 =	simm.s32 @!p0 $0x7C00;
	[sflag:s20] =	ssyncadd.s32 @!p0 $0xFFFFE000;
	s20 =	sadd.s32 @!p0 $0x340, s5  }
0x121: {  	[tilespmem:s24], [sflag:$0x4] =	stream.indirect.gather @!p0 [hbm4b:s1+s22], $0x80, s20, s22, $0xb8;
	[tilespmem:$0x15C00] =	vst v63  }
0x122: {  	_ =	swait.ge [sflag:s28], $0x2000  }
0x123: {  	[sflag:s28] =	ssyncset.done $0x0  }
0x124: {  	s20 =	simm.s32 $0x0;
	[sflag:s28] =	ssyncadd.s32 $0xFFFFE000  }
0x125: {  	v0 =	vld [tilespmem:s20+$0xBC00]  }
0x126: {  	v1 =	vld [tilespmem:s20+$0xBC10]  }
0x127: {  	v2 =	vld [tilespmem:s20+$0xBC20]  }
0x128: {  	v3 =	vld [tilespmem:s20+$0xBC30]  }
0x129: {  	v4 =	vld [tilespmem:s20+$0xBC40]  }
0x12a: {  	v5 =	vld [tilespmem:s20+$0xBC50];
	v0 =	vmul.f32 $1.131370830e+01, v0  }
0x12b: {  	v6 =	vld [tilespmem:s20+$0xBC60];
	v1 =	vmul.f32 $1.131370830e+01, v1  }
0x12c: {  	v7 =	vld [tilespmem:s20+$0xBC70];
	[tilespmem:s20+$0xBC00] =	vst v0;
	v0 =	vmul.f32 $1.131370830e+01, v2  }
0x12d: {  	v8 =	vld [tilespmem:s20+$0xBC80];
	[tilespmem:s20+$0xBC10] =	vst v1;
	v1 =	vmul.f32 $1.131370830e+01, v3  }
0x12e: {  	v9 =	vld [tilespmem:s20+$0xBC90];
	[tilespmem:s20+$0xBC20] =	vst v0;
	v0 =	vmul.f32 $1.131370830e+01, v4  }
0x12f: {  	v2 =	vmul.f32 $1.131370830e+01, v5;
	[tilespmem:s20+$0xBC30] =	vst v1;
	v1 =	vld [tilespmem:s20+$0xBCA0]  }
0x130: {  	v3 =	vmul.f32 $1.131370830e+01, v6;
	[tilespmem:s20+$0xBC40] =	vst v0;
	v0 =	vld [tilespmem:s20+$0xBCB0]  }
0x131: {  	[tilespmem:s20+$0xBC50] =	vst v2;
	v2 =	vld [tilespmem:s20+$0xBCC0];
	v4 =	vmul.f32 $1.131370830e+01, v7  }
0x132: {  	v6 =	vmul.f32 $1.131370830e+01, v8;
	[tilespmem:s20+$0xBC60] =	vst v3;
	v3 =	vld [tilespmem:s20+$0xBCD0]  }
0x133: {  	s22 =	simm.s32 $0x400;
	v5 =	vmul.f32 $1.131370830e+01, v9;
	[tilespmem:s20+$0xBC70] =	vst v4;
	v4 =	vld [tilespmem:s20+$0xBCE0]  }
.LBB2_13:
0x134: {  	s24 =	sshra.s32 s22, $0x2;
	p1 =	sne.s32 s22, $0x7C00;
	[tilespmem:s20+$0xBC80] =	vst v6;
	v1 =	vmul.f32 $1.131370830e+01, v1;
	v6 =	vld [tilespmem:s20+$0xBCF0]  }
0x135: {  	v7 =	vld [tilespmem:s24+$0xBC00];
	[tilespmem:s20+$0xBC90] =	vst v5;
	v0 =	vmul.f32 $1.131370830e+01, v0  }
0x136: {  	v5 =	vld [tilespmem:s24+$0xBC10];
	[tilespmem:s20+$0xBCA0] =	vst v1;
	v1 =	vmul.f32 $1.131370830e+01, v2  }
0x137: {  	v2 =	vld [tilespmem:s24+$0xBC20];
	[tilespmem:s20+$0xBCB0] =	vst v0;
	v0 =	vmul.f32 $1.131370830e+01, v3  }
0x138: {  	v3 =	vld [tilespmem:s24+$0xBC30];
	[tilespmem:s20+$0xBCC0] =	vst v1;
	v1 =	vmul.f32 $1.131370830e+01, v4  }
0x139: {  	v4 =	vld [tilespmem:s24+$0xBC40];
	[tilespmem:s20+$0xBCD0] =	vst v0;
	v0 =	vmul.f32 $1.131370830e+01, v6  }
0x13a: {  	v6 =	vmul.f32 $1.131370830e+01, v7;
	v7 =	vld [tilespmem:s24+$0xBC50];
	[tilespmem:s20+$0xBCE0] =	vst v1  }
0x13b: {  	v1 =	vmul.f32 $1.131370830e+01, v5;
	v5 =	vld [tilespmem:s24+$0xBC60];
	[tilespmem:s20+$0xBCF0] =	vst v0;
	s20 =	smov.u32 s24  }
0x13c: {  	[tilespmem:s20+$0xBC00] =	vst v6;
	v0 =	vmul.f32 $1.131370830e+01, v2;
	v2 =	vld [tilespmem:s20+$0xBC70]  }
0x13d: {  	[tilespmem:s20+$0xBC10] =	vst v1;
	v1 =	vmul.f32 $1.131370830e+01, v3;
	v3 =	vld [tilespmem:s20+$0xBC80]  }
0x13e: {  	[tilespmem:s20+$0xBC20] =	vst v0;
	v0 =	vmul.f32 $1.131370830e+01, v4;
	v4 =	vld [tilespmem:s20+$0xBC90]  }
.Ltmp5:
0x13f: {  	[tilespmem:s20+$0xBC30] =	vst v1;
	v6 =	vmul.f32 $1.131370830e+01, v7;
	v1 =	vld [tilespmem:s20+$0xBCA0];
	(pc) =	sbr.rel @p1 .LBB2_13-.Ltmp5, $4  }
0x140: {  	[tilespmem:s20+$0xBC40] =	vst v0;
	v5 =	vmul.f32 $1.131370830e+01, v5;
	v0 =	vld [tilespmem:s20+$0xBCB0]  }
0x141: {  	[tilespmem:s20+$0xBC50] =	vst v6;
	v7 =	vmul.f32 $1.131370830e+01, v2;
	v2 =	vld [tilespmem:s20+$0xBCC0]  }
0x142: {  	[tilespmem:s20+$0xBC60] =	vst v5;
	v6 =	vmul.f32 $1.131370830e+01, v3;
	v3 =	vld [tilespmem:s20+$0xBCD0]  }
0x143: {  	s22 =	sadd.s32 $0x400, s22;
	[tilespmem:s20+$0xBC70] =	vst v7;
	v5 =	vmul.f32 $1.131370830e+01, v4;
	v4 =	vld [tilespmem:s20+$0xBCE0]  }
0x144: {  	[tilespmem:s20+$0xBC80] =	vst v6;
	v1 =	vmul.f32 $1.131370830e+01, v1;
	v6 =	vld [tilespmem:s20+$0xBCF0]  }
0x145: {  	[tilespmem:s20+$0xBC90] =	vst v5;
	v0 =	vmul.f32 $1.131370830e+01, v0  }
0x146: {  	[tilespmem:s20+$0xBCA0] =	vst v1;
	v1 =	vmul.f32 $1.131370830e+01, v2  }
0x147: {  	[tilespmem:s20+$0xBCB0] =	vst v0;
	v0 =	vmul.f32 $1.131370830e+01, v3  }
0x148: {  	[tilespmem:s20+$0xBCC0] =	vst v1;
	v1 =	vmul.f32 $1.131370830e+01, v4  }
0x149: {  	[tilespmem:s20+$0xBCD0] =	vst v0;
	v0 =	vmul.f32 $1.131370830e+01, v6  }
0x14a: {  	[tilespmem:s20+$0xBCE0] =	vst v1  }
0x14b: {  	s18 =	sadd.s32 s18, s10;
	[tilespmem:s20+$0xBCF0] =	vst v0  }
0x14c: {  	[hbm4b:s18+s4] =	stream.linear.scatter [tilespmem:s26], [sflag:$0x10], $0x2000, $0x38;
	[tilespmem:$0x15C00] =	vst v63  }
0x14d: {  	s18 =	simm.s32 @!p0 $0xF  }
0x14e: {  	_ =	swait.ge @!p0 [sflag:s18], $0x2000  }
0x14f: {  	s22 =	simm.s32 @!p0 $0x9C00;
	[sflag:s18] =	ssyncset.done @!p0 $0x0  }
0x150: {  	s20 =	simm.s32 @!p0 $0x40;
	[sflag:s18] =	ssyncadd.s32 @!p0 $0xFFFFE000;
	s18 =	sadd.s32 @!p0 $0x380, s5  }
0x151: {  	[tilespmem:s22], [sflag:$0x5] =	stream.indirect.gather @!p0 [hbm4b:s1+s20], $0x80, s18, s20, $0xb8;
	[tilespmem:$0x15C00] =	vst v63  }
0x152: {  	_ =	swait.ge [sflag:s30], $0x2000  }
0x153: {  	[sflag:s30] =	ssyncset.done $0x0  }
0x154: {  	s18 =	simm.s32 $0x0;
	[sflag:s30] =	ssyncadd.s32 $0xFFFFE000  }
0x155: {  	v0 =	vld [tilespmem:s18+$0xDC00]  }
0x156: {  	v1 =	vld [tilespmem:s18+$0xDC10]  }
0x157: {  	v2 =	vld [tilespmem:s18+$0xDC20]  }
0x158: {  	v3 =	vld [tilespmem:s18+$0xDC30]  }
0x159: {  	v4 =	vld [tilespmem:s18+$0xDC40]  }
0x15a: {  	v5 =	vld [tilespmem:s18+$0xDC50];
	v0 =	vmul.f32 $1.131370830e+01, v0  }
0x15b: {  	v6 =	vld [tilespmem:s18+$0xDC60];
	v1 =	vmul.f32 $1.131370830e+01, v1  }
0x15c: {  	v7 =	vld [tilespmem:s18+$0xDC70];
	[tilespmem:s18+$0xDC00] =	vst v0;
	v0 =	vmul.f32 $1.131370830e+01, v2  }
0x15d: {  	v8 =	vld [tilespmem:s18+$0xDC80];
	[tilespmem:s18+$0xDC10] =	vst v1;
	v1 =	vmul.f32 $1.131370830e+01, v3  }
0x15e: {  	v9 =	vld [tilespmem:s18+$0xDC90];
	[tilespmem:s18+$0xDC20] =	vst v0;
	v0 =	vmul.f32 $1.131370830e+01, v4  }
0x15f: {  	v2 =	vmul.f32 $1.131370830e+01, v5;
	[tilespmem:s18+$0xDC30] =	vst v1;
	v1 =	vld [tilespmem:s18+$0xDCA0]  }
0x160: {  	v3 =	vmul.f32 $1.131370830e+01, v6;
	[tilespmem:s18+$0xDC40] =	vst v0;
	v0 =	vld [tilespmem:s18+$0xDCB0]  }
0x161: {  	[tilespmem:s18+$0xDC50] =	vst v2;
	v2 =	vld [tilespmem:s18+$0xDCC0];
	v4 =	vmul.f32 $1.131370830e+01, v7  }
0x162: {  	v6 =	vmul.f32 $1.131370830e+01, v8;
	[tilespmem:s18+$0xDC60] =	vst v3;
	v3 =	vld [tilespmem:s18+$0xDCD0]  }
0x163: {  	s20 =	simm.s32 $0x400;
	v5 =	vmul.f32 $1.131370830e+01, v9;
	[tilespmem:s18+$0xDC70] =	vst v4;
	v4 =	vld [tilespmem:s18+$0xDCE0]  }
.LBB2_15:
0x164: {  	s22 =	sshra.s32 s20, $0x2;
	p1 =	sne.s32 s20, $0x7C00;
	[tilespmem:s18+$0xDC80] =	vst v6;
	v1 =	vmul.f32 $1.131370830e+01, v1;
	v6 =	vld [tilespmem:s18+$0xDCF0]  }
0x165: {  	v7 =	vld [tilespmem:s22+$0xDC00];
	[tilespmem:s18+$0xDC90] =	vst v5;
	v0 =	vmul.f32 $1.131370830e+01, v0  }
0x166: {  	v5 =	vld [tilespmem:s22+$0xDC10];
	[tilespmem:s18+$0xDCA0] =	vst v1;
	v1 =	vmul.f32 $1.131370830e+01, v2  }
0x167: {  	v2 =	vld [tilespmem:s22+$0xDC20];
	[tilespmem:s18+$0xDCB0] =	vst v0;
	v0 =	vmul.f32 $1.131370830e+01, v3  }
0x168: {  	v3 =	vld [tilespmem:s22+$0xDC30];
	[tilespmem:s18+$0xDCC0] =	vst v1;
	v1 =	vmul.f32 $1.131370830e+01, v4  }
0x169: {  	v4 =	vld [tilespmem:s22+$0xDC40];
	[tilespmem:s18+$0xDCD0] =	vst v0;
	v0 =	vmul.f32 $1.131370830e+01, v6  }
0x16a: {  	v6 =	vmul.f32 $1.131370830e+01, v7;
	v7 =	vld [tilespmem:s22+$0xDC50];
	[tilespmem:s18+$0xDCE0] =	vst v1  }
0x16b: {  	v1 =	vmul.f32 $1.131370830e+01, v5;
	v5 =	vld [tilespmem:s22+$0xDC60];
	[tilespmem:s18+$0xDCF0] =	vst v0;
	s18 =	smov.u32 s22  }
0x16c: {  	[tilespmem:s18+$0xDC00] =	vst v6;
	v0 =	vmul.f32 $1.131370830e+01, v2;
	v2 =	vld [tilespmem:s18+$0xDC70]  }
0x16d: {  	[tilespmem:s18+$0xDC10] =	vst v1;
	v1 =	vmul.f32 $1.131370830e+01, v3;
	v3 =	vld [tilespmem:s18+$0xDC80]  }
0x16e: {  	[tilespmem:s18+$0xDC20] =	vst v0;
	v0 =	vmul.f32 $1.131370830e+01, v4;
	v4 =	vld [tilespmem:s18+$0xDC90]  }
.Ltmp6:
0x16f: {  	[tilespmem:s18+$0xDC30] =	vst v1;
	v6 =	vmul.f32 $1.131370830e+01, v7;
	v1 =	vld [tilespmem:s18+$0xDCA0];
	(pc) =	sbr.rel @p1 .LBB2_15-.Ltmp6, $4  }
0x170: {  	[tilespmem:s18+$0xDC40] =	vst v0;
	v5 =	vmul.f32 $1.131370830e+01, v5;
	v0 =	vld [tilespmem:s18+$0xDCB0]  }
0x171: {  	[tilespmem:s18+$0xDC50] =	vst v6;
	v7 =	vmul.f32 $1.131370830e+01, v2;
	v2 =	vld [tilespmem:s18+$0xDCC0]  }
0x172: {  	[tilespmem:s18+$0xDC60] =	vst v5;
	v6 =	vmul.f32 $1.131370830e+01, v3;
	v3 =	vld [tilespmem:s18+$0xDCD0]  }
0x173: {  	s20 =	sadd.s32 $0x400, s20;
	[tilespmem:s18+$0xDC70] =	vst v7;
	v5 =	vmul.f32 $1.131370830e+01, v4;
	v4 =	vld [tilespmem:s18+$0xDCE0]  }
0x174: {  	[tilespmem:s18+$0xDC80] =	vst v6;
	v1 =	vmul.f32 $1.131370830e+01, v1;
	v6 =	vld [tilespmem:s18+$0xDCF0]  }
0x175: {  	[tilespmem:s18+$0xDC90] =	vst v5;
	v0 =	vmul.f32 $1.131370830e+01, v0  }
0x176: {  	[tilespmem:s18+$0xDCA0] =	vst v1;
	v1 =	vmul.f32 $1.131370830e+01, v2  }
0x177: {  	[tilespmem:s18+$0xDCB0] =	vst v0;
	v0 =	vmul.f32 $1.131370830e+01, v3  }
0x178: {  	[tilespmem:s18+$0xDCC0] =	vst v1;
	v1 =	vmul.f32 $1.131370830e+01, v4  }
0x179: {  	[tilespmem:s18+$0xDCD0] =	vst v0;
	v0 =	vmul.f32 $1.131370830e+01, v6  }
0x17a: {  	s17 =	sadd.s32 $0x30000, s17;
	[tilespmem:s18+$0xDCE0] =	vst v1  }
0x17b: {  	s24 =	sadd.s32 s17, s7;
	[tilespmem:s18+$0xDCF0] =	vst v0;
	s18 =	simm.s32 @!p0 $0x10  }
0x17c: {  	[hbm4b:s24+s4] =	stream.linear.scatter [tilespmem:s29], [sflag:$0x11], $0x2000, $0x38;
	[tilespmem:$0x15C00] =	vst v63  }
0x17d: {  	_ =	swait.ge @!p0 [sflag:s18], $0x2000  }
0x17e: {  	s20 =	simm.s32 @!p0 $0x40;
	[sflag:s18] =	ssyncset.done @!p0 $0x0  }
0x17f: {  	s22 =	simm.s32 @!p0 $0xBC00;
	[sflag:s18] =	ssyncadd.s32 @!p0 $0xFFFFE000;
	s18 =	sadd.s32 @!p0 $0x3C0, s5  }
0x180: {  	[tilespmem:s22], [sflag:$0x6] =	stream.indirect.gather @!p0 [hbm4b:s1+s20], $0x80, s18, s20, $0xb8;
	[tilespmem:$0x15C00] =	vst v63  }
0x181: {  	_ =	swait.ge [sflag:s0], $0x2000  }
0x182: {  	[sflag:s0] =	ssyncset.done $0x0  }
0x183: {  	s18 =	simm.s32 $0x0;
	[sflag:s0] =	ssyncadd.s32 $0xFFFFE000  }
0x184: {  	v0 =	vld [tilespmem:s18+$0xFC00]  }
0x185: {  	v1 =	vld [tilespmem:s18+$0xFC10]  }
0x186: {  	v2 =	vld [tilespmem:s18+$0xFC20]  }
0x187: {  	v3 =	vld [tilespmem:s18+$0xFC30]  }
0x188: {  	v4 =	vld [tilespmem:s18+$0xFC40]  }
0x189: {  	v5 =	vld [tilespmem:s18+$0xFC50];
	v0 =	vmul.f32 $1.131370830e+01, v0  }
0x18a: {  	v6 =	vld [tilespmem:s18+$0xFC60];
	v1 =	vmul.f32 $1.131370830e+01, v1  }
0x18b: {  	v7 =	vld [tilespmem:s18+$0xFC70];
	[tilespmem:s18+$0xFC00] =	vst v0;
	v0 =	vmul.f32 $1.131370830e+01, v2  }
0x18c: {  	v8 =	vld [tilespmem:s18+$0xFC80];
	[tilespmem:s18+$0xFC10] =	vst v1;
	v1 =	vmul.f32 $1.131370830e+01, v3  }
0x18d: {  	v9 =	vld [tilespmem:s18+$0xFC90];
	[tilespmem:s18+$0xFC20] =	vst v0;
	v0 =	vmul.f32 $1.131370830e+01, v4  }
0x18e: {  	v2 =	vmul.f32 $1.131370830e+01, v5;
	[tilespmem:s18+$0xFC30] =	vst v1;
	v1 =	vld [tilespmem:s18+$0xFCA0]  }
0x18f: {  	v3 =	vmul.f32 $1.131370830e+01, v6;
	[tilespmem:s18+$0xFC40] =	vst v0;
	v0 =	vld [tilespmem:s18+$0xFCB0]  }
0x190: {  	[tilespmem:s18+$0xFC50] =	vst v2;
	v2 =	vld [tilespmem:s18+$0xFCC0];
	v4 =	vmul.f32 $1.131370830e+01, v7  }
0x191: {  	v6 =	vmul.f32 $1.131370830e+01, v8;
	[tilespmem:s18+$0xFC60] =	vst v3;
	v3 =	vld [tilespmem:s18+$0xFCD0]  }
0x192: {  	s20 =	simm.s32 $0x400;
	v5 =	vmul.f32 $1.131370830e+01, v9;
	[tilespmem:s18+$0xFC70] =	vst v4;
	v4 =	vld [tilespmem:s18+$0xFCE0]  }
.LBB2_17:
0x193: {  	s22 =	sshra.s32 s20, $0x2;
	p1 =	sne.s32 s20, $0x7C00;
	[tilespmem:s18+$0xFC80] =	vst v6;
	v1 =	vmul.f32 $1.131370830e+01, v1;
	v6 =	vld [tilespmem:s18+$0xFCF0]  }
0x194: {  	v7 =	vld [tilespmem:s22+$0xFC00];
	[tilespmem:s18+$0xFC90] =	vst v5;
	v0 =	vmul.f32 $1.131370830e+01, v0  }
0x195: {  	v5 =	vld [tilespmem:s22+$0xFC10];
	[tilespmem:s18+$0xFCA0] =	vst v1;
	v1 =	vmul.f32 $1.131370830e+01, v2  }
0x196: {  	v2 =	vld [tilespmem:s22+$0xFC20];
	[tilespmem:s18+$0xFCB0] =	vst v0;
	v0 =	vmul.f32 $1.131370830e+01, v3  }
0x197: {  	v3 =	vld [tilespmem:s22+$0xFC30];
	[tilespmem:s18+$0xFCC0] =	vst v1;
	v1 =	vmul.f32 $1.131370830e+01, v4  }
0x198: {  	v4 =	vld [tilespmem:s22+$0xFC40];
	[tilespmem:s18+$0xFCD0] =	vst v0;
	v0 =	vmul.f32 $1.131370830e+01, v6  }
0x199: {  	v6 =	vmul.f32 $1.131370830e+01, v7;
	v7 =	vld [tilespmem:s22+$0xFC50];
	[tilespmem:s18+$0xFCE0] =	vst v1  }
0x19a: {  	v1 =	vmul.f32 $1.131370830e+01, v5;
	v5 =	vld [tilespmem:s22+$0xFC60];
	[tilespmem:s18+$0xFCF0] =	vst v0;
	s18 =	smov.u32 s22  }
0x19b: {  	[tilespmem:s18+$0xFC00] =	vst v6;
	v0 =	vmul.f32 $1.131370830e+01, v2;
	v2 =	vld [tilespmem:s18+$0xFC70]  }
0x19c: {  	[tilespmem:s18+$0xFC10] =	vst v1;
	v1 =	vmul.f32 $1.131370830e+01, v3;
	v3 =	vld [tilespmem:s18+$0xFC80]  }
0x19d: {  	[tilespmem:s18+$0xFC20] =	vst v0;
	v0 =	vmul.f32 $1.131370830e+01, v4;
	v4 =	vld [tilespmem:s18+$0xFC90]  }
.Ltmp7:
0x19e: {  	[tilespmem:s18+$0xFC30] =	vst v1;
	v6 =	vmul.f32 $1.131370830e+01, v7;
	v1 =	vld [tilespmem:s18+$0xFCA0];
	(pc) =	sbr.rel @p1 .LBB2_17-.Ltmp7, $4  }
0x19f: {  	[tilespmem:s18+$0xFC40] =	vst v0;
	v5 =	vmul.f32 $1.131370830e+01, v5;
	v0 =	vld [tilespmem:s18+$0xFCB0]  }
0x1a0: {  	[tilespmem:s18+$0xFC50] =	vst v6;
	v7 =	vmul.f32 $1.131370830e+01, v2;
	v2 =	vld [tilespmem:s18+$0xFCC0]  }
0x1a1: {  	[tilespmem:s18+$0xFC60] =	vst v5;
	v6 =	vmul.f32 $1.131370830e+01, v3;
	v3 =	vld [tilespmem:s18+$0xFCD0]  }
0x1a2: {  	s20 =	sadd.s32 $0x400, s20;
	[tilespmem:s18+$0xFC70] =	vst v7;
	v5 =	vmul.f32 $1.131370830e+01, v4;
	v4 =	vld [tilespmem:s18+$0xFCE0]  }
0x1a3: {  	[tilespmem:s18+$0xFC80] =	vst v6;
	v1 =	vmul.f32 $1.131370830e+01, v1;
	v6 =	vld [tilespmem:s18+$0xFCF0]  }
0x1a4: {  	[tilespmem:s18+$0xFC90] =	vst v5;
	v0 =	vmul.f32 $1.131370830e+01, v0  }
0x1a5: {  	[tilespmem:s18+$0xFCA0] =	vst v1;
	v1 =	vmul.f32 $1.131370830e+01, v2  }
0x1a6: {  	[tilespmem:s18+$0xFCB0] =	vst v0;
	v0 =	vmul.f32 $1.131370830e+01, v3  }
0x1a7: {  	[tilespmem:s18+$0xFCC0] =	vst v1;
	v1 =	vmul.f32 $1.131370830e+01, v4  }
0x1a8: {  	[tilespmem:s18+$0xFCD0] =	vst v0;
	v0 =	vmul.f32 $1.131370830e+01, v6  }
0x1a9: {  	[tilespmem:s18+$0xFCE0] =	vst v1  }
0x1aa: {  	s17 =	sadd.s32 s17, s10;
	[tilespmem:s18+$0xFCF0] =	vst v0  }
0x1ab: {  	[hbm4b:s17+s4] =	stream.linear.scatter [tilespmem:s31], [sflag:$0x12], $0x2000, $0x38;
	[tilespmem:$0x15C00] =	vst v63  }
0x1ac: {  	s17 =	simm.s32 @!p0 $0x11  }
0x1ad: {  	_ =	swait.ge @!p0 [sflag:s17], $0x2000  }
0x1ae: {  	s20 =	simm.s32 @!p0 $0xDC00;
	[sflag:s17] =	ssyncset.done @!p0 $0x0  }
0x1af: {  	s18 =	simm.s32 @!p0 $0x40;
	[sflag:s17] =	ssyncadd.s32 @!p0 $0xFFFFE000;
	s17 =	sadd.s32 @!p0 $0x400, s5  }
0x1b0: {  	[tilespmem:s20], [sflag:$0x7] =	stream.indirect.gather @!p0 [hbm4b:s1+s18], $0x80, s17, s18, $0xb8;
	[tilespmem:$0x15C00] =	vst v63  }
0x1b1: {  	_ =	swait.ge [sflag:s12], $0x2000  }
0x1b2: {  	[sflag:s12] =	ssyncset.done $0x0  }
0x1b3: {  	s17 =	simm.s32 $0x0;
	[sflag:s12] =	ssyncadd.s32 $0xFFFFE000  }
0x1b4: {  	v0 =	vld [tilespmem:s17+$0x11C00]  }
0x1b5: {  	v1 =	vld [tilespmem:s17+$0x11C10]  }
0x1b6: {  	v2 =	vld [tilespmem:s17+$0x11C20]  }
0x1b7: {  	v3 =	vld [tilespmem:s17+$0x11C30]  }
0x1b8: {  	v4 =	vld [tilespmem:s17+$0x11C40]  }
0x1b9: {  	v5 =	vld [tilespmem:s17+$0x11C50];
	v0 =	vmul.f32 $1.131370830e+01, v0  }
0x1ba: {  	v6 =	vld [tilespmem:s17+$0x11C60];
	v1 =	vmul.f32 $1.131370830e+01, v1  }
0x1bb: {  	v7 =	vld [tilespmem:s17+$0x11C70];
	[tilespmem:s17+$0x11C00] =	vst v0;
	v0 =	vmul.f32 $1.131370830e+01, v2  }
0x1bc: {  	v8 =	vld [tilespmem:s17+$0x11C80];
	[tilespmem:s17+$0x11C10] =	vst v1;
	v1 =	vmul.f32 $1.131370830e+01, v3  }
0x1bd: {  	v9 =	vld [tilespmem:s17+$0x11C90];
	[tilespmem:s17+$0x11C20] =	vst v0;
	v0 =	vmul.f32 $1.131370830e+01, v4  }
0x1be: {  	v2 =	vmul.f32 $1.131370830e+01, v5;
	[tilespmem:s17+$0x11C30] =	vst v1;
	v1 =	vld [tilespmem:s17+$0x11CA0]  }
0x1bf: {  	v3 =	vmul.f32 $1.131370830e+01, v6;
	[tilespmem:s17+$0x11C40] =	vst v0;
	v0 =	vld [tilespmem:s17+$0x11CB0]  }
0x1c0: {  	[tilespmem:s17+$0x11C50] =	vst v2;
	v2 =	vld [tilespmem:s17+$0x11CC0];
	v4 =	vmul.f32 $1.131370830e+01, v7  }
0x1c1: {  	v6 =	vmul.f32 $1.131370830e+01, v8;
	[tilespmem:s17+$0x11C60] =	vst v3;
	v3 =	vld [tilespmem:s17+$0x11CD0]  }
0x1c2: {  	s18 =	simm.s32 $0x400;
	v5 =	vmul.f32 $1.131370830e+01, v9;
	[tilespmem:s17+$0x11C70] =	vst v4;
	v4 =	vld [tilespmem:s17+$0x11CE0]  }
.LBB2_19:
0x1c3: {  	s20 =	sshra.s32 s18, $0x2;
	p1 =	sne.s32 s18, $0x7C00;
	[tilespmem:s17+$0x11C80] =	vst v6;
	v1 =	vmul.f32 $1.131370830e+01, v1;
	v6 =	vld [tilespmem:s17+$0x11CF0]  }
0x1c4: {  	v7 =	vld [tilespmem:s20+$0x11C00];
	[tilespmem:s17+$0x11C90] =	vst v5;
	v0 =	vmul.f32 $1.131370830e+01, v0  }
0x1c5: {  	v5 =	vld [tilespmem:s20+$0x11C10];
	[tilespmem:s17+$0x11CA0] =	vst v1;
	v1 =	vmul.f32 $1.131370830e+01, v2  }
0x1c6: {  	v2 =	vld [tilespmem:s20+$0x11C20];
	[tilespmem:s17+$0x11CB0] =	vst v0;
	v0 =	vmul.f32 $1.131370830e+01, v3  }
0x1c7: {  	v3 =	vld [tilespmem:s20+$0x11C30];
	[tilespmem:s17+$0x11CC0] =	vst v1;
	v1 =	vmul.f32 $1.131370830e+01, v4  }
0x1c8: {  	v4 =	vld [tilespmem:s20+$0x11C40];
	[tilespmem:s17+$0x11CD0] =	vst v0;
	v0 =	vmul.f32 $1.131370830e+01, v6  }
0x1c9: {  	v6 =	vmul.f32 $1.131370830e+01, v7;
	v7 =	vld [tilespmem:s20+$0x11C50];
	[tilespmem:s17+$0x11CE0] =	vst v1  }
0x1ca: {  	v1 =	vmul.f32 $1.131370830e+01, v5;
	v5 =	vld [tilespmem:s20+$0x11C60];
	[tilespmem:s17+$0x11CF0] =	vst v0;
	s17 =	smov.u32 s20  }
0x1cb: {  	[tilespmem:s17+$0x11C00] =	vst v6;
	v0 =	vmul.f32 $1.131370830e+01, v2;
	v2 =	vld [tilespmem:s17+$0x11C70]  }
0x1cc: {  	[tilespmem:s17+$0x11C10] =	vst v1;
	v1 =	vmul.f32 $1.131370830e+01, v3;
	v3 =	vld [tilespmem:s17+$0x11C80]  }
0x1cd: {  	[tilespmem:s17+$0x11C20] =	vst v0;
	v0 =	vmul.f32 $1.131370830e+01, v4;
	v4 =	vld [tilespmem:s17+$0x11C90]  }
.Ltmp8:
0x1ce: {  	[tilespmem:s17+$0x11C30] =	vst v1;
	v6 =	vmul.f32 $1.131370830e+01, v7;
	v1 =	vld [tilespmem:s17+$0x11CA0];
	(pc) =	sbr.rel @p1 .LBB2_19-.Ltmp8, $4  }
0x1cf: {  	[tilespmem:s17+$0x11C40] =	vst v0;
	v5 =	vmul.f32 $1.131370830e+01, v5;
	v0 =	vld [tilespmem:s17+$0x11CB0]  }
0x1d0: {  	[tilespmem:s17+$0x11C50] =	vst v6;
	v7 =	vmul.f32 $1.131370830e+01, v2;
	v2 =	vld [tilespmem:s17+$0x11CC0]  }
0x1d1: {  	[tilespmem:s17+$0x11C60] =	vst v5;
	v6 =	vmul.f32 $1.131370830e+01, v3;
	v3 =	vld [tilespmem:s17+$0x11CD0]  }
0x1d2: {  	s18 =	sadd.s32 $0x400, s18;
	[tilespmem:s17+$0x11C70] =	vst v7;
	v5 =	vmul.f32 $1.131370830e+01, v4;
	v4 =	vld [tilespmem:s17+$0x11CE0]  }
0x1d3: {  	[tilespmem:s17+$0x11C80] =	vst v6;
	v1 =	vmul.f32 $1.131370830e+01, v1;
	v6 =	vld [tilespmem:s17+$0x11CF0]  }
0x1d4: {  	[tilespmem:s17+$0x11C90] =	vst v5;
	v0 =	vmul.f32 $1.131370830e+01, v0  }
0x1d5: {  	[tilespmem:s17+$0x11CA0] =	vst v1;
	v1 =	vmul.f32 $1.131370830e+01, v2  }
0x1d6: {  	[tilespmem:s17+$0x11CB0] =	vst v0;
	v0 =	vmul.f32 $1.131370830e+01, v3  }
0x1d7: {  	[tilespmem:s17+$0x11CC0] =	vst v1;
	v1 =	vmul.f32 $1.131370830e+01, v4  }
0x1d8: {  	[tilespmem:s17+$0x11CD0] =	vst v0;
	v0 =	vmul.f32 $1.131370830e+01, v6  }
0x1d9: {  	s11 =	sshll.u32 s11, $0xF;
	[tilespmem:s17+$0x11CE0] =	vst v1  }
0x1da: {  	s11 =	sadd.s32 s11, s7;
	[tilespmem:s17+$0x11CF0] =	vst v0  }
0x1db: {  	[hbm4b:s11+s4] =	stream.linear.scatter [tilespmem:s2], [sflag:$0x13], $0x2000, $0x38;
	[tilespmem:$0x15C00] =	vst v63  }
0x1dc: {  	s11 =	simm.s32 @!p0 $0x12  }
0x1dd: {  	_ =	swait.ge @!p0 [sflag:s11], $0x2000  }
0x1de: {  	s5 =	sadd.s32 @!p0 $0x440, s5;
	[sflag:s11] =	ssyncset.done @!p0 $0x0  }
0x1df: {  	s17 =	simm.s32 @!p0 $0xFC00;
	[sflag:s11] =	ssyncadd.s32 @!p0 $0xFFFFE000;
	s11 =	simm.s32 @!p0 $0x40  }
0x1e0: {  	[tilespmem:s17], [sflag:$0x8] =	stream.indirect.gather @!p0 [hbm4b:s1+s11], $0x80, s5, s11, $0xb8;
	[tilespmem:$0x15C00] =	vst v63  }
0x1e1: {  	_ =	swait.ge [sflag:s8], $0x2000  }
0x1e2: {  	[sflag:s8] =	ssyncset.done $0x0  }
0x1e3: {  	s5 =	simm.s32 $0x0;
	[sflag:s8] =	ssyncadd.s32 $0xFFFFE000  }
0x1e4: {  	v0 =	vld [tilespmem:s5+$0x13C00]  }
0x1e5: {  	v1 =	vld [tilespmem:s5+$0x13C10]  }
0x1e6: {  	v2 =	vld [tilespmem:s5+$0x13C20]  }
0x1e7: {  	v3 =	vld [tilespmem:s5+$0x13C30]  }
0x1e8: {  	v4 =	vld [tilespmem:s5+$0x13C40]  }
0x1e9: {  	v5 =	vld [tilespmem:s5+$0x13C50];
	v0 =	vmul.f32 $1.131370830e+01, v0  }
0x1ea: {  	v6 =	vld [tilespmem:s5+$0x13C60];
	v1 =	vmul.f32 $1.131370830e+01, v1  }
0x1eb: {  	v7 =	vld [tilespmem:s5+$0x13C70];
	[tilespmem:s5+$0x13C00] =	vst v0;
	v0 =	vmul.f32 $1.131370830e+01, v2  }
0x1ec: {  	v8 =	vld [tilespmem:s5+$0x13C80];
	[tilespmem:s5+$0x13C10] =	vst v1;
	v1 =	vmul.f32 $1.131370830e+01, v3  }
0x1ed: {  	v9 =	vld [tilespmem:s5+$0x13C90];
	[tilespmem:s5+$0x13C20] =	vst v0;
	v0 =	vmul.f32 $1.131370830e+01, v4  }
0x1ee: {  	v2 =	vmul.f32 $1.131370830e+01, v5;
	[tilespmem:s5+$0x13C30] =	vst v1;
	v1 =	vld [tilespmem:s5+$0x13CA0]  }
0x1ef: {  	v3 =	vmul.f32 $1.131370830e+01, v6;
	[tilespmem:s5+$0x13C40] =	vst v0;
	v0 =	vld [tilespmem:s5+$0x13CB0]  }
0x1f0: {  	[tilespmem:s5+$0x13C50] =	vst v2;
	v2 =	vld [tilespmem:s5+$0x13CC0];
	v4 =	vmul.f32 $1.131370830e+01, v7  }
0x1f1: {  	v6 =	vmul.f32 $1.131370830e+01, v8;
	[tilespmem:s5+$0x13C60] =	vst v3;
	v3 =	vld [tilespmem:s5+$0x13CD0]  }
0x1f2: {  	s11 =	simm.s32 $0x400;
	v5 =	vmul.f32 $1.131370830e+01, v9;
	[tilespmem:s5+$0x13C70] =	vst v4;
	v4 =	vld [tilespmem:s5+$0x13CE0]  }
.LBB2_21:
0x1f3: {  	s17 =	sshra.s32 s11, $0x2;
	p0 =	sne.s32 s11, $0x7C00;
	[tilespmem:s5+$0x13C80] =	vst v6;
	v1 =	vmul.f32 $1.131370830e+01, v1;
	v6 =	vld [tilespmem:s5+$0x13CF0]  }
0x1f4: {  	v7 =	vld [tilespmem:s17+$0x13C00];
	[tilespmem:s5+$0x13C90] =	vst v5;
	v0 =	vmul.f32 $1.131370830e+01, v0  }
0x1f5: {  	v5 =	vld [tilespmem:s17+$0x13C10];
	[tilespmem:s5+$0x13CA0] =	vst v1;
	v1 =	vmul.f32 $1.131370830e+01, v2  }
0x1f6: {  	v2 =	vld [tilespmem:s17+$0x13C20];
	[tilespmem:s5+$0x13CB0] =	vst v0;
	v0 =	vmul.f32 $1.131370830e+01, v3  }
0x1f7: {  	v3 =	vld [tilespmem:s17+$0x13C30];
	[tilespmem:s5+$0x13CC0] =	vst v1;
	v1 =	vmul.f32 $1.131370830e+01, v4  }
0x1f8: {  	v4 =	vld [tilespmem:s17+$0x13C40];
	[tilespmem:s5+$0x13CD0] =	vst v0;
	v0 =	vmul.f32 $1.131370830e+01, v6  }
0x1f9: {  	v6 =	vmul.f32 $1.131370830e+01, v7;
	v7 =	vld [tilespmem:s17+$0x13C50];
	[tilespmem:s5+$0x13CE0] =	vst v1  }
0x1fa: {  	v1 =	vmul.f32 $1.131370830e+01, v5;
	v5 =	vld [tilespmem:s17+$0x13C60];
	[tilespmem:s5+$0x13CF0] =	vst v0;
	s5 =	smov.u32 s17  }
0x1fb: {  	[tilespmem:s5+$0x13C00] =	vst v6;
	v0 =	vmul.f32 $1.131370830e+01, v2;
	v2 =	vld [tilespmem:s5+$0x13C70]  }
0x1fc: {  	[tilespmem:s5+$0x13C10] =	vst v1;
	v1 =	vmul.f32 $1.131370830e+01, v3;
	v3 =	vld [tilespmem:s5+$0x13C80]  }
0x1fd: {  	[tilespmem:s5+$0x13C20] =	vst v0;
	v0 =	vmul.f32 $1.131370830e+01, v4;
	v4 =	vld [tilespmem:s5+$0x13C90]  }
.Ltmp9:
0x1fe: {  	[tilespmem:s5+$0x13C30] =	vst v1;
	v6 =	vmul.f32 $1.131370830e+01, v7;
	v1 =	vld [tilespmem:s5+$0x13CA0];
	(pc) =	sbr.rel @p0 .LBB2_21-.Ltmp9, $4  }
0x1ff: {  	[tilespmem:s5+$0x13C40] =	vst v0;
	v5 =	vmul.f32 $1.131370830e+01, v5;
	v0 =	vld [tilespmem:s5+$0x13CB0]  }
0x200: {  	[tilespmem:s5+$0x13C50] =	vst v6;
	v7 =	vmul.f32 $1.131370830e+01, v2;
	v2 =	vld [tilespmem:s5+$0x13CC0]  }
0x201: {  	[tilespmem:s5+$0x13C60] =	vst v5;
	v6 =	vmul.f32 $1.131370830e+01, v3;
	v3 =	vld [tilespmem:s5+$0x13CD0]  }
0x202: {  	s11 =	sadd.s32 $0x400, s11;
	[tilespmem:s5+$0x13C70] =	vst v7;
	v5 =	vmul.f32 $1.131370830e+01, v4;
	v4 =	vld [tilespmem:s5+$0x13CE0]  }
0x203: {  	[tilespmem:s5+$0x13C80] =	vst v6;
	v1 =	vmul.f32 $1.131370830e+01, v1;
	v59 =	vld [tilespmem:s5+$0x13CF0]  }
0x204: {  	[tilespmem:s5+$0x13C90] =	vst v5;
	v0 =	vmul.f32 $1.131370830e+01, v0  }
0x205: {  	s15 =	sadd.s32 $0x1, s15;
	[tilespmem:s5+$0x13CA0] =	vst v1;
	v60 =	vmul.f32 $1.131370830e+01, v2  }
0x206: {  	p0 =	sne.s32 s15, $0xA;
	[tilespmem:s5+$0x13CB0] =	vst v0;
	v61 =	vmul.f32 $1.131370830e+01, v3  }
.Ltmp10:
0x207: {  	[tilespmem:s5+$0x13CC0] =	vst v60;
	v62 =	vmul.f32 $1.131370830e+01, v4;
	(pc) =	sbr.rel @p0 .LBB2_2-.Ltmp10, $4  }
0x208: {  	s11 =	sshll.u32 s16, $0xF;
	[tilespmem:s5+$0x13CD0] =	vst v61;
	v63 =	vmul.f32 $1.131370830e+01, v59  }
0x209: {  	s11 =	sand.u32 $0xFF0000, s11;
	[tilespmem:s5+$0x13CE0] =	vst v62  }
0x20a: {  	s24 =	sadd.s32 s11, s10;
	[tilespmem:s5+$0x13CF0] =	vst v63  }
0x20b: {  	[hbm4b:s24+s4] =	stream.linear.scatter [tilespmem:s13], [sflag:$0x14], $0x2000, $0x38;
	[tilespmem:$0x15C00] =	vst v63  }
0x20c: {  	s5 =	simm.s32 $0xB  }
0x20d: {  	_ =	swait.ge [sflag:s5], $0x2000  }
0x20e: {  	[sflag:s5] =	ssyncset.done $0x0  }
0x20f: {  	s24 =	simm.s32 $0xC;
	[sflag:s5] =	ssyncadd.s32 $0xFFFFE000  }
0x210: {  	_ =	swait.ge [sflag:s24], $0x2000  }
0x211: {  	[sflag:s24] =	ssyncset.done $0x0  }
0x212: {  	s11 =	simm.s32 $0xD;
	[sflag:s24] =	ssyncadd.s32 $0xFFFFE000  }
0x213: {  	_ =	swait.ge [sflag:s11], $0x2000  }
0x214: {  	[sflag:s11] =	ssyncset.done $0x0  }
0x215: {  	s15 =	simm.s32 $0xE;
	[sflag:s11] =	ssyncadd.s32 $0xFFFFE000  }
0x216: {  	_ =	swait.ge [sflag:s15], $0x2000  }
0x217: {  	[sflag:s15] =	ssyncset.done $0x0  }
0x218: {  	s16 =	simm.s32 $0xF;
	[sflag:s15] =	ssyncadd.s32 $0xFFFFE000  }
0x219: {  	_ =	swait.ge [sflag:s16], $0x2000  }
0x21a: {  	[sflag:s16] =	ssyncset.done $0x0  }
0x21b: {  	s17 =	simm.s32 $0x10;
	[sflag:s16] =	ssyncadd.s32 $0xFFFFE000  }
0x21c: {  	_ =	swait.ge [sflag:s17], $0x2000  }
0x21d: {  	[sflag:s17] =	ssyncset.done $0x0  }
0x21e: {  	s18 =	simm.s32 $0x11;
	[sflag:s17] =	ssyncadd.s32 $0xFFFFE000  }
0x21f: {  	_ =	swait.ge [sflag:s18], $0x2000  }
0x220: {  	[sflag:s18] =	ssyncset.done $0x0  }
0x221: {  	s20 =	simm.s32 $0x12;
	[sflag:s18] =	ssyncadd.s32 $0xFFFFE000  }
0x222: {  	_ =	swait.ge [sflag:s20], $0x2000  }
0x223: {  	[sflag:s20] =	ssyncset.done $0x0  }
0x224: {  	s22 =	simm.s32 $0x13;
	[sflag:s20] =	ssyncadd.s32 $0xFFFFE000  }
0x225: {  	_ =	swait.ge [sflag:s22], $0x2000  }
0x226: {  	[sflag:s22] =	ssyncset.done $0x0  }
0x227: {  	s11 =	simm.s32 $0x14;
	[sflag:s22] =	ssyncadd.s32 $0xFFFFE000  }
0x228: {  	_ =	swait.ge [sflag:s11], $0x2000  }
0x229: {  	s15 =	rddreg [dreg:$0x7]  }
0x22a: {  	s24 =	rddreg [dreg:$0x6];
	s15 =	sadd.s32 $0x1, s15  }
0x22b: {  	p0 =	sne.s32 s15, s24  }
.Ltmp11:
0x22c: {  	_ = 	snop;
	(pc) =	sbr.rel @p0 .LBB2_1-.Ltmp11, $3  }
0x22d: {  	_ =	sdelay $0x1  }
0x22e: {  	[sflag:s11] =	ssyncset.done $0x0  }
0x22f: {  	[sflag:s11] =	ssyncadd.s32 $0xFFFFE000  }
0x230: {  	_ =	sfence.sel $0x180000  }
0x231: {  	[bflag:$0x0] =	sbarrier.arrive $0xFFFF  }
0x232: {  	_ =	strace $0x90000047  }
0x233: {  	s0 =	stileid.u32;
	[bflag:$0x2] =	sbarrier.arrive $0xFFFF  }
0x234: {  	p0 =	sne.s32 s0, $0x0;
	s0 =	rddreg [dreg:$0x3]  }
0x235: {  	s0 =	sadd.s32 @!p0 $0x100000, s0  }
0x236: {  	[sflag:s0] =	ssyncadd.tile.s32 @!p0 $0x1;
	_ =	shalt  }
.Lfunc_end2:
_tile_overlayer_lowered:
.L_overlay_start_2:
0x237: {  	(tag) =	ssettag $0x2  }
0x238: {  	s0 =	rddreg [dreg:$0x0];
	s2 =	stileid.u32  }
0x239: {  	s1 =	rddreg [dreg:$0x1];
	p0 =	sne.s32 s2, $0x0  }
0x23a: {  	s3 =	rddreg [dreg:$0x2];
	[bflag:$0x3] =	sbarrier.arrive $0xFFFF;
	s2 =	simm.s32 @!p0 $0x1C15  }
0x23b: {  	[timem:s3], [sflag:s2] =	dma.local @!p0 [hbm:s0], s1  }
0x23c: {  	s0 =	simm.s32 @!p0 $0x15  }
0x23d: {  	_ =	swait.ge @!p0 [sflag:s0], s1  }
0x23e: {  	s1 =	ssub.s32 @!p0 $0x0, s1;
	[sflag:s0] =	ssyncset.done @!p0 $0x0  }
0x23f: {  	[sflag:s0] =	ssyncadd.s32 @!p0 s1  }
0x240: {  	[bflag:$0x3] =	sbarrier.arrive $0xFFFF  }
0x241: {  	_ =	shalt  }

</sc_bundles>
